<compile_context>
chip_gen: v7x
topology: tpu7x:2x2x1
jax: 0.10.2.dev20260603
libtpu: 0.0.44.dev20260713+nightly
codegen_flags: <defaults>
</compile_context>

<pallas_src>
import functools

import jax
import jax.numpy as jnp
from jax import lax
from jax.experimental import pallas as pl
from jax.experimental.pallas import tpu as pltpu
from jax.experimental.pallas import tpu_sc as plsc

N = 10000
NP = 10240
E = 160000
EP = 160768
D = 256
DH = 128
L = 16
NS = 16
NC = 2
CH = 64
RING = 4
NCH = EP // (NS * CH)
EPT = EP // NS
SL = NP // NS
RB = 1024
NRB = NP // RB
DUMP = N

_mesh = plsc.VectorSubcoreMesh(core_axis_name="c", subcore_axis_name="s")


@functools.partial(
    pl.kernel,
    out_type=jax.ShapeDtypeStruct((NC, NP), jnp.float32),
    mesh=_mesh,
    scratch_types=[
        pltpu.VMEM((EPT,), jnp.int32),
        pltpu.VMEM((NP,), jnp.float32),
        pltpu.VMEM((SL,), jnp.float32),
        pltpu.VMEM((SL,), jnp.float32),
        pltpu.VMEM_SHARED((NS, NP), jnp.float32),
    ],
    compiler_params=pltpu.CompilerParams(needs_layout_passes=False),
)
def _sc_degrees(idx_hbm, out_hbm, idx_v, deg_v, acc_v, tmp_v, part_sh):
    c = lax.axis_index("c")
    s = lax.axis_index("s")
    pltpu.sync_copy(idx_hbm.at[c].at[s], idx_v)
    zeros = jnp.zeros((L,), jnp.float32)
    ones = jnp.ones((L,), jnp.float32)

    def zero_deg(i, _):
        deg_v[pl.ds(i * L, L)] = zeros
        return 0

    lax.fori_loop(0, NP // L, zero_deg, 0)

    def accum(i, _):
        iv = idx_v[pl.ds(i * L, L)]
        plsc.addupdate_scatter(deg_v, [iv], ones)
        return 0

    lax.fori_loop(0, EPT // L, accum, 0)
    pltpu.sync_copy(deg_v, part_sh.at[s])
    plsc.subcore_barrier()

    def zero_acc(i, _):
        acc_v[pl.ds(i * L, L)] = zeros
        return 0

    lax.fori_loop(0, SL // L, zero_acc, 0)

    def reduce_tile(t, _):
        pltpu.sync_copy(part_sh.at[t].at[pl.ds(s * SL, SL)], tmp_v)

        def addv(i, _):
            acc_v[pl.ds(i * L, L)] = acc_v[pl.ds(i * L, L)] + tmp_v[pl.ds(i * L, L)]
            return 0

        lax.fori_loop(0, SL // L, addv, 0)
        return 0

    lax.fori_loop(0, NS, reduce_tile, 0)
    pltpu.sync_copy(acc_v, out_hbm.at[c].at[pl.ds(s * SL, SL)])


@functools.partial(
    pl.kernel,
    out_type=jax.ShapeDtypeStruct((NC, NP, DH), jnp.float32),
    mesh=_mesh,
    scratch_types=[
        pltpu.VMEM((RING, 2, CH), jnp.int32),
        pltpu.VMEM((RING, CH, DH), jnp.float32),
        pltpu.VMEM_SHARED((NP, DH), jnp.float32),
        pltpu.SemaphoreType.DMA((RING,)),
        pltpu.SemaphoreType.DMA((RING,)),
    ],
)
def _sc_message(h_hbm, ip_hbm, out_hbm, pair_v, rows_v, agg_sh, rsems, isems):
    c = lax.axis_index("c")
    s = lax.axis_index("s")
    zeros = jnp.zeros((L,), jnp.float32)

    def zero_rows(i, _):
        rows_v[0, i // (DH // L), pl.ds((i % (DH // L)) * L, L)] = zeros
        return 0

    lax.fori_loop(0, CH * DH // L, zero_rows, 0)
    for t in range(SL // CH):
        pltpu.sync_copy(rows_v.at[0], agg_sh.at[pl.ds(s * SL + t * CH, CH)])

    def idx_fetch(j, slot):
        return pltpu.async_copy(
            ip_hbm.at[c].at[s].at[j], pair_v.at[slot], isems.at[slot]
        )

    def gather(j, slot):
        pltpu.async_copy(
            h_hbm.at[pair_v.at[slot].at[0]], rows_v.at[slot], rsems.at[slot]
        )

    for k in range(RING - 1):
        idx_fetch(k, k).wait()
        gather(k, k)
    idx_fetch(RING - 1, RING - 1)
    plsc.subcore_barrier()

    def body(j, _):
        b = lax.rem(j, RING)
        pltpu.make_async_copy(
            h_hbm.at[pair_v.at[b].at[0]], rows_v.at[b], rsems.at[b]
        ).wait()

        @pl.when(j < NCH - (RING - 1))
        def _next_gather():
            slot2 = lax.rem(j + RING - 1, RING)
            pltpu.make_async_copy(
                ip_hbm.at[c].at[s].at[j + RING - 1],
                pair_v.at[slot2],
                isems.at[slot2],
            ).wait()
            gather(j + RING - 1, slot2)

        pltpu.sync_copy(rows_v.at[b], agg_sh.at[pair_v.at[b].at[1]], add=True)

        @pl.when(j < NCH - RING)
        def _next_idx():
            idx_fetch(j + RING, b)

        return 0

    lax.fori_loop(0, NCH, body, 0)
    plsc.subcore_barrier()
    pltpu.sync_copy(
        agg_sh.at[pl.ds(s * SL, SL)], out_hbm.at[c].at[pl.ds(s * SL, SL)]
    )


def _rsqrt_deg(deg_blk):
    return lax.rsqrt(jnp.maximum(deg_blk.reshape(RB // DH, DH), 1.0))


def _tc_h1(xp, W1, deg3):
    def body(x_ref, w_ref, deg_ref, out_ref):
        outs = _rsqrt_deg(deg_ref[...])
        acc = jnp.dot(x_ref[...], w_ref[...], preferred_element_type=jnp.float32)
        acc = acc.reshape(RB // DH, DH, DH) * outs[:, :, None]
        out_ref[...] = acc.reshape(1, RB, DH)

    return pl.pallas_call(
        body,
        grid=(NRB, NC),
        in_specs=[
            pl.BlockSpec((RB, D), lambda r, c: (r, 0)),
            pl.BlockSpec((D, DH), lambda r, c: (0, c)),
            pl.BlockSpec((1, RB // DH, DH), lambda r, c: (0, r, 0)),
        ],
        out_specs=pl.BlockSpec((1, RB, DH), lambda r, c: (c, r, 0)),
        out_shape=jax.ShapeDtypeStruct((NC, NP, DH), jnp.float32),
    )(xp, W1, deg3)


def _tc_h2(agg1, W2, deg3, b2d):
    def body(a0_ref, a1_ref, w0_ref, w1_ref, din_ref, dout_ref, b_ref, out_ref):
        ins = _rsqrt_deg(din_ref[...])
        outs = _rsqrt_deg(dout_ref[...])

        def mk(a_ref, bh):
            a = a_ref[...].reshape(RB // DH, DH, DH)
            m = jnp.maximum(a * ins[:, :, None] + bh, 0.0) * outs[:, :, None]
            return m.reshape(RB, DH)

        m0 = mk(a0_ref, b_ref[0, :])
        m1 = mk(a1_ref, b_ref[1, :])
        out = jnp.dot(m0, w0_ref[...], preferred_element_type=jnp.float32)
        out = out + jnp.dot(m1, w1_ref[...], preferred_element_type=jnp.float32)
        out_ref[...] = out.reshape(1, RB, DH)

    return pl.pallas_call(
        body,
        grid=(NRB, NC),
        in_specs=[
            pl.BlockSpec((1, RB, DH), lambda r, c: (0, r, 0)),
            pl.BlockSpec((1, RB, DH), lambda r, c: (1, r, 0)),
            pl.BlockSpec((DH, DH), lambda r, c: (0, c)),
            pl.BlockSpec((DH, DH), lambda r, c: (1, c)),
            pl.BlockSpec((1, RB // DH, DH), lambda r, c: (1, r, 0)),
            pl.BlockSpec((1, RB // DH, DH), lambda r, c: (0, r, 0)),
            pl.BlockSpec((2, DH), lambda r, c: (0, 0)),
        ],
        out_specs=pl.BlockSpec((1, RB, DH), lambda r, c: (c, r, 0)),
        out_shape=jax.ShapeDtypeStruct((NC, NP, DH), jnp.float32),
    )(agg1, agg1, W2, W2, deg3, deg3, b2d)


def _tc_final(agg2, deg3, b2d):
    def body(a0_ref, a1_ref, din_ref, b_ref, h_ref, pool_ref, mx_sc, sm_sc):
        r = pl.program_id(0)
        ins = _rsqrt_deg(din_ref[...])

        def mk(a_ref, bh):
            a = a_ref[...].reshape(RB // DH, DH, DH)
            return (a * ins[:, :, None] + bh).reshape(RB, DH)

        hb = jnp.concatenate([mk(a0_ref, b_ref[0, :]), mk(a1_ref, b_ref[1, :])], axis=1)
        h_ref[...] = hb
        row = r * RB + lax.broadcasted_iota(jnp.int32, (RB, 1), 0)
        valid = row < N
        bmax = jnp.max(jnp.where(valid, hb, -jnp.inf), axis=0, keepdims=True)
        bsum = jnp.sum(jnp.where(valid, hb, 0.0), axis=0, keepdims=True)

        @pl.when(r == 0)
        def _init():
            mx_sc[...] = bmax
            sm_sc[...] = bsum

        @pl.when(r > 0)
        def _acc():
            mx_sc[...] = jnp.maximum(mx_sc[...], bmax)
            sm_sc[...] = sm_sc[...] + bsum

        @pl.when(r == NRB - 1)
        def _fin():
            pool_ref[...] = mx_sc[...] + sm_sc[...] * (1.0 / N)

    return pl.pallas_call(
        body,
        grid=(NRB,),
        in_specs=[
            pl.BlockSpec((1, RB, DH), lambda r: (0, r, 0)),
            pl.BlockSpec((1, RB, DH), lambda r: (1, r, 0)),
            pl.BlockSpec((1, RB // DH, DH), lambda r: (1, r, 0)),
            pl.BlockSpec((2, DH), lambda r: (0, 0)),
        ],
        out_specs=[
            pl.BlockSpec((RB, D), lambda r: (r, 0)),
            pl.BlockSpec((1, D), lambda r: (0, 0)),
        ],
        out_shape=[
            jax.ShapeDtypeStruct((NP, D), jnp.float32),
            jax.ShapeDtypeStruct((1, D), jnp.float32),
        ],
        scratch_shapes=[
            pltpu.VMEM((1, D), jnp.float32),
            pltpu.VMEM((1, D), jnp.float32),
        ],
    )(agg2, agg2, deg3, b2d)


def kernel(x, edge_index, W1, b1, W2, b2):
    src = edge_index[0].astype(jnp.int32)
    dst = edge_index[1].astype(jnp.int32)
    pad = jnp.full((EP - E,), DUMP, jnp.int32)
    srcp = jnp.concatenate([src, pad])
    dstp = jnp.concatenate([dst, pad])
    idx_deg = jnp.stack([srcp, dstp]).reshape(2, NS, EPT)
    src3 = srcp.reshape(NS, NCH, CH)
    dst3 = dstp.reshape(NS, NCH, CH)
    idx_pair = jnp.stack(
        [
            jnp.stack([src3, dst3], axis=2),
            jnp.stack([src3 + NP, dst3], axis=2),
        ]
    )
    xp = jnp.pad(x, ((0, NP - N), (0, 0)))

    deg = _sc_degrees(idx_deg)
    deg3 = deg.reshape(2, NP // DH, DH)
    h1 = _tc_h1(xp, W1, deg3)
    agg1 = _sc_message(h1.reshape(NC * NP, DH), idx_pair)
    h2 = _tc_h2(agg1, W2, deg3, b1.reshape(2, DH))
    agg2 = _sc_message(h2.reshape(NC * NP, DH), idx_pair)
    hp, pool_x = _tc_final(agg2, deg3, b2.reshape(2, DH))
    return (pool_x, hp[:N])

# --- scband reference (transcript-rebuilt; emitter-appended) ---
"""Pipeline reference for scband-unsupervised-gcn-38113539785116 (READ-ONLY COPY).

The authoritative reference and input builder live on the scoring server;
editing this copy changes nothing except your own understanding.
"""

import jax, jax.numpy as jnp
import numpy as np

N_NODES = 10000
N_EDGES = 160000
D_IN = 256
D_HID = 256
D_OUT = 256


def setup_inputs(seed: int = 0) -> dict:
    key = jax.random.key(seed)
    k1, k2, k3, k4, k5, k6 = jax.random.split(key, 6)
    x = jax.random.normal(k1, (N_NODES, D_IN), dtype=jnp.float32)
    edge_index = jax.random.randint(k2, (2, N_EDGES), 0, N_NODES, dtype=jnp.int64)
    # GraphConv weights (DGL convention: h @ W, W shape [in, out]), glorot-ish init
    W1 = jax.random.normal(k3, (D_IN, D_HID), dtype=jnp.float32) * (1.0 / np.sqrt(D_IN))
    b1 = jnp.zeros((D_HID,), dtype=jnp.float32)
    W2 = jax.random.normal(k4, (D_HID, D_OUT), dtype=jnp.float32) * (1.0 / np.sqrt(D_HID))
    b2 = jnp.zeros((D_OUT,), dtype=jnp.float32)
    return {"x": x, "edge_index": edge_index, "W1": W1, "b1": b1, "W2": W2, "b2": b2}


def _gcn_conv(x, src, dst, W, b, n_nodes):
    # DGL GraphConv, norm='both', allow_zero_in_degree=True
    ones = jnp.ones((src.shape[0],), dtype=jnp.float32)
    out_deg = jnp.zeros((n_nodes,), dtype=jnp.float32).at[src].add(ones)
    in_deg = jnp.zeros((n_nodes,), dtype=jnp.float32).at[dst].add(ones)
    out_deg = jnp.clip(out_deg, 1.0, None)
    in_deg = jnp.clip(in_deg, 1.0, None)
    h = x * (out_deg ** -0.5)[:, None]
    # in_feats >= out_feats: multiply by W first, then aggregate
    h = h @ W
    msg = jnp.take(h, src, axis=0)
    agg = jnp.zeros((n_nodes, W.shape[1]), dtype=jnp.float32).at[dst].add(msg)
    agg = agg * (in_deg ** -0.5)[:, None]
    return agg + b


def reference(x, edge_index, W1, b1, W2, b2):
    n = x.shape[0]
    src = edge_index[0]
    dst = edge_index[1]
    # Layer 0: dropout skipped (idx==0; eval mode), relu activation
    h = _gcn_conv(x, src, dst, W1, b1, n)
    h = jax.nn.relu(h)
    # Layer 1: dropout is identity in eval mode; no activation
    h = _gcn_conv(h, src, dst, W2, b2, n)
    # Readout: MaxPooling + AvgPooling over the (single) graph
    pool_max = jnp.max(h, axis=0, keepdims=True)
    pool_avg = jnp.mean(h, axis=0, keepdims=True)
    pool_x = pool_max + pool_avg
    return (pool_x, h)

if __name__ == "__main__":
    import jax
    _d = setup_inputs()
    print(jax.jit(kernel)(*tuple(_d.values())))

</pallas_src>

<mosaic_0001>
#map = affine_map<(d0, d1) -> (0, 0)>
#map1 = affine_map<(d0, d1) -> (0, 0, 0, 0, 0)>
#map2 = affine_map<(d0, d1) -> (0, 0, 0)>
module attributes {stable_mosaic.version = 14 : i64} {
  func.func @_sc_message(%arg0: i32, %arg1: i32, %arg2: memref<20480x128xf32, #tpu.memory_space<hbm>>, %arg3: memref<2x16x157x2x64xi32, #tpu.memory_space<hbm>>, %arg4: memref<2x10240x128xf32, #tpu.memory_space<hbm>>, %arg5: memref<4x2x64xi32, #tpu.memory_space<vmem>>, %arg6: memref<4x64x128xf32, #tpu.memory_space<vmem>>, %arg7: memref<10240x128xf32, #tpu.memory_space<vmem_shared>>, %arg8: memref<4x!tpu.dma_semaphore, #tpu.memory_space<semaphore_mem>>, %arg9: memref<4x!tpu.dma_semaphore, #tpu.memory_space<semaphore_mem>>) attributes {dimension_semantics = [#tpu.dimension_semantics<core_parallel>, #tpu.dimension_semantics<subcore_parallel>], iteration_bounds = array<i64: 2, 16>, scalar_prefetch = 0 : i64, scratch_operands = 5 : i64, tpu.core_type = #tpu.core_type<sc_vector_subcore>, window_params = [{transform_indices = #map}, {transform_indices = #map1}, {transform_indices = #map2}]} {
    %broadcast_in_dim3A = arith.constant 0.000000e+00 : f32
    %broadcast_in_dim3A_0 = vector.broadcast %broadcast_in_dim3A : f32 to vector<16xf32>
    %scan3A = arith.constant 0 : i32
    %scan3A_1 = arith.constant 0 : i32
    %scan3A_2 = arith.constant 512 : i32
    %scan3A_3 = arith.addi %scan3A_1, %scan3A_2 : i32
    %scan3A_4 = arith.constant 1 : i32
    %scan3A_5 = scf.for %scan3A_425 = %scan3A_1 to %scan3A_3 step %scan3A_4 iter_args(%scan3A_426 = %scan3A) -> (i32)  : i32 {
      %jit3A = arith.constant 8 : i32
      %div3A = arith.divsi %scan3A_425, %jit3A : i32
      %sign3A = arith.constant 0 : i32
      %sign3A_427 = arith.cmpi sgt, %scan3A_425, %sign3A : i32
      %sign3A_428 = arith.extui %sign3A_427 : i1 to i32
      %sign3A_429 = arith.constant 0 : i32
      %sign3A_430 = arith.cmpi slt, %scan3A_425, %sign3A_429 : i32
      %sign3A_431 = arith.extui %sign3A_430 : i1 to i32
      %sign3A_432 = arith.subi %sign3A_428, %sign3A_431 : i32
      %sign3A_433 = arith.constant 0 : i32
      %sign3A_434 = arith.cmpi sgt, %jit3A, %sign3A_433 : i32
      %sign3A_435 = arith.extui %sign3A_434 : i1 to i32
      %sign3A_436 = arith.constant 0 : i32
      %sign3A_437 = arith.cmpi slt, %jit3A, %sign3A_436 : i32
      %sign3A_438 = arith.extui %sign3A_437 : i1 to i32
      %sign3A_439 = arith.subi %sign3A_435, %sign3A_438 : i32
      %ne3A = arith.cmpi ne, %sign3A_432, %sign3A_439 : i32
      %rem3A = arith.remsi %scan3A_425, %jit3A : i32
      %ne3A_440 = arith.constant 0 : i32
      %ne3A_441 = arith.cmpi ne, %rem3A, %ne3A_440 : i32
      %and3A = arith.andi %ne3A, %ne3A_441 : i1
      %sub3A = arith.constant 1 : i32
      %sub3A_442 = arith.subi %div3A, %sub3A : i32
      %select_n3A = arith.select %and3A, %sub3A_442, %div3A : i32
      %jit3A_443 = arith.constant 8 : i32
      %eq3A = arith.constant 0 : i32
      %eq3A_444 = arith.cmpi eq, %jit3A_443, %eq3A : i32
      %jit3A_445 = arith.constant 1 : i32
      %select_n3A_446 = arith.select %eq3A_444, %jit3A_445, %jit3A_443 : i32
      %rem3A_447 = arith.remsi %scan3A_425, %select_n3A_446 : i32
      %ne3A_448 = arith.constant 0 : i32
      %ne3A_449 = arith.cmpi ne, %rem3A_447, %ne3A_448 : i32
      %lt3A = arith.constant 0 : i32
      %lt3A_450 = arith.cmpi slt, %rem3A_447, %lt3A : i32
      %lt3A_451 = arith.constant 0 : i32
      %lt3A_452 = arith.cmpi slt, %select_n3A_446, %lt3A_451 : i32
      %ne3A_453 = arith.xori %lt3A_450, %lt3A_452 : i1
      %and3A_454 = arith.andi %ne3A_453, %ne3A_449 : i1
      %add3A_455 = arith.addi %rem3A_447, %select_n3A_446 : i32
      %select_n3A_456 = arith.select %and3A_454, %add3A_455, %rem3A_447 : i32
      %mul3A_457 = arith.constant 16 : i32
      %mul3A_458 = arith.muli %select_n3A_456, %mul3A_457 : i32
      %swap3A = arith.constant 0 : i32
      %swap3A_459 = arith.index_cast %swap3A : i32 to index
      %swap3A_460 = arith.index_cast %select_n3A : i32 to index
      %swap3A_461 = arith.index_cast %mul3A_458 : i32 to index
      %swap3A_462 = tpu.vector_load %arg6[%swap3A_459, %swap3A_460, %swap3A_461] {strides = array<i32>} : memref<4x64x128xf32, #tpu.memory_space<vmem>>, vector<1x1x16xf32>,
      %swap3A_463 = vector.shape_cast %swap3A_462 : vector<1x1x16xf32> to vector<16xf32>
      %swap3A_464 = vector.shape_cast %broadcast_in_dim3A_0 : vector<16xf32> to vector<1x1x16xf32>
      tpu.vector_store %arg6[%swap3A_459, %swap3A_460, %swap3A_461], %swap3A_464 {strides = array<i32>} : memref<4x64x128xf32, #tpu.memory_space<vmem>>, vector<1x1x16xf32>,
      %scan3A_465 = arith.constant 0 : i32
      scf.yield %scan3A_465 : i32
    }
    %scan3A_6 = arith.constant 512 : i32
    %mul3A = arith.constant 640 : i32
    %mul3A_7 = arith.muli %arg1, %mul3A : i32
    %add3A = arith.constant 0 : i32
    %add3A_8 = arith.addi %mul3A_7, %add3A : i32
    %run_scoped3A = arith.constant 0 : i32
    "tpu.region"() ({
      %run_scoped3A_425 = tpu.sem_alloc : memref<!tpu.dma_semaphore, #tpu.memory_space<semaphore_mem>>
      %dma_start3A_426 = arith.constant 0 : i32
      %dma_start3A_427 = arith.constant 0 : i32
      %dma_start3A_428 = tpu.memref_slice %arg6[%run_scoped3A, %dma_start3A_426, %dma_start3A_427] : memref<4x64x128xf32, #tpu.memory_space<vmem>> -> memref<1x64x128xf32, #tpu.memory_space<vmem>>
      %dma_start3A_429 = tpu.memref_squeeze %dma_start3A_428 : memref<1x64x128xf32, #tpu.memory_space<vmem>> -> memref<64x128xf32, #tpu.memory_space<vmem>>
      %dma_start3A_430 = arith.constant 0 : i32
      %dma_start3A_431 = tpu.memref_slice %arg7[%add3A_8, %dma_start3A_430] : memref<10240x128xf32, #tpu.memory_space<vmem_shared>> -> memref<64x128xf32, #tpu.memory_space<vmem_shared>>
      %dma_start3A_432 = arith.constant 0 : i32
      %dma_start3A_433 = tpu.memref_slice %arg7[%add3A_8, %dma_start3A_432] : memref<10240x128xf32, #tpu.memory_space<vmem_shared>> -> memref<64x128xf32, #tpu.memory_space<vmem_shared>>
      %dma_start3A_434 = arith.constant 0 : i32
      %dma_start3A_435 = arith.constant 0 : i32
      %dma_start3A_436 = tpu.memref_slice %arg6[%run_scoped3A, %dma_start3A_434, %dma_start3A_435] : memref<4x64x128xf32, #tpu.memory_space<vmem>> -> memref<1x64x128xf32, #tpu.memory_space<vmem>>
      %dma_start3A_437 = tpu.memref_squeeze %dma_start3A_436 : memref<1x64x128xf32, #tpu.memory_space<vmem>> -> memref<64x128xf32, #tpu.memory_space<vmem>>
      tpu.enqueue_dma source(%dma_start3A_437 : memref<64x128xf32, #tpu.memory_space<vmem>>) target(%dma_start3A_433 : memref<64x128xf32, #tpu.memory_space<vmem_shared>>) target_semaphore(%run_scoped3A_425 : memref<!tpu.dma_semaphore, #tpu.memory_space<semaphore_mem>>)
      %dma_wait3A_438 = arith.constant 0 : i32
      %dma_wait3A_439 = arith.constant 0 : i32
      %dma_wait3A_440 = tpu.memref_slice %arg6[%run_scoped3A, %dma_wait3A_438, %dma_wait3A_439] : memref<4x64x128xf32, #tpu.memory_space<vmem>> -> memref<1x64x128xf32, #tpu.memory_space<vmem>>
      %dma_wait3A_441 = tpu.memref_squeeze %dma_wait3A_440 : memref<1x64x128xf32, #tpu.memory_space<vmem>> -> memref<64x128xf32, #tpu.memory_space<vmem>>
      %dma_wait3A_442 = arith.constant 0 : i32
      %dma_wait3A_443 = tpu.memref_slice %arg7[%add3A_8, %dma_wait3A_442] : memref<10240x128xf32, #tpu.memory_space<vmem_shared>> -> memref<64x128xf32, #tpu.memory_space<vmem_shared>>
      %dma_wait3A_444 = arith.constant 0 : i32
      %dma_wait3A_445 = tpu.memref_slice %arg7[%add3A_8, %dma_wait3A_444] : memref<10240x128xf32, #tpu.memory_space<vmem_shared>> -> memref<64x128xf32, #tpu.memory_space<vmem_shared>>
      %dma_wait3A_446 = arith.constant 0 : i32
      %dma_wait3A_447 = arith.constant 0 : i32
      %dma_wait3A_448 = tpu.memref_slice %arg6[%run_scoped3A, %dma_wait3A_446, %dma_wait3A_447] : memref<4x64x128xf32, #tpu.memory_space<vmem>> -> memref<1x64x128xf32, #tpu.memory_space<vmem>>
      %dma_wait3A_449 = tpu.memref_squeeze %dma_wait3A_448 : memref<1x64x128xf32, #tpu.memory_space<vmem>> -> memref<64x128xf32, #tpu.memory_space<vmem>>
      tpu.wait_dma2 semaphore(%run_scoped3A_425 : memref<!tpu.dma_semaphore, #tpu.memory_space<semaphore_mem>>) src(%dma_wait3A_449 : memref<64x128xf32, #tpu.memory_space<vmem>>) dst(%dma_wait3A_445 : memref<64x128xf32, #tpu.memory_space<vmem_shared>>)
      tpu.yield
    }) : () -> ()
    %mul3A_9 = arith.constant 640 : i32
    %mul3A_10 = arith.muli %arg1, %mul3A_9 : i32
    %add3A_11 = arith.constant 64 : i32
    %add3A_12 = arith.addi %mul3A_10, %add3A_11 : i32
    %run_scoped3A_13 = arith.constant 0 : i32
    "tpu.region"() ({
      %run_scoped3A_425 = tpu.sem_alloc : memref<!tpu.dma_semaphore, #tpu.memory_space<semaphore_mem>>
      %dma_start3A_426 = arith.constant 0 : i32
      %dma_start3A_427 = arith.constant 0 : i32
      %dma_start3A_428 = tpu.memref_slice %arg6[%run_scoped3A_13, %dma_start3A_426, %dma_start3A_427] : memref<4x64x128xf32, #tpu.memory_space<vmem>> -> memref<1x64x128xf32, #tpu.memory_space<vmem>>
      %dma_start3A_429 = tpu.memref_squeeze %dma_start3A_428 : memref<1x64x128xf32, #tpu.memory_space<vmem>> -> memref<64x128xf32, #tpu.memory_space<vmem>>
      %dma_start3A_430 = arith.constant 0 : i32
      %dma_start3A_431 = tpu.memref_slice %arg7[%add3A_12, %dma_start3A_430] : memref<10240x128xf32, #tpu.memory_space<vmem_shared>> -> memref<64x128xf32, #tpu.memory_space<vmem_shared>>
      %dma_start3A_432 = arith.constant 0 : i32
      %dma_start3A_433 = tpu.memref_slice %arg7[%add3A_12, %dma_start3A_432] : memref<10240x128xf32, #tpu.memory_space<vmem_shared>> -> memref<64x128xf32, #tpu.memory_space<vmem_shared>>
      %dma_start3A_434 = arith.constant 0 : i32
      %dma_start3A_435 = arith.constant 0 : i32
      %dma_start3A_436 = tpu.memref_slice %arg6[%run_scoped3A_13, %dma_start3A_434, %dma_start3A_435] : memref<4x64x128xf32, #tpu.memory_space<vmem>> -> memref<1x64x128xf32, #tpu.memory_space<vmem>>
      %dma_start3A_437 = tpu.memref_squeeze %dma_start3A_436 : memref<1x64x128xf32, #tpu.memory_space<vmem>> -> memref<64x128xf32, #tpu.memory_space<vmem>>
      tpu.enqueue_dma source(%dma_start3A_437 : memref<64x128xf32, #tpu.memory_space<vmem>>) target(%dma_start3A_433 : memref<64x128xf32, #tpu.memory_space<vmem_shared>>) target_semaphore(%run_scoped3A_425 : memref<!tpu.dma_semaphore, #tpu.memory_space<semaphore_mem>>)
      %dma_wait3A_438 = arith.constant 0 : i32
      %dma_wait3A_439 = arith.constant 0 : i32
      %dma_wait3A_440 = tpu.memref_slice %arg6[%run_scoped3A_13, %dma_wait3A_438, %dma_wait3A_439] : memref<4x64x128xf32, #tpu.memory_space<vmem>> -> memref<1x64x128xf32, #tpu.memory_space<vmem>>
      %dma_wait3A_441 = tpu.memref_squeeze %dma_wait3A_440 : memref<1x64x128xf32, #tpu.memory_space<vmem>> -> memref<64x128xf32, #tpu.memory_space<vmem>>
      %dma_wait3A_442 = arith.constant 0 : i32
      %dma_wait3A_443 = tpu.memref_slice %arg7[%add3A_12, %dma_wait3A_442] : memref<10240x128xf32, #tpu.memory_space<vmem_shared>> -> memref<64x128xf32, #tpu.memory_space<vmem_shared>>
      %dma_wait3A_444 = arith.constant 0 : i32
      %dma_wait3A_445 = tpu.memref_slice %arg7[%add3A_12, %dma_wait3A_444] : memref<10240x128xf32, #tpu.memory_space<vmem_shared>> -> memref<64x128xf32, #tpu.memory_space<vmem_shared>>
      %dma_wait3A_446 = arith.constant 0 : i32
      %dma_wait3A_447 = arith.constant 0 : i32
      %dma_wait3A_448 = tpu.memref_slice %arg6[%run_scoped3A_13, %dma_wait3A_446, %dma_wait3A_447] : memref<4x64x128xf32, #tpu.memory_space<vmem>> -> memref<1x64x128xf32, #tpu.memory_space<vmem>>
      %dma_wait3A_449 = tpu.memref_squeeze %dma_wait3A_448 : memref<1x64x128xf32, #tpu.memory_space<vmem>> -> memref<64x128xf32, #tpu.memory_space<vmem>>
      tpu.wait_dma2 semaphore(%run_scoped3A_425 : memref<!tpu.dma_semaphore, #tpu.memory_space<semaphore_mem>>) src(%dma_wait3A_449 : memref<64x128xf32, #tpu.memory_space<vmem>>) dst(%dma_wait3A_445 : memref<64x128xf32, #tpu.memory_space<vmem_shared>>)
      tpu.yield
    }) : () -> ()
    %mul3A_14 = arith.constant 640 : i32
    %mul3A_15 = arith.muli %arg1, %mul3A_14 : i32
    %add3A_16 = arith.constant 128 : i32
    %add3A_17 = arith.addi %mul3A_15, %add3A_16 : i32
    %run_scoped3A_18 = arith.constant 0 : i32
    "tpu.region"() ({
      %run_scoped3A_425 = tpu.sem_alloc : memref<!tpu.dma_semaphore, #tpu.memory_space<semaphore_mem>>
      %dma_start3A_426 = arith.constant 0 : i32
      %dma_start3A_427 = arith.constant 0 : i32
      %dma_start3A_428 = tpu.memref_slice %arg6[%run_scoped3A_18, %dma_start3A_426, %dma_start3A_427] : memref<4x64x128xf32, #tpu.memory_space<vmem>> -> memref<1x64x128xf32, #tpu.memory_space<vmem>>
      %dma_start3A_429 = tpu.memref_squeeze %dma_start3A_428 : memref<1x64x128xf32, #tpu.memory_space<vmem>> -> memref<64x128xf32, #tpu.memory_space<vmem>>
      %dma_start3A_430 = arith.constant 0 : i32
      %dma_start3A_431 = tpu.memref_slice %arg7[%add3A_17, %dma_start3A_430] : memref<10240x128xf32, #tpu.memory_space<vmem_shared>> -> memref<64x128xf32, #tpu.memory_space<vmem_shared>>
      %dma_start3A_432 = arith.constant 0 : i32
      %dma_start3A_433 = tpu.memref_slice %arg7[%add3A_17, %dma_start3A_432] : memref<10240x128xf32, #tpu.memory_space<vmem_shared>> -> memref<64x128xf32, #tpu.memory_space<vmem_shared>>
      %dma_start3A_434 = arith.constant 0 : i32
      %dma_start3A_435 = arith.constant 0 : i32
      %dma_start3A_436 = tpu.memref_slice %arg6[%run_scoped3A_18, %dma_start3A_434, %dma_start3A_435] : memref<4x64x128xf32, #tpu.memory_space<vmem>> -> memref<1x64x128xf32, #tpu.memory_space<vmem>>
      %dma_start3A_437 = tpu.memref_squeeze %dma_start3A_436 : memref<1x64x128xf32, #tpu.memory_space<vmem>> -> memref<64x128xf32, #tpu.memory_space<vmem>>
      tpu.enqueue_dma source(%dma_start3A_437 : memref<64x128xf32, #tpu.memory_space<vmem>>) target(%dma_start3A_433 : memref<64x128xf32, #tpu.memory_space<vmem_shared>>) target_semaphore(%run_scoped3A_425 : memref<!tpu.dma_semaphore, #tpu.memory_space<semaphore_mem>>)
      %dma_wait3A_438 = arith.constant 0 : i32
      %dma_wait3A_439 = arith.constant 0 : i32
      %dma_wait3A_440 = tpu.memref_slice %arg6[%run_scoped3A_18, %dma_wait3A_438, %dma_wait3A_439] : memref<4x64x128xf32, #tpu.memory_space<vmem>> -> memref<1x64x128xf32, #tpu.memory_space<vmem>>
      %dma_wait3A_441 = tpu.memref_squeeze %dma_wait3A_440 : memref<1x64x128xf32, #tpu.memory_space<vmem>> -> memref<64x128xf32, #tpu.memory_space<vmem>>
      %dma_wait3A_442 = arith.constant 0 : i32
      %dma_wait3A_443 = tpu.memref_slice %arg7[%add3A_17, %dma_wait3A_442] : memref<10240x128xf32, #tpu.memory_space<vmem_shared>> -> memref<64x128xf32, #tpu.memory_space<vmem_shared>>
      %dma_wait3A_444 = arith.constant 0 : i32
      %dma_wait3A_445 = tpu.memref_slice %arg7[%add3A_17, %dma_wait3A_444] : memref<10240x128xf32, #tpu.memory_space<vmem_shared>> -> memref<64x128xf32, #tpu.memory_space<vmem_shared>>
      %dma_wait3A_446 = arith.constant 0 : i32
      %dma_wait3A_447 = arith.constant 0 : i32
      %dma_wait3A_448 = tpu.memref_slice %arg6[%run_scoped3A_18, %dma_wait3A_446, %dma_wait3A_447] : memref<4x64x128xf32, #tpu.memory_space<vmem>> -> memref<1x64x128xf32, #tpu.memory_space<vmem>>
      %dma_wait3A_449 = tpu.memref_squeeze %dma_wait3A_448 : memref<1x64x128xf32, #tpu.memory_space<vmem>> -> memref<64x128xf32, #tpu.memory_space<vmem>>
      tpu.wait_dma2 semaphore(%run_scoped3A_425 : memref<!tpu.dma_semaphore, #tpu.memory_space<semaphore_mem>>) src(%dma_wait3A_449 : memref<64x128xf32, #tpu.memory_space<vmem>>) dst(%dma_wait3A_445 : memref<64x128xf32, #tpu.memory_space<vmem_shared>>)
      tpu.yield
    }) : () -> ()
    %mul3A_19 = arith.constant 640 : i32
    %mul3A_20 = arith.muli %arg1, %mul3A_19 : i32
    %add3A_21 = arith.constant 192 : i32
    %add3A_22 = arith.addi %mul3A_20, %add3A_21 : i32
    %run_scoped3A_23 = arith.constant 0 : i32
    "tpu.region"() ({
      %run_scoped3A_425 = tpu.sem_alloc : memref<!tpu.dma_semaphore, #tpu.memory_space<semaphore_mem>>
      %dma_start3A_426 = arith.constant 0 : i32
      %dma_start3A_427 = arith.constant 0 : i32
      %dma_start3A_428 = tpu.memref_slice %arg6[%run_scoped3A_23, %dma_start3A_426, %dma_start3A_427] : memref<4x64x128xf32, #tpu.memory_space<vmem>> -> memref<1x64x128xf32, #tpu.memory_space<vmem>>
      %dma_start3A_429 = tpu.memref_squeeze %dma_start3A_428 : memref<1x64x128xf32, #tpu.memory_space<vmem>> -> memref<64x128xf32, #tpu.memory_space<vmem>>
      %dma_start3A_430 = arith.constant 0 : i32
      %dma_start3A_431 = tpu.memref_slice %arg7[%add3A_22, %dma_start3A_430] : memref<10240x128xf32, #tpu.memory_space<vmem_shared>> -> memref<64x128xf32, #tpu.memory_space<vmem_shared>>
      %dma_start3A_432 = arith.constant 0 : i32
      %dma_start3A_433 = tpu.memref_slice %arg7[%add3A_22, %dma_start3A_432] : memref<10240x128xf32, #tpu.memory_space<vmem_shared>> -> memref<64x128xf32, #tpu.memory_space<vmem_shared>>
      %dma_start3A_434 = arith.constant 0 : i32
      %dma_start3A_435 = arith.constant 0 : i32
      %dma_start3A_436 = tpu.memref_slice %arg6[%run_scoped3A_23, %dma_start3A_434, %dma_start3A_435] : memref<4x64x128xf32, #tpu.memory_space<vmem>> -> memref<1x64x128xf32, #tpu.memory_space<vmem>>
      %dma_start3A_437 = tpu.memref_squeeze %dma_start3A_436 : memref<1x64x128xf32, #tpu.memory_space<vmem>> -> memref<64x128xf32, #tpu.memory_space<vmem>>
      tpu.enqueue_dma source(%dma_start3A_437 : memref<64x128xf32, #tpu.memory_space<vmem>>) target(%dma_start3A_433 : memref<64x128xf32, #tpu.memory_space<vmem_shared>>) target_semaphore(%run_scoped3A_425 : memref<!tpu.dma_semaphore, #tpu.memory_space<semaphore_mem>>)
      %dma_wait3A_438 = arith.constant 0 : i32
      %dma_wait3A_439 = arith.constant 0 : i32
      %dma_wait3A_440 = tpu.memref_slice %arg6[%run_scoped3A_23, %dma_wait3A_438, %dma_wait3A_439] : memref<4x64x128xf32, #tpu.memory_space<vmem>> -> memref<1x64x128xf32, #tpu.memory_space<vmem>>
      %dma_wait3A_441 = tpu.memref_squeeze %dma_wait3A_440 : memref<1x64x128xf32, #tpu.memory_space<vmem>> -> memref<64x128xf32, #tpu.memory_space<vmem>>
      %dma_wait3A_442 = arith.constant 0 : i32
      %dma_wait3A_443 = tpu.memref_slice %arg7[%add3A_22, %dma_wait3A_442] : memref<10240x128xf32, #tpu.memory_space<vmem_shared>> -> memref<64x128xf32, #tpu.memory_space<vmem_shared>>
      %dma_wait3A_444 = arith.constant 0 : i32
      %dma_wait3A_445 = tpu.memref_slice %arg7[%add3A_22, %dma_wait3A_444] : memref<10240x128xf32, #tpu.memory_space<vmem_shared>> -> memref<64x128xf32, #tpu.memory_space<vmem_shared>>
      %dma_wait3A_446 = arith.constant 0 : i32
      %dma_wait3A_447 = arith.constant 0 : i32
      %dma_wait3A_448 = tpu.memref_slice %arg6[%run_scoped3A_23, %dma_wait3A_446, %dma_wait3A_447] : memref<4x64x128xf32, #tpu.memory_space<vmem>> -> memref<1x64x128xf32, #tpu.memory_space<vmem>>
      %dma_wait3A_449 = tpu.memref_squeeze %dma_wait3A_448 : memref<1x64x128xf32, #tpu.memory_space<vmem>> -> memref<64x128xf32, #tpu.memory_space<vmem>>
      tpu.wait_dma2 semaphore(%run_scoped3A_425 : memref<!tpu.dma_semaphore, #tpu.memory_space<semaphore_mem>>) src(%dma_wait3A_449 : memref<64x128xf32, #tpu.memory_space<vmem>>) dst(%dma_wait3A_445 : memref<64x128xf32, #tpu.memory_space<vmem_shared>>)
      tpu.yield
    }) : () -> ()
    %mul3A_24 = arith.constant 640 : i32
    %mul3A_25 = arith.muli %arg1, %mul3A_24 : i32
    %add3A_26 = arith.constant 256 : i32
    %add3A_27 = arith.addi %mul3A_25, %add3A_26 : i32
    %run_scoped3A_28 = arith.constant 0 : i32
    "tpu.region"() ({
      %run_scoped3A_425 = tpu.sem_alloc : memref<!tpu.dma_semaphore, #tpu.memory_space<semaphore_mem>>
      %dma_start3A_426 = arith.constant 0 : i32
      %dma_start3A_427 = arith.constant 0 : i32
      %dma_start3A_428 = tpu.memref_slice %arg6[%run_scoped3A_28, %dma_start3A_426, %dma_start3A_427] : memref<4x64x128xf32, #tpu.memory_space<vmem>> -> memref<1x64x128xf32, #tpu.memory_space<vmem>>
      %dma_start3A_429 = tpu.memref_squeeze %dma_start3A_428 : memref<1x64x128xf32, #tpu.memory_space<vmem>> -> memref<64x128xf32, #tpu.memory_space<vmem>>
      %dma_start3A_430 = arith.constant 0 : i32
      %dma_start3A_431 = tpu.memref_slice %arg7[%add3A_27, %dma_start3A_430] : memref<10240x128xf32, #tpu.memory_space<vmem_shared>> -> memref<64x128xf32, #tpu.memory_space<vmem_shared>>
      %dma_start3A_432 = arith.constant 0 : i32
      %dma_start3A_433 = tpu.memref_slice %arg7[%add3A_27, %dma_start3A_432] : memref<10240x128xf32, #tpu.memory_space<vmem_shared>> -> memref<64x128xf32, #tpu.memory_space<vmem_shared>>
      %dma_start3A_434 = arith.constant 0 : i32
      %dma_start3A_435 = arith.constant 0 : i32
      %dma_start3A_436 = tpu.memref_slice %arg6[%run_scoped3A_28, %dma_start3A_434, %dma_start3A_435] : memref<4x64x128xf32, #tpu.memory_space<vmem>> -> memref<1x64x128xf32, #tpu.memory_space<vmem>>
      %dma_start3A_437 = tpu.memref_squeeze %dma_start3A_436 : memref<1x64x128xf32, #tpu.memory_space<vmem>> -> memref<64x128xf32, #tpu.memory_space<vmem>>
      tpu.enqueue_dma source(%dma_start3A_437 : memref<64x128xf32, #tpu.memory_space<vmem>>) target(%dma_start3A_433 : memref<64x128xf32, #tpu.memory_space<vmem_shared>>) target_semaphore(%run_scoped3A_425 : memref<!tpu.dma_semaphore, #tpu.memory_space<semaphore_mem>>)
      %dma_wait3A_438 = arith.constant 0 : i32
      %dma_wait3A_439 = arith.constant 0 : i32
      %dma_wait3A_440 = tpu.memref_slice %arg6[%run_scoped3A_28, %dma_wait3A_438, %dma_wait3A_439] : memref<4x64x128xf32, #tpu.memory_space<vmem>> -> memref<1x64x128xf32, #tpu.memory_space<vmem>>
      %dma_wait3A_441 = tpu.memref_squeeze %dma_wait3A_440 : memref<1x64x128xf32, #tpu.memory_space<vmem>> -> memref<64x128xf32, #tpu.memory_space<vmem>>
      %dma_wait3A_442 = arith.constant 0 : i32
      %dma_wait3A_443 = tpu.memref_slice %arg7[%add3A_27, %dma_wait3A_442] : memref<10240x128xf32, #tpu.memory_space<vmem_shared>> -> memref<64x128xf32, #tpu.memory_space<vmem_shared>>
      %dma_wait3A_444 = arith.constant 0 : i32
      %dma_wait3A_445 = tpu.memref_slice %arg7[%add3A_27, %dma_wait3A_444] : memref<10240x128xf32, #tpu.memory_space<vmem_shared>> -> memref<64x128xf32, #tpu.memory_space<vmem_shared>>
      %dma_wait3A_446 = arith.constant 0 : i32
      %dma_wait3A_447 = arith.constant 0 : i32
      %dma_wait3A_448 = tpu.memref_slice %arg6[%run_scoped3A_28, %dma_wait3A_446, %dma_wait3A_447] : memref<4x64x128xf32, #tpu.memory_space<vmem>> -> memref<1x64x128xf32, #tpu.memory_space<vmem>>
      %dma_wait3A_449 = tpu.memref_squeeze %dma_wait3A_448 : memref<1x64x128xf32, #tpu.memory_space<vmem>> -> memref<64x128xf32, #tpu.memory_space<vmem>>
      tpu.wait_dma2 semaphore(%run_scoped3A_425 : memref<!tpu.dma_semaphore, #tpu.memory_space<semaphore_mem>>) src(%dma_wait3A_449 : memref<64x128xf32, #tpu.memory_space<vmem>>) dst(%dma_wait3A_445 : memref<64x128xf32, #tpu.memory_space<vmem_shared>>)
      tpu.yield
    }) : () -> ()
    %mul3A_29 = arith.constant 640 : i32
    %mul3A_30 = arith.muli %arg1, %mul3A_29 : i32
    %add3A_31 = arith.constant 320 : i32
    %add3A_32 = arith.addi %mul3A_30, %add3A_31 : i32
    %run_scoped3A_33 = arith.constant 0 : i32
    "tpu.region"() ({
      %run_scoped3A_425 = tpu.sem_alloc : memref<!tpu.dma_semaphore, #tpu.memory_space<semaphore_mem>>
      %dma_start3A_426 = arith.constant 0 : i32
      %dma_start3A_427 = arith.constant 0 : i32
      %dma_start3A_428 = tpu.memref_slice %arg6[%run_scoped3A_33, %dma_start3A_426, %dma_start3A_427] : memref<4x64x128xf32, #tpu.memory_space<vmem>> -> memref<1x64x128xf32, #tpu.memory_space<vmem>>
      %dma_start3A_429 = tpu.memref_squeeze %dma_start3A_428 : memref<1x64x128xf32, #tpu.memory_space<vmem>> -> memref<64x128xf32, #tpu.memory_space<vmem>>
      %dma_start3A_430 = arith.constant 0 : i32
      %dma_start3A_431 = tpu.memref_slice %arg7[%add3A_32, %dma_start3A_430] : memref<10240x128xf32, #tpu.memory_space<vmem_shared>> -> memref<64x128xf32, #tpu.memory_space<vmem_shared>>
      %dma_start3A_432 = arith.constant 0 : i32
      %dma_start3A_433 = tpu.memref_slice %arg7[%add3A_32, %dma_start3A_432] : memref<10240x128xf32, #tpu.memory_space<vmem_shared>> -> memref<64x128xf32, #tpu.memory_space<vmem_shared>>
      %dma_start3A_434 = arith.constant 0 : i32
      %dma_start3A_435 = arith.constant 0 : i32
      %dma_start3A_436 = tpu.memref_slice %arg6[%run_scoped3A_33, %dma_start3A_434, %dma_start3A_435] : memref<4x64x128xf32, #tpu.memory_space<vmem>> -> memref<1x64x128xf32, #tpu.memory_space<vmem>>
      %dma_start3A_437 = tpu.memref_squeeze %dma_start3A_436 : memref<1x64x128xf32, #tpu.memory_space<vmem>> -> memref<64x128xf32, #tpu.memory_space<vmem>>
      tpu.enqueue_dma source(%dma_start3A_437 : memref<64x128xf32, #tpu.memory_space<vmem>>) target(%dma_start3A_433 : memref<64x128xf32, #tpu.memory_space<vmem_shared>>) target_semaphore(%run_scoped3A_425 : memref<!tpu.dma_semaphore, #tpu.memory_space<semaphore_mem>>)
      %dma_wait3A_438 = arith.constant 0 : i32
      %dma_wait3A_439 = arith.constant 0 : i32
      %dma_wait3A_440 = tpu.memref_slice %arg6[%run_scoped3A_33, %dma_wait3A_438, %dma_wait3A_439] : memref<4x64x128xf32, #tpu.memory_space<vmem>> -> memref<1x64x128xf32, #tpu.memory_space<vmem>>
      %dma_wait3A_441 = tpu.memref_squeeze %dma_wait3A_440 : memref<1x64x128xf32, #tpu.memory_space<vmem>> -> memref<64x128xf32, #tpu.memory_space<vmem>>
      %dma_wait3A_442 = arith.constant 0 : i32
      %dma_wait3A_443 = tpu.memref_slice %arg7[%add3A_32, %dma_wait3A_442] : memref<10240x128xf32, #tpu.memory_space<vmem_shared>> -> memref<64x128xf32, #tpu.memory_space<vmem_shared>>
      %dma_wait3A_444 = arith.constant 0 : i32
      %dma_wait3A_445 = tpu.memref_slice %arg7[%add3A_32, %dma_wait3A_444] : memref<10240x128xf32, #tpu.memory_space<vmem_shared>> -> memref<64x128xf32, #tpu.memory_space<vmem_shared>>
      %dma_wait3A_446 = arith.constant 0 : i32
      %dma_wait3A_447 = arith.constant 0 : i32
      %dma_wait3A_448 = tpu.memref_slice %arg6[%run_scoped3A_33, %dma_wait3A_446, %dma_wait3A_447] : memref<4x64x128xf32, #tpu.memory_space<vmem>> -> memref<1x64x128xf32, #tpu.memory_space<vmem>>
      %dma_wait3A_449 = tpu.memref_squeeze %dma_wait3A_448 : memref<1x64x128xf32, #tpu.memory_space<vmem>> -> memref<64x128xf32, #tpu.memory_space<vmem>>
      tpu.wait_dma2 semaphore(%run_scoped3A_425 : memref<!tpu.dma_semaphore, #tpu.memory_space<semaphore_mem>>) src(%dma_wait3A_449 : memref<64x128xf32, #tpu.memory_space<vmem>>) dst(%dma_wait3A_445 : memref<64x128xf32, #tpu.memory_space<vmem_shared>>)
      tpu.yield
    }) : () -> ()
    %mul3A_34 = arith.constant 640 : i32
    %mul3A_35 = arith.muli %arg1, %mul3A_34 : i32
    %add3A_36 = arith.constant 384 : i32
    %add3A_37 = arith.addi %mul3A_35, %add3A_36 : i32
    %run_scoped3A_38 = arith.constant 0 : i32
    "tpu.region"() ({
      %run_scoped3A_425 = tpu.sem_alloc : memref<!tpu.dma_semaphore, #tpu.memory_space<semaphore_mem>>
      %dma_start3A_426 = arith.constant 0 : i32
      %dma_start3A_427 = arith.constant 0 : i32
      %dma_start3A_428 = tpu.memref_slice %arg6[%run_scoped3A_38, %dma_start3A_426, %dma_start3A_427] : memref<4x64x128xf32, #tpu.memory_space<vmem>> -> memref<1x64x128xf32, #tpu.memory_space<vmem>>
      %dma_start3A_429 = tpu.memref_squeeze %dma_start3A_428 : memref<1x64x128xf32, #tpu.memory_space<vmem>> -> memref<64x128xf32, #tpu.memory_space<vmem>>
      %dma_start3A_430 = arith.constant 0 : i32
      %dma_start3A_431 = tpu.memref_slice %arg7[%add3A_37, %dma_start3A_430] : memref<10240x128xf32, #tpu.memory_space<vmem_shared>> -> memref<64x128xf32, #tpu.memory_space<vmem_shared>>
      %dma_start3A_432 = arith.constant 0 : i32
      %dma_start3A_433 = tpu.memref_slice %arg7[%add3A_37, %dma_start3A_432] : memref<10240x128xf32, #tpu.memory_space<vmem_shared>> -> memref<64x128xf32, #tpu.memory_space<vmem_shared>>
      %dma_start3A_434 = arith.constant 0 : i32
      %dma_start3A_435 = arith.constant 0 : i32
      %dma_start3A_436 = tpu.memref_slice %arg6[%run_scoped3A_38, %dma_start3A_434, %dma_start3A_435] : memref<4x64x128xf32, #tpu.memory_space<vmem>> -> memref<1x64x128xf32, #tpu.memory_space<vmem>>
      %dma_start3A_437 = tpu.memref_squeeze %dma_start3A_436 : memref<1x64x128xf32, #tpu.memory_space<vmem>> -> memref<64x128xf32, #tpu.memory_space<vmem>>
      tpu.enqueue_dma source(%dma_start3A_437 : memref<64x128xf32, #tpu.memory_space<vmem>>) target(%dma_start3A_433 : memref<64x128xf32, #tpu.memory_space<vmem_shared>>) target_semaphore(%run_scoped3A_425 : memref<!tpu.dma_semaphore, #tpu.memory_space<semaphore_mem>>)
      %dma_wait3A_438 = arith.constant 0 : i32
      %dma_wait3A_439 = arith.constant 0 : i32
      %dma_wait3A_440 = tpu.memref_slice %arg6[%run_scoped3A_38, %dma_wait3A_438, %dma_wait3A_439] : memref<4x64x128xf32, #tpu.memory_space<vmem>> -> memref<1x64x128xf32, #tpu.memory_space<vmem>>
      %dma_wait3A_441 = tpu.memref_squeeze %dma_wait3A_440 : memref<1x64x128xf32, #tpu.memory_space<vmem>> -> memref<64x128xf32, #tpu.memory_space<vmem>>
      %dma_wait3A_442 = arith.constant 0 : i32
      %dma_wait3A_443 = tpu.memref_slice %arg7[%add3A_37, %dma_wait3A_442] : memref<10240x128xf32, #tpu.memory_space<vmem_shared>> -> memref<64x128xf32, #tpu.memory_space<vmem_shared>>
      %dma_wait3A_444 = arith.constant 0 : i32
      %dma_wait3A_445 = tpu.memref_slice %arg7[%add3A_37, %dma_wait3A_444] : memref<10240x128xf32, #tpu.memory_space<vmem_shared>> -> memref<64x128xf32, #tpu.memory_space<vmem_shared>>
      %dma_wait3A_446 = arith.constant 0 : i32
      %dma_wait3A_447 = arith.constant 0 : i32
      %dma_wait3A_448 = tpu.memref_slice %arg6[%run_scoped3A_38, %dma_wait3A_446, %dma_wait3A_447] : memref<4x64x128xf32, #tpu.memory_space<vmem>> -> memref<1x64x128xf32, #tpu.memory_space<vmem>>
      %dma_wait3A_449 = tpu.memref_squeeze %dma_wait3A_448 : memref<1x64x128xf32, #tpu.memory_space<vmem>> -> memref<64x128xf32, #tpu.memory_space<vmem>>
      tpu.wait_dma2 semaphore(%run_scoped3A_425 : memref<!tpu.dma_semaphore, #tpu.memory_space<semaphore_mem>>) src(%dma_wait3A_449 : memref<64x128xf32, #tpu.memory_space<vmem>>) dst(%dma_wait3A_445 : memref<64x128xf32, #tpu.memory_space<vmem_shared>>)
      tpu.yield
    }) : () -> ()
    %mul3A_39 = arith.constant 640 : i32
    %mul3A_40 = arith.muli %arg1, %mul3A_39 : i32
    %add3A_41 = arith.constant 448 : i32
    %add3A_42 = arith.addi %mul3A_40, %add3A_41 : i32
    %run_scoped3A_43 = arith.constant 0 : i32
    "tpu.region"() ({
      %run_scoped3A_425 = tpu.sem_alloc : memref<!tpu.dma_semaphore, #tpu.memory_space<semaphore_mem>>
      %dma_start3A_426 = arith.constant 0 : i32
      %dma_start3A_427 = arith.constant 0 : i32
      %dma_start3A_428 = tpu.memref_slice %arg6[%run_scoped3A_43, %dma_start3A_426, %dma_start3A_427] : memref<4x64x128xf32, #tpu.memory_space<vmem>> -> memref<1x64x128xf32, #tpu.memory_space<vmem>>
      %dma_start3A_429 = tpu.memref_squeeze %dma_start3A_428 : memref<1x64x128xf32, #tpu.memory_space<vmem>> -> memref<64x128xf32, #tpu.memory_space<vmem>>
      %dma_start3A_430 = arith.constant 0 : i32
      %dma_start3A_431 = tpu.memref_slice %arg7[%add3A_42, %dma_start3A_430] : memref<10240x128xf32, #tpu.memory_space<vmem_shared>> -> memref<64x128xf32, #tpu.memory_space<vmem_shared>>
      %dma_start3A_432 = arith.constant 0 : i32
      %dma_start3A_433 = tpu.memref_slice %arg7[%add3A_42, %dma_start3A_432] : memref<10240x128xf32, #tpu.memory_space<vmem_shared>> -> memref<64x128xf32, #tpu.memory_space<vmem_shared>>
      %dma_start3A_434 = arith.constant 0 : i32
      %dma_start3A_435 = arith.constant 0 : i32
      %dma_start3A_436 = tpu.memref_slice %arg6[%run_scoped3A_43, %dma_start3A_434, %dma_start3A_435] : memref<4x64x128xf32, #tpu.memory_space<vmem>> -> memref<1x64x128xf32, #tpu.memory_space<vmem>>
      %dma_start3A_437 = tpu.memref_squeeze %dma_start3A_436 : memref<1x64x128xf32, #tpu.memory_space<vmem>> -> memref<64x128xf32, #tpu.memory_space<vmem>>
      tpu.enqueue_dma source(%dma_start3A_437 : memref<64x128xf32, #tpu.memory_space<vmem>>) target(%dma_start3A_433 : memref<64x128xf32, #tpu.memory_space<vmem_shared>>) target_semaphore(%run_scoped3A_425 : memref<!tpu.dma_semaphore, #tpu.memory_space<semaphore_mem>>)
      %dma_wait3A_438 = arith.constant 0 : i32
      %dma_wait3A_439 = arith.constant 0 : i32
      %dma_wait3A_440 = tpu.memref_slice %arg6[%run_scoped3A_43, %dma_wait3A_438, %dma_wait3A_439] : memref<4x64x128xf32, #tpu.memory_space<vmem>> -> memref<1x64x128xf32, #tpu.memory_space<vmem>>
      %dma_wait3A_441 = tpu.memref_squeeze %dma_wait3A_440 : memref<1x64x128xf32, #tpu.memory_space<vmem>> -> memref<64x128xf32, #tpu.memory_space<vmem>>
      %dma_wait3A_442 = arith.constant 0 : i32
      %dma_wait3A_443 = tpu.memref_slice %arg7[%add3A_42, %dma_wait3A_442] : memref<10240x128xf32, #tpu.memory_space<vmem_shared>> -> memref<64x128xf32, #tpu.memory_space<vmem_shared>>
      %dma_wait3A_444 = arith.constant 0 : i32
      %dma_wait3A_445 = tpu.memref_slice %arg7[%add3A_42, %dma_wait3A_444] : memref<10240x128xf32, #tpu.memory_space<vmem_shared>> -> memref<64x128xf32, #tpu.memory_space<vmem_shared>>
      %dma_wait3A_446 = arith.constant 0 : i32
      %dma_wait3A_447 = arith.constant 0 : i32
      %dma_wait3A_448 = tpu.memref_slice %arg6[%run_scoped3A_43, %dma_wait3A_446, %dma_wait3A_447] : memref<4x64x128xf32, #tpu.memory_space<vmem>> -> memref<1x64x128xf32, #tpu.memory_space<vmem>>
      %dma_wait3A_449 = tpu.memref_squeeze %dma_wait3A_448 : memref<1x64x128xf32, #tpu.memory_space<vmem>> -> memref<64x128xf32, #tpu.memory_space<vmem>>
      tpu.wait_dma2 semaphore(%run_scoped3A_425 : memref<!tpu.dma_semaphore, #tpu.memory_space<semaphore_mem>>) src(%dma_wait3A_449 : memref<64x128xf32, #tpu.memory_space<vmem>>) dst(%dma_wait3A_445 : memref<64x128xf32, #tpu.memory_space<vmem_shared>>)
      tpu.yield
    }) : () -> ()
    %mul3A_44 = arith.constant 640 : i32
    %mul3A_45 = arith.muli %arg1, %mul3A_44 : i32
    %add3A_46 = arith.constant 512 : i32
    %add3A_47 = arith.addi %mul3A_45, %add3A_46 : i32
    %run_scoped3A_48 = arith.constant 0 : i32
    "tpu.region"() ({
      %run_scoped3A_425 = tpu.sem_alloc : memref<!tpu.dma_semaphore, #tpu.memory_space<semaphore_mem>>
      %dma_start3A_426 = arith.constant 0 : i32
      %dma_start3A_427 = arith.constant 0 : i32
      %dma_start3A_428 = tpu.memref_slice %arg6[%run_scoped3A_48, %dma_start3A_426, %dma_start3A_427] : memref<4x64x128xf32, #tpu.memory_space<vmem>> -> memref<1x64x128xf32, #tpu.memory_space<vmem>>
      %dma_start3A_429 = tpu.memref_squeeze %dma_start3A_428 : memref<1x64x128xf32, #tpu.memory_space<vmem>> -> memref<64x128xf32, #tpu.memory_space<vmem>>
      %dma_start3A_430 = arith.constant 0 : i32
      %dma_start3A_431 = tpu.memref_slice %arg7[%add3A_47, %dma_start3A_430] : memref<10240x128xf32, #tpu.memory_space<vmem_shared>> -> memref<64x128xf32, #tpu.memory_space<vmem_shared>>
      %dma_start3A_432 = arith.constant 0 : i32
      %dma_start3A_433 = tpu.memref_slice %arg7[%add3A_47, %dma_start3A_432] : memref<10240x128xf32, #tpu.memory_space<vmem_shared>> -> memref<64x128xf32, #tpu.memory_space<vmem_shared>>
      %dma_start3A_434 = arith.constant 0 : i32
      %dma_start3A_435 = arith.constant 0 : i32
      %dma_start3A_436 = tpu.memref_slice %arg6[%run_scoped3A_48, %dma_start3A_434, %dma_start3A_435] : memref<4x64x128xf32, #tpu.memory_space<vmem>> -> memref<1x64x128xf32, #tpu.memory_space<vmem>>
      %dma_start3A_437 = tpu.memref_squeeze %dma_start3A_436 : memref<1x64x128xf32, #tpu.memory_space<vmem>> -> memref<64x128xf32, #tpu.memory_space<vmem>>
      tpu.enqueue_dma source(%dma_start3A_437 : memref<64x128xf32, #tpu.memory_space<vmem>>) target(%dma_start3A_433 : memref<64x128xf32, #tpu.memory_space<vmem_shared>>) target_semaphore(%run_scoped3A_425 : memref<!tpu.dma_semaphore, #tpu.memory_space<semaphore_mem>>)
      %dma_wait3A_438 = arith.constant 0 : i32
      %dma_wait3A_439 = arith.constant 0 : i32
      %dma_wait3A_440 = tpu.memref_slice %arg6[%run_scoped3A_48, %dma_wait3A_438, %dma_wait3A_439] : memref<4x64x128xf32, #tpu.memory_space<vmem>> -> memref<1x64x128xf32, #tpu.memory_space<vmem>>
      %dma_wait3A_441 = tpu.memref_squeeze %dma_wait3A_440 : memref<1x64x128xf32, #tpu.memory_space<vmem>> -> memref<64x128xf32, #tpu.memory_space<vmem>>
      %dma_wait3A_442 = arith.constant 0 : i32
      %dma_wait3A_443 = tpu.memref_slice %arg7[%add3A_47, %dma_wait3A_442] : memref<10240x128xf32, #tpu.memory_space<vmem_shared>> -> memref<64x128xf32, #tpu.memory_space<vmem_shared>>
      %dma_wait3A_444 = arith.constant 0 : i32
      %dma_wait3A_445 = tpu.memref_slice %arg7[%add3A_47, %dma_wait3A_444] : memref<10240x128xf32, #tpu.memory_space<vmem_shared>> -> memref<64x128xf32, #tpu.memory_space<vmem_shared>>
      %dma_wait3A_446 = arith.constant 0 : i32
      %dma_wait3A_447 = arith.constant 0 : i32
      %dma_wait3A_448 = tpu.memref_slice %arg6[%run_scoped3A_48, %dma_wait3A_446, %dma_wait3A_447] : memref<4x64x128xf32, #tpu.memory_space<vmem>> -> memref<1x64x128xf32, #tpu.memory_space<vmem>>
      %dma_wait3A_449 = tpu.memref_squeeze %dma_wait3A_448 : memref<1x64x128xf32, #tpu.memory_space<vmem>> -> memref<64x128xf32, #tpu.memory_space<vmem>>
      tpu.wait_dma2 semaphore(%run_scoped3A_425 : memref<!tpu.dma_semaphore, #tpu.memory_space<semaphore_mem>>) src(%dma_wait3A_449 : memref<64x128xf32, #tpu.memory_space<vmem>>) dst(%dma_wait3A_445 : memref<64x128xf32, #tpu.memory_space<vmem_shared>>)
      tpu.yield
    }) : () -> ()
    %mul3A_49 = arith.constant 640 : i32
    %mul3A_50 = arith.muli %arg1, %mul3A_49 : i32
    %add3A_51 = arith.constant 576 : i32
    %add3A_52 = arith.addi %mul3A_50, %add3A_51 : i32
    %run_scoped3A_53 = arith.constant 0 : i32
    "tpu.region"() ({
      %run_scoped3A_425 = tpu.sem_alloc : memref<!tpu.dma_semaphore, #tpu.memory_space<semaphore_mem>>
      %dma_start3A_426 = arith.constant 0 : i32
      %dma_start3A_427 = arith.constant 0 : i32
      %dma_start3A_428 = tpu.memref_slice %arg6[%run_scoped3A_53, %dma_start3A_426, %dma_start3A_427] : memref<4x64x128xf32, #tpu.memory_space<vmem>> -> memref<1x64x128xf32, #tpu.memory_space<vmem>>
      %dma_start3A_429 = tpu.memref_squeeze %dma_start3A_428 : memref<1x64x128xf32, #tpu.memory_space<vmem>> -> memref<64x128xf32, #tpu.memory_space<vmem>>
      %dma_start3A_430 = arith.constant 0 : i32
      %dma_start3A_431 = tpu.memref_slice %arg7[%add3A_52, %dma_start3A_430] : memref<10240x128xf32, #tpu.memory_space<vmem_shared>> -> memref<64x128xf32, #tpu.memory_space<vmem_shared>>
      %dma_start3A_432 = arith.constant 0 : i32
      %dma_start3A_433 = tpu.memref_slice %arg7[%add3A_52, %dma_start3A_432] : memref<10240x128xf32, #tpu.memory_space<vmem_shared>> -> memref<64x128xf32, #tpu.memory_space<vmem_shared>>
      %dma_start3A_434 = arith.constant 0 : i32
      %dma_start3A_435 = arith.constant 0 : i32
      %dma_start3A_436 = tpu.memref_slice %arg6[%run_scoped3A_53, %dma_start3A_434, %dma_start3A_435] : memref<4x64x128xf32, #tpu.memory_space<vmem>> -> memref<1x64x128xf32, #tpu.memory_space<vmem>>
      %dma_start3A_437 = tpu.memref_squeeze %dma_start3A_436 : memref<1x64x128xf32, #tpu.memory_space<vmem>> -> memref<64x128xf32, #tpu.memory_space<vmem>>
      tpu.enqueue_dma source(%dma_start3A_437 : memref<64x128xf32, #tpu.memory_space<vmem>>) target(%dma_start3A_433 : memref<64x128xf32, #tpu.memory_space<vmem_shared>>) target_semaphore(%run_scoped3A_425 : memref<!tpu.dma_semaphore, #tpu.memory_space<semaphore_mem>>)
      %dma_wait3A_438 = arith.constant 0 : i32
      %dma_wait3A_439 = arith.constant 0 : i32
      %dma_wait3A_440 = tpu.memref_slice %arg6[%run_scoped3A_53, %dma_wait3A_438, %dma_wait3A_439] : memref<4x64x128xf32, #tpu.memory_space<vmem>> -> memref<1x64x128xf32, #tpu.memory_space<vmem>>
      %dma_wait3A_441 = tpu.memref_squeeze %dma_wait3A_440 : memref<1x64x128xf32, #tpu.memory_space<vmem>> -> memref<64x128xf32, #tpu.memory_space<vmem>>
      %dma_wait3A_442 = arith.constant 0 : i32
      %dma_wait3A_443 = tpu.memref_slice %arg7[%add3A_52, %dma_wait3A_442] : memref<10240x128xf32, #tpu.memory_space<vmem_shared>> -> memref<64x128xf32, #tpu.memory_space<vmem_shared>>
      %dma_wait3A_444 = arith.constant 0 : i32
      %dma_wait3A_445 = tpu.memref_slice %arg7[%add3A_52, %dma_wait3A_444] : memref<10240x128xf32, #tpu.memory_space<vmem_shared>> -> memref<64x128xf32, #tpu.memory_space<vmem_shared>>
      %dma_wait3A_446 = arith.constant 0 : i32
      %dma_wait3A_447 = arith.constant 0 : i32
      %dma_wait3A_448 = tpu.memref_slice %arg6[%run_scoped3A_53, %dma_wait3A_446, %dma_wait3A_447] : memref<4x64x128xf32, #tpu.memory_space<vmem>> -> memref<1x64x128xf32, #tpu.memory_space<vmem>>
      %dma_wait3A_449 = tpu.memref_squeeze %dma_wait3A_448 : memref<1x64x128xf32, #tpu.memory_space<vmem>> -> memref<64x128xf32, #tpu.memory_space<vmem>>
      tpu.wait_dma2 semaphore(%run_scoped3A_425 : memref<!tpu.dma_semaphore, #tpu.memory_space<semaphore_mem>>) src(%dma_wait3A_449 : memref<64x128xf32, #tpu.memory_space<vmem>>) dst(%dma_wait3A_445 : memref<64x128xf32, #tpu.memory_space<vmem_shared>>)
      tpu.yield
    }) : () -> ()
    %dma_start3A = arith.constant 0 : i32
    %dma_start3A_54 = arith.constant 0 : i32
    %dma_start3A_55 = arith.constant 0 : i32
    %dma_start3A_56 = arith.constant 0 : i32
    %dma_start3A_57 = arith.constant 0 : i32
    %dma_start3A_58 = tpu.memref_slice %arg5[%dma_start3A_54, %dma_start3A_56, %dma_start3A_57] : memref<4x2x64xi32, #tpu.memory_space<vmem>> -> memref<1x2x64xi32, #tpu.memory_space<vmem>>
    %dma_start3A_59 = tpu.memref_squeeze %dma_start3A_58 : memref<1x2x64xi32, #tpu.memory_space<vmem>> -> memref<2x64xi32, #tpu.memory_space<vmem>>
    %dma_start3A_60 = arith.constant 0 : i32
    %dma_start3A_61 = arith.constant 0 : i32
    %dma_start3A_62 = arith.constant 0 : i32
    %dma_start3A_63 = arith.constant 0 : i32
    %dma_start3A_64 = tpu.memref_slice %arg3[%arg0, %dma_start3A_60, %dma_start3A_61, %dma_start3A_62, %dma_start3A_63] : memref<2x16x157x2x64xi32, #tpu.memory_space<hbm>> -> memref<1x16x157x2x64xi32, #tpu.memory_space<hbm>>
    %dma_start3A_65 = tpu.memref_squeeze %dma_start3A_64 : memref<1x16x157x2x64xi32, #tpu.memory_space<hbm>> -> memref<16x157x2x64xi32, #tpu.memory_space<hbm>>
    %dma_start3A_66 = arith.constant 0 : i32
    %dma_start3A_67 = arith.constant 0 : i32
    %dma_start3A_68 = arith.constant 0 : i32
    %dma_start3A_69 = tpu.memref_slice %dma_start3A_65[%arg1, %dma_start3A_66, %dma_start3A_67, %dma_start3A_68] : memref<16x157x2x64xi32, #tpu.memory_space<hbm>> -> memref<1x157x2x64xi32, #tpu.memory_space<hbm>>
    %dma_start3A_70 = tpu.memref_squeeze %dma_start3A_69 : memref<1x157x2x64xi32, #tpu.memory_space<hbm>> -> memref<157x2x64xi32, #tpu.memory_space<hbm>>
    %dma_start3A_71 = arith.constant 0 : i32
    %dma_start3A_72 = arith.constant 0 : i32
    %dma_start3A_73 = tpu.memref_slice %dma_start3A_70[%dma_start3A, %dma_start3A_71, %dma_start3A_72] : memref<157x2x64xi32, #tpu.memory_space<hbm>> -> memref<1x2x64xi32, #tpu.memory_space<hbm>>
    %dma_start3A_74 = tpu.memref_squeeze %dma_start3A_73 : memref<1x2x64xi32, #tpu.memory_space<hbm>> -> memref<2x64xi32, #tpu.memory_space<hbm>>
    %dma_start3A_75 = tpu.memref_slice %arg9[%dma_start3A_55] : memref<4x!tpu.dma_semaphore, #tpu.memory_space<semaphore_mem>> -> memref<1x!tpu.dma_semaphore, #tpu.memory_space<semaphore_mem>>
    %dma_start3A_76 = tpu.memref_squeeze %dma_start3A_75 : memref<1x!tpu.dma_semaphore, #tpu.memory_space<semaphore_mem>> -> memref<!tpu.dma_semaphore, #tpu.memory_space<semaphore_mem>>
    %dma_start3A_77 = arith.constant 0 : i32
    %dma_start3A_78 = arith.constant 0 : i32
    %dma_start3A_79 = tpu.memref_slice %arg5[%dma_start3A_54, %dma_start3A_77, %dma_start3A_78] : memref<4x2x64xi32, #tpu.memory_space<vmem>> -> memref<1x2x64xi32, #tpu.memory_space<vmem>>
    %dma_start3A_80 = tpu.memref_squeeze %dma_start3A_79 : memref<1x2x64xi32, #tpu.memory_space<vmem>> -> memref<2x64xi32, #tpu.memory_space<vmem>>
    %dma_start3A_81 = arith.constant 0 : i32
    %dma_start3A_82 = arith.constant 0 : i32
    %dma_start3A_83 = arith.constant 0 : i32
    %dma_start3A_84 = arith.constant 0 : i32
    %dma_start3A_85 = tpu.memref_slice %arg3[%arg0, %dma_start3A_81, %dma_start3A_82, %dma_start3A_83, %dma_start3A_84] : memref<2x16x157x2x64xi32, #tpu.memory_space<hbm>> -> memref<1x16x157x2x64xi32, #tpu.memory_space<hbm>>
    %dma_start3A_86 = tpu.memref_squeeze %dma_start3A_85 : memref<1x16x157x2x64xi32, #tpu.memory_space<hbm>> -> memref<16x157x2x64xi32, #tpu.memory_space<hbm>>
    %dma_start3A_87 = arith.constant 0 : i32
    %dma_start3A_88 = arith.constant 0 : i32
    %dma_start3A_89 = arith.constant 0 : i32
    %dma_start3A_90 = tpu.memref_slice %dma_start3A_86[%arg1, %dma_start3A_87, %dma_start3A_88, %dma_start3A_89] : memref<16x157x2x64xi32, #tpu.memory_space<hbm>> -> memref<1x157x2x64xi32, #tpu.memory_space<hbm>>
    %dma_start3A_91 = tpu.memref_squeeze %dma_start3A_90 : memref<1x157x2x64xi32, #tpu.memory_space<hbm>> -> memref<157x2x64xi32, #tpu.memory_space<hbm>>
    %dma_start3A_92 = arith.constant 0 : i32
    %dma_start3A_93 = arith.constant 0 : i32
    %dma_start3A_94 = tpu.memref_slice %dma_start3A_91[%dma_start3A, %dma_start3A_92, %dma_start3A_93] : memref<157x2x64xi32, #tpu.memory_space<hbm>> -> memref<1x2x64xi32, #tpu.memory_space<hbm>>
    %dma_start3A_95 = tpu.memref_squeeze %dma_start3A_94 : memref<1x2x64xi32, #tpu.memory_space<hbm>> -> memref<2x64xi32, #tpu.memory_space<hbm>>
    tpu.enqueue_dma source(%dma_start3A_95 : memref<2x64xi32, #tpu.memory_space<hbm>>) target(%dma_start3A_80 : memref<2x64xi32, #tpu.memory_space<vmem>>) target_semaphore(%dma_start3A_76 : memref<!tpu.dma_semaphore, #tpu.memory_space<semaphore_mem>>)
    %dma_wait3A = arith.constant 0 : i32
    %dma_wait3A_96 = arith.constant 0 : i32
    %dma_wait3A_97 = arith.constant 0 : i32
    %dma_wait3A_98 = arith.constant 0 : i32
    %dma_wait3A_99 = arith.constant 0 : i32
    %dma_wait3A_100 = tpu.memref_slice %arg5[%dma_wait3A_96, %dma_wait3A_98, %dma_wait3A_99] : memref<4x2x64xi32, #tpu.memory_space<vmem>> -> memref<1x2x64xi32, #tpu.memory_space<vmem>>
    %dma_wait3A_101 = tpu.memref_squeeze %dma_wait3A_100 : memref<1x2x64xi32, #tpu.memory_space<vmem>> -> memref<2x64xi32, #tpu.memory_space<vmem>>
    %dma_wait3A_102 = arith.constant 0 : i32
    %dma_wait3A_103 = arith.constant 0 : i32
    %dma_wait3A_104 = arith.constant 0 : i32
    %dma_wait3A_105 = arith.constant 0 : i32
    %dma_wait3A_106 = tpu.memref_slice %arg3[%arg0, %dma_wait3A_102, %dma_wait3A_103, %dma_wait3A_104, %dma_wait3A_105] : memref<2x16x157x2x64xi32, #tpu.memory_space<hbm>> -> memref<1x16x157x2x64xi32, #tpu.memory_space<hbm>>
    %dma_wait3A_107 = tpu.memref_squeeze %dma_wait3A_106 : memref<1x16x157x2x64xi32, #tpu.memory_space<hbm>> -> memref<16x157x2x64xi32, #tpu.memory_space<hbm>>
    %dma_wait3A_108 = arith.constant 0 : i32
    %dma_wait3A_109 = arith.constant 0 : i32
    %dma_wait3A_110 = arith.constant 0 : i32
    %dma_wait3A_111 = tpu.memref_slice %dma_wait3A_107[%arg1, %dma_wait3A_108, %dma_wait3A_109, %dma_wait3A_110] : memref<16x157x2x64xi32, #tpu.memory_space<hbm>> -> memref<1x157x2x64xi32, #tpu.memory_space<hbm>>
    %dma_wait3A_112 = tpu.memref_squeeze %dma_wait3A_111 : memref<1x157x2x64xi32, #tpu.memory_space<hbm>> -> memref<157x2x64xi32, #tpu.memory_space<hbm>>
    %dma_wait3A_113 = arith.constant 0 : i32
    %dma_wait3A_114 = arith.constant 0 : i32
    %dma_wait3A_115 = tpu.memref_slice %dma_wait3A_112[%dma_wait3A, %dma_wait3A_113, %dma_wait3A_114] : memref<157x2x64xi32, #tpu.memory_space<hbm>> -> memref<1x2x64xi32, #tpu.memory_space<hbm>>
    %dma_wait3A_116 = tpu.memref_squeeze %dma_wait3A_115 : memref<1x2x64xi32, #tpu.memory_space<hbm>> -> memref<2x64xi32, #tpu.memory_space<hbm>>
    %dma_wait3A_117 = tpu.memref_slice %arg9[%dma_wait3A_97] : memref<4x!tpu.dma_semaphore, #tpu.memory_space<semaphore_mem>> -> memref<1x!tpu.dma_semaphore, #tpu.memory_space<semaphore_mem>>
    %dma_wait3A_118 = tpu.memref_squeeze %dma_wait3A_117 : memref<1x!tpu.dma_semaphore, #tpu.memory_space<semaphore_mem>> -> memref<!tpu.dma_semaphore, #tpu.memory_space<semaphore_mem>>
    %dma_wait3A_119 = arith.constant 0 : i32
    %dma_wait3A_120 = arith.constant 0 : i32
    %dma_wait3A_121 = tpu.memref_slice %arg5[%dma_wait3A_96, %dma_wait3A_119, %dma_wait3A_120] : memref<4x2x64xi32, #tpu.memory_space<vmem>> -> memref<1x2x64xi32, #tpu.memory_space<vmem>>
    %dma_wait3A_122 = tpu.memref_squeeze %dma_wait3A_121 : memref<1x2x64xi32, #tpu.memory_space<vmem>> -> memref<2x64xi32, #tpu.memory_space<vmem>>
    %dma_wait3A_123 = arith.constant 0 : i32
    %dma_wait3A_124 = arith.constant 0 : i32
    %dma_wait3A_125 = arith.constant 0 : i32
    %dma_wait3A_126 = arith.constant 0 : i32
    %dma_wait3A_127 = tpu.memref_slice %arg3[%arg0, %dma_wait3A_123, %dma_wait3A_124, %dma_wait3A_125, %dma_wait3A_126] : memref<2x16x157x2x64xi32, #tpu.memory_space<hbm>> -> memref<1x16x157x2x64xi32, #tpu.memory_space<hbm>>
    %dma_wait3A_128 = tpu.memref_squeeze %dma_wait3A_127 : memref<1x16x157x2x64xi32, #tpu.memory_space<hbm>> -> memref<16x157x2x64xi32, #tpu.memory_space<hbm>>
    %dma_wait3A_129 = arith.constant 0 : i32
    %dma_wait3A_130 = arith.constant 0 : i32
    %dma_wait3A_131 = arith.constant 0 : i32
    %dma_wait3A_132 = tpu.memref_slice %dma_wait3A_128[%arg1, %dma_wait3A_129, %dma_wait3A_130, %dma_wait3A_131] : memref<16x157x2x64xi32, #tpu.memory_space<hbm>> -> memref<1x157x2x64xi32, #tpu.memory_space<hbm>>
    %dma_wait3A_133 = tpu.memref_squeeze %dma_wait3A_132 : memref<1x157x2x64xi32, #tpu.memory_space<hbm>> -> memref<157x2x64xi32, #tpu.memory_space<hbm>>
    %dma_wait3A_134 = arith.constant 0 : i32
    %dma_wait3A_135 = arith.constant 0 : i32
    %dma_wait3A_136 = tpu.memref_slice %dma_wait3A_133[%dma_wait3A, %dma_wait3A_134, %dma_wait3A_135] : memref<157x2x64xi32, #tpu.memory_space<hbm>> -> memref<1x2x64xi32, #tpu.memory_space<hbm>>
    %dma_wait3A_137 = tpu.memref_squeeze %dma_wait3A_136 : memref<1x2x64xi32, #tpu.memory_space<hbm>> -> memref<2x64xi32, #tpu.memory_space<hbm>>
    tpu.wait_dma2 semaphore(%dma_wait3A_118 : memref<!tpu.dma_semaphore, #tpu.memory_space<semaphore_mem>>) src(%dma_wait3A_137 : memref<2x64xi32, #tpu.memory_space<hbm>>) dst(%dma_wait3A_122 : memref<2x64xi32, #tpu.memory_space<vmem>>)
    %dma_start3A_138 = arith.constant 0 : i32
    %dma_start3A_139 = arith.constant 0 : i32
    %dma_start3A_140 = arith.constant 0 : i32
    %dma_start3A_141 = arith.constant 0 : i32
    %dma_start3A_142 = arith.constant 0 : i32
    %dma_start3A_143 = arith.constant 0 : i32
    %dma_start3A_144 = tpu.memref_slice %arg6[%dma_start3A_140, %dma_start3A_142, %dma_start3A_143] : memref<4x64x128xf32, #tpu.memory_space<vmem>> -> memref<1x64x128xf32, #tpu.memory_space<vmem>>
    %dma_start3A_145 = tpu.memref_squeeze %dma_start3A_144 : memref<1x64x128xf32, #tpu.memory_space<vmem>> -> memref<64x128xf32, #tpu.memory_space<vmem>>
    %dma_start3A_146 = arith.constant 0 : i32
    %dma_start3A_147 = arith.constant 0 : i32
    %dma_start3A_148 = tpu.memref_slice %arg5[%dma_start3A_138, %dma_start3A_146, %dma_start3A_147] : memref<4x2x64xi32, #tpu.memory_space<vmem>> -> memref<1x2x64xi32, #tpu.memory_space<vmem>>
    %dma_start3A_149 = tpu.memref_squeeze %dma_start3A_148 : memref<1x2x64xi32, #tpu.memory_space<vmem>> -> memref<2x64xi32, #tpu.memory_space<vmem>>
    %dma_start3A_150 = arith.constant 0 : i32
    %dma_start3A_151 = tpu.memref_slice %dma_start3A_149[%dma_start3A_139, %dma_start3A_150] : memref<2x64xi32, #tpu.memory_space<vmem>> -> memref<1x64xi32, #tpu.memory_space<vmem>>
    %dma_start3A_152 = tpu.memref_squeeze %dma_start3A_151 : memref<1x64xi32, #tpu.memory_space<vmem>> -> memref<64xi32, #tpu.memory_space<vmem>>
    %dma_start3A_153 = arith.constant 0 : i32
    %dma_start3A_154 = arith.constant 0 : i32
    %dma_start3A_155 = tpu.memref_slice %arg2[%dma_start3A_153, %dma_start3A_154] : memref<20480x128xf32, #tpu.memory_space<hbm>> -> memref<20480x128xf32, #tpu.memory_space<hbm>>
    %dma_start3A_156 = tpu.memref_slice %arg8[%dma_start3A_141] : memref<4x!tpu.dma_semaphore, #tpu.memory_space<semaphore_mem>> -> memref<1x!tpu.dma_semaphore, #tpu.memory_space<semaphore_mem>>
    %dma_start3A_157 = tpu.memref_squeeze %dma_start3A_156 : memref<1x!tpu.dma_semaphore, #tpu.memory_space<semaphore_mem>> -> memref<!tpu.dma_semaphore, #tpu.memory_space<semaphore_mem>>
    tpu.enqueue_indirect_dma source(%dma_start3A_155 : memref<20480x128xf32, #tpu.memory_space<hbm>>) target(%dma_start3A_145 : memref<64x128xf32, #tpu.memory_space<vmem>>) offsets(%dma_start3A_152 : memref<64xi32, #tpu.memory_space<vmem>>) semaphore(%dma_start3A_157 : memref<!tpu.dma_semaphore, #tpu.memory_space<semaphore_mem>>)
    %dma_start3A_158 = arith.constant 1 : i32
    %dma_start3A_159 = arith.constant 1 : i32
    %dma_start3A_160 = arith.constant 1 : i32
    %dma_start3A_161 = arith.constant 0 : i32
    %dma_start3A_162 = arith.constant 0 : i32
    %dma_start3A_163 = tpu.memref_slice %arg5[%dma_start3A_159, %dma_start3A_161, %dma_start3A_162] : memref<4x2x64xi32, #tpu.memory_space<vmem>> -> memref<1x2x64xi32, #tpu.memory_space<vmem>>
    %dma_start3A_164 = tpu.memref_squeeze %dma_start3A_163 : memref<1x2x64xi32, #tpu.memory_space<vmem>> -> memref<2x64xi32, #tpu.memory_space<vmem>>
    %dma_start3A_165 = arith.constant 0 : i32
    %dma_start3A_166 = arith.constant 0 : i32
    %dma_start3A_167 = arith.constant 0 : i32
    %dma_start3A_168 = arith.constant 0 : i32
    %dma_start3A_169 = tpu.memref_slice %arg3[%arg0, %dma_start3A_165, %dma_start3A_166, %dma_start3A_167, %dma_start3A_168] : memref<2x16x157x2x64xi32, #tpu.memory_space<hbm>> -> memref<1x16x157x2x64xi32, #tpu.memory_space<hbm>>
    %dma_start3A_170 = tpu.memref_squeeze %dma_start3A_169 : memref<1x16x157x2x64xi32, #tpu.memory_space<hbm>> -> memref<16x157x2x64xi32, #tpu.memory_space<hbm>>
    %dma_start3A_171 = arith.constant 0 : i32
    %dma_start3A_172 = arith.constant 0 : i32
    %dma_start3A_173 = arith.constant 0 : i32
    %dma_start3A_174 = tpu.memref_slice %dma_start3A_170[%arg1, %dma_start3A_171, %dma_start3A_172, %dma_start3A_173] : memref<16x157x2x64xi32, #tpu.memory_space<hbm>> -> memref<1x157x2x64xi32, #tpu.memory_space<hbm>>
    %dma_start3A_175 = tpu.memref_squeeze %dma_start3A_174 : memref<1x157x2x64xi32, #tpu.memory_space<hbm>> -> memref<157x2x64xi32, #tpu.memory_space<hbm>>
    %dma_start3A_176 = arith.constant 0 : i32
    %dma_start3A_177 = arith.constant 0 : i32
    %dma_start3A_178 = tpu.memref_slice %dma_start3A_175[%dma_start3A_158, %dma_start3A_176, %dma_start3A_177] : memref<157x2x64xi32, #tpu.memory_space<hbm>> -> memref<1x2x64xi32, #tpu.memory_space<hbm>>
    %dma_start3A_179 = tpu.memref_squeeze %dma_start3A_178 : memref<1x2x64xi32, #tpu.memory_space<hbm>> -> memref<2x64xi32, #tpu.memory_space<hbm>>
    %dma_start3A_180 = tpu.memref_slice %arg9[%dma_start3A_160] : memref<4x!tpu.dma_semaphore, #tpu.memory_space<semaphore_mem>> -> memref<1x!tpu.dma_semaphore, #tpu.memory_space<semaphore_mem>>
    %dma_start3A_181 = tpu.memref_squeeze %dma_start3A_180 : memref<1x!tpu.dma_semaphore, #tpu.memory_space<semaphore_mem>> -> memref<!tpu.dma_semaphore, #tpu.memory_space<semaphore_mem>>
    %dma_start3A_182 = arith.constant 0 : i32
    %dma_start3A_183 = arith.constant 0 : i32
    %dma_start3A_184 = tpu.memref_slice %arg5[%dma_start3A_159, %dma_start3A_182, %dma_start3A_183] : memref<4x2x64xi32, #tpu.memory_space<vmem>> -> memref<1x2x64xi32, #tpu.memory_space<vmem>>
    %dma_start3A_185 = tpu.memref_squeeze %dma_start3A_184 : memref<1x2x64xi32, #tpu.memory_space<vmem>> -> memref<2x64xi32, #tpu.memory_space<vmem>>
    %dma_start3A_186 = arith.constant 0 : i32
    %dma_start3A_187 = arith.constant 0 : i32
    %dma_start3A_188 = arith.constant 0 : i32
    %dma_start3A_189 = arith.constant 0 : i32
    %dma_start3A_190 = tpu.memref_slice %arg3[%arg0, %dma_start3A_186, %dma_start3A_187, %dma_start3A_188, %dma_start3A_189] : memref<2x16x157x2x64xi32, #tpu.memory_space<hbm>> -> memref<1x16x157x2x64xi32, #tpu.memory_space<hbm>>
    %dma_start3A_191 = tpu.memref_squeeze %dma_start3A_190 : memref<1x16x157x2x64xi32, #tpu.memory_space<hbm>> -> memref<16x157x2x64xi32, #tpu.memory_space<hbm>>
    %dma_start3A_192 = arith.constant 0 : i32
    %dma_start3A_193 = arith.constant 0 : i32
    %dma_start3A_194 = arith.constant 0 : i32
    %dma_start3A_195 = tpu.memref_slice %dma_start3A_191[%arg1, %dma_start3A_192, %dma_start3A_193, %dma_start3A_194] : memref<16x157x2x64xi32, #tpu.memory_space<hbm>> -> memref<1x157x2x64xi32, #tpu.memory_space<hbm>>
    %dma_start3A_196 = tpu.memref_squeeze %dma_start3A_195 : memref<1x157x2x64xi32, #tpu.memory_space<hbm>> -> memref<157x2x64xi32, #tpu.memory_space<hbm>>
    %dma_start3A_197 = arith.constant 0 : i32
    %dma_start3A_198 = arith.constant 0 : i32
    %dma_start3A_199 = tpu.memref_slice %dma_start3A_196[%dma_start3A_158, %dma_start3A_197, %dma_start3A_198] : memref<157x2x64xi32, #tpu.memory_space<hbm>> -> memref<1x2x64xi32, #tpu.memory_space<hbm>>
    %dma_start3A_200 = tpu.memref_squeeze %dma_start3A_199 : memref<1x2x64xi32, #tpu.memory_space<hbm>> -> memref<2x64xi32, #tpu.memory_space<hbm>>
    tpu.enqueue_dma source(%dma_start3A_200 : memref<2x64xi32, #tpu.memory_space<hbm>>) target(%dma_start3A_185 : memref<2x64xi32, #tpu.memory_space<vmem>>) target_semaphore(%dma_start3A_181 : memref<!tpu.dma_semaphore, #tpu.memory_space<semaphore_mem>>)
    %dma_wait3A_201 = arith.constant 1 : i32
    %dma_wait3A_202 = arith.constant 1 : i32
    %dma_wait3A_203 = arith.constant 1 : i32
    %dma_wait3A_204 = arith.constant 0 : i32
    %dma_wait3A_205 = arith.constant 0 : i32
    %dma_wait3A_206 = tpu.memref_slice %arg5[%dma_wait3A_202, %dma_wait3A_204, %dma_wait3A_205] : memref<4x2x64xi32, #tpu.memory_space<vmem>> -> memref<1x2x64xi32, #tpu.memory_space<vmem>>
    %dma_wait3A_207 = tpu.memref_squeeze %dma_wait3A_206 : memref<1x2x64xi32, #tpu.memory_space<vmem>> -> memref<2x64xi32, #tpu.memory_space<vmem>>
    %dma_wait3A_208 = arith.constant 0 : i32
    %dma_wait3A_209 = arith.constant 0 : i32
    %dma_wait3A_210 = arith.constant 0 : i32
    %dma_wait3A_211 = arith.constant 0 : i32
    %dma_wait3A_212 = tpu.memref_slice %arg3[%arg0, %dma_wait3A_208, %dma_wait3A_209, %dma_wait3A_210, %dma_wait3A_211] : memref<2x16x157x2x64xi32, #tpu.memory_space<hbm>> -> memref<1x16x157x2x64xi32, #tpu.memory_space<hbm>>
    %dma_wait3A_213 = tpu.memref_squeeze %dma_wait3A_212 : memref<1x16x157x2x64xi32, #tpu.memory_space<hbm>> -> memref<16x157x2x64xi32, #tpu.memory_space<hbm>>
    %dma_wait3A_214 = arith.constant 0 : i32
    %dma_wait3A_215 = arith.constant 0 : i32
    %dma_wait3A_216 = arith.constant 0 : i32
    %dma_wait3A_217 = tpu.memref_slice %dma_wait3A_213[%arg1, %dma_wait3A_214, %dma_wait3A_215, %dma_wait3A_216] : memref<16x157x2x64xi32, #tpu.memory_space<hbm>> -> memref<1x157x2x64xi32, #tpu.memory_space<hbm>>
    %dma_wait3A_218 = tpu.memref_squeeze %dma_wait3A_217 : memref<1x157x2x64xi32, #tpu.memory_space<hbm>> -> memref<157x2x64xi32, #tpu.memory_space<hbm>>
    %dma_wait3A_219 = arith.constant 0 : i32
    %dma_wait3A_220 = arith.constant 0 : i32
    %dma_wait3A_221 = tpu.memref_slice %dma_wait3A_218[%dma_wait3A_201, %dma_wait3A_219, %dma_wait3A_220] : memref<157x2x64xi32, #tpu.memory_space<hbm>> -> memref<1x2x64xi32, #tpu.memory_space<hbm>>
    %dma_wait3A_222 = tpu.memref_squeeze %dma_wait3A_221 : memref<1x2x64xi32, #tpu.memory_space<hbm>> -> memref<2x64xi32, #tpu.memory_space<hbm>>
    %dma_wait3A_223 = tpu.memref_slice %arg9[%dma_wait3A_203] : memref<4x!tpu.dma_semaphore, #tpu.memory_space<semaphore_mem>> -> memref<1x!tpu.dma_semaphore, #tpu.memory_space<semaphore_mem>>
    %dma_wait3A_224 = tpu.memref_squeeze %dma_wait3A_223 : memref<1x!tpu.dma_semaphore, #tpu.memory_space<semaphore_mem>> -> memref<!tpu.dma_semaphore, #tpu.memory_space<semaphore_mem>>
    %dma_wait3A_225 = arith.constant 0 : i32
    %dma_wait3A_226 = arith.constant 0 : i32
    %dma_wait3A_227 = tpu.memref_slice %arg5[%dma_wait3A_202, %dma_wait3A_225, %dma_wait3A_226] : memref<4x2x64xi32, #tpu.memory_space<vmem>> -> memref<1x2x64xi32, #tpu.memory_space<vmem>>
    %dma_wait3A_228 = tpu.memref_squeeze %dma_wait3A_227 : memref<1x2x64xi32, #tpu.memory_space<vmem>> -> memref<2x64xi32, #tpu.memory_space<vmem>>
    %dma_wait3A_229 = arith.constant 0 : i32
    %dma_wait3A_230 = arith.constant 0 : i32
    %dma_wait3A_231 = arith.constant 0 : i32
    %dma_wait3A_232 = arith.constant 0 : i32
    %dma_wait3A_233 = tpu.memref_slice %arg3[%arg0, %dma_wait3A_229, %dma_wait3A_230, %dma_wait3A_231, %dma_wait3A_232] : memref<2x16x157x2x64xi32, #tpu.memory_space<hbm>> -> memref<1x16x157x2x64xi32, #tpu.memory_space<hbm>>
    %dma_wait3A_234 = tpu.memref_squeeze %dma_wait3A_233 : memref<1x16x157x2x64xi32, #tpu.memory_space<hbm>> -> memref<16x157x2x64xi32, #tpu.memory_space<hbm>>
    %dma_wait3A_235 = arith.constant 0 : i32
    %dma_wait3A_236 = arith.constant 0 : i32
    %dma_wait3A_237 = arith.constant 0 : i32
    %dma_wait3A_238 = tpu.memref_slice %dma_wait3A_234[%arg1, %dma_wait3A_235, %dma_wait3A_236, %dma_wait3A_237] : memref<16x157x2x64xi32, #tpu.memory_space<hbm>> -> memref<1x157x2x64xi32, #tpu.memory_space<hbm>>
    %dma_wait3A_239 = tpu.memref_squeeze %dma_wait3A_238 : memref<1x157x2x64xi32, #tpu.memory_space<hbm>> -> memref<157x2x64xi32, #tpu.memory_space<hbm>>
    %dma_wait3A_240 = arith.constant 0 : i32
    %dma_wait3A_241 = arith.constant 0 : i32
    %dma_wait3A_242 = tpu.memref_slice %dma_wait3A_239[%dma_wait3A_201, %dma_wait3A_240, %dma_wait3A_241] : memref<157x2x64xi32, #tpu.memory_space<hbm>> -> memref<1x2x64xi32, #tpu.memory_space<hbm>>
    %dma_wait3A_243 = tpu.memref_squeeze %dma_wait3A_242 : memref<1x2x64xi32, #tpu.memory_space<hbm>> -> memref<2x64xi32, #tpu.memory_space<hbm>>
    tpu.wait_dma2 semaphore(%dma_wait3A_224 : memref<!tpu.dma_semaphore, #tpu.memory_space<semaphore_mem>>) src(%dma_wait3A_243 : memref<2x64xi32, #tpu.memory_space<hbm>>) dst(%dma_wait3A_228 : memref<2x64xi32, #tpu.memory_space<vmem>>)
    %dma_start3A_244 = arith.constant 1 : i32
    %dma_start3A_245 = arith.constant 0 : i32
    %dma_start3A_246 = arith.constant 1 : i32
    %dma_start3A_247 = arith.constant 1 : i32
    %dma_start3A_248 = arith.constant 0 : i32
    %dma_start3A_249 = arith.constant 0 : i32
    %dma_start3A_250 = tpu.memref_slice %arg6[%dma_start3A_246, %dma_start3A_248, %dma_start3A_249] : memref<4x64x128xf32, #tpu.memory_space<vmem>> -> memref<1x64x128xf32, #tpu.memory_space<vmem>>
    %dma_start3A_251 = tpu.memref_squeeze %dma_start3A_250 : memref<1x64x128xf32, #tpu.memory_space<vmem>> -> memref<64x128xf32, #tpu.memory_space<vmem>>
    %dma_start3A_252 = arith.constant 0 : i32
    %dma_start3A_253 = arith.constant 0 : i32
    %dma_start3A_254 = tpu.memref_slice %arg5[%dma_start3A_244, %dma_start3A_252, %dma_start3A_253] : memref<4x2x64xi32, #tpu.memory_space<vmem>> -> memref<1x2x64xi32, #tpu.memory_space<vmem>>
    %dma_start3A_255 = tpu.memref_squeeze %dma_start3A_254 : memref<1x2x64xi32, #tpu.memory_space<vmem>> -> memref<2x64xi32, #tpu.memory_space<vmem>>
    %dma_start3A_256 = arith.constant 0 : i32
    %dma_start3A_257 = tpu.memref_slice %dma_start3A_255[%dma_start3A_245, %dma_start3A_256] : memref<2x64xi32, #tpu.memory_space<vmem>> -> memref<1x64xi32, #tpu.memory_space<vmem>>
    %dma_start3A_258 = tpu.memref_squeeze %dma_start3A_257 : memref<1x64xi32, #tpu.memory_space<vmem>> -> memref<64xi32, #tpu.memory_space<vmem>>
    %dma_start3A_259 = arith.constant 0 : i32
    %dma_start3A_260 = arith.constant 0 : i32
    %dma_start3A_261 = tpu.memref_slice %arg2[%dma_start3A_259, %dma_start3A_260] : memref<20480x128xf32, #tpu.memory_space<hbm>> -> memref<20480x128xf32, #tpu.memory_space<hbm>>
    %dma_start3A_262 = tpu.memref_slice %arg8[%dma_start3A_247] : memref<4x!tpu.dma_semaphore, #tpu.memory_space<semaphore_mem>> -> memref<1x!tpu.dma_semaphore, #tpu.memory_space<semaphore_mem>>
    %dma_start3A_263 = tpu.memref_squeeze %dma_start3A_262 : memref<1x!tpu.dma_semaphore, #tpu.memory_space<semaphore_mem>> -> memref<!tpu.dma_semaphore, #tpu.memory_space<semaphore_mem>>
    tpu.enqueue_indirect_dma source(%dma_start3A_261 : memref<20480x128xf32, #tpu.memory_space<hbm>>) target(%dma_start3A_251 : memref<64x128xf32, #tpu.memory_space<vmem>>) offsets(%dma_start3A_258 : memref<64xi32, #tpu.memory_space<vmem>>) semaphore(%dma_start3A_263 : memref<!tpu.dma_semaphore, #tpu.memory_space<semaphore_mem>>)
    %dma_start3A_264 = arith.constant 2 : i32
    %dma_start3A_265 = arith.constant 2 : i32
    %dma_start3A_266 = arith.constant 2 : i32
    %dma_start3A_267 = arith.constant 0 : i32
    %dma_start3A_268 = arith.constant 0 : i32
    %dma_start3A_269 = tpu.memref_slice %arg5[%dma_start3A_265, %dma_start3A_267, %dma_start3A_268] : memref<4x2x64xi32, #tpu.memory_space<vmem>> -> memref<1x2x64xi32, #tpu.memory_space<vmem>>
    %dma_start3A_270 = tpu.memref_squeeze %dma_start3A_269 : memref<1x2x64xi32, #tpu.memory_space<vmem>> -> memref<2x64xi32, #tpu.memory_space<vmem>>
    %dma_start3A_271 = arith.constant 0 : i32
    %dma_start3A_272 = arith.constant 0 : i32
    %dma_start3A_273 = arith.constant 0 : i32
    %dma_start3A_274 = arith.constant 0 : i32
    %dma_start3A_275 = tpu.memref_slice %arg3[%arg0, %dma_start3A_271, %dma_start3A_272, %dma_start3A_273, %dma_start3A_274] : memref<2x16x157x2x64xi32, #tpu.memory_space<hbm>> -> memref<1x16x157x2x64xi32, #tpu.memory_space<hbm>>
    %dma_start3A_276 = tpu.memref_squeeze %dma_start3A_275 : memref<1x16x157x2x64xi32, #tpu.memory_space<hbm>> -> memref<16x157x2x64xi32, #tpu.memory_space<hbm>>
    %dma_start3A_277 = arith.constant 0 : i32
    %dma_start3A_278 = arith.constant 0 : i32
    %dma_start3A_279 = arith.constant 0 : i32
    %dma_start3A_280 = tpu.memref_slice %dma_start3A_276[%arg1, %dma_start3A_277, %dma_start3A_278, %dma_start3A_279] : memref<16x157x2x64xi32, #tpu.memory_space<hbm>> -> memref<1x157x2x64xi32, #tpu.memory_space<hbm>>
    %dma_start3A_281 = tpu.memref_squeeze %dma_start3A_280 : memref<1x157x2x64xi32, #tpu.memory_space<hbm>> -> memref<157x2x64xi32, #tpu.memory_space<hbm>>
    %dma_start3A_282 = arith.constant 0 : i32
    %dma_start3A_283 = arith.constant 0 : i32
    %dma_start3A_284 = tpu.memref_slice %dma_start3A_281[%dma_start3A_264, %dma_start3A_282, %dma_start3A_283] : memref<157x2x64xi32, #tpu.memory_space<hbm>> -> memref<1x2x64xi32, #tpu.memory_space<hbm>>
    %dma_start3A_285 = tpu.memref_squeeze %dma_start3A_284 : memref<1x2x64xi32, #tpu.memory_space<hbm>> -> memref<2x64xi32, #tpu.memory_space<hbm>>
    %dma_start3A_286 = tpu.memref_slice %arg9[%dma_start3A_266] : memref<4x!tpu.dma_semaphore, #tpu.memory_space<semaphore_mem>> -> memref<1x!tpu.dma_semaphore, #tpu.memory_space<semaphore_mem>>
    %dma_start3A_287 = tpu.memref_squeeze %dma_start3A_286 : memref<1x!tpu.dma_semaphore, #tpu.memory_space<semaphore_mem>> -> memref<!tpu.dma_semaphore, #tpu.memory_space<semaphore_mem>>
    %dma_start3A_288 = arith.constant 0 : i32
    %dma_start3A_289 = arith.constant 0 : i32
    %dma_start3A_290 = tpu.memref_slice %arg5[%dma_start3A_265, %dma_start3A_288, %dma_start3A_289] : memref<4x2x64xi32, #tpu.memory_space<vmem>> -> memref<1x2x64xi32, #tpu.memory_space<vmem>>
    %dma_start3A_291 = tpu.memref_squeeze %dma_start3A_290 : memref<1x2x64xi32, #tpu.memory_space<vmem>> -> memref<2x64xi32, #tpu.memory_space<vmem>>
    %dma_start3A_292 = arith.constant 0 : i32
    %dma_start3A_293 = arith.constant 0 : i32
    %dma_start3A_294 = arith.constant 0 : i32
    %dma_start3A_295 = arith.constant 0 : i32
    %dma_start3A_296 = tpu.memref_slice %arg3[%arg0, %dma_start3A_292, %dma_start3A_293, %dma_start3A_294, %dma_start3A_295] : memref<2x16x157x2x64xi32, #tpu.memory_space<hbm>> -> memref<1x16x157x2x64xi32, #tpu.memory_space<hbm>>
    %dma_start3A_297 = tpu.memref_squeeze %dma_start3A_296 : memref<1x16x157x2x64xi32, #tpu.memory_space<hbm>> -> memref<16x157x2x64xi32, #tpu.memory_space<hbm>>
    %dma_start3A_298 = arith.constant 0 : i32
    %dma_start3A_299 = arith.constant 0 : i32
    %dma_start3A_300 = arith.constant 0 : i32
    %dma_start3A_301 = tpu.memref_slice %dma_start3A_297[%arg1, %dma_start3A_298, %dma_start3A_299, %dma_start3A_300] : memref<16x157x2x64xi32, #tpu.memory_space<hbm>> -> memref<1x157x2x64xi32, #tpu.memory_space<hbm>>
    %dma_start3A_302 = tpu.memref_squeeze %dma_start3A_301 : memref<1x157x2x64xi32, #tpu.memory_space<hbm>> -> memref<157x2x64xi32, #tpu.memory_space<hbm>>
    %dma_start3A_303 = arith.constant 0 : i32
    %dma_start3A_304 = arith.constant 0 : i32
    %dma_start3A_305 = tpu.memref_slice %dma_start3A_302[%dma_start3A_264, %dma_start3A_303, %dma_start3A_304] : memref<157x2x64xi32, #tpu.memory_space<hbm>> -> memref<1x2x64xi32, #tpu.memory_space<hbm>>
    %dma_start3A_306 = tpu.memref_squeeze %dma_start3A_305 : memref<1x2x64xi32, #tpu.memory_space<hbm>> -> memref<2x64xi32, #tpu.memory_space<hbm>>
    tpu.enqueue_dma source(%dma_start3A_306 : memref<2x64xi32, #tpu.memory_space<hbm>>) target(%dma_start3A_291 : memref<2x64xi32, #tpu.memory_space<vmem>>) target_semaphore(%dma_start3A_287 : memref<!tpu.dma_semaphore, #tpu.memory_space<semaphore_mem>>)
    %dma_wait3A_307 = arith.constant 2 : i32
    %dma_wait3A_308 = arith.constant 2 : i32
    %dma_wait3A_309 = arith.constant 2 : i32
    %dma_wait3A_310 = arith.constant 0 : i32
    %dma_wait3A_311 = arith.constant 0 : i32
    %dma_wait3A_312 = tpu.memref_slice %arg5[%dma_wait3A_308, %dma_wait3A_310, %dma_wait3A_311] : memref<4x2x64xi32, #tpu.memory_space<vmem>> -> memref<1x2x64xi32, #tpu.memory_space<vmem>>
    %dma_wait3A_313 = tpu.memref_squeeze %dma_wait3A_312 : memref<1x2x64xi32, #tpu.memory_space<vmem>> -> memref<2x64xi32, #tpu.memory_space<vmem>>
    %dma_wait3A_314 = arith.constant 0 : i32
    %dma_wait3A_315 = arith.constant 0 : i32
    %dma_wait3A_316 = arith.constant 0 : i32
    %dma_wait3A_317 = arith.constant 0 : i32
    %dma_wait3A_318 = tpu.memref_slice %arg3[%arg0, %dma_wait3A_314, %dma_wait3A_315, %dma_wait3A_316, %dma_wait3A_317] : memref<2x16x157x2x64xi32, #tpu.memory_space<hbm>> -> memref<1x16x157x2x64xi32, #tpu.memory_space<hbm>>
    %dma_wait3A_319 = tpu.memref_squeeze %dma_wait3A_318 : memref<1x16x157x2x64xi32, #tpu.memory_space<hbm>> -> memref<16x157x2x64xi32, #tpu.memory_space<hbm>>
    %dma_wait3A_320 = arith.constant 0 : i32
    %dma_wait3A_321 = arith.constant 0 : i32
    %dma_wait3A_322 = arith.constant 0 : i32
    %dma_wait3A_323 = tpu.memref_slice %dma_wait3A_319[%arg1, %dma_wait3A_320, %dma_wait3A_321, %dma_wait3A_322] : memref<16x157x2x64xi32, #tpu.memory_space<hbm>> -> memref<1x157x2x64xi32, #tpu.memory_space<hbm>>
    %dma_wait3A_324 = tpu.memref_squeeze %dma_wait3A_323 : memref<1x157x2x64xi32, #tpu.memory_space<hbm>> -> memref<157x2x64xi32, #tpu.memory_space<hbm>>
    %dma_wait3A_325 = arith.constant 0 : i32
    %dma_wait3A_326 = arith.constant 0 : i32
    %dma_wait3A_327 = tpu.memref_slice %dma_wait3A_324[%dma_wait3A_307, %dma_wait3A_325, %dma_wait3A_326] : memref<157x2x64xi32, #tpu.memory_space<hbm>> -> memref<1x2x64xi32, #tpu.memory_space<hbm>>
    %dma_wait3A_328 = tpu.memref_squeeze %dma_wait3A_327 : memref<1x2x64xi32, #tpu.memory_space<hbm>> -> memref<2x64xi32, #tpu.memory_space<hbm>>
    %dma_wait3A_329 = tpu.memref_slice %arg9[%dma_wait3A_309] : memref<4x!tpu.dma_semaphore, #tpu.memory_space<semaphore_mem>> -> memref<1x!tpu.dma_semaphore, #tpu.memory_space<semaphore_mem>>
    %dma_wait3A_330 = tpu.memref_squeeze %dma_wait3A_329 : memref<1x!tpu.dma_semaphore, #tpu.memory_space<semaphore_mem>> -> memref<!tpu.dma_semaphore, #tpu.memory_space<semaphore_mem>>
    %dma_wait3A_331 = arith.constant 0 : i32
    %dma_wait3A_332 = arith.constant 0 : i32
    %dma_wait3A_333 = tpu.memref_slice %arg5[%dma_wait3A_308, %dma_wait3A_331, %dma_wait3A_332] : memref<4x2x64xi32, #tpu.memory_space<vmem>> -> memref<1x2x64xi32, #tpu.memory_space<vmem>>
    %dma_wait3A_334 = tpu.memref_squeeze %dma_wait3A_333 : memref<1x2x64xi32, #tpu.memory_space<vmem>> -> memref<2x64xi32, #tpu.memory_space<vmem>>
    %dma_wait3A_335 = arith.constant 0 : i32
    %dma_wait3A_336 = arith.constant 0 : i32
    %dma_wait3A_337 = arith.constant 0 : i32
    %dma_wait3A_338 = arith.constant 0 : i32
    %dma_wait3A_339 = tpu.memref_slice %arg3[%arg0, %dma_wait3A_335, %dma_wait3A_336, %dma_wait3A_337, %dma_wait3A_338] : memref<2x16x157x2x64xi32, #tpu.memory_space<hbm>> -> memref<1x16x157x2x64xi32, #tpu.memory_space<hbm>>
    %dma_wait3A_340 = tpu.memref_squeeze %dma_wait3A_339 : memref<1x16x157x2x64xi32, #tpu.memory_space<hbm>> -> memref<16x157x2x64xi32, #tpu.memory_space<hbm>>
    %dma_wait3A_341 = arith.constant 0 : i32
    %dma_wait3A_342 = arith.constant 0 : i32
    %dma_wait3A_343 = arith.constant 0 : i32
    %dma_wait3A_344 = tpu.memref_slice %dma_wait3A_340[%arg1, %dma_wait3A_341, %dma_wait3A_342, %dma_wait3A_343] : memref<16x157x2x64xi32, #tpu.memory_space<hbm>> -> memref<1x157x2x64xi32, #tpu.memory_space<hbm>>
    %dma_wait3A_345 = tpu.memref_squeeze %dma_wait3A_344 : memref<1x157x2x64xi32, #tpu.memory_space<hbm>> -> memref<157x2x64xi32, #tpu.memory_space<hbm>>
    %dma_wait3A_346 = arith.constant 0 : i32
    %dma_wait3A_347 = arith.constant 0 : i32
    %dma_wait3A_348 = tpu.memref_slice %dma_wait3A_345[%dma_wait3A_307, %dma_wait3A_346, %dma_wait3A_347] : memref<157x2x64xi32, #tpu.memory_space<hbm>> -> memref<1x2x64xi32, #tpu.memory_space<hbm>>
    %dma_wait3A_349 = tpu.memref_squeeze %dma_wait3A_348 : memref<1x2x64xi32, #tpu.memory_space<hbm>> -> memref<2x64xi32, #tpu.memory_space<hbm>>
    tpu.wait_dma2 semaphore(%dma_wait3A_330 : memref<!tpu.dma_semaphore, #tpu.memory_space<semaphore_mem>>) src(%dma_wait3A_349 : memref<2x64xi32, #tpu.memory_space<hbm>>) dst(%dma_wait3A_334 : memref<2x64xi32, #tpu.memory_space<vmem>>)
    %dma_start3A_350 = arith.constant 2 : i32
    %dma_start3A_351 = arith.constant 0 : i32
    %dma_start3A_352 = arith.constant 2 : i32
    %dma_start3A_353 = arith.constant 2 : i32
    %dma_start3A_354 = arith.constant 0 : i32
    %dma_start3A_355 = arith.constant 0 : i32
    %dma_start3A_356 = tpu.memref_slice %arg6[%dma_start3A_352, %dma_start3A_354, %dma_start3A_355] : memref<4x64x128xf32, #tpu.memory_space<vmem>> -> memref<1x64x128xf32, #tpu.memory_space<vmem>>
    %dma_start3A_357 = tpu.memref_squeeze %dma_start3A_356 : memref<1x64x128xf32, #tpu.memory_space<vmem>> -> memref<64x128xf32, #tpu.memory_space<vmem>>
    %dma_start3A_358 = arith.constant 0 : i32
    %dma_start3A_359 = arith.constant 0 : i32
    %dma_start3A_360 = tpu.memref_slice %arg5[%dma_start3A_350, %dma_start3A_358, %dma_start3A_359] : memref<4x2x64xi32, #tpu.memory_space<vmem>> -> memref<1x2x64xi32, #tpu.memory_space<vmem>>
    %dma_start3A_361 = tpu.memref_squeeze %dma_start3A_360 : memref<1x2x64xi32, #tpu.memory_space<vmem>> -> memref<2x64xi32, #tpu.memory_space<vmem>>
    %dma_start3A_362 = arith.constant 0 : i32
    %dma_start3A_363 = tpu.memref_slice %dma_start3A_361[%dma_start3A_351, %dma_start3A_362] : memref<2x64xi32, #tpu.memory_space<vmem>> -> memref<1x64xi32, #tpu.memory_space<vmem>>
    %dma_start3A_364 = tpu.memref_squeeze %dma_start3A_363 : memref<1x64xi32, #tpu.memory_space<vmem>> -> memref<64xi32, #tpu.memory_space<vmem>>
    %dma_start3A_365 = arith.constant 0 : i32
    %dma_start3A_366 = arith.constant 0 : i32
    %dma_start3A_367 = tpu.memref_slice %arg2[%dma_start3A_365, %dma_start3A_366] : memref<20480x128xf32, #tpu.memory_space<hbm>> -> memref<20480x128xf32, #tpu.memory_space<hbm>>
    %dma_start3A_368 = tpu.memref_slice %arg8[%dma_start3A_353] : memref<4x!tpu.dma_semaphore, #tpu.memory_space<semaphore_mem>> -> memref<1x!tpu.dma_semaphore, #tpu.memory_space<semaphore_mem>>
    %dma_start3A_369 = tpu.memref_squeeze %dma_start3A_368 : memref<1x!tpu.dma_semaphore, #tpu.memory_space<semaphore_mem>> -> memref<!tpu.dma_semaphore, #tpu.memory_space<semaphore_mem>>
    tpu.enqueue_indirect_dma source(%dma_start3A_367 : memref<20480x128xf32, #tpu.memory_space<hbm>>) target(%dma_start3A_357 : memref<64x128xf32, #tpu.memory_space<vmem>>) offsets(%dma_start3A_364 : memref<64xi32, #tpu.memory_space<vmem>>) semaphore(%dma_start3A_369 : memref<!tpu.dma_semaphore, #tpu.memory_space<semaphore_mem>>)
    %dma_start3A_370 = arith.constant 3 : i32
    %dma_start3A_371 = arith.constant 3 : i32
    %dma_start3A_372 = arith.constant 3 : i32
    %dma_start3A_373 = arith.constant 0 : i32
    %dma_start3A_374 = arith.constant 0 : i32
    %dma_start3A_375 = tpu.memref_slice %arg5[%dma_start3A_371, %dma_start3A_373, %dma_start3A_374] : memref<4x2x64xi32, #tpu.memory_space<vmem>> -> memref<1x2x64xi32, #tpu.memory_space<vmem>>
    %dma_start3A_376 = tpu.memref_squeeze %dma_start3A_375 : memref<1x2x64xi32, #tpu.memory_space<vmem>> -> memref<2x64xi32, #tpu.memory_space<vmem>>
    %dma_start3A_377 = arith.constant 0 : i32
    %dma_start3A_378 = arith.constant 0 : i32
    %dma_start3A_379 = arith.constant 0 : i32
    %dma_start3A_380 = arith.constant 0 : i32
    %dma_start3A_381 = tpu.memref_slice %arg3[%arg0, %dma_start3A_377, %dma_start3A_378, %dma_start3A_379, %dma_start3A_380] : memref<2x16x157x2x64xi32, #tpu.memory_space<hbm>> -> memref<1x16x157x2x64xi32, #tpu.memory_space<hbm>>
    %dma_start3A_382 = tpu.memref_squeeze %dma_start3A_381 : memref<1x16x157x2x64xi32, #tpu.memory_space<hbm>> -> memref<16x157x2x64xi32, #tpu.memory_space<hbm>>
    %dma_start3A_383 = arith.constant 0 : i32
    %dma_start3A_384 = arith.constant 0 : i32
    %dma_start3A_385 = arith.constant 0 : i32
    %dma_start3A_386 = tpu.memref_slice %dma_start3A_382[%arg1, %dma_start3A_383, %dma_start3A_384, %dma_start3A_385] : memref<16x157x2x64xi32, #tpu.memory_space<hbm>> -> memref<1x157x2x64xi32, #tpu.memory_space<hbm>>
    %dma_start3A_387 = tpu.memref_squeeze %dma_start3A_386 : memref<1x157x2x64xi32, #tpu.memory_space<hbm>> -> memref<157x2x64xi32, #tpu.memory_space<hbm>>
    %dma_start3A_388 = arith.constant 0 : i32
    %dma_start3A_389 = arith.constant 0 : i32
    %dma_start3A_390 = tpu.memref_slice %dma_start3A_387[%dma_start3A_370, %dma_start3A_388, %dma_start3A_389] : memref<157x2x64xi32, #tpu.memory_space<hbm>> -> memref<1x2x64xi32, #tpu.memory_space<hbm>>
    %dma_start3A_391 = tpu.memref_squeeze %dma_start3A_390 : memref<1x2x64xi32, #tpu.memory_space<hbm>> -> memref<2x64xi32, #tpu.memory_space<hbm>>
    %dma_start3A_392 = tpu.memref_slice %arg9[%dma_start3A_372] : memref<4x!tpu.dma_semaphore, #tpu.memory_space<semaphore_mem>> -> memref<1x!tpu.dma_semaphore, #tpu.memory_space<semaphore_mem>>
    %dma_start3A_393 = tpu.memref_squeeze %dma_start3A_392 : memref<1x!tpu.dma_semaphore, #tpu.memory_space<semaphore_mem>> -> memref<!tpu.dma_semaphore, #tpu.memory_space<semaphore_mem>>
    %dma_start3A_394 = arith.constant 0 : i32
    %dma_start3A_395 = arith.constant 0 : i32
    %dma_start3A_396 = tpu.memref_slice %arg5[%dma_start3A_371, %dma_start3A_394, %dma_start3A_395] : memref<4x2x64xi32, #tpu.memory_space<vmem>> -> memref<1x2x64xi32, #tpu.memory_space<vmem>>
    %dma_start3A_397 = tpu.memref_squeeze %dma_start3A_396 : memref<1x2x64xi32, #tpu.memory_space<vmem>> -> memref<2x64xi32, #tpu.memory_space<vmem>>
    %dma_start3A_398 = arith.constant 0 : i32
    %dma_start3A_399 = arith.constant 0 : i32
    %dma_start3A_400 = arith.constant 0 : i32
    %dma_start3A_401 = arith.constant 0 : i32
    %dma_start3A_402 = tpu.memref_slice %arg3[%arg0, %dma_start3A_398, %dma_start3A_399, %dma_start3A_400, %dma_start3A_401] : memref<2x16x157x2x64xi32, #tpu.memory_space<hbm>> -> memref<1x16x157x2x64xi32, #tpu.memory_space<hbm>>
    %dma_start3A_403 = tpu.memref_squeeze %dma_start3A_402 : memref<1x16x157x2x64xi32, #tpu.memory_space<hbm>> -> memref<16x157x2x64xi32, #tpu.memory_space<hbm>>
    %dma_start3A_404 = arith.constant 0 : i32
    %dma_start3A_405 = arith.constant 0 : i32
    %dma_start3A_406 = arith.constant 0 : i32
    %dma_start3A_407 = tpu.memref_slice %dma_start3A_403[%arg1, %dma_start3A_404, %dma_start3A_405, %dma_start3A_406] : memref<16x157x2x64xi32, #tpu.memory_space<hbm>> -> memref<1x157x2x64xi32, #tpu.memory_space<hbm>>
    %dma_start3A_408 = tpu.memref_squeeze %dma_start3A_407 : memref<1x157x2x64xi32, #tpu.memory_space<hbm>> -> memref<157x2x64xi32, #tpu.memory_space<hbm>>
    %dma_start3A_409 = arith.constant 0 : i32
    %dma_start3A_410 = arith.constant 0 : i32
    %dma_start3A_411 = tpu.memref_slice %dma_start3A_408[%dma_start3A_370, %dma_start3A_409, %dma_start3A_410] : memref<157x2x64xi32, #tpu.memory_space<hbm>> -> memref<1x2x64xi32, #tpu.memory_space<hbm>>
    %dma_start3A_412 = tpu.memref_squeeze %dma_start3A_411 : memref<1x2x64xi32, #tpu.memory_space<hbm>> -> memref<2x64xi32, #tpu.memory_space<hbm>>
    tpu.enqueue_dma source(%dma_start3A_412 : memref<2x64xi32, #tpu.memory_space<hbm>>) target(%dma_start3A_397 : memref<2x64xi32, #tpu.memory_space<vmem>>) target_semaphore(%dma_start3A_393 : memref<!tpu.dma_semaphore, #tpu.memory_space<semaphore_mem>>)
    %barrier3A = arith.constant 0 : index
    tpu.barrier barrier_id(%barrier3A)
    %scan3A_413 = arith.constant 0 : i32
    %scan3A_414 = arith.constant 0 : i32
    %scan3A_415 = arith.constant 157 : i32
    %scan3A_416 = arith.addi %scan3A_414, %scan3A_415 : i32
    %scan3A_417 = arith.constant 1 : i32
    %scan3A_418 = scf.for %scan3A_425 = %scan3A_414 to %scan3A_416 step %scan3A_417 iter_args(%scan3A_426 = %scan3A_413) -> (i32)  : i32 {
      %rem3A = arith.constant 4 : i32
      %rem3A_427 = arith.remsi %scan3A_425, %rem3A : i32
      %dma_wait3A_428 = arith.constant 0 : i32
      %dma_wait3A_429 = arith.constant 0 : i32
      %dma_wait3A_430 = arith.constant 0 : i32
      %dma_wait3A_431 = tpu.memref_slice %arg6[%rem3A_427, %dma_wait3A_429, %dma_wait3A_430] : memref<4x64x128xf32, #tpu.memory_space<vmem>> -> memref<1x64x128xf32, #tpu.memory_space<vmem>>
      %dma_wait3A_432 = tpu.memref_squeeze %dma_wait3A_431 : memref<1x64x128xf32, #tpu.memory_space<vmem>> -> memref<64x128xf32, #tpu.memory_space<vmem>>
      %dma_wait3A_433 = arith.constant 0 : i32
      %dma_wait3A_434 = arith.constant 0 : i32
      %dma_wait3A_435 = tpu.memref_slice %arg5[%rem3A_427, %dma_wait3A_433, %dma_wait3A_434] : memref<4x2x64xi32, #tpu.memory_space<vmem>> -> memref<1x2x64xi32, #tpu.memory_space<vmem>>
      %dma_wait3A_436 = tpu.memref_squeeze %dma_wait3A_435 : memref<1x2x64xi32, #tpu.memory_space<vmem>> -> memref<2x64xi32, #tpu.memory_space<vmem>>
      %dma_wait3A_437 = arith.constant 0 : i32
      %dma_wait3A_438 = tpu.memref_slice %dma_wait3A_436[%dma_wait3A_428, %dma_wait3A_437] : memref<2x64xi32, #tpu.memory_space<vmem>> -> memref<1x64xi32, #tpu.memory_space<vmem>>
      %dma_wait3A_439 = tpu.memref_squeeze %dma_wait3A_438 : memref<1x64xi32, #tpu.memory_space<vmem>> -> memref<64xi32, #tpu.memory_space<vmem>>
      %dma_wait3A_440 = arith.constant 0 : i32
      %dma_wait3A_441 = arith.constant 0 : i32
      %dma_wait3A_442 = tpu.memref_slice %arg2[%dma_wait3A_440, %dma_wait3A_441] : memref<20480x128xf32, #tpu.memory_space<hbm>> -> memref<20480x128xf32, #tpu.memory_space<hbm>>
      %dma_wait3A_443 = tpu.memref_slice %arg8[%rem3A_427] : memref<4x!tpu.dma_semaphore, #tpu.memory_space<semaphore_mem>> -> memref<1x!tpu.dma_semaphore, #tpu.memory_space<semaphore_mem>>
      %dma_wait3A_444 = tpu.memref_squeeze %dma_wait3A_443 : memref<1x!tpu.dma_semaphore, #tpu.memory_space<semaphore_mem>> -> memref<!tpu.dma_semaphore, #tpu.memory_space<semaphore_mem>>
      tpu.wait_indirect_dma semaphore(%dma_wait3A_444 : memref<!tpu.dma_semaphore, #tpu.memory_space<semaphore_mem>>) src(%dma_wait3A_442 : memref<20480x128xf32, #tpu.memory_space<hbm>>) dst(%dma_wait3A_432 : memref<64x128xf32, #tpu.memory_space<vmem>>)
      %lt3A = arith.constant 154 : i32
      %lt3A_445 = arith.cmpi slt, %scan3A_425, %lt3A : i32
      %convert_element_type3A = arith.extui %lt3A_445 : i1 to i32
      %cond3A = arith.constant 0 : i32
      %cond3A_446 = arith.cmpi ne, %convert_element_type3A, %cond3A : i32
      scf.if %cond3A_446 {
        %add3A_454 = arith.constant 4 : i32
        %add3A_455 = arith.addi %scan3A_425, %add3A_454 : i32
        %sub3A = arith.constant 1 : i32
        %sub3A_456 = arith.subi %add3A_455, %sub3A : i32
        %rem3A_457 = arith.constant 4 : i32
        %rem3A_458 = arith.remsi %sub3A_456, %rem3A_457 : i32
        %add3A_459 = arith.constant 4 : i32
        %add3A_460 = arith.addi %scan3A_425, %add3A_459 : i32
        %sub3A_461 = arith.constant 1 : i32
        %sub3A_462 = arith.subi %add3A_460, %sub3A_461 : i32
        %dma_wait3A_463 = arith.constant 0 : i32
        %dma_wait3A_464 = arith.constant 0 : i32
        %dma_wait3A_465 = tpu.memref_slice %arg5[%rem3A_458, %dma_wait3A_463, %dma_wait3A_464] : memref<4x2x64xi32, #tpu.memory_space<vmem>> -> memref<1x2x64xi32, #tpu.memory_space<vmem>>
        %dma_wait3A_466 = tpu.memref_squeeze %dma_wait3A_465 : memref<1x2x64xi32, #tpu.memory_space<vmem>> -> memref<2x64xi32, #tpu.memory_space<vmem>>
        %dma_wait3A_467 = arith.constant 0 : i32
        %dma_wait3A_468 = arith.constant 0 : i32
        %dma_wait3A_469 = arith.constant 0 : i32
        %dma_wait3A_470 = arith.constant 0 : i32
        %dma_wait3A_471 = tpu.memref_slice %arg3[%arg0, %dma_wait3A_467, %dma_wait3A_468, %dma_wait3A_469, %dma_wait3A_470] : memref<2x16x157x2x64xi32, #tpu.memory_space<hbm>> -> memref<1x16x157x2x64xi32, #tpu.memory_space<hbm>>
        %dma_wait3A_472 = tpu.memref_squeeze %dma_wait3A_471 : memref<1x16x157x2x64xi32, #tpu.memory_space<hbm>> -> memref<16x157x2x64xi32, #tpu.memory_space<hbm>>
        %dma_wait3A_473 = arith.constant 0 : i32
        %dma_wait3A_474 = arith.constant 0 : i32
        %dma_wait3A_475 = arith.constant 0 : i32
        %dma_wait3A_476 = tpu.memref_slice %dma_wait3A_472[%arg1, %dma_wait3A_473, %dma_wait3A_474, %dma_wait3A_475] : memref<16x157x2x64xi32, #tpu.memory_space<hbm>> -> memref<1x157x2x64xi32, #tpu.memory_space<hbm>>
        %dma_wait3A_477 = tpu.memref_squeeze %dma_wait3A_476 : memref<1x157x2x64xi32, #tpu.memory_space<hbm>> -> memref<157x2x64xi32, #tpu.memory_space<hbm>>
        %dma_wait3A_478 = arith.constant 0 : i32
        %dma_wait3A_479 = arith.constant 0 : i32
        %dma_wait3A_480 = tpu.memref_slice %dma_wait3A_477[%sub3A_462, %dma_wait3A_478, %dma_wait3A_479] : memref<157x2x64xi32, #tpu.memory_space<hbm>> -> memref<1x2x64xi32, #tpu.memory_space<hbm>>
        %dma_wait3A_481 = tpu.memref_squeeze %dma_wait3A_480 : memref<1x2x64xi32, #tpu.memory_space<hbm>> -> memref<2x64xi32, #tpu.memory_space<hbm>>
        %dma_wait3A_482 = tpu.memref_slice %arg9[%rem3A_458] : memref<4x!tpu.dma_semaphore, #tpu.memory_space<semaphore_mem>> -> memref<1x!tpu.dma_semaphore, #tpu.memory_space<semaphore_mem>>
        %dma_wait3A_483 = tpu.memref_squeeze %dma_wait3A_482 : memref<1x!tpu.dma_semaphore, #tpu.memory_space<semaphore_mem>> -> memref<!tpu.dma_semaphore, #tpu.memory_space<semaphore_mem>>
        %dma_wait3A_484 = arith.constant 0 : i32
        %dma_wait3A_485 = arith.constant 0 : i32
        %dma_wait3A_486 = tpu.memref_slice %arg5[%rem3A_458, %dma_wait3A_484, %dma_wait3A_485] : memref<4x2x64xi32, #tpu.memory_space<vmem>> -> memref<1x2x64xi32, #tpu.memory_space<vmem>>
        %dma_wait3A_487 = tpu.memref_squeeze %dma_wait3A_486 : memref<1x2x64xi32, #tpu.memory_space<vmem>> -> memref<2x64xi32, #tpu.memory_space<vmem>>
        %dma_wait3A_488 = arith.constant 0 : i32
        %dma_wait3A_489 = arith.constant 0 : i32
        %dma_wait3A_490 = arith.constant 0 : i32
        %dma_wait3A_491 = arith.constant 0 : i32
        %dma_wait3A_492 = tpu.memref_slice %arg3[%arg0, %dma_wait3A_488, %dma_wait3A_489, %dma_wait3A_490, %dma_wait3A_491] : memref<2x16x157x2x64xi32, #tpu.memory_space<hbm>> -> memref<1x16x157x2x64xi32, #tpu.memory_space<hbm>>
        %dma_wait3A_493 = tpu.memref_squeeze %dma_wait3A_492 : memref<1x16x157x2x64xi32, #tpu.memory_space<hbm>> -> memref<16x157x2x64xi32, #tpu.memory_space<hbm>>
        %dma_wait3A_494 = arith.constant 0 : i32
        %dma_wait3A_495 = arith.constant 0 : i32
        %dma_wait3A_496 = arith.constant 0 : i32
        %dma_wait3A_497 = tpu.memref_slice %dma_wait3A_493[%arg1, %dma_wait3A_494, %dma_wait3A_495, %dma_wait3A_496] : memref<16x157x2x64xi32, #tpu.memory_space<hbm>> -> memref<1x157x2x64xi32, #tpu.memory_space<hbm>>
        %dma_wait3A_498 = tpu.memref_squeeze %dma_wait3A_497 : memref<1x157x2x64xi32, #tpu.memory_space<hbm>> -> memref<157x2x64xi32, #tpu.memory_space<hbm>>
        %dma_wait3A_499 = arith.constant 0 : i32
        %dma_wait3A_500 = arith.constant 0 : i32
        %dma_wait3A_501 = tpu.memref_slice %dma_wait3A_498[%sub3A_462, %dma_wait3A_499, %dma_wait3A_500] : memref<157x2x64xi32, #tpu.memory_space<hbm>> -> memref<1x2x64xi32, #tpu.memory_space<hbm>>
        %dma_wait3A_502 = tpu.memref_squeeze %dma_wait3A_501 : memref<1x2x64xi32, #tpu.memory_space<hbm>> -> memref<2x64xi32, #tpu.memory_space<hbm>>
        tpu.wait_dma2 semaphore(%dma_wait3A_483 : memref<!tpu.dma_semaphore, #tpu.memory_space<semaphore_mem>>) src(%dma_wait3A_502 : memref<2x64xi32, #tpu.memory_space<hbm>>) dst(%dma_wait3A_487 : memref<2x64xi32, #tpu.memory_space<vmem>>)
        %add3A_503 = arith.constant 4 : i32
        %add3A_504 = arith.addi %scan3A_425, %add3A_503 : i32
        %sub3A_505 = arith.constant 1 : i32
        %sub3A_506 = arith.subi %add3A_504, %sub3A_505 : i32
        %dma_start3A_507 = arith.constant 0 : i32
        %dma_start3A_508 = arith.constant 0 : i32
        %dma_start3A_509 = arith.constant 0 : i32
        %dma_start3A_510 = tpu.memref_slice %arg6[%rem3A_458, %dma_start3A_508, %dma_start3A_509] : memref<4x64x128xf32, #tpu.memory_space<vmem>> -> memref<1x64x128xf32, #tpu.memory_space<vmem>>
        %dma_start3A_511 = tpu.memref_squeeze %dma_start3A_510 : memref<1x64x128xf32, #tpu.memory_space<vmem>> -> memref<64x128xf32, #tpu.memory_space<vmem>>
        %dma_start3A_512 = arith.constant 0 : i32
        %dma_start3A_513 = arith.constant 0 : i32
        %dma_start3A_514 = tpu.memref_slice %arg5[%rem3A_458, %dma_start3A_512, %dma_start3A_513] : memref<4x2x64xi32, #tpu.memory_space<vmem>> -> memref<1x2x64xi32, #tpu.memory_space<vmem>>
        %dma_start3A_515 = tpu.memref_squeeze %dma_start3A_514 : memref<1x2x64xi32, #tpu.memory_space<vmem>> -> memref<2x64xi32, #tpu.memory_space<vmem>>
        %dma_start3A_516 = arith.constant 0 : i32
        %dma_start3A_517 = tpu.memref_slice %dma_start3A_515[%dma_start3A_507, %dma_start3A_516] : memref<2x64xi32, #tpu.memory_space<vmem>> -> memref<1x64xi32, #tpu.memory_space<vmem>>
        %dma_start3A_518 = tpu.memref_squeeze %dma_start3A_517 : memref<1x64xi32, #tpu.memory_space<vmem>> -> memref<64xi32, #tpu.memory_space<vmem>>
        %dma_start3A_519 = arith.constant 0 : i32
        %dma_start3A_520 = arith.constant 0 : i32
        %dma_start3A_521 = tpu.memref_slice %arg2[%dma_start3A_519, %dma_start3A_520] : memref<20480x128xf32, #tpu.memory_space<hbm>> -> memref<20480x128xf32, #tpu.memory_space<hbm>>
        %dma_start3A_522 = tpu.memref_slice %arg8[%rem3A_458] : memref<4x!tpu.dma_semaphore, #tpu.memory_space<semaphore_mem>> -> memref<1x!tpu.dma_semaphore, #tpu.memory_space<semaphore_mem>>
        %dma_start3A_523 = tpu.memref_squeeze %dma_start3A_522 : memref<1x!tpu.dma_semaphore, #tpu.memory_space<semaphore_mem>> -> memref<!tpu.dma_semaphore, #tpu.memory_space<semaphore_mem>>
        tpu.enqueue_indirect_dma source(%dma_start3A_521 : memref<20480x128xf32, #tpu.memory_space<hbm>>) target(%dma_start3A_511 : memref<64x128xf32, #tpu.memory_space<vmem>>) offsets(%dma_start3A_518 : memref<64xi32, #tpu.memory_space<vmem>>) semaphore(%dma_start3A_523 : memref<!tpu.dma_semaphore, #tpu.memory_space<semaphore_mem>>)
      } else {
      }
      %run_scoped3A_447 = arith.constant 1 : i32
      "tpu.region"() ({
        %run_scoped3A_454 = tpu.sem_alloc : memref<!tpu.dma_semaphore, #tpu.memory_space<semaphore_mem>>
        %dma_start3A_455 = arith.constant 0 : i32
        %dma_start3A_456 = arith.constant 0 : i32
        %dma_start3A_457 = tpu.memref_slice %arg6[%rem3A_427, %dma_start3A_455, %dma_start3A_456] : memref<4x64x128xf32, #tpu.memory_space<vmem>> -> memref<1x64x128xf32, #tpu.memory_space<vmem>>
        %dma_start3A_458 = tpu.memref_squeeze %dma_start3A_457 : memref<1x64x128xf32, #tpu.memory_space<vmem>> -> memref<64x128xf32, #tpu.memory_space<vmem>>
        %dma_start3A_459 = arith.constant 0 : i32
        %dma_start3A_460 = arith.constant 0 : i32
        %dma_start3A_461 = tpu.memref_slice %arg5[%rem3A_427, %dma_start3A_459, %dma_start3A_460] : memref<4x2x64xi32, #tpu.memory_space<vmem>> -> memref<1x2x64xi32, #tpu.memory_space<vmem>>
        %dma_start3A_462 = tpu.memref_squeeze %dma_start3A_461 : memref<1x2x64xi32, #tpu.memory_space<vmem>> -> memref<2x64xi32, #tpu.memory_space<vmem>>
        %dma_start3A_463 = arith.constant 0 : i32
        %dma_start3A_464 = tpu.memref_slice %dma_start3A_462[%run_scoped3A_447, %dma_start3A_463] : memref<2x64xi32, #tpu.memory_space<vmem>> -> memref<1x64xi32, #tpu.memory_space<vmem>>
        %dma_start3A_465 = tpu.memref_squeeze %dma_start3A_464 : memref<1x64xi32, #tpu.memory_space<vmem>> -> memref<64xi32, #tpu.memory_space<vmem>>
        %dma_start3A_466 = arith.constant 0 : i32
        %dma_start3A_467 = arith.constant 0 : i32
        %dma_start3A_468 = tpu.memref_slice %arg7[%dma_start3A_466, %dma_start3A_467] : memref<10240x128xf32, #tpu.memory_space<vmem_shared>> -> memref<10240x128xf32, #tpu.memory_space<vmem_shared>>
        tpu.enqueue_indirect_dma source(%dma_start3A_458 : memref<64x128xf32, #tpu.memory_space<vmem>>) target(%dma_start3A_468 : memref<10240x128xf32, #tpu.memory_space<vmem_shared>>) offsets(%dma_start3A_465 : memref<64xi32, #tpu.memory_space<vmem>>) semaphore(%run_scoped3A_454 : memref<!tpu.dma_semaphore, #tpu.memory_space<semaphore_mem>>) {add = true}
        %dma_wait3A_469 = arith.constant 0 : i32
        %dma_wait3A_470 = arith.constant 0 : i32
        %dma_wait3A_471 = tpu.memref_slice %arg6[%rem3A_427, %dma_wait3A_469, %dma_wait3A_470] : memref<4x64x128xf32, #tpu.memory_space<vmem>> -> memref<1x64x128xf32, #tpu.memory_space<vmem>>
        %dma_wait3A_472 = tpu.memref_squeeze %dma_wait3A_471 : memref<1x64x128xf32, #tpu.memory_space<vmem>> -> memref<64x128xf32, #tpu.memory_space<vmem>>
        %dma_wait3A_473 = arith.constant 0 : i32
        %dma_wait3A_474 = arith.constant 0 : i32
        %dma_wait3A_475 = tpu.memref_slice %arg5[%rem3A_427, %dma_wait3A_473, %dma_wait3A_474] : memref<4x2x64xi32, #tpu.memory_space<vmem>> -> memref<1x2x64xi32, #tpu.memory_space<vmem>>
        %dma_wait3A_476 = tpu.memref_squeeze %dma_wait3A_475 : memref<1x2x64xi32, #tpu.memory_space<vmem>> -> memref<2x64xi32, #tpu.memory_space<vmem>>
        %dma_wait3A_477 = arith.constant 0 : i32
        %dma_wait3A_478 = tpu.memref_slice %dma_wait3A_476[%run_scoped3A_447, %dma_wait3A_477] : memref<2x64xi32, #tpu.memory_space<vmem>> -> memref<1x64xi32, #tpu.memory_space<vmem>>
        %dma_wait3A_479 = tpu.memref_squeeze %dma_wait3A_478 : memref<1x64xi32, #tpu.memory_space<vmem>> -> memref<64xi32, #tpu.memory_space<vmem>>
        %dma_wait3A_480 = arith.constant 0 : i32
        %dma_wait3A_481 = arith.constant 0 : i32
        %dma_wait3A_482 = tpu.memref_slice %arg7[%dma_wait3A_480, %dma_wait3A_481] : memref<10240x128xf32, #tpu.memory_space<vmem_shared>> -> memref<10240x128xf32, #tpu.memory_space<vmem_shared>>
        tpu.wait_indirect_dma semaphore(%run_scoped3A_454 : memref<!tpu.dma_semaphore, #tpu.memory_space<semaphore_mem>>) src(%dma_wait3A_472 : memref<64x128xf32, #tpu.memory_space<vmem>>) dst(%dma_wait3A_482 : memref<10240x128xf32, #tpu.memory_space<vmem_shared>>)
        tpu.yield
      }) : () -> ()
      %lt3A_448 = arith.constant 153 : i32
      %lt3A_449 = arith.cmpi slt, %scan3A_425, %lt3A_448 : i32
      %convert_element_type3A_450 = arith.extui %lt3A_449 : i1 to i32
      %cond3A_451 = arith.constant 0 : i32
      %cond3A_452 = arith.cmpi ne, %convert_element_type3A_450, %cond3A_451 : i32
      scf.if %cond3A_452 {
        %add3A_454 = arith.constant 4 : i32
        %add3A_455 = arith.addi %scan3A_425, %add3A_454 : i32
        %dma_start3A_456 = arith.constant 0 : i32
        %dma_start3A_457 = arith.constant 0 : i32
        %dma_start3A_458 = tpu.memref_slice %arg5[%rem3A_427, %dma_start3A_456, %dma_start3A_457] : memref<4x2x64xi32, #tpu.memory_space<vmem>> -> memref<1x2x64xi32, #tpu.memory_space<vmem>>
        %dma_start3A_459 = tpu.memref_squeeze %dma_start3A_458 : memref<1x2x64xi32, #tpu.memory_space<vmem>> -> memref<2x64xi32, #tpu.memory_space<vmem>>
        %dma_start3A_460 = arith.constant 0 : i32
        %dma_start3A_461 = arith.constant 0 : i32
        %dma_start3A_462 = arith.constant 0 : i32
        %dma_start3A_463 = arith.constant 0 : i32
        %dma_start3A_464 = tpu.memref_slice %arg3[%arg0, %dma_start3A_460, %dma_start3A_461, %dma_start3A_462, %dma_start3A_463] : memref<2x16x157x2x64xi32, #tpu.memory_space<hbm>> -> memref<1x16x157x2x64xi32, #tpu.memory_space<hbm>>
        %dma_start3A_465 = tpu.memref_squeeze %dma_start3A_464 : memref<1x16x157x2x64xi32, #tpu.memory_space<hbm>> -> memref<16x157x2x64xi32, #tpu.memory_space<hbm>>
        %dma_start3A_466 = arith.constant 0 : i32
        %dma_start3A_467 = arith.constant 0 : i32
        %dma_start3A_468 = arith.constant 0 : i32
        %dma_start3A_469 = tpu.memref_slice %dma_start3A_465[%arg1, %dma_start3A_466, %dma_start3A_467, %dma_start3A_468] : memref<16x157x2x64xi32, #tpu.memory_space<hbm>> -> memref<1x157x2x64xi32, #tpu.memory_space<hbm>>
        %dma_start3A_470 = tpu.memref_squeeze %dma_start3A_469 : memref<1x157x2x64xi32, #tpu.memory_space<hbm>> -> memref<157x2x64xi32, #tpu.memory_space<hbm>>
        %dma_start3A_471 = arith.constant 0 : i32
        %dma_start3A_472 = arith.constant 0 : i32
        %dma_start3A_473 = tpu.memref_slice %dma_start3A_470[%add3A_455, %dma_start3A_471, %dma_start3A_472] : memref<157x2x64xi32, #tpu.memory_space<hbm>> -> memref<1x2x64xi32, #tpu.memory_space<hbm>>
        %dma_start3A_474 = tpu.memref_squeeze %dma_start3A_473 : memref<1x2x64xi32, #tpu.memory_space<hbm>> -> memref<2x64xi32, #tpu.memory_space<hbm>>
        %dma_start3A_475 = tpu.memref_slice %arg9[%rem3A_427] : memref<4x!tpu.dma_semaphore, #tpu.memory_space<semaphore_mem>> -> memref<1x!tpu.dma_semaphore, #tpu.memory_space<semaphore_mem>>
        %dma_start3A_476 = tpu.memref_squeeze %dma_start3A_475 : memref<1x!tpu.dma_semaphore, #tpu.memory_space<semaphore_mem>> -> memref<!tpu.dma_semaphore, #tpu.memory_space<semaphore_mem>>
        %dma_start3A_477 = arith.constant 0 : i32
        %dma_start3A_478 = arith.constant 0 : i32
        %dma_start3A_479 = tpu.memref_slice %arg5[%rem3A_427, %dma_start3A_477, %dma_start3A_478] : memref<4x2x64xi32, #tpu.memory_space<vmem>> -> memref<1x2x64xi32, #tpu.memory_space<vmem>>
        %dma_start3A_480 = tpu.memref_squeeze %dma_start3A_479 : memref<1x2x64xi32, #tpu.memory_space<vmem>> -> memref<2x64xi32, #tpu.memory_space<vmem>>
        %dma_start3A_481 = arith.constant 0 : i32
        %dma_start3A_482 = arith.constant 0 : i32
        %dma_start3A_483 = arith.constant 0 : i32
        %dma_start3A_484 = arith.constant 0 : i32
        %dma_start3A_485 = tpu.memref_slice %arg3[%arg0, %dma_start3A_481, %dma_start3A_482, %dma_start3A_483, %dma_start3A_484] : memref<2x16x157x2x64xi32, #tpu.memory_space<hbm>> -> memref<1x16x157x2x64xi32, #tpu.memory_space<hbm>>
        %dma_start3A_486 = tpu.memref_squeeze %dma_start3A_485 : memref<1x16x157x2x64xi32, #tpu.memory_space<hbm>> -> memref<16x157x2x64xi32, #tpu.memory_space<hbm>>
        %dma_start3A_487 = arith.constant 0 : i32
        %dma_start3A_488 = arith.constant 0 : i32
        %dma_start3A_489 = arith.constant 0 : i32
        %dma_start3A_490 = tpu.memref_slice %dma_start3A_486[%arg1, %dma_start3A_487, %dma_start3A_488, %dma_start3A_489] : memref<16x157x2x64xi32, #tpu.memory_space<hbm>> -> memref<1x157x2x64xi32, #tpu.memory_space<hbm>>
        %dma_start3A_491 = tpu.memref_squeeze %dma_start3A_490 : memref<1x157x2x64xi32, #tpu.memory_space<hbm>> -> memref<157x2x64xi32, #tpu.memory_space<hbm>>
        %dma_start3A_492 = arith.constant 0 : i32
        %dma_start3A_493 = arith.constant 0 : i32
        %dma_start3A_494 = tpu.memref_slice %dma_start3A_491[%add3A_455, %dma_start3A_492, %dma_start3A_493] : memref<157x2x64xi32, #tpu.memory_space<hbm>> -> memref<1x2x64xi32, #tpu.memory_space<hbm>>
        %dma_start3A_495 = tpu.memref_squeeze %dma_start3A_494 : memref<1x2x64xi32, #tpu.memory_space<hbm>> -> memref<2x64xi32, #tpu.memory_space<hbm>>
        tpu.enqueue_dma source(%dma_start3A_495 : memref<2x64xi32, #tpu.memory_space<hbm>>) target(%dma_start3A_480 : memref<2x64xi32, #tpu.memory_space<vmem>>) target_semaphore(%dma_start3A_476 : memref<!tpu.dma_semaphore, #tpu.memory_space<semaphore_mem>>)
      } else {
      }
      %scan3A_453 = arith.constant 0 : i32
      scf.yield %scan3A_453 : i32
    }
    %scan3A_419 = arith.constant 157 : i32
    %barrier3A_420 = arith.constant 0 : index
    tpu.barrier barrier_id(%barrier3A_420)
    %mul3A_421 = arith.constant 640 : i32
    %mul3A_422 = arith.muli %arg1, %mul3A_421 : i32
    %mul3A_423 = arith.constant 640 : i32
    %mul3A_424 = arith.muli %arg1, %mul3A_423 : i32
    "tpu.region"() ({
      %run_scoped3A_425 = tpu.sem_alloc : memref<!tpu.dma_semaphore, #tpu.memory_space<semaphore_mem>>
      %dma_start3A_426 = arith.constant 0 : i32
      %dma_start3A_427 = arith.constant 0 : i32
      %dma_start3A_428 = tpu.memref_slice %arg4[%arg0, %dma_start3A_426, %dma_start3A_427] : memref<2x10240x128xf32, #tpu.memory_space<hbm>> -> memref<1x10240x128xf32, #tpu.memory_space<hbm>>
      %dma_start3A_429 = tpu.memref_squeeze %dma_start3A_428 : memref<1x10240x128xf32, #tpu.memory_space<hbm>> -> memref<10240x128xf32, #tpu.memory_space<hbm>>
      %dma_start3A_430 = arith.constant 0 : i32
      %dma_start3A_431 = tpu.memref_slice %dma_start3A_429[%mul3A_424, %dma_start3A_430] : memref<10240x128xf32, #tpu.memory_space<hbm>> -> memref<640x128xf32, #tpu.memory_space<hbm>>
      %dma_start3A_432 = arith.constant 0 : i32
      %dma_start3A_433 = tpu.memref_slice %arg7[%mul3A_422, %dma_start3A_432] : memref<10240x128xf32, #tpu.memory_space<vmem_shared>> -> memref<640x128xf32, #tpu.memory_space<vmem_shared>>
      tpu.enqueue_dma source(%dma_start3A_433 : memref<640x128xf32, #tpu.memory_space<vmem_shared>>) target(%dma_start3A_431 : memref<640x128xf32, #tpu.memory_space<hbm>>) target_semaphore(%run_scoped3A_425 : memref<!tpu.dma_semaphore, #tpu.memory_space<semaphore_mem>>)
      %dma_wait3A_434 = arith.constant 0 : i32
      %dma_wait3A_435 = arith.constant 0 : i32
      %dma_wait3A_436 = tpu.memref_slice %arg4[%arg0, %dma_wait3A_434, %dma_wait3A_435] : memref<2x10240x128xf32, #tpu.memory_space<hbm>> -> memref<1x10240x128xf32, #tpu.memory_space<hbm>>
      %dma_wait3A_437 = tpu.memref_squeeze %dma_wait3A_436 : memref<1x10240x128xf32, #tpu.memory_space<hbm>> -> memref<10240x128xf32, #tpu.memory_space<hbm>>
      %dma_wait3A_438 = arith.constant 0 : i32
      %dma_wait3A_439 = tpu.memref_slice %dma_wait3A_437[%mul3A_424, %dma_wait3A_438] : memref<10240x128xf32, #tpu.memory_space<hbm>> -> memref<640x128xf32, #tpu.memory_space<hbm>>
      %dma_wait3A_440 = arith.constant 0 : i32
      %dma_wait3A_441 = tpu.memref_slice %arg7[%mul3A_422, %dma_wait3A_440] : memref<10240x128xf32, #tpu.memory_space<vmem_shared>> -> memref<640x128xf32, #tpu.memory_space<vmem_shared>>
      tpu.wait_dma2 semaphore(%run_scoped3A_425 : memref<!tpu.dma_semaphore, #tpu.memory_space<semaphore_mem>>) src(%dma_wait3A_441 : memref<640x128xf32, #tpu.memory_space<vmem_shared>>) dst(%dma_wait3A_439 : memref<640x128xf32, #tpu.memory_space<hbm>>)
      tpu.yield
    }) : () -> ()
    return
  }
}

#map = affine_map<(d0, d1) -> (0, 0, 0)>
#map1 = affine_map<(d0, d1) -> (0, 0)>
module attributes {stable_mosaic.version = 14 : i64} {
  func.func @_sc_degrees(%arg0: i32, %arg1: i32, %arg2: memref<2x16x10048xi32, #tpu.memory_space<hbm>>, %arg3: memref<2x10240xf32, #tpu.memory_space<hbm>>, %arg4: memref<10048xi32, #tpu.memory_space<vmem>>, %arg5: memref<10240xf32, #tpu.memory_space<vmem>>, %arg6: memref<640xf32, #tpu.memory_space<vmem>>, %arg7: memref<640xf32, #tpu.memory_space<vmem>>, %arg8: memref<16x10240xf32, #tpu.memory_space<vmem_shared>>) attributes {dimension_semantics = [#tpu.dimension_semantics<core_parallel>, #tpu.dimension_semantics<subcore_parallel>], iteration_bounds = array<i64: 2, 16>, scalar_prefetch = 0 : i64, scratch_operands = 5 : i64, tpu.core_type = #tpu.core_type<sc_vector_subcore>, window_params = [{transform_indices = #map}, {transform_indices = #map1}]} {
    "tpu.region"() ({
      %run_scoped3A = tpu.sem_alloc : memref<!tpu.dma_semaphore, #tpu.memory_space<semaphore_mem>>
      %dma_start3A = arith.constant 0 : i32
      %dma_start3A_31 = arith.constant 0 : i32
      %dma_start3A_32 = tpu.memref_slice %arg2[%arg0, %dma_start3A, %dma_start3A_31] : memref<2x16x10048xi32, #tpu.memory_space<hbm>> -> memref<1x16x10048xi32, #tpu.memory_space<hbm>>
      %dma_start3A_33 = tpu.memref_squeeze %dma_start3A_32 : memref<1x16x10048xi32, #tpu.memory_space<hbm>> -> memref<16x10048xi32, #tpu.memory_space<hbm>>
      %dma_start3A_34 = arith.constant 0 : i32
      %dma_start3A_35 = tpu.memref_slice %dma_start3A_33[%arg1, %dma_start3A_34] : memref<16x10048xi32, #tpu.memory_space<hbm>> -> memref<1x10048xi32, #tpu.memory_space<hbm>>
      %dma_start3A_36 = tpu.memref_squeeze %dma_start3A_35 : memref<1x10048xi32, #tpu.memory_space<hbm>> -> memref<10048xi32, #tpu.memory_space<hbm>>
      %dma_start3A_37 = arith.constant 0 : i32
      %dma_start3A_38 = arith.constant 0 : i32
      %dma_start3A_39 = tpu.memref_slice %arg2[%arg0, %dma_start3A_37, %dma_start3A_38] : memref<2x16x10048xi32, #tpu.memory_space<hbm>> -> memref<1x16x10048xi32, #tpu.memory_space<hbm>>
      %dma_start3A_40 = tpu.memref_squeeze %dma_start3A_39 : memref<1x16x10048xi32, #tpu.memory_space<hbm>> -> memref<16x10048xi32, #tpu.memory_space<hbm>>
      %dma_start3A_41 = arith.constant 0 : i32
      %dma_start3A_42 = tpu.memref_slice %dma_start3A_40[%arg1, %dma_start3A_41] : memref<16x10048xi32, #tpu.memory_space<hbm>> -> memref<1x10048xi32, #tpu.memory_space<hbm>>
      %dma_start3A_43 = tpu.memref_squeeze %dma_start3A_42 : memref<1x10048xi32, #tpu.memory_space<hbm>> -> memref<10048xi32, #tpu.memory_space<hbm>>
      tpu.enqueue_dma source(%dma_start3A_43 : memref<10048xi32, #tpu.memory_space<hbm>>) target(%arg4 : memref<10048xi32, #tpu.memory_space<vmem>>) target_semaphore(%run_scoped3A : memref<!tpu.dma_semaphore, #tpu.memory_space<semaphore_mem>>)
      %dma_wait3A = arith.constant 0 : i32
      %dma_wait3A_44 = arith.constant 0 : i32
      %dma_wait3A_45 = tpu.memref_slice %arg2[%arg0, %dma_wait3A, %dma_wait3A_44] : memref<2x16x10048xi32, #tpu.memory_space<hbm>> -> memref<1x16x10048xi32, #tpu.memory_space<hbm>>
      %dma_wait3A_46 = tpu.memref_squeeze %dma_wait3A_45 : memref<1x16x10048xi32, #tpu.memory_space<hbm>> -> memref<16x10048xi32, #tpu.memory_space<hbm>>
      %dma_wait3A_47 = arith.constant 0 : i32
      %dma_wait3A_48 = tpu.memref_slice %dma_wait3A_46[%arg1, %dma_wait3A_47] : memref<16x10048xi32, #tpu.memory_space<hbm>> -> memref<1x10048xi32, #tpu.memory_space<hbm>>
      %dma_wait3A_49 = tpu.memref_squeeze %dma_wait3A_48 : memref<1x10048xi32, #tpu.memory_space<hbm>> -> memref<10048xi32, #tpu.memory_space<hbm>>
      %dma_wait3A_50 = arith.constant 0 : i32
      %dma_wait3A_51 = arith.constant 0 : i32
      %dma_wait3A_52 = tpu.memref_slice %arg2[%arg0, %dma_wait3A_50, %dma_wait3A_51] : memref<2x16x10048xi32, #tpu.memory_space<hbm>> -> memref<1x16x10048xi32, #tpu.memory_space<hbm>>
      %dma_wait3A_53 = tpu.memref_squeeze %dma_wait3A_52 : memref<1x16x10048xi32, #tpu.memory_space<hbm>> -> memref<16x10048xi32, #tpu.memory_space<hbm>>
      %dma_wait3A_54 = arith.constant 0 : i32
      %dma_wait3A_55 = tpu.memref_slice %dma_wait3A_53[%arg1, %dma_wait3A_54] : memref<16x10048xi32, #tpu.memory_space<hbm>> -> memref<1x10048xi32, #tpu.memory_space<hbm>>
      %dma_wait3A_56 = tpu.memref_squeeze %dma_wait3A_55 : memref<1x10048xi32, #tpu.memory_space<hbm>> -> memref<10048xi32, #tpu.memory_space<hbm>>
      tpu.wait_dma2 semaphore(%run_scoped3A : memref<!tpu.dma_semaphore, #tpu.memory_space<semaphore_mem>>) src(%dma_wait3A_56 : memref<10048xi32, #tpu.memory_space<hbm>>) dst(%arg4 : memref<10048xi32, #tpu.memory_space<vmem>>)
      tpu.yield
    }) : () -> ()
    %broadcast_in_dim3A = arith.constant 0.000000e+00 : f32
    %broadcast_in_dim3A_0 = vector.broadcast %broadcast_in_dim3A : f32 to vector<16xf32>
    %broadcast_in_dim3A_1 = arith.constant 1.000000e+00 : f32
    %broadcast_in_dim3A_2 = vector.broadcast %broadcast_in_dim3A_1 : f32 to vector<16xf32>
    %scan3A = arith.constant 0 : i32
    %scan3A_3 = arith.constant 0 : i32
    %scan3A_4 = arith.constant 640 : i32
    %scan3A_5 = arith.addi %scan3A_3, %scan3A_4 : i32
    %scan3A_6 = arith.constant 1 : i32
    %scan3A_7 = scf.for %scan3A_31 = %scan3A_3 to %scan3A_5 step %scan3A_6 iter_args(%scan3A_32 = %scan3A) -> (i32)  : i32 {
      %mul3A_33 = arith.constant 16 : i32
      %mul3A_34 = arith.muli %scan3A_31, %mul3A_33 : i32
      %swap3A = arith.index_cast %mul3A_34 : i32 to index
      %swap3A_35 = tpu.vector_load %arg5[%swap3A] {strides = array<i32>} : memref<10240xf32, #tpu.memory_space<vmem>>, vector<16xf32>,
      tpu.vector_store %arg5[%swap3A], %broadcast_in_dim3A_0 {strides = array<i32>} : memref<10240xf32, #tpu.memory_space<vmem>>, vector<16xf32>,
      %scan3A_36 = arith.constant 0 : i32
      scf.yield %scan3A_36 : i32
    }
    %scan3A_8 = arith.constant 640 : i32
    %scan3A_9 = arith.constant 0 : i32
    %scan3A_10 = arith.constant 0 : i32
    %scan3A_11 = arith.constant 628 : i32
    %scan3A_12 = arith.addi %scan3A_10, %scan3A_11 : i32
    %scan3A_13 = arith.constant 1 : i32
    %scan3A_14 = scf.for %scan3A_31 = %scan3A_10 to %scan3A_12 step %scan3A_13 iter_args(%scan3A_32 = %scan3A_9) -> (i32)  : i32 {
      %mul3A_33 = arith.constant 16 : i32
      %mul3A_34 = arith.muli %scan3A_31, %mul3A_33 : i32
      %get3A = arith.index_cast %mul3A_34 : i32 to index
      %get3A_35 = tpu.vector_load %arg4[%get3A] {strides = array<i32>} : memref<10048xi32, #tpu.memory_space<vmem>>, vector<16xi32>,
      tpu.vector_store_idx %arg5[%get3A_35], %broadcast_in_dim3A_2 {add = true} : memref<10240xf32, #tpu.memory_space<vmem>>[vector<16xi32>], vector<16xf32>,
      %scan3A_36 = arith.constant 0 : i32
      scf.yield %scan3A_36 : i32
    }
    %scan3A_15 = arith.constant 628 : i32
    "tpu.region"() ({
      %run_scoped3A = tpu.sem_alloc : memref<!tpu.dma_semaphore, #tpu.memory_space<semaphore_mem>>
      %dma_start3A = arith.constant 0 : i32
      %dma_start3A_31 = tpu.memref_slice %arg8[%arg1, %dma_start3A] : memref<16x10240xf32, #tpu.memory_space<vmem_shared>> -> memref<1x10240xf32, #tpu.memory_space<vmem_shared>>
      %dma_start3A_32 = tpu.memref_squeeze %dma_start3A_31 : memref<1x10240xf32, #tpu.memory_space<vmem_shared>> -> memref<10240xf32, #tpu.memory_space<vmem_shared>>
      %dma_start3A_33 = arith.constant 0 : i32
      %dma_start3A_34 = tpu.memref_slice %arg8[%arg1, %dma_start3A_33] : memref<16x10240xf32, #tpu.memory_space<vmem_shared>> -> memref<1x10240xf32, #tpu.memory_space<vmem_shared>>
      %dma_start3A_35 = tpu.memref_squeeze %dma_start3A_34 : memref<1x10240xf32, #tpu.memory_space<vmem_shared>> -> memref<10240xf32, #tpu.memory_space<vmem_shared>>
      tpu.enqueue_dma source(%arg5 : memref<10240xf32, #tpu.memory_space<vmem>>) target(%dma_start3A_35 : memref<10240xf32, #tpu.memory_space<vmem_shared>>) target_semaphore(%run_scoped3A : memref<!tpu.dma_semaphore, #tpu.memory_space<semaphore_mem>>)
      %dma_wait3A = arith.constant 0 : i32
      %dma_wait3A_36 = tpu.memref_slice %arg8[%arg1, %dma_wait3A] : memref<16x10240xf32, #tpu.memory_space<vmem_shared>> -> memref<1x10240xf32, #tpu.memory_space<vmem_shared>>
      %dma_wait3A_37 = tpu.memref_squeeze %dma_wait3A_36 : memref<1x10240xf32, #tpu.memory_space<vmem_shared>> -> memref<10240xf32, #tpu.memory_space<vmem_shared>>
      %dma_wait3A_38 = arith.constant 0 : i32
      %dma_wait3A_39 = tpu.memref_slice %arg8[%arg1, %dma_wait3A_38] : memref<16x10240xf32, #tpu.memory_space<vmem_shared>> -> memref<1x10240xf32, #tpu.memory_space<vmem_shared>>
      %dma_wait3A_40 = tpu.memref_squeeze %dma_wait3A_39 : memref<1x10240xf32, #tpu.memory_space<vmem_shared>> -> memref<10240xf32, #tpu.memory_space<vmem_shared>>
      tpu.wait_dma2 semaphore(%run_scoped3A : memref<!tpu.dma_semaphore, #tpu.memory_space<semaphore_mem>>) src(%arg5 : memref<10240xf32, #tpu.memory_space<vmem>>) dst(%dma_wait3A_40 : memref<10240xf32, #tpu.memory_space<vmem_shared>>)
      tpu.yield
    }) : () -> ()
    %barrier3A = arith.constant 0 : index
    tpu.barrier barrier_id(%barrier3A)
    %scan3A_16 = arith.constant 0 : i32
    %scan3A_17 = arith.constant 0 : i32
    %scan3A_18 = arith.constant 40 : i32
    %scan3A_19 = arith.addi %scan3A_17, %scan3A_18 : i32
    %scan3A_20 = arith.constant 1 : i32
    %scan3A_21 = scf.for %scan3A_31 = %scan3A_17 to %scan3A_19 step %scan3A_20 iter_args(%scan3A_32 = %scan3A_16) -> (i32)  : i32 {
      %mul3A_33 = arith.constant 16 : i32
      %mul3A_34 = arith.muli %scan3A_31, %mul3A_33 : i32
      %swap3A = arith.index_cast %mul3A_34 : i32 to index
      %swap3A_35 = tpu.vector_load %arg6[%swap3A] {strides = array<i32>} : memref<640xf32, #tpu.memory_space<vmem>>, vector<16xf32>,
      tpu.vector_store %arg6[%swap3A], %broadcast_in_dim3A_0 {strides = array<i32>} : memref<640xf32, #tpu.memory_space<vmem>>, vector<16xf32>,
      %scan3A_36 = arith.constant 0 : i32
      scf.yield %scan3A_36 : i32
    }
    %scan3A_22 = arith.constant 40 : i32
    %scan3A_23 = arith.constant 0 : i32
    %scan3A_24 = arith.constant 0 : i32
    %scan3A_25 = arith.constant 16 : i32
    %scan3A_26 = arith.addi %scan3A_24, %scan3A_25 : i32
    %scan3A_27 = arith.constant 1 : i32
    %scan3A_28 = scf.for %scan3A_31 = %scan3A_24 to %scan3A_26 step %scan3A_27 iter_args(%scan3A_32 = %scan3A_23) -> (i32)  : i32 {
      %mul3A_33 = arith.constant 640 : i32
      %mul3A_34 = arith.muli %arg1, %mul3A_33 : i32
      "tpu.region"() ({
        %run_scoped3A = tpu.sem_alloc : memref<!tpu.dma_semaphore, #tpu.memory_space<semaphore_mem>>
        %dma_start3A = arith.constant 0 : i32
        %dma_start3A_43 = tpu.memref_slice %arg8[%scan3A_31, %dma_start3A] : memref<16x10240xf32, #tpu.memory_space<vmem_shared>> -> memref<1x10240xf32, #tpu.memory_space<vmem_shared>>
        %dma_start3A_44 = tpu.memref_squeeze %dma_start3A_43 : memref<1x10240xf32, #tpu.memory_space<vmem_shared>> -> memref<10240xf32, #tpu.memory_space<vmem_shared>>
        %dma_start3A_45 = tpu.memref_slice %dma_start3A_44[%mul3A_34] : memref<10240xf32, #tpu.memory_space<vmem_shared>> -> memref<640xf32, #tpu.memory_space<vmem_shared>>
        %dma_start3A_46 = arith.constant 0 : i32
        %dma_start3A_47 = tpu.memref_slice %arg8[%scan3A_31, %dma_start3A_46] : memref<16x10240xf32, #tpu.memory_space<vmem_shared>> -> memref<1x10240xf32, #tpu.memory_space<vmem_shared>>
        %dma_start3A_48 = tpu.memref_squeeze %dma_start3A_47 : memref<1x10240xf32, #tpu.memory_space<vmem_shared>> -> memref<10240xf32, #tpu.memory_space<vmem_shared>>
        %dma_start3A_49 = tpu.memref_slice %dma_start3A_48[%mul3A_34] : memref<10240xf32, #tpu.memory_space<vmem_shared>> -> memref<640xf32, #tpu.memory_space<vmem_shared>>
        tpu.enqueue_dma source(%dma_start3A_49 : memref<640xf32, #tpu.memory_space<vmem_shared>>) target(%arg7 : memref<640xf32, #tpu.memory_space<vmem>>) target_semaphore(%run_scoped3A : memref<!tpu.dma_semaphore, #tpu.memory_space<semaphore_mem>>)
        %dma_wait3A = arith.constant 0 : i32
        %dma_wait3A_50 = tpu.memref_slice %arg8[%scan3A_31, %dma_wait3A] : memref<16x10240xf32, #tpu.memory_space<vmem_shared>> -> memref<1x10240xf32, #tpu.memory_space<vmem_shared>>
        %dma_wait3A_51 = tpu.memref_squeeze %dma_wait3A_50 : memref<1x10240xf32, #tpu.memory_space<vmem_shared>> -> memref<10240xf32, #tpu.memory_space<vmem_shared>>
        %dma_wait3A_52 = tpu.memref_slice %dma_wait3A_51[%mul3A_34] : memref<10240xf32, #tpu.memory_space<vmem_shared>> -> memref<640xf32, #tpu.memory_space<vmem_shared>>
        %dma_wait3A_53 = arith.constant 0 : i32
        %dma_wait3A_54 = tpu.memref_slice %arg8[%scan3A_31, %dma_wait3A_53] : memref<16x10240xf32, #tpu.memory_space<vmem_shared>> -> memref<1x10240xf32, #tpu.memory_space<vmem_shared>>
        %dma_wait3A_55 = tpu.memref_squeeze %dma_wait3A_54 : memref<1x10240xf32, #tpu.memory_space<vmem_shared>> -> memref<10240xf32, #tpu.memory_space<vmem_shared>>
        %dma_wait3A_56 = tpu.memref_slice %dma_wait3A_55[%mul3A_34] : memref<10240xf32, #tpu.memory_space<vmem_shared>> -> memref<640xf32, #tpu.memory_space<vmem_shared>>
        tpu.wait_dma2 semaphore(%run_scoped3A : memref<!tpu.dma_semaphore, #tpu.memory_space<semaphore_mem>>) src(%dma_wait3A_56 : memref<640xf32, #tpu.memory_space<vmem_shared>>) dst(%arg7 : memref<640xf32, #tpu.memory_space<vmem>>)
        tpu.yield
      }) : () -> ()
      %scan3A_35 = arith.constant 0 : i32
      %scan3A_36 = arith.constant 0 : i32
      %scan3A_37 = arith.constant 40 : i32
      %scan3A_38 = arith.addi %scan3A_36, %scan3A_37 : i32
      %scan3A_39 = arith.constant 1 : i32
      %scan3A_40 = scf.for %scan3A_43 = %scan3A_36 to %scan3A_38 step %scan3A_39 iter_args(%scan3A_44 = %scan3A_35) -> (i32)  : i32 {
        %mul3A_45 = arith.constant 16 : i32
        %mul3A_46 = arith.muli %scan3A_43, %mul3A_45 : i32
        %get3A = arith.index_cast %mul3A_46 : i32 to index
        %get3A_47 = tpu.vector_load %arg6[%get3A] {strides = array<i32>} : memref<640xf32, #tpu.memory_space<vmem>>, vector<16xf32>,
        %mul3A_48 = arith.constant 16 : i32
        %mul3A_49 = arith.muli %scan3A_43, %mul3A_48 : i32
        %get3A_50 = arith.index_cast %mul3A_49 : i32 to index
        %get3A_51 = tpu.vector_load %arg7[%get3A_50] {strides = array<i32>} : memref<640xf32, #tpu.memory_space<vmem>>, vector<16xf32>,
        %add3A = arith.addf %get3A_47, %get3A_51 : vector<16xf32>
        %mul3A_52 = arith.constant 16 : i32
        %mul3A_53 = arith.muli %scan3A_43, %mul3A_52 : i32
        %swap3A = arith.index_cast %mul3A_53 : i32 to index
        %swap3A_54 = tpu.vector_load %arg6[%swap3A] {strides = array<i32>} : memref<640xf32, #tpu.memory_space<vmem>>, vector<16xf32>,
        tpu.vector_store %arg6[%swap3A], %add3A {strides = array<i32>} : memref<640xf32, #tpu.memory_space<vmem>>, vector<16xf32>,
        %scan3A_55 = arith.constant 0 : i32
        scf.yield %scan3A_55 : i32
      }
      %scan3A_41 = arith.constant 40 : i32
      %scan3A_42 = arith.constant 0 : i32
      scf.yield %scan3A_42 : i32
    }
    %scan3A_29 = arith.constant 16 : i32
    %mul3A = arith.constant 640 : i32
    %mul3A_30 = arith.muli %arg1, %mul3A : i32
    "tpu.region"() ({
      %run_scoped3A = tpu.sem_alloc : memref<!tpu.dma_semaphore, #tpu.memory_space<semaphore_mem>>
      %dma_start3A = arith.constant 0 : i32
      %dma_start3A_31 = tpu.memref_slice %arg3[%arg0, %dma_start3A] : memref<2x10240xf32, #tpu.memory_space<hbm>> -> memref<1x10240xf32, #tpu.memory_space<hbm>>
      %dma_start3A_32 = tpu.memref_squeeze %dma_start3A_31 : memref<1x10240xf32, #tpu.memory_space<hbm>> -> memref<10240xf32, #tpu.memory_space<hbm>>
      %dma_start3A_33 = tpu.memref_slice %dma_start3A_32[%mul3A_30] : memref<10240xf32, #tpu.memory_space<hbm>> -> memref<640xf32, #tpu.memory_space<hbm>>
      %dma_start3A_34 = arith.constant 0 : i32
      %dma_start3A_35 = tpu.memref_slice %arg3[%arg0, %dma_start3A_34] : memref<2x10240xf32, #tpu.memory_space<hbm>> -> memref<1x10240xf32, #tpu.memory_space<hbm>>
      %dma_start3A_36 = tpu.memref_squeeze %dma_start3A_35 : memref<1x10240xf32, #tpu.memory_space<hbm>> -> memref<10240xf32, #tpu.memory_space<hbm>>
      %dma_start3A_37 = tpu.memref_slice %dma_start3A_36[%mul3A_30] : memref<10240xf32, #tpu.memory_space<hbm>> -> memref<640xf32, #tpu.memory_space<hbm>>
      tpu.enqueue_dma source(%arg6 : memref<640xf32, #tpu.memory_space<vmem>>) target(%dma_start3A_37 : memref<640xf32, #tpu.memory_space<hbm>>) target_semaphore(%run_scoped3A : memref<!tpu.dma_semaphore, #tpu.memory_space<semaphore_mem>>)
      %dma_wait3A = arith.constant 0 : i32
      %dma_wait3A_38 = tpu.memref_slice %arg3[%arg0, %dma_wait3A] : memref<2x10240xf32, #tpu.memory_space<hbm>> -> memref<1x10240xf32, #tpu.memory_space<hbm>>
      %dma_wait3A_39 = tpu.memref_squeeze %dma_wait3A_38 : memref<1x10240xf32, #tpu.memory_space<hbm>> -> memref<10240xf32, #tpu.memory_space<hbm>>
      %dma_wait3A_40 = tpu.memref_slice %dma_wait3A_39[%mul3A_30] : memref<10240xf32, #tpu.memory_space<hbm>> -> memref<640xf32, #tpu.memory_space<hbm>>
      %dma_wait3A_41 = arith.constant 0 : i32
      %dma_wait3A_42 = tpu.memref_slice %arg3[%arg0, %dma_wait3A_41] : memref<2x10240xf32, #tpu.memory_space<hbm>> -> memref<1x10240xf32, #tpu.memory_space<hbm>>
      %dma_wait3A_43 = tpu.memref_squeeze %dma_wait3A_42 : memref<1x10240xf32, #tpu.memory_space<hbm>> -> memref<10240xf32, #tpu.memory_space<hbm>>
      %dma_wait3A_44 = tpu.memref_slice %dma_wait3A_43[%mul3A_30] : memref<10240xf32, #tpu.memory_space<hbm>> -> memref<640xf32, #tpu.memory_space<hbm>>
      tpu.wait_dma2 semaphore(%run_scoped3A : memref<!tpu.dma_semaphore, #tpu.memory_space<semaphore_mem>>) src(%arg6 : memref<640xf32, #tpu.memory_space<vmem>>) dst(%dma_wait3A_44 : memref<640xf32, #tpu.memory_space<hbm>>)
      tpu.yield
    }) : () -> ()
    return
  }
}

#map = affine_map<(d0, d1) -> (0, 0)>
#map1 = affine_map<(d0, d1) -> (0, 0, 0, 0, 0)>
#map2 = affine_map<(d0, d1) -> (0, 0, 0)>
module attributes {stable_mosaic.version = 14 : i64} {
  func.func @_sc_message(%arg0: i32, %arg1: i32, %arg2: memref<20480x128xf32, #tpu.memory_space<hbm>>, %arg3: memref<2x16x157x2x64xi32, #tpu.memory_space<hbm>>, %arg4: memref<2x10240x128xf32, #tpu.memory_space<hbm>>, %arg5: memref<4x2x64xi32, #tpu.memory_space<vmem>>, %arg6: memref<4x64x128xf32, #tpu.memory_space<vmem>>, %arg7: memref<10240x128xf32, #tpu.memory_space<vmem_shared>>, %arg8: memref<4x!tpu.dma_semaphore, #tpu.memory_space<semaphore_mem>>, %arg9: memref<4x!tpu.dma_semaphore, #tpu.memory_space<semaphore_mem>>) attributes {dimension_semantics = [#tpu.dimension_semantics<core_parallel>, #tpu.dimension_semantics<subcore_parallel>], iteration_bounds = array<i64: 2, 16>, scalar_prefetch = 0 : i64, scratch_operands = 5 : i64, tpu.core_type = #tpu.core_type<sc_vector_subcore>, window_params = [{transform_indices = #map}, {transform_indices = #map1}, {transform_indices = #map2}]} {
    %broadcast_in_dim3A = arith.constant 0.000000e+00 : f32
    %broadcast_in_dim3A_0 = vector.broadcast %broadcast_in_dim3A : f32 to vector<16xf32>
    %scan3A = arith.constant 0 : i32
    %scan3A_1 = arith.constant 0 : i32
    %scan3A_2 = arith.constant 512 : i32
    %scan3A_3 = arith.addi %scan3A_1, %scan3A_2 : i32
    %scan3A_4 = arith.constant 1 : i32
    %scan3A_5 = scf.for %scan3A_425 = %scan3A_1 to %scan3A_3 step %scan3A_4 iter_args(%scan3A_426 = %scan3A) -> (i32)  : i32 {
      %jit3A = arith.constant 8 : i32
      %div3A = arith.divsi %scan3A_425, %jit3A : i32
      %sign3A = arith.constant 0 : i32
      %sign3A_427 = arith.cmpi sgt, %scan3A_425, %sign3A : i32
      %sign3A_428 = arith.extui %sign3A_427 : i1 to i32
      %sign3A_429 = arith.constant 0 : i32
      %sign3A_430 = arith.cmpi slt, %scan3A_425, %sign3A_429 : i32
      %sign3A_431 = arith.extui %sign3A_430 : i1 to i32
      %sign3A_432 = arith.subi %sign3A_428, %sign3A_431 : i32
      %sign3A_433 = arith.constant 0 : i32
      %sign3A_434 = arith.cmpi sgt, %jit3A, %sign3A_433 : i32
      %sign3A_435 = arith.extui %sign3A_434 : i1 to i32
      %sign3A_436 = arith.constant 0 : i32
      %sign3A_437 = arith.cmpi slt, %jit3A, %sign3A_436 : i32
      %sign3A_438 = arith.extui %sign3A_437 : i1 to i32
      %sign3A_439 = arith.subi %sign3A_435, %sign3A_438 : i32
      %ne3A = arith.cmpi ne, %sign3A_432, %sign3A_439 : i32
      %rem3A = arith.remsi %scan3A_425, %jit3A : i32
      %ne3A_440 = arith.constant 0 : i32
      %ne3A_441 = arith.cmpi ne, %rem3A, %ne3A_440 : i32
      %and3A = arith.andi %ne3A, %ne3A_441 : i1
      %sub3A = arith.constant 1 : i32
      %sub3A_442 = arith.subi %div3A, %sub3A : i32
      %select_n3A = arith.select %and3A, %sub3A_442, %div3A : i32
      %jit3A_443 = arith.constant 8 : i32
      %eq3A = arith.constant 0 : i32
      %eq3A_444 = arith.cmpi eq, %jit3A_443, %eq3A : i32
      %jit3A_445 = arith.constant 1 : i32
      %select_n3A_446 = arith.select %eq3A_444, %jit3A_445, %jit3A_443 : i32
      %rem3A_447 = arith.remsi %scan3A_425, %select_n3A_446 : i32
      %ne3A_448 = arith.constant 0 : i32
      %ne3A_449 = arith.cmpi ne, %rem3A_447, %ne3A_448 : i32
      %lt3A = arith.constant 0 : i32
      %lt3A_450 = arith.cmpi slt, %rem3A_447, %lt3A : i32
      %lt3A_451 = arith.constant 0 : i32
      %lt3A_452 = arith.cmpi slt, %select_n3A_446, %lt3A_451 : i32
      %ne3A_453 = arith.xori %lt3A_450, %lt3A_452 : i1
      %and3A_454 = arith.andi %ne3A_453, %ne3A_449 : i1
      %add3A_455 = arith.addi %rem3A_447, %select_n3A_446 : i32
      %select_n3A_456 = arith.select %and3A_454, %add3A_455, %rem3A_447 : i32
      %mul3A_457 = arith.constant 16 : i32
      %mul3A_458 = arith.muli %select_n3A_456, %mul3A_457 : i32
      %swap3A = arith.constant 0 : i32
      %swap3A_459 = arith.index_cast %swap3A : i32 to index
      %swap3A_460 = arith.index_cast %select_n3A : i32 to index
      %swap3A_461 = arith.index_cast %mul3A_458 : i32 to index
      %swap3A_462 = tpu.vector_load %arg6[%swap3A_459, %swap3A_460, %swap3A_461] {strides = array<i32>} : memref<4x64x128xf32, #tpu.memory_space<vmem>>, vector<1x1x16xf32>,
      %swap3A_463 = vector.shape_cast %swap3A_462 : vector<1x1x16xf32> to vector<16xf32>
      %swap3A_464 = vector.shape_cast %broadcast_in_dim3A_0 : vector<16xf32> to vector<1x1x16xf32>
      tpu.vector_store %arg6[%swap3A_459, %swap3A_460, %swap3A_461], %swap3A_464 {strides = array<i32>} : memref<4x64x128xf32, #tpu.memory_space<vmem>>, vector<1x1x16xf32>,
      %scan3A_465 = arith.constant 0 : i32
      scf.yield %scan3A_465 : i32
    }
    %scan3A_6 = arith.constant 512 : i32
    %mul3A = arith.constant 640 : i32
    %mul3A_7 = arith.muli %arg1, %mul3A : i32
    %add3A = arith.constant 0 : i32
    %add3A_8 = arith.addi %mul3A_7, %add3A : i32
    %run_scoped3A = arith.constant 0 : i32
    "tpu.region"() ({
      %run_scoped3A_425 = tpu.sem_alloc : memref<!tpu.dma_semaphore, #tpu.memory_space<semaphore_mem>>
      %dma_start3A_426 = arith.constant 0 : i32
      %dma_start3A_427 = arith.constant 0 : i32
      %dma_start3A_428 = tpu.memref_slice %arg6[%run_scoped3A, %dma_start3A_426, %dma_start3A_427] : memref<4x64x128xf32, #tpu.memory_space<vmem>> -> memref<1x64x128xf32, #tpu.memory_space<vmem>>
      %dma_start3A_429 = tpu.memref_squeeze %dma_start3A_428 : memref<1x64x128xf32, #tpu.memory_space<vmem>> -> memref<64x128xf32, #tpu.memory_space<vmem>>
      %dma_start3A_430 = arith.constant 0 : i32
      %dma_start3A_431 = tpu.memref_slice %arg7[%add3A_8, %dma_start3A_430] : memref<10240x128xf32, #tpu.memory_space<vmem_shared>> -> memref<64x128xf32, #tpu.memory_space<vmem_shared>>
      %dma_start3A_432 = arith.constant 0 : i32
      %dma_start3A_433 = tpu.memref_slice %arg7[%add3A_8, %dma_start3A_432] : memref<10240x128xf32, #tpu.memory_space<vmem_shared>> -> memref<64x128xf32, #tpu.memory_space<vmem_shared>>
      %dma_start3A_434 = arith.constant 0 : i32
      %dma_start3A_435 = arith.constant 0 : i32
      %dma_start3A_436 = tpu.memref_slice %arg6[%run_scoped3A, %dma_start3A_434, %dma_start3A_435] : memref<4x64x128xf32, #tpu.memory_space<vmem>> -> memref<1x64x128xf32, #tpu.memory_space<vmem>>
      %dma_start3A_437 = tpu.memref_squeeze %dma_start3A_436 : memref<1x64x128xf32, #tpu.memory_space<vmem>> -> memref<64x128xf32, #tpu.memory_space<vmem>>
      tpu.enqueue_dma source(%dma_start3A_437 : memref<64x128xf32, #tpu.memory_space<vmem>>) target(%dma_start3A_433 : memref<64x128xf32, #tpu.memory_space<vmem_shared>>) target_semaphore(%run_scoped3A_425 : memref<!tpu.dma_semaphore, #tpu.memory_space<semaphore_mem>>)
      %dma_wait3A_438 = arith.constant 0 : i32
      %dma_wait3A_439 = arith.constant 0 : i32
      %dma_wait3A_440 = tpu.memref_slice %arg6[%run_scoped3A, %dma_wait3A_438, %dma_wait3A_439] : memref<4x64x128xf32, #tpu.memory_space<vmem>> -> memref<1x64x128xf32, #tpu.memory_space<vmem>>
      %dma_wait3A_441 = tpu.memref_squeeze %dma_wait3A_440 : memref<1x64x128xf32, #tpu.memory_space<vmem>> -> memref<64x128xf32, #tpu.memory_space<vmem>>
      %dma_wait3A_442 = arith.constant 0 : i32
      %dma_wait3A_443 = tpu.memref_slice %arg7[%add3A_8, %dma_wait3A_442] : memref<10240x128xf32, #tpu.memory_space<vmem_shared>> -> memref<64x128xf32, #tpu.memory_space<vmem_shared>>
      %dma_wait3A_444 = arith.constant 0 : i32
      %dma_wait3A_445 = tpu.memref_slice %arg7[%add3A_8, %dma_wait3A_444] : memref<10240x128xf32, #tpu.memory_space<vmem_shared>> -> memref<64x128xf32, #tpu.memory_space<vmem_shared>>
      %dma_wait3A_446 = arith.constant 0 : i32
      %dma_wait3A_447 = arith.constant 0 : i32
      %dma_wait3A_448 = tpu.memref_slice %arg6[%run_scoped3A, %dma_wait3A_446, %dma_wait3A_447] : memref<4x64x128xf32, #tpu.memory_space<vmem>> -> memref<1x64x128xf32, #tpu.memory_space<vmem>>
      %dma_wait3A_449 = tpu.memref_squeeze %dma_wait3A_448 : memref<1x64x128xf32, #tpu.memory_space<vmem>> -> memref<64x128xf32, #tpu.memory_space<vmem>>
      tpu.wait_dma2 semaphore(%run_scoped3A_425 : memref<!tpu.dma_semaphore, #tpu.memory_space<semaphore_mem>>) src(%dma_wait3A_449 : memref<64x128xf32, #tpu.memory_space<vmem>>) dst(%dma_wait3A_445 : memref<64x128xf32, #tpu.memory_space<vmem_shared>>)
      tpu.yield
    }) : () -> ()
    %mul3A_9 = arith.constant 640 : i32
    %mul3A_10 = arith.muli %arg1, %mul3A_9 : i32
    %add3A_11 = arith.constant 64 : i32
    %add3A_12 = arith.addi %mul3A_10, %add3A_11 : i32
    %run_scoped3A_13 = arith.constant 0 : i32
    "tpu.region"() ({
      %run_scoped3A_425 = tpu.sem_alloc : memref<!tpu.dma_semaphore, #tpu.memory_space<semaphore_mem>>
      %dma_start3A_426 = arith.constant 0 : i32
      %dma_start3A_427 = arith.constant 0 : i32
      %dma_start3A_428 = tpu.memref_slice %arg6[%run_scoped3A_13, %dma_start3A_426, %dma_start3A_427] : memref<4x64x128xf32, #tpu.memory_space<vmem>> -> memref<1x64x128xf32, #tpu.memory_space<vmem>>
      %dma_start3A_429 = tpu.memref_squeeze %dma_start3A_428 : memref<1x64x128xf32, #tpu.memory_space<vmem>> -> memref<64x128xf32, #tpu.memory_space<vmem>>
      %dma_start3A_430 = arith.constant 0 : i32
      %dma_start3A_431 = tpu.memref_slice %arg7[%add3A_12, %dma_start3A_430] : memref<10240x128xf32, #tpu.memory_space<vmem_shared>> -> memref<64x128xf32, #tpu.memory_space<vmem_shared>>
      %dma_start3A_432 = arith.constant 0 : i32
      %dma_start3A_433 = tpu.memref_slice %arg7[%add3A_12, %dma_start3A_432] : memref<10240x128xf32, #tpu.memory_space<vmem_shared>> -> memref<64x128xf32, #tpu.memory_space<vmem_shared>>
      %dma_start3A_434 = arith.constant 0 : i32
      %dma_start3A_435 = arith.constant 0 : i32
      %dma_start3A_436 = tpu.memref_slice %arg6[%run_scoped3A_13, %dma_start3A_434, %dma_start3A_435] : memref<4x64x128xf32, #tpu.memory_space<vmem>> -> memref<1x64x128xf32, #tpu.memory_space<vmem>>
      %dma_start3A_437 = tpu.memref_squeeze %dma_start3A_436 : memref<1x64x128xf32, #tpu.memory_space<vmem>> -> memref<64x128xf32, #tpu.memory_space<vmem>>
      tpu.enqueue_dma source(%dma_start3A_437 : memref<64x128xf32, #tpu.memory_space<vmem>>) target(%dma_start3A_433 : memref<64x128xf32, #tpu.memory_space<vmem_shared>>) target_semaphore(%run_scoped3A_425 : memref<!tpu.dma_semaphore, #tpu.memory_space<semaphore_mem>>)
      %dma_wait3A_438 = arith.constant 0 : i32
      %dma_wait3A_439 = arith.constant 0 : i32
      %dma_wait3A_440 = tpu.memref_slice %arg6[%run_scoped3A_13, %dma_wait3A_438, %dma_wait3A_439] : memref<4x64x128xf32, #tpu.memory_space<vmem>> -> memref<1x64x128xf32, #tpu.memory_space<vmem>>
      %dma_wait3A_441 = tpu.memref_squeeze %dma_wait3A_440 : memref<1x64x128xf32, #tpu.memory_space<vmem>> -> memref<64x128xf32, #tpu.memory_space<vmem>>
      %dma_wait3A_442 = arith.constant 0 : i32
      %dma_wait3A_443 = tpu.memref_slice %arg7[%add3A_12, %dma_wait3A_442] : memref<10240x128xf32, #tpu.memory_space<vmem_shared>> -> memref<64x128xf32, #tpu.memory_space<vmem_shared>>
      %dma_wait3A_444 = arith.constant 0 : i32
      %dma_wait3A_445 = tpu.memref_slice %arg7[%add3A_12, %dma_wait3A_444] : memref<10240x128xf32, #tpu.memory_space<vmem_shared>> -> memref<64x128xf32, #tpu.memory_space<vmem_shared>>
      %dma_wait3A_446 = arith.constant 0 : i32
      %dma_wait3A_447 = arith.constant 0 : i32
      %dma_wait3A_448 = tpu.memref_slice %arg6[%run_scoped3A_13, %dma_wait3A_446, %dma_wait3A_447] : memref<4x64x128xf32, #tpu.memory_space<vmem>> -> memref<1x64x128xf32, #tpu.memory_space<vmem>>
      %dma_wait3A_449 = tpu.memref_squeeze %dma_wait3A_448 : memref<1x64x128xf32, #tpu.memory_space<vmem>> -> memref<64x128xf32, #tpu.memory_space<vmem>>
      tpu.wait_dma2 semaphore(%run_scoped3A_425 : memref<!tpu.dma_semaphore, #tpu.memory_space<semaphore_mem>>) src(%dma_wait3A_449 : memref<64x128xf32, #tpu.memory_space<vmem>>) dst(%dma_wait3A_445 : memref<64x128xf32, #tpu.memory_space<vmem_shared>>)
      tpu.yield
    }) : () -> ()
    %mul3A_14 = arith.constant 640 : i32
    %mul3A_15 = arith.muli %arg1, %mul3A_14 : i32
    %add3A_16 = arith.constant 128 : i32
    %add3A_17 = arith.addi %mul3A_15, %add3A_16 : i32
    %run_scoped3A_18 = arith.constant 0 : i32
    "tpu.region"() ({
      %run_scoped3A_425 = tpu.sem_alloc : memref<!tpu.dma_semaphore, #tpu.memory_space<semaphore_mem>>
      %dma_start3A_426 = arith.constant 0 : i32
      %dma_start3A_427 = arith.constant 0 : i32
      %dma_start3A_428 = tpu.memref_slice %arg6[%run_scoped3A_18, %dma_start3A_426, %dma_start3A_427] : memref<4x64x128xf32, #tpu.memory_space<vmem>> -> memref<1x64x128xf32, #tpu.memory_space<vmem>>
      %dma_start3A_429 = tpu.memref_squeeze %dma_start3A_428 : memref<1x64x128xf32, #tpu.memory_space<vmem>> -> memref<64x128xf32, #tpu.memory_space<vmem>>
      %dma_start3A_430 = arith.constant 0 : i32
      %dma_start3A_431 = tpu.memref_slice %arg7[%add3A_17, %dma_start3A_430] : memref<10240x128xf32, #tpu.memory_space<vmem_shared>> -> memref<64x128xf32, #tpu.memory_space<vmem_shared>>
      %dma_start3A_432 = arith.constant 0 : i32
      %dma_start3A_433 = tpu.memref_slice %arg7[%add3A_17, %dma_start3A_432] : memref<10240x128xf32, #tpu.memory_space<vmem_shared>> -> memref<64x128xf32, #tpu.memory_space<vmem_shared>>
      %dma_start3A_434 = arith.constant 0 : i32
      %dma_start3A_435 = arith.constant 0 : i32
      %dma_start3A_436 = tpu.memref_slice %arg6[%run_scoped3A_18, %dma_start3A_434, %dma_start3A_435] : memref<4x64x128xf32, #tpu.memory_space<vmem>> -> memref<1x64x128xf32, #tpu.memory_space<vmem>>
      %dma_start3A_437 = tpu.memref_squeeze %dma_start3A_436 : memref<1x64x128xf32, #tpu.memory_space<vmem>> -> memref<64x128xf32, #tpu.memory_space<vmem>>
      tpu.enqueue_dma source(%dma_start3A_437 : memref<64x128xf32, #tpu.memory_space<vmem>>) target(%dma_start3A_433 : memref<64x128xf32, #tpu.memory_space<vmem_shared>>) target_semaphore(%run_scoped3A_425 : memref<!tpu.dma_semaphore, #tpu.memory_space<semaphore_mem>>)
      %dma_wait3A_438 = arith.constant 0 : i32
      %dma_wait3A_439 = arith.constant 0 : i32
      %dma_wait3A_440 = tpu.memref_slice %arg6[%run_scoped3A_18, %dma_wait3A_438, %dma_wait3A_439] : memref<4x64x128xf32, #tpu.memory_space<vmem>> -> memref<1x64x128xf32, #tpu.memory_space<vmem>>
      %dma_wait3A_441 = tpu.memref_squeeze %dma_wait3A_440 : memref<1x64x128xf32, #tpu.memory_space<vmem>> -> memref<64x128xf32, #tpu.memory_space<vmem>>
      %dma_wait3A_442 = arith.constant 0 : i32
      %dma_wait3A_443 = tpu.memref_slice %arg7[%add3A_17, %dma_wait3A_442] : memref<10240x128xf32, #tpu.memory_space<vmem_shared>> -> memref<64x128xf32, #tpu.memory_space<vmem_shared>>
      %dma_wait3A_444 = arith.constant 0 : i32
      %dma_wait3A_445 = tpu.memref_slice %arg7[%add3A_17, %dma_wait3A_444] : memref<10240x128xf32, #tpu.memory_space<vmem_shared>> -> memref<64x128xf32, #tpu.memory_space<vmem_shared>>
      %dma_wait3A_446 = arith.constant 0 : i32
      %dma_wait3A_447 = arith.constant 0 : i32
      %dma_wait3A_448 = tpu.memref_slice %arg6[%run_scoped3A_18, %dma_wait3A_446, %dma_wait3A_447] : memref<4x64x128xf32, #tpu.memory_space<vmem>> -> memref<1x64x128xf32, #tpu.memory_space<vmem>>
      %dma_wait3A_449 = tpu.memref_squeeze %dma_wait3A_448 : memref<1x64x128xf32, #tpu.memory_space<vmem>> -> memref<64x128xf32, #tpu.memory_space<vmem>>
      tpu.wait_dma2 semaphore(%run_scoped3A_425 : memref<!tpu.dma_semaphore, #tpu.memory_space<semaphore_mem>>) src(%dma_wait3A_449 : memref<64x128xf32, #tpu.memory_space<vmem>>) dst(%dma_wait3A_445 : memref<64x128xf32, #tpu.memory_space<vmem_shared>>)
      tpu.yield
    }) : () -> ()
    %mul3A_19 = arith.constant 640 : i32
    %mul3A_20 = arith.muli %arg1, %mul3A_19 : i32
    %add3A_21 = arith.constant 192 : i32
    %add3A_22 = arith.addi %mul3A_20, %add3A_21 : i32
    %run_scoped3A_23 = arith.constant 0 : i32
    "tpu.region"() ({
      %run_scoped3A_425 = tpu.sem_alloc : memref<!tpu.dma_semaphore, #tpu.memory_space<semaphore_mem>>
      %dma_start3A_426 = arith.constant 0 : i32
      %dma_start3A_427 = arith.constant 0 : i32
      %dma_start3A_428 = tpu.memref_slice %arg6[%run_scoped3A_23, %dma_start3A_426, %dma_start3A_427] : memref<4x64x128xf32, #tpu.memory_space<vmem>> -> memref<1x64x128xf32, #tpu.memory_space<vmem>>
      %dma_start3A_429 = tpu.memref_squeeze %dma_start3A_428 : memref<1x64x128xf32, #tpu.memory_space<vmem>> -> memref<64x128xf32, #tpu.memory_space<vmem>>
      %dma_start3A_430 = arith.constant 0 : i32
      %dma_start3A_431 = tpu.memref_slice %arg7[%add3A_22, %dma_start3A_430] : memref<10240x128xf32, #tpu.memory_space<vmem_shared>> -> memref<64x128xf32, #tpu.memory_space<vmem_shared>>
      %dma_start3A_432 = arith.constant 0 : i32
      %dma_start3A_433 = tpu.memref_slice %arg7[%add3A_22, %dma_start3A_432] : memref<10240x128xf32, #tpu.memory_space<vmem_shared>> -> memref<64x128xf32, #tpu.memory_space<vmem_shared>>
      %dma_start3A_434 = arith.constant 0 : i32
      %dma_start3A_435 = arith.constant 0 : i32
      %dma_start3A_436 = tpu.memref_slice %arg6[%run_scoped3A_23, %dma_start3A_434, %dma_start3A_435] : memref<4x64x128xf32, #tpu.memory_space<vmem>> -> memref<1x64x128xf32, #tpu.memory_space<vmem>>
      %dma_start3A_437 = tpu.memref_squeeze %dma_start3A_436 : memref<1x64x128xf32, #tpu.memory_space<vmem>> -> memref<64x128xf32, #tpu.memory_space<vmem>>
      tpu.enqueue_dma source(%dma_start3A_437 : memref<64x128xf32, #tpu.memory_space<vmem>>) target(%dma_start3A_433 : memref<64x128xf32, #tpu.memory_space<vmem_shared>>) target_semaphore(%run_scoped3A_425 : memref<!tpu.dma_semaphore, #tpu.memory_space<semaphore_mem>>)
      %dma_wait3A_438 = arith.constant 0 : i32
      %dma_wait3A_439 = arith.constant 0 : i32
      %dma_wait3A_440 = tpu.memref_slice %arg6[%run_scoped3A_23, %dma_wait3A_438, %dma_wait3A_439] : memref<4x64x128xf32, #tpu.memory_space<vmem>> -> memref<1x64x128xf32, #tpu.memory_space<vmem>>
      %dma_wait3A_441 = tpu.memref_squeeze %dma_wait3A_440 : memref<1x64x128xf32, #tpu.memory_space<vmem>> -> memref<64x128xf32, #tpu.memory_space<vmem>>
      %dma_wait3A_442 = arith.constant 0 : i32
      %dma_wait3A_443 = tpu.memref_slice %arg7[%add3A_22, %dma_wait3A_442] : memref<10240x128xf32, #tpu.memory_space<vmem_shared>> -> memref<64x128xf32, #tpu.memory_space<vmem_shared>>
      %dma_wait3A_444 = arith.constant 0 : i32
      %dma_wait3A_445 = tpu.memref_slice %arg7[%add3A_22, %dma_wait3A_444] : memref<10240x128xf32, #tpu.memory_space<vmem_shared>> -> memref<64x128xf32, #tpu.memory_space<vmem_shared>>
      %dma_wait3A_446 = arith.constant 0 : i32
      %dma_wait3A_447 = arith.constant 0 : i32
      %dma_wait3A_448 = tpu.memref_slice %arg6[%run_scoped3A_23, %dma_wait3A_446, %dma_wait3A_447] : memref<4x64x128xf32, #tpu.memory_space<vmem>> -> memref<1x64x128xf32, #tpu.memory_space<vmem>>
      %dma_wait3A_449 = tpu.memref_squeeze %dma_wait3A_448 : memref<1x64x128xf32, #tpu.memory_space<vmem>> -> memref<64x128xf32, #tpu.memory_space<vmem>>
      tpu.wait_dma2 semaphore(%run_scoped3A_425 : memref<!tpu.dma_semaphore, #tpu.memory_space<semaphore_mem>>) src(%dma_wait3A_449 : memref<64x128xf32, #tpu.memory_space<vmem>>) dst(%dma_wait3A_445 : memref<64x128xf32, #tpu.memory_space<vmem_shared>>)
      tpu.yield
    }) : () -> ()
    %mul3A_24 = arith.constant 640 : i32
    %mul3A_25 = arith.muli %arg1, %mul3A_24 : i32
    %add3A_26 = arith.constant 256 : i32
    %add3A_27 = arith.addi %mul3A_25, %add3A_26 : i32
    %run_scoped3A_28 = arith.constant 0 : i32
    "tpu.region"() ({
      %run_scoped3A_425 = tpu.sem_alloc : memref<!tpu.dma_semaphore, #tpu.memory_space<semaphore_mem>>
      %dma_start3A_426 = arith.constant 0 : i32
      %dma_start3A_427 = arith.constant 0 : i32
      %dma_start3A_428 = tpu.memref_slice %arg6[%run_scoped3A_28, %dma_start3A_426, %dma_start3A_427] : memref<4x64x128xf32, #tpu.memory_space<vmem>> -> memref<1x64x128xf32, #tpu.memory_space<vmem>>
      %dma_start3A_429 = tpu.memref_squeeze %dma_start3A_428 : memref<1x64x128xf32, #tpu.memory_space<vmem>> -> memref<64x128xf32, #tpu.memory_space<vmem>>
      %dma_start3A_430 = arith.constant 0 : i32
      %dma_start3A_431 = tpu.memref_slice %arg7[%add3A_27, %dma_start3A_430] : memref<10240x128xf32, #tpu.memory_space<vmem_shared>> -> memref<64x128xf32, #tpu.memory_space<vmem_shared>>
      %dma_start3A_432 = arith.constant 0 : i32
      %dma_start3A_433 = tpu.memref_slice %arg7[%add3A_27, %dma_start3A_432] : memref<10240x128xf32, #tpu.memory_space<vmem_shared>> -> memref<64x128xf32, #tpu.memory_space<vmem_shared>>
      %dma_start3A_434 = arith.constant 0 : i32
      %dma_start3A_435 = arith.constant 0 : i32
      %dma_start3A_436 = tpu.memref_slice %arg6[%run_scoped3A_28, %dma_start3A_434, %dma_start3A_435] : memref<4x64x128xf32, #tpu.memory_space<vmem>> -> memref<1x64x128xf32, #tpu.memory_space<vmem>>
      %dma_start3A_437 = tpu.memref_squeeze %dma_start3A_436 : memref<1x64x128xf32, #tpu.memory_space<vmem>> -> memref<64x128xf32, #tpu.memory_space<vmem>>
      tpu.enqueue_dma source(%dma_start3A_437 : memref<64x128xf32, #tpu.memory_space<vmem>>) target(%dma_start3A_433 : memref<64x128xf32, #tpu.memory_space<vmem_shared>>) target_semaphore(%run_scoped3A_425 : memref<!tpu.dma_semaphore, #tpu.memory_space<semaphore_mem>>)
      %dma_wait3A_438 = arith.constant 0 : i32
      %dma_wait3A_439 = arith.constant 0 : i32
      %dma_wait3A_440 = tpu.memref_slice %arg6[%run_scoped3A_28, %dma_wait3A_438, %dma_wait3A_439] : memref<4x64x128xf32, #tpu.memory_space<vmem>> -> memref<1x64x128xf32, #tpu.memory_space<vmem>>
      %dma_wait3A_441 = tpu.memref_squeeze %dma_wait3A_440 : memref<1x64x128xf32, #tpu.memory_space<vmem>> -> memref<64x128xf32, #tpu.memory_space<vmem>>
      %dma_wait3A_442 = arith.constant 0 : i32
      %dma_wait3A_443 = tpu.memref_slice %arg7[%add3A_27, %dma_wait3A_442] : memref<10240x128xf32, #tpu.memory_space<vmem_shared>> -> memref<64x128xf32, #tpu.memory_space<vmem_shared>>
      %dma_wait3A_444 = arith.constant 0 : i32
      %dma_wait3A_445 = tpu.memref_slice %arg7[%add3A_27, %dma_wait3A_444] : memref<10240x128xf32, #tpu.memory_space<vmem_shared>> -> memref<64x128xf32, #tpu.memory_space<vmem_shared>>
      %dma_wait3A_446 = arith.constant 0 : i32
      %dma_wait3A_447 = arith.constant 0 : i32
      %dma_wait3A_448 = tpu.memref_slice %arg6[%run_scoped3A_28, %dma_wait3A_446, %dma_wait3A_447] : memref<4x64x128xf32, #tpu.memory_space<vmem>> -> memref<1x64x128xf32, #tpu.memory_space<vmem>>
      %dma_wait3A_449 = tpu.memref_squeeze %dma_wait3A_448 : memref<1x64x128xf32, #tpu.memory_space<vmem>> -> memref<64x128xf32, #tpu.memory_space<vmem>>
      tpu.wait_dma2 semaphore(%run_scoped3A_425 : memref<!tpu.dma_semaphore, #tpu.memory_space<semaphore_mem>>) src(%dma_wait3A_449 : memref<64x128xf32, #tpu.memory_space<vmem>>) dst(%dma_wait3A_445 : memref<64x128xf32, #tpu.memory_space<vmem_shared>>)
      tpu.yield
    }) : () -> ()
    %mul3A_29 = arith.constant 640 : i32
    %mul3A_30 = arith.muli %arg1, %mul3A_29 : i32
    %add3A_31 = arith.constant 320 : i32
    %add3A_32 = arith.addi %mul3A_30, %add3A_31 : i32
    %run_scoped3A_33 = arith.constant 0 : i32
    "tpu.region"() ({
      %run_scoped3A_425 = tpu.sem_alloc : memref<!tpu.dma_semaphore, #tpu.memory_space<semaphore_mem>>
      %dma_start3A_426 = arith.constant 0 : i32
      %dma_start3A_427 = arith.constant 0 : i32
      %dma_start3A_428 = tpu.memref_slice %arg6[%run_scoped3A_33, %dma_start3A_426, %dma_start3A_427] : memref<4x64x128xf32, #tpu.memory_space<vmem>> -> memref<1x64x128xf32, #tpu.memory_space<vmem>>
      %dma_start3A_429 = tpu.memref_squeeze %dma_start3A_428 : memref<1x64x128xf32, #tpu.memory_space<vmem>> -> memref<64x128xf32, #tpu.memory_space<vmem>>
      %dma_start3A_430 = arith.constant 0 : i32
      %dma_start3A_431 = tpu.memref_slice %arg7[%add3A_32, %dma_start3A_430] : memref<10240x128xf32, #tpu.memory_space<vmem_shared>> -> memref<64x128xf32, #tpu.memory_space<vmem_shared>>
      %dma_start3A_432 = arith.constant 0 : i32
      %dma_start3A_433 = tpu.memref_slice %arg7[%add3A_32, %dma_start3A_432] : memref<10240x128xf32, #tpu.memory_space<vmem_shared>> -> memref<64x128xf32, #tpu.memory_space<vmem_shared>>
      %dma_start3A_434 = arith.constant 0 : i32
      %dma_start3A_435 = arith.constant 0 : i32
      %dma_start3A_436 = tpu.memref_slice %arg6[%run_scoped3A_33, %dma_start3A_434, %dma_start3A_435] : memref<4x64x128xf32, #tpu.memory_space<vmem>> -> memref<1x64x128xf32, #tpu.memory_space<vmem>>
      %dma_start3A_437 = tpu.memref_squeeze %dma_start3A_436 : memref<1x64x128xf32, #tpu.memory_space<vmem>> -> memref<64x128xf32, #tpu.memory_space<vmem>>
      tpu.enqueue_dma source(%dma_start3A_437 : memref<64x128xf32, #tpu.memory_space<vmem>>) target(%dma_start3A_433 : memref<64x128xf32, #tpu.memory_space<vmem_shared>>) target_semaphore(%run_scoped3A_425 : memref<!tpu.dma_semaphore, #tpu.memory_space<semaphore_mem>>)
      %dma_wait3A_438 = arith.constant 0 : i32
      %dma_wait3A_439 = arith.constant 0 : i32
      %dma_wait3A_440 = tpu.memref_slice %arg6[%run_scoped3A_33, %dma_wait3A_438, %dma_wait3A_439] : memref<4x64x128xf32, #tpu.memory_space<vmem>> -> memref<1x64x128xf32, #tpu.memory_space<vmem>>
      %dma_wait3A_441 = tpu.memref_squeeze %dma_wait3A_440 : memref<1x64x128xf32, #tpu.memory_space<vmem>> -> memref<64x128xf32, #tpu.memory_space<vmem>>
      %dma_wait3A_442 = arith.constant 0 : i32
      %dma_wait3A_443 = tpu.memref_slice %arg7[%add3A_32, %dma_wait3A_442] : memref<10240x128xf32, #tpu.memory_space<vmem_shared>> -> memref<64x128xf32, #tpu.memory_space<vmem_shared>>
      %dma_wait3A_444 = arith.constant 0 : i32
      %dma_wait3A_445 = tpu.memref_slice %arg7[%add3A_32, %dma_wait3A_444] : memref<10240x128xf32, #tpu.memory_space<vmem_shared>> -> memref<64x128xf32, #tpu.memory_space<vmem_shared>>
      %dma_wait3A_446 = arith.constant 0 : i32
      %dma_wait3A_447 = arith.constant 0 : i32
      %dma_wait3A_448 = tpu.memref_slice %arg6[%run_scoped3A_33, %dma_wait3A_446, %dma_wait3A_447] : memref<4x64x128xf32, #tpu.memory_space<vmem>> -> memref<1x64x128xf32, #tpu.memory_space<vmem>>
      %dma_wait3A_449 = tpu.memref_squeeze %dma_wait3A_448 : memref<1x64x128xf32, #tpu.memory_space<vmem>> -> memref<64x128xf32, #tpu.memory_space<vmem>>
      tpu.wait_dma2 semaphore(%run_scoped3A_425 : memref<!tpu.dma_semaphore, #tpu.memory_space<semaphore_mem>>) src(%dma_wait3A_449 : memref<64x128xf32, #tpu.memory_space<vmem>>) dst(%dma_wait3A_445 : memref<64x128xf32, #tpu.memory_space<vmem_shared>>)
      tpu.yield
    }) : () -> ()
    %mul3A_34 = arith.constant 640 : i32
    %mul3A_35 = arith.muli %arg1, %mul3A_34 : i32
    %add3A_36 = arith.constant 384 : i32
    %add3A_37 = arith.addi %mul3A_35, %add3A_36 : i32
    %run_scoped3A_38 = arith.constant 0 : i32
    "tpu.region"() ({
      %run_scoped3A_425 = tpu.sem_alloc : memref<!tpu.dma_semaphore, #tpu.memory_space<semaphore_mem>>
      %dma_start3A_426 = arith.constant 0 : i32
      %dma_start3A_427 = arith.constant 0 : i32
      %dma_start3A_428 = tpu.memref_slice %arg6[%run_scoped3A_38, %dma_start3A_426, %dma_start3A_427] : memref<4x64x128xf32, #tpu.memory_space<vmem>> -> memref<1x64x128xf32, #tpu.memory_space<vmem>>
      %dma_start3A_429 = tpu.memref_squeeze %dma_start3A_428 : memref<1x64x128xf32, #tpu.memory_space<vmem>> -> memref<64x128xf32, #tpu.memory_space<vmem>>
      %dma_start3A_430 = arith.constant 0 : i32
      %dma_start3A_431 = tpu.memref_slice %arg7[%add3A_37, %dma_start3A_430] : memref<10240x128xf32, #tpu.memory_space<vmem_shared>> -> memref<64x128xf32, #tpu.memory_space<vmem_shared>>
      %dma_start3A_432 = arith.constant 0 : i32
      %dma_start3A_433 = tpu.memref_slice %arg7[%add3A_37, %dma_start3A_432] : memref<10240x128xf32, #tpu.memory_space<vmem_shared>> -> memref<64x128xf32, #tpu.memory_space<vmem_shared>>
      %dma_start3A_434 = arith.constant 0 : i32
      %dma_start3A_435 = arith.constant 0 : i32
      %dma_start3A_436 = tpu.memref_slice %arg6[%run_scoped3A_38, %dma_start3A_434, %dma_start3A_435] : memref<4x64x128xf32, #tpu.memory_space<vmem>> -> memref<1x64x128xf32, #tpu.memory_space<vmem>>
      %dma_start3A_437 = tpu.memref_squeeze %dma_start3A_436 : memref<1x64x128xf32, #tpu.memory_space<vmem>> -> memref<64x128xf32, #tpu.memory_space<vmem>>
      tpu.enqueue_dma source(%dma_start3A_437 : memref<64x128xf32, #tpu.memory_space<vmem>>) target(%dma_start3A_433 : memref<64x128xf32, #tpu.memory_space<vmem_shared>>) target_semaphore(%run_scoped3A_425 : memref<!tpu.dma_semaphore, #tpu.memory_space<semaphore_mem>>)
      %dma_wait3A_438 = arith.constant 0 : i32
      %dma_wait3A_439 = arith.constant 0 : i32
      %dma_wait3A_440 = tpu.memref_slice %arg6[%run_scoped3A_38, %dma_wait3A_438, %dma_wait3A_439] : memref<4x64x128xf32, #tpu.memory_space<vmem>> -> memref<1x64x128xf32, #tpu.memory_space<vmem>>
      %dma_wait3A_441 = tpu.memref_squeeze %dma_wait3A_440 : memref<1x64x128xf32, #tpu.memory_space<vmem>> -> memref<64x128xf32, #tpu.memory_space<vmem>>
      %dma_wait3A_442 = arith.constant 0 : i32
      %dma_wait3A_443 = tpu.memref_slice %arg7[%add3A_37, %dma_wait3A_442] : memref<10240x128xf32, #tpu.memory_space<vmem_shared>> -> memref<64x128xf32, #tpu.memory_space<vmem_shared>>
      %dma_wait3A_444 = arith.constant 0 : i32
      %dma_wait3A_445 = tpu.memref_slice %arg7[%add3A_37, %dma_wait3A_444] : memref<10240x128xf32, #tpu.memory_space<vmem_shared>> -> memref<64x128xf32, #tpu.memory_space<vmem_shared>>
      %dma_wait3A_446 = arith.constant 0 : i32
      %dma_wait3A_447 = arith.constant 0 : i32
      %dma_wait3A_448 = tpu.memref_slice %arg6[%run_scoped3A_38, %dma_wait3A_446, %dma_wait3A_447] : memref<4x64x128xf32, #tpu.memory_space<vmem>> -> memref<1x64x128xf32, #tpu.memory_space<vmem>>
      %dma_wait3A_449 = tpu.memref_squeeze %dma_wait3A_448 : memref<1x64x128xf32, #tpu.memory_space<vmem>> -> memref<64x128xf32, #tpu.memory_space<vmem>>
      tpu.wait_dma2 semaphore(%run_scoped3A_425 : memref<!tpu.dma_semaphore, #tpu.memory_space<semaphore_mem>>) src(%dma_wait3A_449 : memref<64x128xf32, #tpu.memory_space<vmem>>) dst(%dma_wait3A_445 : memref<64x128xf32, #tpu.memory_space<vmem_shared>>)
      tpu.yield
    }) : () -> ()
    %mul3A_39 = arith.constant 640 : i32
    %mul3A_40 = arith.muli %arg1, %mul3A_39 : i32
    %add3A_41 = arith.constant 448 : i32
    %add3A_42 = arith.addi %mul3A_40, %add3A_41 : i32
    %run_scoped3A_43 = arith.constant 0 : i32
    "tpu.region"() ({
      %run_scoped3A_425 = tpu.sem_alloc : memref<!tpu.dma_semaphore, #tpu.memory_space<semaphore_mem>>
      %dma_start3A_426 = arith.constant 0 : i32
      %dma_start3A_427 = arith.constant 0 : i32
      %dma_start3A_428 = tpu.memref_slice %arg6[%run_scoped3A_43, %dma_start3A_426, %dma_start3A_427] : memref<4x64x128xf32, #tpu.memory_space<vmem>> -> memref<1x64x128xf32, #tpu.memory_space<vmem>>
      %dma_start3A_429 = tpu.memref_squeeze %dma_start3A_428 : memref<1x64x128xf32, #tpu.memory_space<vmem>> -> memref<64x128xf32, #tpu.memory_space<vmem>>
      %dma_start3A_430 = arith.constant 0 : i32
      %dma_start3A_431 = tpu.memref_slice %arg7[%add3A_42, %dma_start3A_430] : memref<10240x128xf32, #tpu.memory_space<vmem_shared>> -> memref<64x128xf32, #tpu.memory_space<vmem_shared>>
      %dma_start3A_432 = arith.constant 0 : i32
      %dma_start3A_433 = tpu.memref_slice %arg7[%add3A_42, %dma_start3A_432] : memref<10240x128xf32, #tpu.memory_space<vmem_shared>> -> memref<64x128xf32, #tpu.memory_space<vmem_shared>>
      %dma_start3A_434 = arith.constant 0 : i32
      %dma_start3A_435 = arith.constant 0 : i32
      %dma_start3A_436 = tpu.memref_slice %arg6[%run_scoped3A_43, %dma_start3A_434, %dma_start3A_435] : memref<4x64x128xf32, #tpu.memory_space<vmem>> -> memref<1x64x128xf32, #tpu.memory_space<vmem>>
      %dma_start3A_437 = tpu.memref_squeeze %dma_start3A_436 : memref<1x64x128xf32, #tpu.memory_space<vmem>> -> memref<64x128xf32, #tpu.memory_space<vmem>>
      tpu.enqueue_dma source(%dma_start3A_437 : memref<64x128xf32, #tpu.memory_space<vmem>>) target(%dma_start3A_433 : memref<64x128xf32, #tpu.memory_space<vmem_shared>>) target_semaphore(%run_scoped3A_425 : memref<!tpu.dma_semaphore, #tpu.memory_space<semaphore_mem>>)
      %dma_wait3A_438 = arith.constant 0 : i32
      %dma_wait3A_439 = arith.constant 0 : i32
      %dma_wait3A_440 = tpu.memref_slice %arg6[%run_scoped3A_43, %dma_wait3A_438, %dma_wait3A_439] : memref<4x64x128xf32, #tpu.memory_space<vmem>> -> memref<1x64x128xf32, #tpu.memory_space<vmem>>
      %dma_wait3A_441 = tpu.memref_squeeze %dma_wait3A_440 : memref<1x64x128xf32, #tpu.memory_space<vmem>> -> memref<64x128xf32, #tpu.memory_space<vmem>>
      %dma_wait3A_442 = arith.constant 0 : i32
      %dma_wait3A_443 = tpu.memref_slice %arg7[%add3A_42, %dma_wait3A_442] : memref<10240x128xf32, #tpu.memory_space<vmem_shared>> -> memref<64x128xf32, #tpu.memory_space<vmem_shared>>
      %dma_wait3A_444 = arith.constant 0 : i32
      %dma_wait3A_445 = tpu.memref_slice %arg7[%add3A_42, %dma_wait3A_444] : memref<10240x128xf32, #tpu.memory_space<vmem_shared>> -> memref<64x128xf32, #tpu.memory_space<vmem_shared>>
      %dma_wait3A_446 = arith.constant 0 : i32
      %dma_wait3A_447 = arith.constant 0 : i32
      %dma_wait3A_448 = tpu.memref_slice %arg6[%run_scoped3A_43, %dma_wait3A_446, %dma_wait3A_447] : memref<4x64x128xf32, #tpu.memory_space<vmem>> -> memref<1x64x128xf32, #tpu.memory_space<vmem>>
      %dma_wait3A_449 = tpu.memref_squeeze %dma_wait3A_448 : memref<1x64x128xf32, #tpu.memory_space<vmem>> -> memref<64x128xf32, #tpu.memory_space<vmem>>
      tpu.wait_dma2 semaphore(%run_scoped3A_425 : memref<!tpu.dma_semaphore, #tpu.memory_space<semaphore_mem>>) src(%dma_wait3A_449 : memref<64x128xf32, #tpu.memory_space<vmem>>) dst(%dma_wait3A_445 : memref<64x128xf32, #tpu.memory_space<vmem_shared>>)
      tpu.yield
    }) : () -> ()
    %mul3A_44 = arith.constant 640 : i32
    %mul3A_45 = arith.muli %arg1, %mul3A_44 : i32
    %add3A_46 = arith.constant 512 : i32
    %add3A_47 = arith.addi %mul3A_45, %add3A_46 : i32
    %run_scoped3A_48 = arith.constant 0 : i32
    "tpu.region"() ({
      %run_scoped3A_425 = tpu.sem_alloc : memref<!tpu.dma_semaphore, #tpu.memory_space<semaphore_mem>>
      %dma_start3A_426 = arith.constant 0 : i32
      %dma_start3A_427 = arith.constant 0 : i32
      %dma_start3A_428 = tpu.memref_slice %arg6[%run_scoped3A_48, %dma_start3A_426, %dma_start3A_427] : memref<4x64x128xf32, #tpu.memory_space<vmem>> -> memref<1x64x128xf32, #tpu.memory_space<vmem>>
      %dma_start3A_429 = tpu.memref_squeeze %dma_start3A_428 : memref<1x64x128xf32, #tpu.memory_space<vmem>> -> memref<64x128xf32, #tpu.memory_space<vmem>>
      %dma_start3A_430 = arith.constant 0 : i32
      %dma_start3A_431 = tpu.memref_slice %arg7[%add3A_47, %dma_start3A_430] : memref<10240x128xf32, #tpu.memory_space<vmem_shared>> -> memref<64x128xf32, #tpu.memory_space<vmem_shared>>
      %dma_start3A_432 = arith.constant 0 : i32
      %dma_start3A_433 = tpu.memref_slice %arg7[%add3A_47, %dma_start3A_432] : memref<10240x128xf32, #tpu.memory_space<vmem_shared>> -> memref<64x128xf32, #tpu.memory_space<vmem_shared>>
      %dma_start3A_434 = arith.constant 0 : i32
      %dma_start3A_435 = arith.constant 0 : i32
      %dma_start3A_436 = tpu.memref_slice %arg6[%run_scoped3A_48, %dma_start3A_434, %dma_start3A_435] : memref<4x64x128xf32, #tpu.memory_space<vmem>> -> memref<1x64x128xf32, #tpu.memory_space<vmem>>
      %dma_start3A_437 = tpu.memref_squeeze %dma_start3A_436 : memref<1x64x128xf32, #tpu.memory_space<vmem>> -> memref<64x128xf32, #tpu.memory_space<vmem>>
      tpu.enqueue_dma source(%dma_start3A_437 : memref<64x128xf32, #tpu.memory_space<vmem>>) target(%dma_start3A_433 : memref<64x128xf32, #tpu.memory_space<vmem_shared>>) target_semaphore(%run_scoped3A_425 : memref<!tpu.dma_semaphore, #tpu.memory_space<semaphore_mem>>)
      %dma_wait3A_438 = arith.constant 0 : i32
      %dma_wait3A_439 = arith.constant 0 : i32
      %dma_wait3A_440 = tpu.memref_slice %arg6[%run_scoped3A_48, %dma_wait3A_438, %dma_wait3A_439] : memref<4x64x128xf32, #tpu.memory_space<vmem>> -> memref<1x64x128xf32, #tpu.memory_space<vmem>>
      %dma_wait3A_441 = tpu.memref_squeeze %dma_wait3A_440 : memref<1x64x128xf32, #tpu.memory_space<vmem>> -> memref<64x128xf32, #tpu.memory_space<vmem>>
      %dma_wait3A_442 = arith.constant 0 : i32
      %dma_wait3A_443 = tpu.memref_slice %arg7[%add3A_47, %dma_wait3A_442] : memref<10240x128xf32, #tpu.memory_space<vmem_shared>> -> memref<64x128xf32, #tpu.memory_space<vmem_shared>>
      %dma_wait3A_444 = arith.constant 0 : i32
      %dma_wait3A_445 = tpu.memref_slice %arg7[%add3A_47, %dma_wait3A_444] : memref<10240x128xf32, #tpu.memory_space<vmem_shared>> -> memref<64x128xf32, #tpu.memory_space<vmem_shared>>
      %dma_wait3A_446 = arith.constant 0 : i32
      %dma_wait3A_447 = arith.constant 0 : i32
      %dma_wait3A_448 = tpu.memref_slice %arg6[%run_scoped3A_48, %dma_wait3A_446, %dma_wait3A_447] : memref<4x64x128xf32, #tpu.memory_space<vmem>> -> memref<1x64x128xf32, #tpu.memory_space<vmem>>
      %dma_wait3A_449 = tpu.memref_squeeze %dma_wait3A_448 : memref<1x64x128xf32, #tpu.memory_space<vmem>> -> memref<64x128xf32, #tpu.memory_space<vmem>>
      tpu.wait_dma2 semaphore(%run_scoped3A_425 : memref<!tpu.dma_semaphore, #tpu.memory_space<semaphore_mem>>) src(%dma_wait3A_449 : memref<64x128xf32, #tpu.memory_space<vmem>>) dst(%dma_wait3A_445 : memref<64x128xf32, #tpu.memory_space<vmem_shared>>)
      tpu.yield
    }) : () -> ()
    %mul3A_49 = arith.constant 640 : i32
    %mul3A_50 = arith.muli %arg1, %mul3A_49 : i32
    %add3A_51 = arith.constant 576 : i32
    %add3A_52 = arith.addi %mul3A_50, %add3A_51 : i32
    %run_scoped3A_53 = arith.constant 0 : i32
    "tpu.region"() ({
      %run_scoped3A_425 = tpu.sem_alloc : memref<!tpu.dma_semaphore, #tpu.memory_space<semaphore_mem>>
      %dma_start3A_426 = arith.constant 0 : i32
      %dma_start3A_427 = arith.constant 0 : i32
      %dma_start3A_428 = tpu.memref_slice %arg6[%run_scoped3A_53, %dma_start3A_426, %dma_start3A_427] : memref<4x64x128xf32, #tpu.memory_space<vmem>> -> memref<1x64x128xf32, #tpu.memory_space<vmem>>
      %dma_start3A_429 = tpu.memref_squeeze %dma_start3A_428 : memref<1x64x128xf32, #tpu.memory_space<vmem>> -> memref<64x128xf32, #tpu.memory_space<vmem>>
      %dma_start3A_430 = arith.constant 0 : i32
      %dma_start3A_431 = tpu.memref_slice %arg7[%add3A_52, %dma_start3A_430] : memref<10240x128xf32, #tpu.memory_space<vmem_shared>> -> memref<64x128xf32, #tpu.memory_space<vmem_shared>>
      %dma_start3A_432 = arith.constant 0 : i32
      %dma_start3A_433 = tpu.memref_slice %arg7[%add3A_52, %dma_start3A_432] : memref<10240x128xf32, #tpu.memory_space<vmem_shared>> -> memref<64x128xf32, #tpu.memory_space<vmem_shared>>
      %dma_start3A_434 = arith.constant 0 : i32
      %dma_start3A_435 = arith.constant 0 : i32
      %dma_start3A_436 = tpu.memref_slice %arg6[%run_scoped3A_53, %dma_start3A_434, %dma_start3A_435] : memref<4x64x128xf32, #tpu.memory_space<vmem>> -> memref<1x64x128xf32, #tpu.memory_space<vmem>>
      %dma_start3A_437 = tpu.memref_squeeze %dma_start3A_436 : memref<1x64x128xf32, #tpu.memory_space<vmem>> -> memref<64x128xf32, #tpu.memory_space<vmem>>
      tpu.enqueue_dma source(%dma_start3A_437 : memref<64x128xf32, #tpu.memory_space<vmem>>) target(%dma_start3A_433 : memref<64x128xf32, #tpu.memory_space<vmem_shared>>) target_semaphore(%run_scoped3A_425 : memref<!tpu.dma_semaphore, #tpu.memory_space<semaphore_mem>>)
      %dma_wait3A_438 = arith.constant 0 : i32
      %dma_wait3A_439 = arith.constant 0 : i32
      %dma_wait3A_440 = tpu.memref_slice %arg6[%run_scoped3A_53, %dma_wait3A_438, %dma_wait3A_439] : memref<4x64x128xf32, #tpu.memory_space<vmem>> -> memref<1x64x128xf32, #tpu.memory_space<vmem>>
      %dma_wait3A_441 = tpu.memref_squeeze %dma_wait3A_440 : memref<1x64x128xf32, #tpu.memory_space<vmem>> -> memref<64x128xf32, #tpu.memory_space<vmem>>
      %dma_wait3A_442 = arith.constant 0 : i32
      %dma_wait3A_443 = tpu.memref_slice %arg7[%add3A_52, %dma_wait3A_442] : memref<10240x128xf32, #tpu.memory_space<vmem_shared>> -> memref<64x128xf32, #tpu.memory_space<vmem_shared>>
      %dma_wait3A_444 = arith.constant 0 : i32
      %dma_wait3A_445 = tpu.memref_slice %arg7[%add3A_52, %dma_wait3A_444] : memref<10240x128xf32, #tpu.memory_space<vmem_shared>> -> memref<64x128xf32, #tpu.memory_space<vmem_shared>>
      %dma_wait3A_446 = arith.constant 0 : i32
      %dma_wait3A_447 = arith.constant 0 : i32
      %dma_wait3A_448 = tpu.memref_slice %arg6[%run_scoped3A_53, %dma_wait3A_446, %dma_wait3A_447] : memref<4x64x128xf32, #tpu.memory_space<vmem>> -> memref<1x64x128xf32, #tpu.memory_space<vmem>>
      %dma_wait3A_449 = tpu.memref_squeeze %dma_wait3A_448 : memref<1x64x128xf32, #tpu.memory_space<vmem>> -> memref<64x128xf32, #tpu.memory_space<vmem>>
      tpu.wait_dma2 semaphore(%run_scoped3A_425 : memref<!tpu.dma_semaphore, #tpu.memory_space<semaphore_mem>>) src(%dma_wait3A_449 : memref<64x128xf32, #tpu.memory_space<vmem>>) dst(%dma_wait3A_445 : memref<64x128xf32, #tpu.memory_space<vmem_shared>>)
      tpu.yield
    }) : () -> ()
    %dma_start3A = arith.constant 0 : i32
    %dma_start3A_54 = arith.constant 0 : i32
    %dma_start3A_55 = arith.constant 0 : i32
    %dma_start3A_56 = arith.constant 0 : i32
    %dma_start3A_57 = arith.constant 0 : i32
    %dma_start3A_58 = tpu.memref_slice %arg5[%dma_start3A_54, %dma_start3A_56, %dma_start3A_57] : memref<4x2x64xi32, #tpu.memory_space<vmem>> -> memref<1x2x64xi32, #tpu.memory_space<vmem>>
    %dma_start3A_59 = tpu.memref_squeeze %dma_start3A_58 : memref<1x2x64xi32, #tpu.memory_space<vmem>> -> memref<2x64xi32, #tpu.memory_space<vmem>>
    %dma_start3A_60 = arith.constant 0 : i32
    %dma_start3A_61 = arith.constant 0 : i32
    %dma_start3A_62 = arith.constant 0 : i32
    %dma_start3A_63 = arith.constant 0 : i32
    %dma_start3A_64 = tpu.memref_slice %arg3[%arg0, %dma_start3A_60, %dma_start3A_61, %dma_start3A_62, %dma_start3A_63] : memref<2x16x157x2x64xi32, #tpu.memory_space<hbm>> -> memref<1x16x157x2x64xi32, #tpu.memory_space<hbm>>
    %dma_start3A_65 = tpu.memref_squeeze %dma_start3A_64 : memref<1x16x157x2x64xi32, #tpu.memory_space<hbm>> -> memref<16x157x2x64xi32, #tpu.memory_space<hbm>>
    %dma_start3A_66 = arith.constant 0 : i32
    %dma_start3A_67 = arith.constant 0 : i32
    %dma_start3A_68 = arith.constant 0 : i32
    %dma_start3A_69 = tpu.memref_slice %dma_start3A_65[%arg1, %dma_start3A_66, %dma_start3A_67, %dma_start3A_68] : memref<16x157x2x64xi32, #tpu.memory_space<hbm>> -> memref<1x157x2x64xi32, #tpu.memory_space<hbm>>
    %dma_start3A_70 = tpu.memref_squeeze %dma_start3A_69 : memref<1x157x2x64xi32, #tpu.memory_space<hbm>> -> memref<157x2x64xi32, #tpu.memory_space<hbm>>
    %dma_start3A_71 = arith.constant 0 : i32
    %dma_start3A_72 = arith.constant 0 : i32
    %dma_start3A_73 = tpu.memref_slice %dma_start3A_70[%dma_start3A, %dma_start3A_71, %dma_start3A_72] : memref<157x2x64xi32, #tpu.memory_space<hbm>> -> memref<1x2x64xi32, #tpu.memory_space<hbm>>
    %dma_start3A_74 = tpu.memref_squeeze %dma_start3A_73 : memref<1x2x64xi32, #tpu.memory_space<hbm>> -> memref<2x64xi32, #tpu.memory_space<hbm>>
    %dma_start3A_75 = tpu.memref_slice %arg9[%dma_start3A_55] : memref<4x!tpu.dma_semaphore, #tpu.memory_space<semaphore_mem>> -> memref<1x!tpu.dma_semaphore, #tpu.memory_space<semaphore_mem>>
    %dma_start3A_76 = tpu.memref_squeeze %dma_start3A_75 : memref<1x!tpu.dma_semaphore, #tpu.memory_space<semaphore_mem>> -> memref<!tpu.dma_semaphore, #tpu.memory_space<semaphore_mem>>
    %dma_start3A_77 = arith.constant 0 : i32
    %dma_start3A_78 = arith.constant 0 : i32
    %dma_start3A_79 = tpu.memref_slice %arg5[%dma_start3A_54, %dma_start3A_77, %dma_start3A_78] : memref<4x2x64xi32, #tpu.memory_space<vmem>> -> memref<1x2x64xi32, #tpu.memory_space<vmem>>
    %dma_start3A_80 = tpu.memref_squeeze %dma_start3A_79 : memref<1x2x64xi32, #tpu.memory_space<vmem>> -> memref<2x64xi32, #tpu.memory_space<vmem>>
    %dma_start3A_81 = arith.constant 0 : i32
    %dma_start3A_82 = arith.constant 0 : i32
    %dma_start3A_83 = arith.constant 0 : i32
    %dma_start3A_84 = arith.constant 0 : i32
    %dma_start3A_85 = tpu.memref_slice %arg3[%arg0, %dma_start3A_81, %dma_start3A_82, %dma_start3A_83, %dma_start3A_84] : memref<2x16x157x2x64xi32, #tpu.memory_space<hbm>> -> memref<1x16x157x2x64xi32, #tpu.memory_space<hbm>>
    %dma_start3A_86 = tpu.memref_squeeze %dma_start3A_85 : memref<1x16x157x2x64xi32, #tpu.memory_space<hbm>> -> memref<16x157x2x64xi32, #tpu.memory_space<hbm>>
    %dma_start3A_87 = arith.constant 0 : i32
    %dma_start3A_88 = arith.constant 0 : i32
    %dma_start3A_89 = arith.constant 0 : i32
    %dma_start3A_90 = tpu.memref_slice %dma_start3A_86[%arg1, %dma_start3A_87, %dma_start3A_88, %dma_start3A_89] : memref<16x157x2x64xi32, #tpu.memory_space<hbm>> -> memref<1x157x2x64xi32, #tpu.memory_space<hbm>>
    %dma_start3A_91 = tpu.memref_squeeze %dma_start3A_90 : memref<1x157x2x64xi32, #tpu.memory_space<hbm>> -> memref<157x2x64xi32, #tpu.memory_space<hbm>>
    %dma_start3A_92 = arith.constant 0 : i32
    %dma_start3A_93 = arith.constant 0 : i32
    %dma_start3A_94 = tpu.memref_slice %dma_start3A_91[%dma_start3A, %dma_start3A_92, %dma_start3A_93] : memref<157x2x64xi32, #tpu.memory_space<hbm>> -> memref<1x2x64xi32, #tpu.memory_space<hbm>>
    %dma_start3A_95 = tpu.memref_squeeze %dma_start3A_94 : memref<1x2x64xi32, #tpu.memory_space<hbm>> -> memref<2x64xi32, #tpu.memory_space<hbm>>
    tpu.enqueue_dma source(%dma_start3A_95 : memref<2x64xi32, #tpu.memory_space<hbm>>) target(%dma_start3A_80 : memref<2x64xi32, #tpu.memory_space<vmem>>) target_semaphore(%dma_start3A_76 : memref<!tpu.dma_semaphore, #tpu.memory_space<semaphore_mem>>)
    %dma_wait3A = arith.constant 0 : i32
    %dma_wait3A_96 = arith.constant 0 : i32
    %dma_wait3A_97 = arith.constant 0 : i32
    %dma_wait3A_98 = arith.constant 0 : i32
    %dma_wait3A_99 = arith.constant 0 : i32
    %dma_wait3A_100 = tpu.memref_slice %arg5[%dma_wait3A_96, %dma_wait3A_98, %dma_wait3A_99] : memref<4x2x64xi32, #tpu.memory_space<vmem>> -> memref<1x2x64xi32, #tpu.memory_space<vmem>>
    %dma_wait3A_101 = tpu.memref_squeeze %dma_wait3A_100 : memref<1x2x64xi32, #tpu.memory_space<vmem>> -> memref<2x64xi32, #tpu.memory_space<vmem>>
    %dma_wait3A_102 = arith.constant 0 : i32
    %dma_wait3A_103 = arith.constant 0 : i32
    %dma_wait3A_104 = arith.constant 0 : i32
    %dma_wait3A_105 = arith.constant 0 : i32
    %dma_wait3A_106 = tpu.memref_slice %arg3[%arg0, %dma_wait3A_102, %dma_wait3A_103, %dma_wait3A_104, %dma_wait3A_105] : memref<2x16x157x2x64xi32, #tpu.memory_space<hbm>> -> memref<1x16x157x2x64xi32, #tpu.memory_space<hbm>>
    %dma_wait3A_107 = tpu.memref_squeeze %dma_wait3A_106 : memref<1x16x157x2x64xi32, #tpu.memory_space<hbm>> -> memref<16x157x2x64xi32, #tpu.memory_space<hbm>>
    %dma_wait3A_108 = arith.constant 0 : i32
    %dma_wait3A_109 = arith.constant 0 : i32
    %dma_wait3A_110 = arith.constant 0 : i32
    %dma_wait3A_111 = tpu.memref_slice %dma_wait3A_107[%arg1, %dma_wait3A_108, %dma_wait3A_109, %dma_wait3A_110] : memref<16x157x2x64xi32, #tpu.memory_space<hbm>> -> memref<1x157x2x64xi32, #tpu.memory_space<hbm>>
    %dma_wait3A_112 = tpu.memref_squeeze %dma_wait3A_111 : memref<1x157x2x64xi32, #tpu.memory_space<hbm>> -> memref<157x2x64xi32, #tpu.memory_space<hbm>>
    %dma_wait3A_113 = arith.constant 0 : i32
    %dma_wait3A_114 = arith.constant 0 : i32
    %dma_wait3A_115 = tpu.memref_slice %dma_wait3A_112[%dma_wait3A, %dma_wait3A_113, %dma_wait3A_114] : memref<157x2x64xi32, #tpu.memory_space<hbm>> -> memref<1x2x64xi32, #tpu.memory_space<hbm>>
    %dma_wait3A_116 = tpu.memref_squeeze %dma_wait3A_115 : memref<1x2x64xi32, #tpu.memory_space<hbm>> -> memref<2x64xi32, #tpu.memory_space<hbm>>
    %dma_wait3A_117 = tpu.memref_slice %arg9[%dma_wait3A_97] : memref<4x!tpu.dma_semaphore, #tpu.memory_space<semaphore_mem>> -> memref<1x!tpu.dma_semaphore, #tpu.memory_space<semaphore_mem>>
    %dma_wait3A_118 = tpu.memref_squeeze %dma_wait3A_117 : memref<1x!tpu.dma_semaphore, #tpu.memory_space<semaphore_mem>> -> memref<!tpu.dma_semaphore, #tpu.memory_space<semaphore_mem>>
    %dma_wait3A_119 = arith.constant 0 : i32
    %dma_wait3A_120 = arith.constant 0 : i32
    %dma_wait3A_121 = tpu.memref_slice %arg5[%dma_wait3A_96, %dma_wait3A_119, %dma_wait3A_120] : memref<4x2x64xi32, #tpu.memory_space<vmem>> -> memref<1x2x64xi32, #tpu.memory_space<vmem>>
    %dma_wait3A_122 = tpu.memref_squeeze %dma_wait3A_121 : memref<1x2x64xi32, #tpu.memory_space<vmem>> -> memref<2x64xi32, #tpu.memory_space<vmem>>
    %dma_wait3A_123 = arith.constant 0 : i32
    %dma_wait3A_124 = arith.constant 0 : i32
    %dma_wait3A_125 = arith.constant 0 : i32
    %dma_wait3A_126 = arith.constant 0 : i32
    %dma_wait3A_127 = tpu.memref_slice %arg3[%arg0, %dma_wait3A_123, %dma_wait3A_124, %dma_wait3A_125, %dma_wait3A_126] : memref<2x16x157x2x64xi32, #tpu.memory_space<hbm>> -> memref<1x16x157x2x64xi32, #tpu.memory_space<hbm>>
    %dma_wait3A_128 = tpu.memref_squeeze %dma_wait3A_127 : memref<1x16x157x2x64xi32, #tpu.memory_space<hbm>> -> memref<16x157x2x64xi32, #tpu.memory_space<hbm>>
    %dma_wait3A_129 = arith.constant 0 : i32
    %dma_wait3A_130 = arith.constant 0 : i32
    %dma_wait3A_131 = arith.constant 0 : i32
    %dma_wait3A_132 = tpu.memref_slice %dma_wait3A_128[%arg1, %dma_wait3A_129, %dma_wait3A_130, %dma_wait3A_131] : memref<16x157x2x64xi32, #tpu.memory_space<hbm>> -> memref<1x157x2x64xi32, #tpu.memory_space<hbm>>
    %dma_wait3A_133 = tpu.memref_squeeze %dma_wait3A_132 : memref<1x157x2x64xi32, #tpu.memory_space<hbm>> -> memref<157x2x64xi32, #tpu.memory_space<hbm>>
    %dma_wait3A_134 = arith.constant 0 : i32
    %dma_wait3A_135 = arith.constant 0 : i32
    %dma_wait3A_136 = tpu.memref_slice %dma_wait3A_133[%dma_wait3A, %dma_wait3A_134, %dma_wait3A_135] : memref<157x2x64xi32, #tpu.memory_space<hbm>> -> memref<1x2x64xi32, #tpu.memory_space<hbm>>
    %dma_wait3A_137 = tpu.memref_squeeze %dma_wait3A_136 : memref<1x2x64xi32, #tpu.memory_space<hbm>> -> memref<2x64xi32, #tpu.memory_space<hbm>>
    tpu.wait_dma2 semaphore(%dma_wait3A_118 : memref<!tpu.dma_semaphore, #tpu.memory_space<semaphore_mem>>) src(%dma_wait3A_137 : memref<2x64xi32, #tpu.memory_space<hbm>>) dst(%dma_wait3A_122 : memref<2x64xi32, #tpu.memory_space<vmem>>)
    %dma_start3A_138 = arith.constant 0 : i32
    %dma_start3A_139 = arith.constant 0 : i32
    %dma_start3A_140 = arith.constant 0 : i32
    %dma_start3A_141 = arith.constant 0 : i32
    %dma_start3A_142 = arith.constant 0 : i32
    %dma_start3A_143 = arith.constant 0 : i32
    %dma_start3A_144 = tpu.memref_slice %arg6[%dma_start3A_140, %dma_start3A_142, %dma_start3A_143] : memref<4x64x128xf32, #tpu.memory_space<vmem>> -> memref<1x64x128xf32, #tpu.memory_space<vmem>>
    %dma_start3A_145 = tpu.memref_squeeze %dma_start3A_144 : memref<1x64x128xf32, #tpu.memory_space<vmem>> -> memref<64x128xf32, #tpu.memory_space<vmem>>
    %dma_start3A_146 = arith.constant 0 : i32
    %dma_start3A_147 = arith.constant 0 : i32
    %dma_start3A_148 = tpu.memref_slice %arg5[%dma_start3A_138, %dma_start3A_146, %dma_start3A_147] : memref<4x2x64xi32, #tpu.memory_space<vmem>> -> memref<1x2x64xi32, #tpu.memory_space<vmem>>
    %dma_start3A_149 = tpu.memref_squeeze %dma_start3A_148 : memref<1x2x64xi32, #tpu.memory_space<vmem>> -> memref<2x64xi32, #tpu.memory_space<vmem>>
    %dma_start3A_150 = arith.constant 0 : i32
    %dma_start3A_151 = tpu.memref_slice %dma_start3A_149[%dma_start3A_139, %dma_start3A_150] : memref<2x64xi32, #tpu.memory_space<vmem>> -> memref<1x64xi32, #tpu.memory_space<vmem>>
    %dma_start3A_152 = tpu.memref_squeeze %dma_start3A_151 : memref<1x64xi32, #tpu.memory_space<vmem>> -> memref<64xi32, #tpu.memory_space<vmem>>
    %dma_start3A_153 = arith.constant 0 : i32
    %dma_start3A_154 = arith.constant 0 : i32
    %dma_start3A_155 = tpu.memref_slice %arg2[%dma_start3A_153, %dma_start3A_154] : memref<20480x128xf32, #tpu.memory_space<hbm>> -> memref<20480x128xf32, #tpu.memory_space<hbm>>
    %dma_start3A_156 = tpu.memref_slice %arg8[%dma_start3A_141] : memref<4x!tpu.dma_semaphore, #tpu.memory_space<semaphore_mem>> -> memref<1x!tpu.dma_semaphore, #tpu.memory_space<semaphore_mem>>
    %dma_start3A_157 = tpu.memref_squeeze %dma_start3A_156 : memref<1x!tpu.dma_semaphore, #tpu.memory_space<semaphore_mem>> -> memref<!tpu.dma_semaphore, #tpu.memory_space<semaphore_mem>>
    tpu.enqueue_indirect_dma source(%dma_start3A_155 : memref<20480x128xf32, #tpu.memory_space<hbm>>) target(%dma_start3A_145 : memref<64x128xf32, #tpu.memory_space<vmem>>) offsets(%dma_start3A_152 : memref<64xi32, #tpu.memory_space<vmem>>) semaphore(%dma_start3A_157 : memref<!tpu.dma_semaphore, #tpu.memory_space<semaphore_mem>>)
    %dma_start3A_158 = arith.constant 1 : i32
    %dma_start3A_159 = arith.constant 1 : i32
    %dma_start3A_160 = arith.constant 1 : i32
    %dma_start3A_161 = arith.constant 0 : i32
    %dma_start3A_162 = arith.constant 0 : i32
    %dma_start3A_163 = tpu.memref_slice %arg5[%dma_start3A_159, %dma_start3A_161, %dma_start3A_162] : memref<4x2x64xi32, #tpu.memory_space<vmem>> -> memref<1x2x64xi32, #tpu.memory_space<vmem>>
    %dma_start3A_164 = tpu.memref_squeeze %dma_start3A_163 : memref<1x2x64xi32, #tpu.memory_space<vmem>> -> memref<2x64xi32, #tpu.memory_space<vmem>>
    %dma_start3A_165 = arith.constant 0 : i32
    %dma_start3A_166 = arith.constant 0 : i32
    %dma_start3A_167 = arith.constant 0 : i32
    %dma_start3A_168 = arith.constant 0 : i32
    %dma_start3A_169 = tpu.memref_slice %arg3[%arg0, %dma_start3A_165, %dma_start3A_166, %dma_start3A_167, %dma_start3A_168] : memref<2x16x157x2x64xi32, #tpu.memory_space<hbm>> -> memref<1x16x157x2x64xi32, #tpu.memory_space<hbm>>
    %dma_start3A_170 = tpu.memref_squeeze %dma_start3A_169 : memref<1x16x157x2x64xi32, #tpu.memory_space<hbm>> -> memref<16x157x2x64xi32, #tpu.memory_space<hbm>>
    %dma_start3A_171 = arith.constant 0 : i32
    %dma_start3A_172 = arith.constant 0 : i32
    %dma_start3A_173 = arith.constant 0 : i32
    %dma_start3A_174 = tpu.memref_slice %dma_start3A_170[%arg1, %dma_start3A_171, %dma_start3A_172, %dma_start3A_173] : memref<16x157x2x64xi32, #tpu.memory_space<hbm>> -> memref<1x157x2x64xi32, #tpu.memory_space<hbm>>
    %dma_start3A_175 = tpu.memref_squeeze %dma_start3A_174 : memref<1x157x2x64xi32, #tpu.memory_space<hbm>> -> memref<157x2x64xi32, #tpu.memory_space<hbm>>
    %dma_start3A_176 = arith.constant 0 : i32
    %dma_start3A_177 = arith.constant 0 : i32
    %dma_start3A_178 = tpu.memref_slice %dma_start3A_175[%dma_start3A_158, %dma_start3A_176, %dma_start3A_177] : memref<157x2x64xi32, #tpu.memory_space<hbm>> -> memref<1x2x64xi32, #tpu.memory_space<hbm>>
    %dma_start3A_179 = tpu.memref_squeeze %dma_start3A_178 : memref<1x2x64xi32, #tpu.memory_space<hbm>> -> memref<2x64xi32, #tpu.memory_space<hbm>>
    %dma_start3A_180 = tpu.memref_slice %arg9[%dma_start3A_160] : memref<4x!tpu.dma_semaphore, #tpu.memory_space<semaphore_mem>> -> memref<1x!tpu.dma_semaphore, #tpu.memory_space<semaphore_mem>>
    %dma_start3A_181 = tpu.memref_squeeze %dma_start3A_180 : memref<1x!tpu.dma_semaphore, #tpu.memory_space<semaphore_mem>> -> memref<!tpu.dma_semaphore, #tpu.memory_space<semaphore_mem>>
    %dma_start3A_182 = arith.constant 0 : i32
    %dma_start3A_183 = arith.constant 0 : i32
    %dma_start3A_184 = tpu.memref_slice %arg5[%dma_start3A_159, %dma_start3A_182, %dma_start3A_183] : memref<4x2x64xi32, #tpu.memory_space<vmem>> -> memref<1x2x64xi32, #tpu.memory_space<vmem>>
    %dma_start3A_185 = tpu.memref_squeeze %dma_start3A_184 : memref<1x2x64xi32, #tpu.memory_space<vmem>> -> memref<2x64xi32, #tpu.memory_space<vmem>>
    %dma_start3A_186 = arith.constant 0 : i32
    %dma_start3A_187 = arith.constant 0 : i32
    %dma_start3A_188 = arith.constant 0 : i32
    %dma_start3A_189 = arith.constant 0 : i32
    %dma_start3A_190 = tpu.memref_slice %arg3[%arg0, %dma_start3A_186, %dma_start3A_187, %dma_start3A_188, %dma_start3A_189] : memref<2x16x157x2x64xi32, #tpu.memory_space<hbm>> -> memref<1x16x157x2x64xi32, #tpu.memory_space<hbm>>
    %dma_start3A_191 = tpu.memref_squeeze %dma_start3A_190 : memref<1x16x157x2x64xi32, #tpu.memory_space<hbm>> -> memref<16x157x2x64xi32, #tpu.memory_space<hbm>>
    %dma_start3A_192 = arith.constant 0 : i32
    %dma_start3A_193 = arith.constant 0 : i32
    %dma_start3A_194 = arith.constant 0 : i32
    %dma_start3A_195 = tpu.memref_slice %dma_start3A_191[%arg1, %dma_start3A_192, %dma_start3A_193, %dma_start3A_194] : memref<16x157x2x64xi32, #tpu.memory_space<hbm>> -> memref<1x157x2x64xi32, #tpu.memory_space<hbm>>
    %dma_start3A_196 = tpu.memref_squeeze %dma_start3A_195 : memref<1x157x2x64xi32, #tpu.memory_space<hbm>> -> memref<157x2x64xi32, #tpu.memory_space<hbm>>
    %dma_start3A_197 = arith.constant 0 : i32
    %dma_start3A_198 = arith.constant 0 : i32
    %dma_start3A_199 = tpu.memref_slice %dma_start3A_196[%dma_start3A_158, %dma_start3A_197, %dma_start3A_198] : memref<157x2x64xi32, #tpu.memory_space<hbm>> -> memref<1x2x64xi32, #tpu.memory_space<hbm>>
    %dma_start3A_200 = tpu.memref_squeeze %dma_start3A_199 : memref<1x2x64xi32, #tpu.memory_space<hbm>> -> memref<2x64xi32, #tpu.memory_space<hbm>>
    tpu.enqueue_dma source(%dma_start3A_200 : memref<2x64xi32, #tpu.memory_space<hbm>>) target(%dma_start3A_185 : memref<2x64xi32, #tpu.memory_space<vmem>>) target_semaphore(%dma_start3A_181 : memref<!tpu.dma_semaphore, #tpu.memory_space<semaphore_mem>>)
    %dma_wait3A_201 = arith.constant 1 : i32
    %dma_wait3A_202 = arith.constant 1 : i32
    %dma_wait3A_203 = arith.constant 1 : i32
    %dma_wait3A_204 = arith.constant 0 : i32
    %dma_wait3A_205 = arith.constant 0 : i32
    %dma_wait3A_206 = tpu.memref_slice %arg5[%dma_wait3A_202, %dma_wait3A_204, %dma_wait3A_205] : memref<4x2x64xi32, #tpu.memory_space<vmem>> -> memref<1x2x64xi32, #tpu.memory_space<vmem>>
    %dma_wait3A_207 = tpu.memref_squeeze %dma_wait3A_206 : memref<1x2x64xi32, #tpu.memory_space<vmem>> -> memref<2x64xi32, #tpu.memory_space<vmem>>
    %dma_wait3A_208 = arith.constant 0 : i32
    %dma_wait3A_209 = arith.constant 0 : i32
    %dma_wait3A_210 = arith.constant 0 : i32
    %dma_wait3A_211 = arith.constant 0 : i32
    %dma_wait3A_212 = tpu.memref_slice %arg3[%arg0, %dma_wait3A_208, %dma_wait3A_209, %dma_wait3A_210, %dma_wait3A_211] : memref<2x16x157x2x64xi32, #tpu.memory_space<hbm>> -> memref<1x16x157x2x64xi32, #tpu.memory_space<hbm>>
    %dma_wait3A_213 = tpu.memref_squeeze %dma_wait3A_212 : memref<1x16x157x2x64xi32, #tpu.memory_space<hbm>> -> memref<16x157x2x64xi32, #tpu.memory_space<hbm>>
    %dma_wait3A_214 = arith.constant 0 : i32
    %dma_wait3A_215 = arith.constant 0 : i32
    %dma_wait3A_216 = arith.constant 0 : i32
    %dma_wait3A_217 = tpu.memref_slice %dma_wait3A_213[%arg1, %dma_wait3A_214, %dma_wait3A_215, %dma_wait3A_216] : memref<16x157x2x64xi32, #tpu.memory_space<hbm>> -> memref<1x157x2x64xi32, #tpu.memory_space<hbm>>
    %dma_wait3A_218 = tpu.memref_squeeze %dma_wait3A_217 : memref<1x157x2x64xi32, #tpu.memory_space<hbm>> -> memref<157x2x64xi32, #tpu.memory_space<hbm>>
    %dma_wait3A_219 = arith.constant 0 : i32
    %dma_wait3A_220 = arith.constant 0 : i32
    %dma_wait3A_221 = tpu.memref_slice %dma_wait3A_218[%dma_wait3A_201, %dma_wait3A_219, %dma_wait3A_220] : memref<157x2x64xi32, #tpu.memory_space<hbm>> -> memref<1x2x64xi32, #tpu.memory_space<hbm>>
    %dma_wait3A_222 = tpu.memref_squeeze %dma_wait3A_221 : memref<1x2x64xi32, #tpu.memory_space<hbm>> -> memref<2x64xi32, #tpu.memory_space<hbm>>
    %dma_wait3A_223 = tpu.memref_slice %arg9[%dma_wait3A_203] : memref<4x!tpu.dma_semaphore, #tpu.memory_space<semaphore_mem>> -> memref<1x!tpu.dma_semaphore, #tpu.memory_space<semaphore_mem>>
    %dma_wait3A_224 = tpu.memref_squeeze %dma_wait3A_223 : memref<1x!tpu.dma_semaphore, #tpu.memory_space<semaphore_mem>> -> memref<!tpu.dma_semaphore, #tpu.memory_space<semaphore_mem>>
    %dma_wait3A_225 = arith.constant 0 : i32
    %dma_wait3A_226 = arith.constant 0 : i32
    %dma_wait3A_227 = tpu.memref_slice %arg5[%dma_wait3A_202, %dma_wait3A_225, %dma_wait3A_226] : memref<4x2x64xi32, #tpu.memory_space<vmem>> -> memref<1x2x64xi32, #tpu.memory_space<vmem>>
    %dma_wait3A_228 = tpu.memref_squeeze %dma_wait3A_227 : memref<1x2x64xi32, #tpu.memory_space<vmem>> -> memref<2x64xi32, #tpu.memory_space<vmem>>
    %dma_wait3A_229 = arith.constant 0 : i32
    %dma_wait3A_230 = arith.constant 0 : i32
    %dma_wait3A_231 = arith.constant 0 : i32
    %dma_wait3A_232 = arith.constant 0 : i32
    %dma_wait3A_233 = tpu.memref_slice %arg3[%arg0, %dma_wait3A_229, %dma_wait3A_230, %dma_wait3A_231, %dma_wait3A_232] : memref<2x16x157x2x64xi32, #tpu.memory_space<hbm>> -> memref<1x16x157x2x64xi32, #tpu.memory_space<hbm>>
    %dma_wait3A_234 = tpu.memref_squeeze %dma_wait3A_233 : memref<1x16x157x2x64xi32, #tpu.memory_space<hbm>> -> memref<16x157x2x64xi32, #tpu.memory_space<hbm>>
    %dma_wait3A_235 = arith.constant 0 : i32
    %dma_wait3A_236 = arith.constant 0 : i32
    %dma_wait3A_237 = arith.constant 0 : i32
    %dma_wait3A_238 = tpu.memref_slice %dma_wait3A_234[%arg1, %dma_wait3A_235, %dma_wait3A_236, %dma_wait3A_237] : memref<16x157x2x64xi32, #tpu.memory_space<hbm>> -> memref<1x157x2x64xi32, #tpu.memory_space<hbm>>
    %dma_wait3A_239 = tpu.memref_squeeze %dma_wait3A_238 : memref<1x157x2x64xi32, #tpu.memory_space<hbm>> -> memref<157x2x64xi32, #tpu.memory_space<hbm>>
    %dma_wait3A_240 = arith.constant 0 : i32
    %dma_wait3A_241 = arith.constant 0 : i32
    %dma_wait3A_242 = tpu.memref_slice %dma_wait3A_239[%dma_wait3A_201, %dma_wait3A_240, %dma_wait3A_241] : memref<157x2x64xi32, #tpu.memory_space<hbm>> -> memref<1x2x64xi32, #tpu.memory_space<hbm>>
    %dma_wait3A_243 = tpu.memref_squeeze %dma_wait3A_242 : memref<1x2x64xi32, #tpu.memory_space<hbm>> -> memref<2x64xi32, #tpu.memory_space<hbm>>
    tpu.wait_dma2 semaphore(%dma_wait3A_224 : memref<!tpu.dma_semaphore, #tpu.memory_space<semaphore_mem>>) src(%dma_wait3A_243 : memref<2x64xi32, #tpu.memory_space<hbm>>) dst(%dma_wait3A_228 : memref<2x64xi32, #tpu.memory_space<vmem>>)
    %dma_start3A_244 = arith.constant 1 : i32
    %dma_start3A_245 = arith.constant 0 : i32
    %dma_start3A_246 = arith.constant 1 : i32
    %dma_start3A_247 = arith.constant 1 : i32
    %dma_start3A_248 = arith.constant 0 : i32
    %dma_start3A_249 = arith.constant 0 : i32
    %dma_start3A_250 = tpu.memref_slice %arg6[%dma_start3A_246, %dma_start3A_248, %dma_start3A_249] : memref<4x64x128xf32, #tpu.memory_space<vmem>> -> memref<1x64x128xf32, #tpu.memory_space<vmem>>
    %dma_start3A_251 = tpu.memref_squeeze %dma_start3A_250 : memref<1x64x128xf32, #tpu.memory_space<vmem>> -> memref<64x128xf32, #tpu.memory_space<vmem>>
    %dma_start3A_252 = arith.constant 0 : i32
    %dma_start3A_253 = arith.constant 0 : i32
    %dma_start3A_254 = tpu.memref_slice %arg5[%dma_start3A_244, %dma_start3A_252, %dma_start3A_253] : memref<4x2x64xi32, #tpu.memory_space<vmem>> -> memref<1x2x64xi32, #tpu.memory_space<vmem>>
    %dma_start3A_255 = tpu.memref_squeeze %dma_start3A_254 : memref<1x2x64xi32, #tpu.memory_space<vmem>> -> memref<2x64xi32, #tpu.memory_space<vmem>>
    %dma_start3A_256 = arith.constant 0 : i32
    %dma_start3A_257 = tpu.memref_slice %dma_start3A_255[%dma_start3A_245, %dma_start3A_256] : memref<2x64xi32, #tpu.memory_space<vmem>> -> memref<1x64xi32, #tpu.memory_space<vmem>>
    %dma_start3A_258 = tpu.memref_squeeze %dma_start3A_257 : memref<1x64xi32, #tpu.memory_space<vmem>> -> memref<64xi32, #tpu.memory_space<vmem>>
    %dma_start3A_259 = arith.constant 0 : i32
    %dma_start3A_260 = arith.constant 0 : i32
    %dma_start3A_261 = tpu.memref_slice %arg2[%dma_start3A_259, %dma_start3A_260] : memref<20480x128xf32, #tpu.memory_space<hbm>> -> memref<20480x128xf32, #tpu.memory_space<hbm>>
    %dma_start3A_262 = tpu.memref_slice %arg8[%dma_start3A_247] : memref<4x!tpu.dma_semaphore, #tpu.memory_space<semaphore_mem>> -> memref<1x!tpu.dma_semaphore, #tpu.memory_space<semaphore_mem>>
    %dma_start3A_263 = tpu.memref_squeeze %dma_start3A_262 : memref<1x!tpu.dma_semaphore, #tpu.memory_space<semaphore_mem>> -> memref<!tpu.dma_semaphore, #tpu.memory_space<semaphore_mem>>
    tpu.enqueue_indirect_dma source(%dma_start3A_261 : memref<20480x128xf32, #tpu.memory_space<hbm>>) target(%dma_start3A_251 : memref<64x128xf32, #tpu.memory_space<vmem>>) offsets(%dma_start3A_258 : memref<64xi32, #tpu.memory_space<vmem>>) semaphore(%dma_start3A_263 : memref<!tpu.dma_semaphore, #tpu.memory_space<semaphore_mem>>)
    %dma_start3A_264 = arith.constant 2 : i32
    %dma_start3A_265 = arith.constant 2 : i32
    %dma_start3A_266 = arith.constant 2 : i32
    %dma_start3A_267 = arith.constant 0 : i32
    %dma_start3A_268 = arith.constant 0 : i32
    %dma_start3A_269 = tpu.memref_slice %arg5[%dma_start3A_265, %dma_start3A_267, %dma_start3A_268] : memref<4x2x64xi32, #tpu.memory_space<vmem>> -> memref<1x2x64xi32, #tpu.memory_space<vmem>>
    %dma_start3A_270 = tpu.memref_squeeze %dma_start3A_269 : memref<1x2x64xi32, #tpu.memory_space<vmem>> -> memref<2x64xi32, #tpu.memory_space<vmem>>
    %dma_start3A_271 = arith.constant 0 : i32
    %dma_start3A_272 = arith.constant 0 : i32
    %dma_start3A_273 = arith.constant 0 : i32
    %dma_start3A_274 = arith.constant 0 : i32
    %dma_start3A_275 = tpu.memref_slice %arg3[%arg0, %dma_start3A_271, %dma_start3A_272, %dma_start3A_273, %dma_start3A_274] : memref<2x16x157x2x64xi32, #tpu.memory_space<hbm>> -> memref<1x16x157x2x64xi32, #tpu.memory_space<hbm>>
    %dma_start3A_276 = tpu.memref_squeeze %dma_start3A_275 : memref<1x16x157x2x64xi32, #tpu.memory_space<hbm>> -> memref<16x157x2x64xi32, #tpu.memory_space<hbm>>
    %dma_start3A_277 = arith.constant 0 : i32
    %dma_start3A_278 = arith.constant 0 : i32
    %dma_start3A_279 = arith.constant 0 : i32
    %dma_start3A_280 = tpu.memref_slice %dma_start3A_276[%arg1, %dma_start3A_277, %dma_start3A_278, %dma_start3A_279] : memref<16x157x2x64xi32, #tpu.memory_space<hbm>> -> memref<1x157x2x64xi32, #tpu.memory_space<hbm>>
    %dma_start3A_281 = tpu.memref_squeeze %dma_start3A_280 : memref<1x157x2x64xi32, #tpu.memory_space<hbm>> -> memref<157x2x64xi32, #tpu.memory_space<hbm>>
    %dma_start3A_282 = arith.constant 0 : i32
    %dma_start3A_283 = arith.constant 0 : i32
    %dma_start3A_284 = tpu.memref_slice %dma_start3A_281[%dma_start3A_264, %dma_start3A_282, %dma_start3A_283] : memref<157x2x64xi32, #tpu.memory_space<hbm>> -> memref<1x2x64xi32, #tpu.memory_space<hbm>>
    %dma_start3A_285 = tpu.memref_squeeze %dma_start3A_284 : memref<1x2x64xi32, #tpu.memory_space<hbm>> -> memref<2x64xi32, #tpu.memory_space<hbm>>
    %dma_start3A_286 = tpu.memref_slice %arg9[%dma_start3A_266] : memref<4x!tpu.dma_semaphore, #tpu.memory_space<semaphore_mem>> -> memref<1x!tpu.dma_semaphore, #tpu.memory_space<semaphore_mem>>
    %dma_start3A_287 = tpu.memref_squeeze %dma_start3A_286 : memref<1x!tpu.dma_semaphore, #tpu.memory_space<semaphore_mem>> -> memref<!tpu.dma_semaphore, #tpu.memory_space<semaphore_mem>>
    %dma_start3A_288 = arith.constant 0 : i32
    %dma_start3A_289 = arith.constant 0 : i32
    %dma_start3A_290 = tpu.memref_slice %arg5[%dma_start3A_265, %dma_start3A_288, %dma_start3A_289] : memref<4x2x64xi32, #tpu.memory_space<vmem>> -> memref<1x2x64xi32, #tpu.memory_space<vmem>>
    %dma_start3A_291 = tpu.memref_squeeze %dma_start3A_290 : memref<1x2x64xi32, #tpu.memory_space<vmem>> -> memref<2x64xi32, #tpu.memory_space<vmem>>
    %dma_start3A_292 = arith.constant 0 : i32
    %dma_start3A_293 = arith.constant 0 : i32
    %dma_start3A_294 = arith.constant 0 : i32
    %dma_start3A_295 = arith.constant 0 : i32
    %dma_start3A_296 = tpu.memref_slice %arg3[%arg0, %dma_start3A_292, %dma_start3A_293, %dma_start3A_294, %dma_start3A_295] : memref<2x16x157x2x64xi32, #tpu.memory_space<hbm>> -> memref<1x16x157x2x64xi32, #tpu.memory_space<hbm>>
    %dma_start3A_297 = tpu.memref_squeeze %dma_start3A_296 : memref<1x16x157x2x64xi32, #tpu.memory_space<hbm>> -> memref<16x157x2x64xi32, #tpu.memory_space<hbm>>
    %dma_start3A_298 = arith.constant 0 : i32
    %dma_start3A_299 = arith.constant 0 : i32
    %dma_start3A_300 = arith.constant 0 : i32
    %dma_start3A_301 = tpu.memref_slice %dma_start3A_297[%arg1, %dma_start3A_298, %dma_start3A_299, %dma_start3A_300] : memref<16x157x2x64xi32, #tpu.memory_space<hbm>> -> memref<1x157x2x64xi32, #tpu.memory_space<hbm>>
    %dma_start3A_302 = tpu.memref_squeeze %dma_start3A_301 : memref<1x157x2x64xi32, #tpu.memory_space<hbm>> -> memref<157x2x64xi32, #tpu.memory_space<hbm>>
    %dma_start3A_303 = arith.constant 0 : i32
    %dma_start3A_304 = arith.constant 0 : i32
    %dma_start3A_305 = tpu.memref_slice %dma_start3A_302[%dma_start3A_264, %dma_start3A_303, %dma_start3A_304] : memref<157x2x64xi32, #tpu.memory_space<hbm>> -> memref<1x2x64xi32, #tpu.memory_space<hbm>>
    %dma_start3A_306 = tpu.memref_squeeze %dma_start3A_305 : memref<1x2x64xi32, #tpu.memory_space<hbm>> -> memref<2x64xi32, #tpu.memory_space<hbm>>
    tpu.enqueue_dma source(%dma_start3A_306 : memref<2x64xi32, #tpu.memory_space<hbm>>) target(%dma_start3A_291 : memref<2x64xi32, #tpu.memory_space<vmem>>) target_semaphore(%dma_start3A_287 : memref<!tpu.dma_semaphore, #tpu.memory_space<semaphore_mem>>)
    %dma_wait3A_307 = arith.constant 2 : i32
    %dma_wait3A_308 = arith.constant 2 : i32
    %dma_wait3A_309 = arith.constant 2 : i32
    %dma_wait3A_310 = arith.constant 0 : i32
    %dma_wait3A_311 = arith.constant 0 : i32
    %dma_wait3A_312 = tpu.memref_slice %arg5[%dma_wait3A_308, %dma_wait3A_310, %dma_wait3A_311] : memref<4x2x64xi32, #tpu.memory_space<vmem>> -> memref<1x2x64xi32, #tpu.memory_space<vmem>>
    %dma_wait3A_313 = tpu.memref_squeeze %dma_wait3A_312 : memref<1x2x64xi32, #tpu.memory_space<vmem>> -> memref<2x64xi32, #tpu.memory_space<vmem>>
    %dma_wait3A_314 = arith.constant 0 : i32
    %dma_wait3A_315 = arith.constant 0 : i32
    %dma_wait3A_316 = arith.constant 0 : i32
    %dma_wait3A_317 = arith.constant 0 : i32
    %dma_wait3A_318 = tpu.memref_slice %arg3[%arg0, %dma_wait3A_314, %dma_wait3A_315, %dma_wait3A_316, %dma_wait3A_317] : memref<2x16x157x2x64xi32, #tpu.memory_space<hbm>> -> memref<1x16x157x2x64xi32, #tpu.memory_space<hbm>>
    %dma_wait3A_319 = tpu.memref_squeeze %dma_wait3A_318 : memref<1x16x157x2x64xi32, #tpu.memory_space<hbm>> -> memref<16x157x2x64xi32, #tpu.memory_space<hbm>>
    %dma_wait3A_320 = arith.constant 0 : i32
    %dma_wait3A_321 = arith.constant 0 : i32
    %dma_wait3A_322 = arith.constant 0 : i32
    %dma_wait3A_323 = tpu.memref_slice %dma_wait3A_319[%arg1, %dma_wait3A_320, %dma_wait3A_321, %dma_wait3A_322] : memref<16x157x2x64xi32, #tpu.memory_space<hbm>> -> memref<1x157x2x64xi32, #tpu.memory_space<hbm>>
    %dma_wait3A_324 = tpu.memref_squeeze %dma_wait3A_323 : memref<1x157x2x64xi32, #tpu.memory_space<hbm>> -> memref<157x2x64xi32, #tpu.memory_space<hbm>>
    %dma_wait3A_325 = arith.constant 0 : i32
    %dma_wait3A_326 = arith.constant 0 : i32
    %dma_wait3A_327 = tpu.memref_slice %dma_wait3A_324[%dma_wait3A_307, %dma_wait3A_325, %dma_wait3A_326] : memref<157x2x64xi32, #tpu.memory_space<hbm>> -> memref<1x2x64xi32, #tpu.memory_space<hbm>>
    %dma_wait3A_328 = tpu.memref_squeeze %dma_wait3A_327 : memref<1x2x64xi32, #tpu.memory_space<hbm>> -> memref<2x64xi32, #tpu.memory_space<hbm>>
    %dma_wait3A_329 = tpu.memref_slice %arg9[%dma_wait3A_309] : memref<4x!tpu.dma_semaphore, #tpu.memory_space<semaphore_mem>> -> memref<1x!tpu.dma_semaphore, #tpu.memory_space<semaphore_mem>>
    %dma_wait3A_330 = tpu.memref_squeeze %dma_wait3A_329 : memref<1x!tpu.dma_semaphore, #tpu.memory_space<semaphore_mem>> -> memref<!tpu.dma_semaphore, #tpu.memory_space<semaphore_mem>>
    %dma_wait3A_331 = arith.constant 0 : i32
    %dma_wait3A_332 = arith.constant 0 : i32
    %dma_wait3A_333 = tpu.memref_slice %arg5[%dma_wait3A_308, %dma_wait3A_331, %dma_wait3A_332] : memref<4x2x64xi32, #tpu.memory_space<vmem>> -> memref<1x2x64xi32, #tpu.memory_space<vmem>>
    %dma_wait3A_334 = tpu.memref_squeeze %dma_wait3A_333 : memref<1x2x64xi32, #tpu.memory_space<vmem>> -> memref<2x64xi32, #tpu.memory_space<vmem>>
    %dma_wait3A_335 = arith.constant 0 : i32
    %dma_wait3A_336 = arith.constant 0 : i32
    %dma_wait3A_337 = arith.constant 0 : i32
    %dma_wait3A_338 = arith.constant 0 : i32
    %dma_wait3A_339 = tpu.memref_slice %arg3[%arg0, %dma_wait3A_335, %dma_wait3A_336, %dma_wait3A_337, %dma_wait3A_338] : memref<2x16x157x2x64xi32, #tpu.memory_space<hbm>> -> memref<1x16x157x2x64xi32, #tpu.memory_space<hbm>>
    %dma_wait3A_340 = tpu.memref_squeeze %dma_wait3A_339 : memref<1x16x157x2x64xi32, #tpu.memory_space<hbm>> -> memref<16x157x2x64xi32, #tpu.memory_space<hbm>>
    %dma_wait3A_341 = arith.constant 0 : i32
    %dma_wait3A_342 = arith.constant 0 : i32
    %dma_wait3A_343 = arith.constant 0 : i32
    %dma_wait3A_344 = tpu.memref_slice %dma_wait3A_340[%arg1, %dma_wait3A_341, %dma_wait3A_342, %dma_wait3A_343] : memref<16x157x2x64xi32, #tpu.memory_space<hbm>> -> memref<1x157x2x64xi32, #tpu.memory_space<hbm>>
    %dma_wait3A_345 = tpu.memref_squeeze %dma_wait3A_344 : memref<1x157x2x64xi32, #tpu.memory_space<hbm>> -> memref<157x2x64xi32, #tpu.memory_space<hbm>>
    %dma_wait3A_346 = arith.constant 0 : i32
    %dma_wait3A_347 = arith.constant 0 : i32
    %dma_wait3A_348 = tpu.memref_slice %dma_wait3A_345[%dma_wait3A_307, %dma_wait3A_346, %dma_wait3A_347] : memref<157x2x64xi32, #tpu.memory_space<hbm>> -> memref<1x2x64xi32, #tpu.memory_space<hbm>>
    %dma_wait3A_349 = tpu.memref_squeeze %dma_wait3A_348 : memref<1x2x64xi32, #tpu.memory_space<hbm>> -> memref<2x64xi32, #tpu.memory_space<hbm>>
    tpu.wait_dma2 semaphore(%dma_wait3A_330 : memref<!tpu.dma_semaphore, #tpu.memory_space<semaphore_mem>>) src(%dma_wait3A_349 : memref<2x64xi32, #tpu.memory_space<hbm>>) dst(%dma_wait3A_334 : memref<2x64xi32, #tpu.memory_space<vmem>>)
    %dma_start3A_350 = arith.constant 2 : i32
    %dma_start3A_351 = arith.constant 0 : i32
    %dma_start3A_352 = arith.constant 2 : i32
    %dma_start3A_353 = arith.constant 2 : i32
    %dma_start3A_354 = arith.constant 0 : i32
    %dma_start3A_355 = arith.constant 0 : i32
    %dma_start3A_356 = tpu.memref_slice %arg6[%dma_start3A_352, %dma_start3A_354, %dma_start3A_355] : memref<4x64x128xf32, #tpu.memory_space<vmem>> -> memref<1x64x128xf32, #tpu.memory_space<vmem>>
    %dma_start3A_357 = tpu.memref_squeeze %dma_start3A_356 : memref<1x64x128xf32, #tpu.memory_space<vmem>> -> memref<64x128xf32, #tpu.memory_space<vmem>>
    %dma_start3A_358 = arith.constant 0 : i32
    %dma_start3A_359 = arith.constant 0 : i32
    %dma_start3A_360 = tpu.memref_slice %arg5[%dma_start3A_350, %dma_start3A_358, %dma_start3A_359] : memref<4x2x64xi32, #tpu.memory_space<vmem>> -> memref<1x2x64xi32, #tpu.memory_space<vmem>>
    %dma_start3A_361 = tpu.memref_squeeze %dma_start3A_360 : memref<1x2x64xi32, #tpu.memory_space<vmem>> -> memref<2x64xi32, #tpu.memory_space<vmem>>
    %dma_start3A_362 = arith.constant 0 : i32
    %dma_start3A_363 = tpu.memref_slice %dma_start3A_361[%dma_start3A_351, %dma_start3A_362] : memref<2x64xi32, #tpu.memory_space<vmem>> -> memref<1x64xi32, #tpu.memory_space<vmem>>
    %dma_start3A_364 = tpu.memref_squeeze %dma_start3A_363 : memref<1x64xi32, #tpu.memory_space<vmem>> -> memref<64xi32, #tpu.memory_space<vmem>>
    %dma_start3A_365 = arith.constant 0 : i32
    %dma_start3A_366 = arith.constant 0 : i32
    %dma_start3A_367 = tpu.memref_slice %arg2[%dma_start3A_365, %dma_start3A_366] : memref<20480x128xf32, #tpu.memory_space<hbm>> -> memref<20480x128xf32, #tpu.memory_space<hbm>>
    %dma_start3A_368 = tpu.memref_slice %arg8[%dma_start3A_353] : memref<4x!tpu.dma_semaphore, #tpu.memory_space<semaphore_mem>> -> memref<1x!tpu.dma_semaphore, #tpu.memory_space<semaphore_mem>>
    %dma_start3A_369 = tpu.memref_squeeze %dma_start3A_368 : memref<1x!tpu.dma_semaphore, #tpu.memory_space<semaphore_mem>> -> memref<!tpu.dma_semaphore, #tpu.memory_space<semaphore_mem>>
    tpu.enqueue_indirect_dma source(%dma_start3A_367 : memref<20480x128xf32, #tpu.memory_space<hbm>>) target(%dma_start3A_357 : memref<64x128xf32, #tpu.memory_space<vmem>>) offsets(%dma_start3A_364 : memref<64xi32, #tpu.memory_space<vmem>>) semaphore(%dma_start3A_369 : memref<!tpu.dma_semaphore, #tpu.memory_space<semaphore_mem>>)
    %dma_start3A_370 = arith.constant 3 : i32
    %dma_start3A_371 = arith.constant 3 : i32
    %dma_start3A_372 = arith.constant 3 : i32
    %dma_start3A_373 = arith.constant 0 : i32
    %dma_start3A_374 = arith.constant 0 : i32
    %dma_start3A_375 = tpu.memref_slice %arg5[%dma_start3A_371, %dma_start3A_373, %dma_start3A_374] : memref<4x2x64xi32, #tpu.memory_space<vmem>> -> memref<1x2x64xi32, #tpu.memory_space<vmem>>
    %dma_start3A_376 = tpu.memref_squeeze %dma_start3A_375 : memref<1x2x64xi32, #tpu.memory_space<vmem>> -> memref<2x64xi32, #tpu.memory_space<vmem>>
    %dma_start3A_377 = arith.constant 0 : i32
    %dma_start3A_378 = arith.constant 0 : i32
    %dma_start3A_379 = arith.constant 0 : i32
    %dma_start3A_380 = arith.constant 0 : i32
    %dma_start3A_381 = tpu.memref_slice %arg3[%arg0, %dma_start3A_377, %dma_start3A_378, %dma_start3A_379, %dma_start3A_380] : memref<2x16x157x2x64xi32, #tpu.memory_space<hbm>> -> memref<1x16x157x2x64xi32, #tpu.memory_space<hbm>>
    %dma_start3A_382 = tpu.memref_squeeze %dma_start3A_381 : memref<1x16x157x2x64xi32, #tpu.memory_space<hbm>> -> memref<16x157x2x64xi32, #tpu.memory_space<hbm>>
    %dma_start3A_383 = arith.constant 0 : i32
    %dma_start3A_384 = arith.constant 0 : i32
    %dma_start3A_385 = arith.constant 0 : i32
    %dma_start3A_386 = tpu.memref_slice %dma_start3A_382[%arg1, %dma_start3A_383, %dma_start3A_384, %dma_start3A_385] : memref<16x157x2x64xi32, #tpu.memory_space<hbm>> -> memref<1x157x2x64xi32, #tpu.memory_space<hbm>>
    %dma_start3A_387 = tpu.memref_squeeze %dma_start3A_386 : memref<1x157x2x64xi32, #tpu.memory_space<hbm>> -> memref<157x2x64xi32, #tpu.memory_space<hbm>>
    %dma_start3A_388 = arith.constant 0 : i32
    %dma_start3A_389 = arith.constant 0 : i32
    %dma_start3A_390 = tpu.memref_slice %dma_start3A_387[%dma_start3A_370, %dma_start3A_388, %dma_start3A_389] : memref<157x2x64xi32, #tpu.memory_space<hbm>> -> memref<1x2x64xi32, #tpu.memory_space<hbm>>
    %dma_start3A_391 = tpu.memref_squeeze %dma_start3A_390 : memref<1x2x64xi32, #tpu.memory_space<hbm>> -> memref<2x64xi32, #tpu.memory_space<hbm>>
    %dma_start3A_392 = tpu.memref_slice %arg9[%dma_start3A_372] : memref<4x!tpu.dma_semaphore, #tpu.memory_space<semaphore_mem>> -> memref<1x!tpu.dma_semaphore, #tpu.memory_space<semaphore_mem>>
    %dma_start3A_393 = tpu.memref_squeeze %dma_start3A_392 : memref<1x!tpu.dma_semaphore, #tpu.memory_space<semaphore_mem>> -> memref<!tpu.dma_semaphore, #tpu.memory_space<semaphore_mem>>
    %dma_start3A_394 = arith.constant 0 : i32
    %dma_start3A_395 = arith.constant 0 : i32
    %dma_start3A_396 = tpu.memref_slice %arg5[%dma_start3A_371, %dma_start3A_394, %dma_start3A_395] : memref<4x2x64xi32, #tpu.memory_space<vmem>> -> memref<1x2x64xi32, #tpu.memory_space<vmem>>
    %dma_start3A_397 = tpu.memref_squeeze %dma_start3A_396 : memref<1x2x64xi32, #tpu.memory_space<vmem>> -> memref<2x64xi32, #tpu.memory_space<vmem>>
    %dma_start3A_398 = arith.constant 0 : i32
    %dma_start3A_399 = arith.constant 0 : i32
    %dma_start3A_400 = arith.constant 0 : i32
    %dma_start3A_401 = arith.constant 0 : i32
    %dma_start3A_402 = tpu.memref_slice %arg3[%arg0, %dma_start3A_398, %dma_start3A_399, %dma_start3A_400, %dma_start3A_401] : memref<2x16x157x2x64xi32, #tpu.memory_space<hbm>> -> memref<1x16x157x2x64xi32, #tpu.memory_space<hbm>>
    %dma_start3A_403 = tpu.memref_squeeze %dma_start3A_402 : memref<1x16x157x2x64xi32, #tpu.memory_space<hbm>> -> memref<16x157x2x64xi32, #tpu.memory_space<hbm>>
    %dma_start3A_404 = arith.constant 0 : i32
    %dma_start3A_405 = arith.constant 0 : i32
    %dma_start3A_406 = arith.constant 0 : i32
    %dma_start3A_407 = tpu.memref_slice %dma_start3A_403[%arg1, %dma_start3A_404, %dma_start3A_405, %dma_start3A_406] : memref<16x157x2x64xi32, #tpu.memory_space<hbm>> -> memref<1x157x2x64xi32, #tpu.memory_space<hbm>>
    %dma_start3A_408 = tpu.memref_squeeze %dma_start3A_407 : memref<1x157x2x64xi32, #tpu.memory_space<hbm>> -> memref<157x2x64xi32, #tpu.memory_space<hbm>>
    %dma_start3A_409 = arith.constant 0 : i32
    %dma_start3A_410 = arith.constant 0 : i32
    %dma_start3A_411 = tpu.memref_slice %dma_start3A_408[%dma_start3A_370, %dma_start3A_409, %dma_start3A_410] : memref<157x2x64xi32, #tpu.memory_space<hbm>> -> memref<1x2x64xi32, #tpu.memory_space<hbm>>
    %dma_start3A_412 = tpu.memref_squeeze %dma_start3A_411 : memref<1x2x64xi32, #tpu.memory_space<hbm>> -> memref<2x64xi32, #tpu.memory_space<hbm>>
    tpu.enqueue_dma source(%dma_start3A_412 : memref<2x64xi32, #tpu.memory_space<hbm>>) target(%dma_start3A_397 : memref<2x64xi32, #tpu.memory_space<vmem>>) target_semaphore(%dma_start3A_393 : memref<!tpu.dma_semaphore, #tpu.memory_space<semaphore_mem>>)
    %barrier3A = arith.constant 0 : index
    tpu.barrier barrier_id(%barrier3A)
    %scan3A_413 = arith.constant 0 : i32
    %scan3A_414 = arith.constant 0 : i32
    %scan3A_415 = arith.constant 157 : i32
    %scan3A_416 = arith.addi %scan3A_414, %scan3A_415 : i32
    %scan3A_417 = arith.constant 1 : i32
    %scan3A_418 = scf.for %scan3A_425 = %scan3A_414 to %scan3A_416 step %scan3A_417 iter_args(%scan3A_426 = %scan3A_413) -> (i32)  : i32 {
      %rem3A = arith.constant 4 : i32
      %rem3A_427 = arith.remsi %scan3A_425, %rem3A : i32
      %dma_wait3A_428 = arith.constant 0 : i32
      %dma_wait3A_429 = arith.constant 0 : i32
      %dma_wait3A_430 = arith.constant 0 : i32
      %dma_wait3A_431 = tpu.memref_slice %arg6[%rem3A_427, %dma_wait3A_429, %dma_wait3A_430] : memref<4x64x128xf32, #tpu.memory_space<vmem>> -> memref<1x64x128xf32, #tpu.memory_space<vmem>>
      %dma_wait3A_432 = tpu.memref_squeeze %dma_wait3A_431 : memref<1x64x128xf32, #tpu.memory_space<vmem>> -> memref<64x128xf32, #tpu.memory_space<vmem>>
      %dma_wait3A_433 = arith.constant 0 : i32
      %dma_wait3A_434 = arith.constant 0 : i32
      %dma_wait3A_435 = tpu.memref_slice %arg5[%rem3A_427, %dma_wait3A_433, %dma_wait3A_434] : memref<4x2x64xi32, #tpu.memory_space<vmem>> -> memref<1x2x64xi32, #tpu.memory_space<vmem>>
      %dma_wait3A_436 = tpu.memref_squeeze %dma_wait3A_435 : memref<1x2x64xi32, #tpu.memory_space<vmem>> -> memref<2x64xi32, #tpu.memory_space<vmem>>
      %dma_wait3A_437 = arith.constant 0 : i32
      %dma_wait3A_438 = tpu.memref_slice %dma_wait3A_436[%dma_wait3A_428, %dma_wait3A_437] : memref<2x64xi32, #tpu.memory_space<vmem>> -> memref<1x64xi32, #tpu.memory_space<vmem>>
      %dma_wait3A_439 = tpu.memref_squeeze %dma_wait3A_438 : memref<1x64xi32, #tpu.memory_space<vmem>> -> memref<64xi32, #tpu.memory_space<vmem>>
      %dma_wait3A_440 = arith.constant 0 : i32
      %dma_wait3A_441 = arith.constant 0 : i32
      %dma_wait3A_442 = tpu.memref_slice %arg2[%dma_wait3A_440, %dma_wait3A_441] : memref<20480x128xf32, #tpu.memory_space<hbm>> -> memref<20480x128xf32, #tpu.memory_space<hbm>>
      %dma_wait3A_443 = tpu.memref_slice %arg8[%rem3A_427] : memref<4x!tpu.dma_semaphore, #tpu.memory_space<semaphore_mem>> -> memref<1x!tpu.dma_semaphore, #tpu.memory_space<semaphore_mem>>
      %dma_wait3A_444 = tpu.memref_squeeze %dma_wait3A_443 : memref<1x!tpu.dma_semaphore, #tpu.memory_space<semaphore_mem>> -> memref<!tpu.dma_semaphore, #tpu.memory_space<semaphore_mem>>
      tpu.wait_indirect_dma semaphore(%dma_wait3A_444 : memref<!tpu.dma_semaphore, #tpu.memory_space<semaphore_mem>>) src(%dma_wait3A_442 : memref<20480x128xf32, #tpu.memory_space<hbm>>) dst(%dma_wait3A_432 : memref<64x128xf32, #tpu.memory_space<vmem>>)
      %lt3A = arith.constant 154 : i32
      %lt3A_445 = arith.cmpi slt, %scan3A_425, %lt3A : i32
      %convert_element_type3A = arith.extui %lt3A_445 : i1 to i32
      %cond3A = arith.constant 0 : i32
      %cond3A_446 = arith.cmpi ne, %convert_element_type3A, %cond3A : i32
      scf.if %cond3A_446 {
        %add3A_454 = arith.constant 4 : i32
        %add3A_455 = arith.addi %scan3A_425, %add3A_454 : i32
        %sub3A = arith.constant 1 : i32
        %sub3A_456 = arith.subi %add3A_455, %sub3A : i32
        %rem3A_457 = arith.constant 4 : i32
        %rem3A_458 = arith.remsi %sub3A_456, %rem3A_457 : i32
        %add3A_459 = arith.constant 4 : i32
        %add3A_460 = arith.addi %scan3A_425, %add3A_459 : i32
        %sub3A_461 = arith.constant 1 : i32
        %sub3A_462 = arith.subi %add3A_460, %sub3A_461 : i32
        %dma_wait3A_463 = arith.constant 0 : i32
        %dma_wait3A_464 = arith.constant 0 : i32
        %dma_wait3A_465 = tpu.memref_slice %arg5[%rem3A_458, %dma_wait3A_463, %dma_wait3A_464] : memref<4x2x64xi32, #tpu.memory_space<vmem>> -> memref<1x2x64xi32, #tpu.memory_space<vmem>>
        %dma_wait3A_466 = tpu.memref_squeeze %dma_wait3A_465 : memref<1x2x64xi32, #tpu.memory_space<vmem>> -> memref<2x64xi32, #tpu.memory_space<vmem>>
        %dma_wait3A_467 = arith.constant 0 : i32
        %dma_wait3A_468 = arith.constant 0 : i32
        %dma_wait3A_469 = arith.constant 0 : i32
        %dma_wait3A_470 = arith.constant 0 : i32
        %dma_wait3A_471 = tpu.memref_slice %arg3[%arg0, %dma_wait3A_467, %dma_wait3A_468, %dma_wait3A_469, %dma_wait3A_470] : memref<2x16x157x2x64xi32, #tpu.memory_space<hbm>> -> memref<1x16x157x2x64xi32, #tpu.memory_space<hbm>>
        %dma_wait3A_472 = tpu.memref_squeeze %dma_wait3A_471 : memref<1x16x157x2x64xi32, #tpu.memory_space<hbm>> -> memref<16x157x2x64xi32, #tpu.memory_space<hbm>>
        %dma_wait3A_473 = arith.constant 0 : i32
        %dma_wait3A_474 = arith.constant 0 : i32
        %dma_wait3A_475 = arith.constant 0 : i32
        %dma_wait3A_476 = tpu.memref_slice %dma_wait3A_472[%arg1, %dma_wait3A_473, %dma_wait3A_474, %dma_wait3A_475] : memref<16x157x2x64xi32, #tpu.memory_space<hbm>> -> memref<1x157x2x64xi32, #tpu.memory_space<hbm>>
        %dma_wait3A_477 = tpu.memref_squeeze %dma_wait3A_476 : memref<1x157x2x64xi32, #tpu.memory_space<hbm>> -> memref<157x2x64xi32, #tpu.memory_space<hbm>>
        %dma_wait3A_478 = arith.constant 0 : i32
        %dma_wait3A_479 = arith.constant 0 : i32
        %dma_wait3A_480 = tpu.memref_slice %dma_wait3A_477[%sub3A_462, %dma_wait3A_478, %dma_wait3A_479] : memref<157x2x64xi32, #tpu.memory_space<hbm>> -> memref<1x2x64xi32, #tpu.memory_space<hbm>>
        %dma_wait3A_481 = tpu.memref_squeeze %dma_wait3A_480 : memref<1x2x64xi32, #tpu.memory_space<hbm>> -> memref<2x64xi32, #tpu.memory_space<hbm>>
        %dma_wait3A_482 = tpu.memref_slice %arg9[%rem3A_458] : memref<4x!tpu.dma_semaphore, #tpu.memory_space<semaphore_mem>> -> memref<1x!tpu.dma_semaphore, #tpu.memory_space<semaphore_mem>>
        %dma_wait3A_483 = tpu.memref_squeeze %dma_wait3A_482 : memref<1x!tpu.dma_semaphore, #tpu.memory_space<semaphore_mem>> -> memref<!tpu.dma_semaphore, #tpu.memory_space<semaphore_mem>>
        %dma_wait3A_484 = arith.constant 0 : i32
        %dma_wait3A_485 = arith.constant 0 : i32
        %dma_wait3A_486 = tpu.memref_slice %arg5[%rem3A_458, %dma_wait3A_484, %dma_wait3A_485] : memref<4x2x64xi32, #tpu.memory_space<vmem>> -> memref<1x2x64xi32, #tpu.memory_space<vmem>>
        %dma_wait3A_487 = tpu.memref_squeeze %dma_wait3A_486 : memref<1x2x64xi32, #tpu.memory_space<vmem>> -> memref<2x64xi32, #tpu.memory_space<vmem>>
        %dma_wait3A_488 = arith.constant 0 : i32
        %dma_wait3A_489 = arith.constant 0 : i32
        %dma_wait3A_490 = arith.constant 0 : i32
        %dma_wait3A_491 = arith.constant 0 : i32
        %dma_wait3A_492 = tpu.memref_slice %arg3[%arg0, %dma_wait3A_488, %dma_wait3A_489, %dma_wait3A_490, %dma_wait3A_491] : memref<2x16x157x2x64xi32, #tpu.memory_space<hbm>> -> memref<1x16x157x2x64xi32, #tpu.memory_space<hbm>>
        %dma_wait3A_493 = tpu.memref_squeeze %dma_wait3A_492 : memref<1x16x157x2x64xi32, #tpu.memory_space<hbm>> -> memref<16x157x2x64xi32, #tpu.memory_space<hbm>>
        %dma_wait3A_494 = arith.constant 0 : i32
        %dma_wait3A_495 = arith.constant 0 : i32
        %dma_wait3A_496 = arith.constant 0 : i32
        %dma_wait3A_497 = tpu.memref_slice %dma_wait3A_493[%arg1, %dma_wait3A_494, %dma_wait3A_495, %dma_wait3A_496] : memref<16x157x2x64xi32, #tpu.memory_space<hbm>> -> memref<1x157x2x64xi32, #tpu.memory_space<hbm>>
        %dma_wait3A_498 = tpu.memref_squeeze %dma_wait3A_497 : memref<1x157x2x64xi32, #tpu.memory_space<hbm>> -> memref<157x2x64xi32, #tpu.memory_space<hbm>>
        %dma_wait3A_499 = arith.constant 0 : i32
        %dma_wait3A_500 = arith.constant 0 : i32
        %dma_wait3A_501 = tpu.memref_slice %dma_wait3A_498[%sub3A_462, %dma_wait3A_499, %dma_wait3A_500] : memref<157x2x64xi32, #tpu.memory_space<hbm>> -> memref<1x2x64xi32, #tpu.memory_space<hbm>>
        %dma_wait3A_502 = tpu.memref_squeeze %dma_wait3A_501 : memref<1x2x64xi32, #tpu.memory_space<hbm>> -> memref<2x64xi32, #tpu.memory_space<hbm>>
        tpu.wait_dma2 semaphore(%dma_wait3A_483 : memref<!tpu.dma_semaphore, #tpu.memory_space<semaphore_mem>>) src(%dma_wait3A_502 : memref<2x64xi32, #tpu.memory_space<hbm>>) dst(%dma_wait3A_487 : memref<2x64xi32, #tpu.memory_space<vmem>>)
        %add3A_503 = arith.constant 4 : i32
        %add3A_504 = arith.addi %scan3A_425, %add3A_503 : i32
        %sub3A_505 = arith.constant 1 : i32
        %sub3A_506 = arith.subi %add3A_504, %sub3A_505 : i32
        %dma_start3A_507 = arith.constant 0 : i32
        %dma_start3A_508 = arith.constant 0 : i32
        %dma_start3A_509 = arith.constant 0 : i32
        %dma_start3A_510 = tpu.memref_slice %arg6[%rem3A_458, %dma_start3A_508, %dma_start3A_509] : memref<4x64x128xf32, #tpu.memory_space<vmem>> -> memref<1x64x128xf32, #tpu.memory_space<vmem>>
        %dma_start3A_511 = tpu.memref_squeeze %dma_start3A_510 : memref<1x64x128xf32, #tpu.memory_space<vmem>> -> memref<64x128xf32, #tpu.memory_space<vmem>>
        %dma_start3A_512 = arith.constant 0 : i32
        %dma_start3A_513 = arith.constant 0 : i32
        %dma_start3A_514 = tpu.memref_slice %arg5[%rem3A_458, %dma_start3A_512, %dma_start3A_513] : memref<4x2x64xi32, #tpu.memory_space<vmem>> -> memref<1x2x64xi32, #tpu.memory_space<vmem>>
        %dma_start3A_515 = tpu.memref_squeeze %dma_start3A_514 : memref<1x2x64xi32, #tpu.memory_space<vmem>> -> memref<2x64xi32, #tpu.memory_space<vmem>>
        %dma_start3A_516 = arith.constant 0 : i32
        %dma_start3A_517 = tpu.memref_slice %dma_start3A_515[%dma_start3A_507, %dma_start3A_516] : memref<2x64xi32, #tpu.memory_space<vmem>> -> memref<1x64xi32, #tpu.memory_space<vmem>>
        %dma_start3A_518 = tpu.memref_squeeze %dma_start3A_517 : memref<1x64xi32, #tpu.memory_space<vmem>> -> memref<64xi32, #tpu.memory_space<vmem>>
        %dma_start3A_519 = arith.constant 0 : i32
        %dma_start3A_520 = arith.constant 0 : i32
        %dma_start3A_521 = tpu.memref_slice %arg2[%dma_start3A_519, %dma_start3A_520] : memref<20480x128xf32, #tpu.memory_space<hbm>> -> memref<20480x128xf32, #tpu.memory_space<hbm>>
        %dma_start3A_522 = tpu.memref_slice %arg8[%rem3A_458] : memref<4x!tpu.dma_semaphore, #tpu.memory_space<semaphore_mem>> -> memref<1x!tpu.dma_semaphore, #tpu.memory_space<semaphore_mem>>
        %dma_start3A_523 = tpu.memref_squeeze %dma_start3A_522 : memref<1x!tpu.dma_semaphore, #tpu.memory_space<semaphore_mem>> -> memref<!tpu.dma_semaphore, #tpu.memory_space<semaphore_mem>>
        tpu.enqueue_indirect_dma source(%dma_start3A_521 : memref<20480x128xf32, #tpu.memory_space<hbm>>) target(%dma_start3A_511 : memref<64x128xf32, #tpu.memory_space<vmem>>) offsets(%dma_start3A_518 : memref<64xi32, #tpu.memory_space<vmem>>) semaphore(%dma_start3A_523 : memref<!tpu.dma_semaphore, #tpu.memory_space<semaphore_mem>>)
      } else {
      }
      %run_scoped3A_447 = arith.constant 1 : i32
      "tpu.region"() ({
        %run_scoped3A_454 = tpu.sem_alloc : memref<!tpu.dma_semaphore, #tpu.memory_space<semaphore_mem>>
        %dma_start3A_455 = arith.constant 0 : i32
        %dma_start3A_456 = arith.constant 0 : i32
        %dma_start3A_457 = tpu.memref_slice %arg6[%rem3A_427, %dma_start3A_455, %dma_start3A_456] : memref<4x64x128xf32, #tpu.memory_space<vmem>> -> memref<1x64x128xf32, #tpu.memory_space<vmem>>
        %dma_start3A_458 = tpu.memref_squeeze %dma_start3A_457 : memref<1x64x128xf32, #tpu.memory_space<vmem>> -> memref<64x128xf32, #tpu.memory_space<vmem>>
        %dma_start3A_459 = arith.constant 0 : i32
        %dma_start3A_460 = arith.constant 0 : i32
        %dma_start3A_461 = tpu.memref_slice %arg5[%rem3A_427, %dma_start3A_459, %dma_start3A_460] : memref<4x2x64xi32, #tpu.memory_space<vmem>> -> memref<1x2x64xi32, #tpu.memory_space<vmem>>
        %dma_start3A_462 = tpu.memref_squeeze %dma_start3A_461 : memref<1x2x64xi32, #tpu.memory_space<vmem>> -> memref<2x64xi32, #tpu.memory_space<vmem>>
        %dma_start3A_463 = arith.constant 0 : i32
        %dma_start3A_464 = tpu.memref_slice %dma_start3A_462[%run_scoped3A_447, %dma_start3A_463] : memref<2x64xi32, #tpu.memory_space<vmem>> -> memref<1x64xi32, #tpu.memory_space<vmem>>
        %dma_start3A_465 = tpu.memref_squeeze %dma_start3A_464 : memref<1x64xi32, #tpu.memory_space<vmem>> -> memref<64xi32, #tpu.memory_space<vmem>>
        %dma_start3A_466 = arith.constant 0 : i32
        %dma_start3A_467 = arith.constant 0 : i32
        %dma_start3A_468 = tpu.memref_slice %arg7[%dma_start3A_466, %dma_start3A_467] : memref<10240x128xf32, #tpu.memory_space<vmem_shared>> -> memref<10240x128xf32, #tpu.memory_space<vmem_shared>>
        tpu.enqueue_indirect_dma source(%dma_start3A_458 : memref<64x128xf32, #tpu.memory_space<vmem>>) target(%dma_start3A_468 : memref<10240x128xf32, #tpu.memory_space<vmem_shared>>) offsets(%dma_start3A_465 : memref<64xi32, #tpu.memory_space<vmem>>) semaphore(%run_scoped3A_454 : memref<!tpu.dma_semaphore, #tpu.memory_space<semaphore_mem>>) {add = true}
        %dma_wait3A_469 = arith.constant 0 : i32
        %dma_wait3A_470 = arith.constant 0 : i32
        %dma_wait3A_471 = tpu.memref_slice %arg6[%rem3A_427, %dma_wait3A_469, %dma_wait3A_470] : memref<4x64x128xf32, #tpu.memory_space<vmem>> -> memref<1x64x128xf32, #tpu.memory_space<vmem>>
        %dma_wait3A_472 = tpu.memref_squeeze %dma_wait3A_471 : memref<1x64x128xf32, #tpu.memory_space<vmem>> -> memref<64x128xf32, #tpu.memory_space<vmem>>
        %dma_wait3A_473 = arith.constant 0 : i32
        %dma_wait3A_474 = arith.constant 0 : i32
        %dma_wait3A_475 = tpu.memref_slice %arg5[%rem3A_427, %dma_wait3A_473, %dma_wait3A_474] : memref<4x2x64xi32, #tpu.memory_space<vmem>> -> memref<1x2x64xi32, #tpu.memory_space<vmem>>
        %dma_wait3A_476 = tpu.memref_squeeze %dma_wait3A_475 : memref<1x2x64xi32, #tpu.memory_space<vmem>> -> memref<2x64xi32, #tpu.memory_space<vmem>>
        %dma_wait3A_477 = arith.constant 0 : i32
        %dma_wait3A_478 = tpu.memref_slice %dma_wait3A_476[%run_scoped3A_447, %dma_wait3A_477] : memref<2x64xi32, #tpu.memory_space<vmem>> -> memref<1x64xi32, #tpu.memory_space<vmem>>
        %dma_wait3A_479 = tpu.memref_squeeze %dma_wait3A_478 : memref<1x64xi32, #tpu.memory_space<vmem>> -> memref<64xi32, #tpu.memory_space<vmem>>
        %dma_wait3A_480 = arith.constant 0 : i32
        %dma_wait3A_481 = arith.constant 0 : i32
        %dma_wait3A_482 = tpu.memref_slice %arg7[%dma_wait3A_480, %dma_wait3A_481] : memref<10240x128xf32, #tpu.memory_space<vmem_shared>> -> memref<10240x128xf32, #tpu.memory_space<vmem_shared>>
        tpu.wait_indirect_dma semaphore(%run_scoped3A_454 : memref<!tpu.dma_semaphore, #tpu.memory_space<semaphore_mem>>) src(%dma_wait3A_472 : memref<64x128xf32, #tpu.memory_space<vmem>>) dst(%dma_wait3A_482 : memref<10240x128xf32, #tpu.memory_space<vmem_shared>>)
        tpu.yield
      }) : () -> ()
      %lt3A_448 = arith.constant 153 : i32
      %lt3A_449 = arith.cmpi slt, %scan3A_425, %lt3A_448 : i32
      %convert_element_type3A_450 = arith.extui %lt3A_449 : i1 to i32
      %cond3A_451 = arith.constant 0 : i32
      %cond3A_452 = arith.cmpi ne, %convert_element_type3A_450, %cond3A_451 : i32
      scf.if %cond3A_452 {
        %add3A_454 = arith.constant 4 : i32
        %add3A_455 = arith.addi %scan3A_425, %add3A_454 : i32
        %dma_start3A_456 = arith.constant 0 : i32
        %dma_start3A_457 = arith.constant 0 : i32
        %dma_start3A_458 = tpu.memref_slice %arg5[%rem3A_427, %dma_start3A_456, %dma_start3A_457] : memref<4x2x64xi32, #tpu.memory_space<vmem>> -> memref<1x2x64xi32, #tpu.memory_space<vmem>>
        %dma_start3A_459 = tpu.memref_squeeze %dma_start3A_458 : memref<1x2x64xi32, #tpu.memory_space<vmem>> -> memref<2x64xi32, #tpu.memory_space<vmem>>
        %dma_start3A_460 = arith.constant 0 : i32
        %dma_start3A_461 = arith.constant 0 : i32
        %dma_start3A_462 = arith.constant 0 : i32
        %dma_start3A_463 = arith.constant 0 : i32
        %dma_start3A_464 = tpu.memref_slice %arg3[%arg0, %dma_start3A_460, %dma_start3A_461, %dma_start3A_462, %dma_start3A_463] : memref<2x16x157x2x64xi32, #tpu.memory_space<hbm>> -> memref<1x16x157x2x64xi32, #tpu.memory_space<hbm>>
        %dma_start3A_465 = tpu.memref_squeeze %dma_start3A_464 : memref<1x16x157x2x64xi32, #tpu.memory_space<hbm>> -> memref<16x157x2x64xi32, #tpu.memory_space<hbm>>
        %dma_start3A_466 = arith.constant 0 : i32
        %dma_start3A_467 = arith.constant 0 : i32
        %dma_start3A_468 = arith.constant 0 : i32
        %dma_start3A_469 = tpu.memref_slice %dma_start3A_465[%arg1, %dma_start3A_466, %dma_start3A_467, %dma_start3A_468] : memref<16x157x2x64xi32, #tpu.memory_space<hbm>> -> memref<1x157x2x64xi32, #tpu.memory_space<hbm>>
        %dma_start3A_470 = tpu.memref_squeeze %dma_start3A_469 : memref<1x157x2x64xi32, #tpu.memory_space<hbm>> -> memref<157x2x64xi32, #tpu.memory_space<hbm>>
        %dma_start3A_471 = arith.constant 0 : i32
        %dma_start3A_472 = arith.constant 0 : i32
        %dma_start3A_473 = tpu.memref_slice %dma_start3A_470[%add3A_455, %dma_start3A_471, %dma_start3A_472] : memref<157x2x64xi32, #tpu.memory_space<hbm>> -> memref<1x2x64xi32, #tpu.memory_space<hbm>>
        %dma_start3A_474 = tpu.memref_squeeze %dma_start3A_473 : memref<1x2x64xi32, #tpu.memory_space<hbm>> -> memref<2x64xi32, #tpu.memory_space<hbm>>
        %dma_start3A_475 = tpu.memref_slice %arg9[%rem3A_427] : memref<4x!tpu.dma_semaphore, #tpu.memory_space<semaphore_mem>> -> memref<1x!tpu.dma_semaphore, #tpu.memory_space<semaphore_mem>>
        %dma_start3A_476 = tpu.memref_squeeze %dma_start3A_475 : memref<1x!tpu.dma_semaphore, #tpu.memory_space<semaphore_mem>> -> memref<!tpu.dma_semaphore, #tpu.memory_space<semaphore_mem>>
        %dma_start3A_477 = arith.constant 0 : i32
        %dma_start3A_478 = arith.constant 0 : i32
        %dma_start3A_479 = tpu.memref_slice %arg5[%rem3A_427, %dma_start3A_477, %dma_start3A_478] : memref<4x2x64xi32, #tpu.memory_space<vmem>> -> memref<1x2x64xi32, #tpu.memory_space<vmem>>
        %dma_start3A_480 = tpu.memref_squeeze %dma_start3A_479 : memref<1x2x64xi32, #tpu.memory_space<vmem>> -> memref<2x64xi32, #tpu.memory_space<vmem>>
        %dma_start3A_481 = arith.constant 0 : i32
        %dma_start3A_482 = arith.constant 0 : i32
        %dma_start3A_483 = arith.constant 0 : i32
        %dma_start3A_484 = arith.constant 0 : i32
        %dma_start3A_485 = tpu.memref_slice %arg3[%arg0, %dma_start3A_481, %dma_start3A_482, %dma_start3A_483, %dma_start3A_484] : memref<2x16x157x2x64xi32, #tpu.memory_space<hbm>> -> memref<1x16x157x2x64xi32, #tpu.memory_space<hbm>>
        %dma_start3A_486 = tpu.memref_squeeze %dma_start3A_485 : memref<1x16x157x2x64xi32, #tpu.memory_space<hbm>> -> memref<16x157x2x64xi32, #tpu.memory_space<hbm>>
        %dma_start3A_487 = arith.constant 0 : i32
        %dma_start3A_488 = arith.constant 0 : i32
        %dma_start3A_489 = arith.constant 0 : i32
        %dma_start3A_490 = tpu.memref_slice %dma_start3A_486[%arg1, %dma_start3A_487, %dma_start3A_488, %dma_start3A_489] : memref<16x157x2x64xi32, #tpu.memory_space<hbm>> -> memref<1x157x2x64xi32, #tpu.memory_space<hbm>>
        %dma_start3A_491 = tpu.memref_squeeze %dma_start3A_490 : memref<1x157x2x64xi32, #tpu.memory_space<hbm>> -> memref<157x2x64xi32, #tpu.memory_space<hbm>>
        %dma_start3A_492 = arith.constant 0 : i32
        %dma_start3A_493 = arith.constant 0 : i32
        %dma_start3A_494 = tpu.memref_slice %dma_start3A_491[%add3A_455, %dma_start3A_492, %dma_start3A_493] : memref<157x2x64xi32, #tpu.memory_space<hbm>> -> memref<1x2x64xi32, #tpu.memory_space<hbm>>
        %dma_start3A_495 = tpu.memref_squeeze %dma_start3A_494 : memref<1x2x64xi32, #tpu.memory_space<hbm>> -> memref<2x64xi32, #tpu.memory_space<hbm>>
        tpu.enqueue_dma source(%dma_start3A_495 : memref<2x64xi32, #tpu.memory_space<hbm>>) target(%dma_start3A_480 : memref<2x64xi32, #tpu.memory_space<vmem>>) target_semaphore(%dma_start3A_476 : memref<!tpu.dma_semaphore, #tpu.memory_space<semaphore_mem>>)
      } else {
      }
      %scan3A_453 = arith.constant 0 : i32
      scf.yield %scan3A_453 : i32
    }
    %scan3A_419 = arith.constant 157 : i32
    %barrier3A_420 = arith.constant 0 : index
    tpu.barrier barrier_id(%barrier3A_420)
    %mul3A_421 = arith.constant 640 : i32
    %mul3A_422 = arith.muli %arg1, %mul3A_421 : i32
    %mul3A_423 = arith.constant 640 : i32
    %mul3A_424 = arith.muli %arg1, %mul3A_423 : i32
    "tpu.region"() ({
      %run_scoped3A_425 = tpu.sem_alloc : memref<!tpu.dma_semaphore, #tpu.memory_space<semaphore_mem>>
      %dma_start3A_426 = arith.constant 0 : i32
      %dma_start3A_427 = arith.constant 0 : i32
      %dma_start3A_428 = tpu.memref_slice %arg4[%arg0, %dma_start3A_426, %dma_start3A_427] : memref<2x10240x128xf32, #tpu.memory_space<hbm>> -> memref<1x10240x128xf32, #tpu.memory_space<hbm>>
      %dma_start3A_429 = tpu.memref_squeeze %dma_start3A_428 : memref<1x10240x128xf32, #tpu.memory_space<hbm>> -> memref<10240x128xf32, #tpu.memory_space<hbm>>
      %dma_start3A_430 = arith.constant 0 : i32
      %dma_start3A_431 = tpu.memref_slice %dma_start3A_429[%mul3A_424, %dma_start3A_430] : memref<10240x128xf32, #tpu.memory_space<hbm>> -> memref<640x128xf32, #tpu.memory_space<hbm>>
      %dma_start3A_432 = arith.constant 0 : i32
      %dma_start3A_433 = tpu.memref_slice %arg7[%mul3A_422, %dma_start3A_432] : memref<10240x128xf32, #tpu.memory_space<vmem_shared>> -> memref<640x128xf32, #tpu.memory_space<vmem_shared>>
      tpu.enqueue_dma source(%dma_start3A_433 : memref<640x128xf32, #tpu.memory_space<vmem_shared>>) target(%dma_start3A_431 : memref<640x128xf32, #tpu.memory_space<hbm>>) target_semaphore(%run_scoped3A_425 : memref<!tpu.dma_semaphore, #tpu.memory_space<semaphore_mem>>)
      %dma_wait3A_434 = arith.constant 0 : i32
      %dma_wait3A_435 = arith.constant 0 : i32
      %dma_wait3A_436 = tpu.memref_slice %arg4[%arg0, %dma_wait3A_434, %dma_wait3A_435] : memref<2x10240x128xf32, #tpu.memory_space<hbm>> -> memref<1x10240x128xf32, #tpu.memory_space<hbm>>
      %dma_wait3A_437 = tpu.memref_squeeze %dma_wait3A_436 : memref<1x10240x128xf32, #tpu.memory_space<hbm>> -> memref<10240x128xf32, #tpu.memory_space<hbm>>
      %dma_wait3A_438 = arith.constant 0 : i32
      %dma_wait3A_439 = tpu.memref_slice %dma_wait3A_437[%mul3A_424, %dma_wait3A_438] : memref<10240x128xf32, #tpu.memory_space<hbm>> -> memref<640x128xf32, #tpu.memory_space<hbm>>
      %dma_wait3A_440 = arith.constant 0 : i32
      %dma_wait3A_441 = tpu.memref_slice %arg7[%mul3A_422, %dma_wait3A_440] : memref<10240x128xf32, #tpu.memory_space<vmem_shared>> -> memref<640x128xf32, #tpu.memory_space<vmem_shared>>
      tpu.wait_dma2 semaphore(%run_scoped3A_425 : memref<!tpu.dma_semaphore, #tpu.memory_space<semaphore_mem>>) src(%dma_wait3A_441 : memref<640x128xf32, #tpu.memory_space<vmem_shared>>) dst(%dma_wait3A_439 : memref<640x128xf32, #tpu.memory_space<hbm>>)
      tpu.yield
    }) : () -> ()
    return
  }
}

module attributes {stable_mosaic.version = 14 : i64} {
  func.func @body(%arg0: i32, %arg1: i32, %arg2: memref<1024x256xf32, #tpu.memory_space<vmem>>, %arg3: memref<256x128xf32, #tpu.memory_space<vmem>>, %arg4: memref<1x8x128xf32, #tpu.memory_space<vmem>>, %arg5: memref<1x1024x128xf32, #tpu.memory_space<vmem>>) attributes {dimension_semantics = [#tpu.dimension_semantics<arbitrary>, #tpu.dimension_semantics<arbitrary>], iteration_bounds = array<i64: 10, 2>, scalar_prefetch = 0 : i64, scratch_operands = 0 : i64, tpu.core_type = #tpu.core_type<tc>, window_params = [{transform_indices = @transform_0, window_bounds = array<i64: 1024, 256>}, {transform_indices = @transform_1, window_bounds = array<i64: 256, 128>}, {transform_indices = @transform_2, window_bounds = array<i64: 1, 8, 128>}, {transform_indices = @transform_3, window_bounds = array<i64: 1, 1024, 128>}]} {
    %get3A = arith.constant 0 : index
    %get3A_0 = arith.constant 0 : index
    %get3A_1 = arith.constant 0 : index
    %get3A_2 = vector.load %arg4[%get3A, %get3A_0, %get3A_1] : memref<1x8x128xf32, #tpu.memory_space<vmem>>, vector<1x8x128xf32>
    %reshape3A = vector.shape_cast %get3A_2 : vector<1x8x128xf32> to vector<8x128xf32>
    %max3A = arith.constant 1.000000e+00 : f32
    %max3A_3 = vector.broadcast %max3A : f32 to vector<8x128xf32>
    %max3A_4 = arith.maximumf %reshape3A, %max3A_3 : vector<8x128xf32>
    %rsqrt3A = math.rsqrt %max3A_4 : vector<8x128xf32>
    %get3A_5 = arith.constant 0 : index
    %get3A_6 = arith.constant 0 : index
    %get3A_7 = vector.load %arg2[%get3A_5, %get3A_6] : memref<1024x256xf32, #tpu.memory_space<vmem>>, vector<1024x256xf32>
    %get3A_8 = arith.constant 0 : index
    %get3A_9 = arith.constant 0 : index
    %get3A_10 = vector.load %arg3[%get3A_8, %get3A_9] : memref<256x128xf32, #tpu.memory_space<vmem>>, vector<256x128xf32>
    %dot_general3A = arith.constant dense<0.000000e+00> : vector<1024x128xf32>
    %dot_general3A_11 = tpu.matmul %get3A_7, %get3A_10, %dot_general3A {dimension_numbers = #tpu.dot_dimension_numbers<[1], [0], [0], [1], [0, 0, 1, 1], [], []>, transpose_lhs_hint = false} : vector<1024x256xf32>, vector<256x128xf32>, vector<1024x128xf32> -> vector<1024x128xf32>
    %reshape3A_12 = vector.shape_cast %dot_general3A_11 : vector<1024x128xf32> to vector<8x128x128xf32>
    %broadcast_in_dim3A = vector.shape_cast %rsqrt3A : vector<8x128xf32> to vector<8x128x1xf32>
    %mul3A = vector.broadcast %broadcast_in_dim3A : vector<8x128x1xf32> to vector<8x128x128xf32>
    %mul3A_13 = arith.mulf %reshape3A_12, %mul3A : vector<8x128x128xf32>
    %reshape3A_14 = vector.shape_cast %mul3A_13 : vector<8x128x128xf32> to vector<1x1024x128xf32>
    %swap3A = arith.constant 0 : index
    %swap3A_15 = arith.constant 0 : index
    %swap3A_16 = arith.constant 0 : index
    %swap3A_17 = vector.load %arg5[%swap3A, %swap3A_15, %swap3A_16] : memref<1x1024x128xf32, #tpu.memory_space<vmem>>, vector<1x1024x128xf32>
    tpu.vector_store %arg5[%swap3A, %swap3A_15, %swap3A_16], %reshape3A_14 {strides = array<i32>} : memref<1x1024x128xf32, #tpu.memory_space<vmem>>, vector<1x1024x128xf32>,
    return
  }
  func.func @transform_0(%arg0: i32, %arg1: i32) -> (i32, i32) {
    %c0_i32 = arith.constant 0 : i32
    %c0_i32_0 = arith.constant 0 : i32
    return %arg0, %c0_i32 : i32, i32
  }
  func.func @transform_1(%arg0: i32, %arg1: i32) -> (i32, i32) {
    %c0_i32 = arith.constant 0 : i32
    %c0_i32_0 = arith.constant 0 : i32
    return %c0_i32, %arg1 : i32, i32
  }
  func.func @transform_2(%arg0: i32, %arg1: i32) -> (i32, i32, i32) {
    %c0_i32 = arith.constant 0 : i32
    %c0_i32_0 = arith.constant 0 : i32
    %c0_i32_1 = arith.constant 0 : i32
    return %c0_i32, %arg0, %c0_i32_0 : i32, i32, i32
  }
  func.func @transform_3(%arg0: i32, %arg1: i32) -> (i32, i32, i32) {
    %c0_i32 = arith.constant 0 : i32
    %c0_i32_0 = arith.constant 0 : i32
    return %arg1, %arg0, %c0_i32 : i32, i32, i32
  }
}

module attributes {stable_mosaic.version = 14 : i64} {
  func.func @body(%arg0: i32, %arg1: i32, %arg2: memref<1x1024x128xf32, #tpu.memory_space<vmem>>, %arg3: memref<1x1024x128xf32, #tpu.memory_space<vmem>>, %arg4: memref<128x128xf32, #tpu.memory_space<vmem>>, %arg5: memref<128x128xf32, #tpu.memory_space<vmem>>, %arg6: memref<1x8x128xf32, #tpu.memory_space<vmem>>, %arg7: memref<1x8x128xf32, #tpu.memory_space<vmem>>, %arg8: memref<2x128xf32, #tpu.memory_space<vmem>>, %arg9: memref<1x1024x128xf32, #tpu.memory_space<vmem>>) attributes {dimension_semantics = [#tpu.dimension_semantics<arbitrary>, #tpu.dimension_semantics<arbitrary>], iteration_bounds = array<i64: 10, 2>, scalar_prefetch = 0 : i64, scratch_operands = 0 : i64, tpu.core_type = #tpu.core_type<tc>, window_params = [{transform_indices = @transform_0, window_bounds = array<i64: 1, 1024, 128>}, {transform_indices = @transform_1, window_bounds = array<i64: 1, 1024, 128>}, {transform_indices = @transform_2, window_bounds = array<i64: 128, 128>}, {transform_indices = @transform_3, window_bounds = array<i64: 128, 128>}, {transform_indices = @transform_4, window_bounds = array<i64: 1, 8, 128>}, {transform_indices = @transform_5, window_bounds = array<i64: 1, 8, 128>}, {pipeline_mode = #tpu.pipeline_mode<synchronous>, transform_indices = @transform_6, window_bounds = array<i64: 2, 128>}, {transform_indices = @transform_7, window_bounds = array<i64: 1, 1024, 128>}]} {
    %get3A = arith.constant 0 : index
    %get3A_0 = arith.constant 0 : index
    %get3A_1 = arith.constant 0 : index
    %get3A_2 = vector.load %arg6[%get3A, %get3A_0, %get3A_1] : memref<1x8x128xf32, #tpu.memory_space<vmem>>, vector<1x8x128xf32>
    %reshape3A = vector.shape_cast %get3A_2 : vector<1x8x128xf32> to vector<8x128xf32>
    %max3A = arith.constant 1.000000e+00 : f32
    %max3A_3 = vector.broadcast %max3A : f32 to vector<8x128xf32>
    %max3A_4 = arith.maximumf %reshape3A, %max3A_3 : vector<8x128xf32>
    %rsqrt3A = math.rsqrt %max3A_4 : vector<8x128xf32>
    %get3A_5 = arith.constant 0 : index
    %get3A_6 = arith.constant 0 : index
    %get3A_7 = arith.constant 0 : index
    %get3A_8 = vector.load %arg7[%get3A_5, %get3A_6, %get3A_7] : memref<1x8x128xf32, #tpu.memory_space<vmem>>, vector<1x8x128xf32>
    %reshape3A_9 = vector.shape_cast %get3A_8 : vector<1x8x128xf32> to vector<8x128xf32>
    %max3A_10 = arith.constant 1.000000e+00 : f32
    %max3A_11 = vector.broadcast %max3A_10 : f32 to vector<8x128xf32>
    %max3A_12 = arith.maximumf %reshape3A_9, %max3A_11 : vector<8x128xf32>
    %rsqrt3A_13 = math.rsqrt %max3A_12 : vector<8x128xf32>
    %get3A_14 = arith.constant 0 : index
    %get3A_15 = arith.constant 0 : index
    %get3A_16 = vector.load %arg8[%get3A_14, %get3A_15] : memref<2x128xf32, #tpu.memory_space<vmem>>, vector<1x128xf32>
    %get3A_17 = vector.shape_cast %get3A_16 : vector<1x128xf32> to vector<128xf32>
    %get3A_18 = arith.constant 0 : index
    %get3A_19 = arith.constant 0 : index
    %get3A_20 = arith.constant 0 : index
    %get3A_21 = vector.load %arg2[%get3A_18, %get3A_19, %get3A_20] : memref<1x1024x128xf32, #tpu.memory_space<vmem>>, vector<1x1024x128xf32>
    %reshape3A_22 = vector.shape_cast %get3A_21 : vector<1x1024x128xf32> to vector<8x128x128xf32>
    %broadcast_in_dim3A = vector.shape_cast %rsqrt3A : vector<8x128xf32> to vector<8x128x1xf32>
    %mul3A = vector.broadcast %broadcast_in_dim3A : vector<8x128x1xf32> to vector<8x128x128xf32>
    %mul3A_23 = arith.mulf %reshape3A_22, %mul3A : vector<8x128x128xf32>
    %broadcast_in_dim3A_24 = vector.shape_cast %get3A_17 : vector<128xf32> to vector<1x1x128xf32>
    %add3A = vector.broadcast %broadcast_in_dim3A_24 : vector<1x1x128xf32> to vector<8x128x128xf32>
    %add3A_25 = arith.addf %mul3A_23, %add3A : vector<8x128x128xf32>
    %max3A_26 = arith.constant 0.000000e+00 : f32
    %max3A_27 = vector.broadcast %max3A_26 : f32 to vector<8x128x128xf32>
    %max3A_28 = arith.maximumf %add3A_25, %max3A_27 : vector<8x128x128xf32>
    %broadcast_in_dim3A_29 = vector.shape_cast %rsqrt3A_13 : vector<8x128xf32> to vector<8x128x1xf32>
    %mul3A_30 = vector.broadcast %broadcast_in_dim3A_29 : vector<8x128x1xf32> to vector<8x128x128xf32>
    %mul3A_31 = arith.mulf %max3A_28, %mul3A_30 : vector<8x128x128xf32>
    %reshape3A_32 = vector.shape_cast %mul3A_31 : vector<8x128x128xf32> to vector<1024x128xf32>
    %get3A_33 = arith.constant 1 : index
    %get3A_34 = arith.constant 0 : index
    %get3A_35 = vector.load %arg8[%get3A_33, %get3A_34] : memref<2x128xf32, #tpu.memory_space<vmem>>, vector<1x128xf32>
    %get3A_36 = vector.shape_cast %get3A_35 : vector<1x128xf32> to vector<128xf32>
    %get3A_37 = arith.constant 0 : index
    %get3A_38 = arith.constant 0 : index
    %get3A_39 = arith.constant 0 : index
    %get3A_40 = vector.load %arg3[%get3A_37, %get3A_38, %get3A_39] : memref<1x1024x128xf32, #tpu.memory_space<vmem>>, vector<1x1024x128xf32>
    %reshape3A_41 = vector.shape_cast %get3A_40 : vector<1x1024x128xf32> to vector<8x128x128xf32>
    %broadcast_in_dim3A_42 = vector.shape_cast %rsqrt3A : vector<8x128xf32> to vector<8x128x1xf32>
    %mul3A_43 = vector.broadcast %broadcast_in_dim3A_42 : vector<8x128x1xf32> to vector<8x128x128xf32>
    %mul3A_44 = arith.mulf %reshape3A_41, %mul3A_43 : vector<8x128x128xf32>
    %broadcast_in_dim3A_45 = vector.shape_cast %get3A_36 : vector<128xf32> to vector<1x1x128xf32>
    %add3A_46 = vector.broadcast %broadcast_in_dim3A_45 : vector<1x1x128xf32> to vector<8x128x128xf32>
    %add3A_47 = arith.addf %mul3A_44, %add3A_46 : vector<8x128x128xf32>
    %max3A_48 = arith.constant 0.000000e+00 : f32
    %max3A_49 = vector.broadcast %max3A_48 : f32 to vector<8x128x128xf32>
    %max3A_50 = arith.maximumf %add3A_47, %max3A_49 : vector<8x128x128xf32>
    %broadcast_in_dim3A_51 = vector.shape_cast %rsqrt3A_13 : vector<8x128xf32> to vector<8x128x1xf32>
    %mul3A_52 = vector.broadcast %broadcast_in_dim3A_51 : vector<8x128x1xf32> to vector<8x128x128xf32>
    %mul3A_53 = arith.mulf %max3A_50, %mul3A_52 : vector<8x128x128xf32>
    %reshape3A_54 = vector.shape_cast %mul3A_53 : vector<8x128x128xf32> to vector<1024x128xf32>
    %get3A_55 = arith.constant 0 : index
    %get3A_56 = arith.constant 0 : index
    %get3A_57 = vector.load %arg4[%get3A_55, %get3A_56] : memref<128x128xf32, #tpu.memory_space<vmem>>, vector<128x128xf32>
    %dot_general3A = arith.constant dense<0.000000e+00> : vector<1024x128xf32>
    %dot_general3A_58 = tpu.matmul %reshape3A_32, %get3A_57, %dot_general3A {dimension_numbers = #tpu.dot_dimension_numbers<[1], [0], [0], [1], [0, 0, 1, 1], [], []>, transpose_lhs_hint = false} : vector<1024x128xf32>, vector<128x128xf32>, vector<1024x128xf32> -> vector<1024x128xf32>
    %get3A_59 = arith.constant 0 : index
    %get3A_60 = arith.constant 0 : index
    %get3A_61 = vector.load %arg5[%get3A_59, %get3A_60] : memref<128x128xf32, #tpu.memory_space<vmem>>, vector<128x128xf32>
    %dot_general3A_62 = arith.constant dense<0.000000e+00> : vector<1024x128xf32>
    %dot_general3A_63 = tpu.matmul %reshape3A_54, %get3A_61, %dot_general3A_62 {dimension_numbers = #tpu.dot_dimension_numbers<[1], [0], [0], [1], [0, 0, 1, 1], [], []>, transpose_lhs_hint = false} : vector<1024x128xf32>, vector<128x128xf32>, vector<1024x128xf32> -> vector<1024x128xf32>
    %add3A_64 = arith.addf %dot_general3A_58, %dot_general3A_63 : vector<1024x128xf32>
    %reshape3A_65 = vector.shape_cast %add3A_64 : vector<1024x128xf32> to vector<1x1024x128xf32>
    %swap3A = arith.constant 0 : index
    %swap3A_66 = arith.constant 0 : index
    %swap3A_67 = arith.constant 0 : index
    %swap3A_68 = vector.load %arg9[%swap3A, %swap3A_66, %swap3A_67] : memref<1x1024x128xf32, #tpu.memory_space<vmem>>, vector<1x1024x128xf32>
    tpu.vector_store %arg9[%swap3A, %swap3A_66, %swap3A_67], %reshape3A_65 {strides = array<i32>} : memref<1x1024x128xf32, #tpu.memory_space<vmem>>, vector<1x1024x128xf32>,
    return
  }
  func.func @transform_0(%arg0: i32, %arg1: i32) -> (i32, i32, i32) {
    %c0_i32 = arith.constant 0 : i32
    %c0_i32_0 = arith.constant 0 : i32
    %c0_i32_1 = arith.constant 0 : i32
    return %c0_i32, %arg0, %c0_i32_0 : i32, i32, i32
  }
  func.func @transform_1(%arg0: i32, %arg1: i32) -> (i32, i32, i32) {
    %c1_i32 = arith.constant 1 : i32
    %c0_i32 = arith.constant 0 : i32
    %c0_i32_0 = arith.constant 0 : i32
    return %c1_i32, %arg0, %c0_i32 : i32, i32, i32
  }
  func.func @transform_2(%arg0: i32, %arg1: i32) -> (i32, i32) {
    %c0_i32 = arith.constant 0 : i32
    %c0_i32_0 = arith.constant 0 : i32
    return %c0_i32, %arg1 : i32, i32
  }
  func.func @transform_3(%arg0: i32, %arg1: i32) -> (i32, i32) {
    %c1_i32 = arith.constant 1 : i32
    %c0_i32 = arith.constant 0 : i32
    return %c1_i32, %arg1 : i32, i32
  }
  func.func @transform_4(%arg0: i32, %arg1: i32) -> (i32, i32, i32) {
    %c1_i32 = arith.constant 1 : i32
    %c0_i32 = arith.constant 0 : i32
    %c0_i32_0 = arith.constant 0 : i32
    return %c1_i32, %arg0, %c0_i32 : i32, i32, i32
  }
  func.func @transform_5(%arg0: i32, %arg1: i32) -> (i32, i32, i32) {
    %c0_i32 = arith.constant 0 : i32
    %c0_i32_0 = arith.constant 0 : i32
    %c0_i32_1 = arith.constant 0 : i32
    return %c0_i32, %arg0, %c0_i32_0 : i32, i32, i32
  }
  func.func @transform_6(%arg0: i32, %arg1: i32) -> (i32, i32) {
    %c0_i32 = arith.constant 0 : i32
    %c0_i32_0 = arith.constant 0 : i32
    %c0_i32_1 = arith.constant 0 : i32
    return %c0_i32, %c0_i32_0 : i32, i32
  }
  func.func @transform_7(%arg0: i32, %arg1: i32) -> (i32, i32, i32) {
    %c0_i32 = arith.constant 0 : i32
    %c0_i32_0 = arith.constant 0 : i32
    return %arg1, %arg0, %c0_i32 : i32, i32, i32
  }
}

module attributes {stable_mosaic.version = 14 : i64} {
  func.func @body(%arg0: i32, %arg1: memref<1x1024x128xf32, #tpu.memory_space<vmem>>, %arg2: memref<1x1024x128xf32, #tpu.memory_space<vmem>>, %arg3: memref<1x8x128xf32, #tpu.memory_space<vmem>>, %arg4: memref<2x128xf32, #tpu.memory_space<vmem>>, %arg5: memref<1024x256xf32, #tpu.memory_space<vmem>>, %arg6: memref<1x256xf32, #tpu.memory_space<vmem>>, %arg7: memref<1x256xf32, #tpu.memory_space<vmem>>, %arg8: memref<1x256xf32, #tpu.memory_space<vmem>>) attributes {dimension_semantics = [#tpu.dimension_semantics<arbitrary>], iteration_bounds = array<i64: 10>, scalar_prefetch = 0 : i64, scratch_operands = 2 : i64, tpu.core_type = #tpu.core_type<tc>, window_params = [{transform_indices = @transform_0, window_bounds = array<i64: 1, 1024, 128>}, {transform_indices = @transform_1, window_bounds = array<i64: 1, 1024, 128>}, {transform_indices = @transform_2, window_bounds = array<i64: 1, 8, 128>}, {pipeline_mode = #tpu.pipeline_mode<synchronous>, transform_indices = @transform_3, window_bounds = array<i64: 2, 128>}, {transform_indices = @transform_4, window_bounds = array<i64: 1024, 256>}, {pipeline_mode = #tpu.pipeline_mode<synchronous>, transform_indices = @transform_5, window_bounds = array<i64: 1, 256>}]} {
    %get3A = arith.constant 0 : index
    %get3A_0 = arith.constant 0 : index
    %get3A_1 = arith.constant 0 : index
    %get3A_2 = vector.load %arg3[%get3A, %get3A_0, %get3A_1] : memref<1x8x128xf32, #tpu.memory_space<vmem>>, vector<1x8x128xf32>
    %reshape3A = vector.shape_cast %get3A_2 : vector<1x8x128xf32> to vector<8x128xf32>
    %max3A = arith.constant 1.000000e+00 : f32
    %max3A_3 = vector.broadcast %max3A : f32 to vector<8x128xf32>
    %max3A_4 = arith.maximumf %reshape3A, %max3A_3 : vector<8x128xf32>
    %rsqrt3A = math.rsqrt %max3A_4 : vector<8x128xf32>
    %get3A_5 = arith.constant 0 : index
    %get3A_6 = arith.constant 0 : index
    %get3A_7 = vector.load %arg4[%get3A_5, %get3A_6] : memref<2x128xf32, #tpu.memory_space<vmem>>, vector<1x128xf32>
    %get3A_8 = vector.shape_cast %get3A_7 : vector<1x128xf32> to vector<128xf32>
    %get3A_9 = arith.constant 0 : index
    %get3A_10 = arith.constant 0 : index
    %get3A_11 = arith.constant 0 : index
    %get3A_12 = vector.load %arg1[%get3A_9, %get3A_10, %get3A_11] : memref<1x1024x128xf32, #tpu.memory_space<vmem>>, vector<1x1024x128xf32>
    %reshape3A_13 = vector.shape_cast %get3A_12 : vector<1x1024x128xf32> to vector<8x128x128xf32>
    %broadcast_in_dim3A = vector.shape_cast %rsqrt3A : vector<8x128xf32> to vector<8x128x1xf32>
    %mul3A = vector.broadcast %broadcast_in_dim3A : vector<8x128x1xf32> to vector<8x128x128xf32>
    %mul3A_14 = arith.mulf %reshape3A_13, %mul3A : vector<8x128x128xf32>
    %broadcast_in_dim3A_15 = vector.shape_cast %get3A_8 : vector<128xf32> to vector<1x1x128xf32>
    %add3A = vector.broadcast %broadcast_in_dim3A_15 : vector<1x1x128xf32> to vector<8x128x128xf32>
    %add3A_16 = arith.addf %mul3A_14, %add3A : vector<8x128x128xf32>
    %reshape3A_17 = vector.shape_cast %add3A_16 : vector<8x128x128xf32> to vector<1024x128xf32>
    %get3A_18 = arith.constant 1 : index
    %get3A_19 = arith.constant 0 : index
    %get3A_20 = vector.load %arg4[%get3A_18, %get3A_19] : memref<2x128xf32, #tpu.memory_space<vmem>>, vector<1x128xf32>
    %get3A_21 = vector.shape_cast %get3A_20 : vector<1x128xf32> to vector<128xf32>
    %get3A_22 = arith.constant 0 : index
    %get3A_23 = arith.constant 0 : index
    %get3A_24 = arith.constant 0 : index
    %get3A_25 = vector.load %arg2[%get3A_22, %get3A_23, %get3A_24] : memref<1x1024x128xf32, #tpu.memory_space<vmem>>, vector<1x1024x128xf32>
    %reshape3A_26 = vector.shape_cast %get3A_25 : vector<1x1024x128xf32> to vector<8x128x128xf32>
    %broadcast_in_dim3A_27 = vector.shape_cast %rsqrt3A : vector<8x128xf32> to vector<8x128x1xf32>
    %mul3A_28 = vector.broadcast %broadcast_in_dim3A_27 : vector<8x128x1xf32> to vector<8x128x128xf32>
    %mul3A_29 = arith.mulf %reshape3A_26, %mul3A_28 : vector<8x128x128xf32>
    %broadcast_in_dim3A_30 = vector.shape_cast %get3A_21 : vector<128xf32> to vector<1x1x128xf32>
    %add3A_31 = vector.broadcast %broadcast_in_dim3A_30 : vector<1x1x128xf32> to vector<8x128x128xf32>
    %add3A_32 = arith.addf %mul3A_29, %add3A_31 : vector<8x128x128xf32>
    %reshape3A_33 = vector.shape_cast %add3A_32 : vector<8x128x128xf32> to vector<1024x128xf32>
    %concatenate3A = tpu.concatenate %reshape3A_17, %reshape3A_33 in 1 : vector<1024x128xf32>, vector<1024x128xf32> -> vector<1024x256xf32>
    %swap3A = arith.constant 0 : index
    %swap3A_34 = arith.constant 0 : index
    %swap3A_35 = vector.load %arg5[%swap3A, %swap3A_34] : memref<1024x256xf32, #tpu.memory_space<vmem>>, vector<1024x256xf32>
    tpu.vector_store %arg5[%swap3A, %swap3A_34], %concatenate3A {strides = array<i32>} : memref<1024x256xf32, #tpu.memory_space<vmem>>, vector<1024x256xf32>,
    %mul3A_36 = arith.constant 1024 : i32
    %mul3A_37 = arith.muli %arg0, %mul3A_36 : i32
    %iota3A = tpu.iota {dimensions = array<i32: 0>} : vector<1024x1xi32>
    %add3A_38 = vector.broadcast %mul3A_37 : i32 to vector<1024x1xi32>
    %add3A_39 = arith.addi %add3A_38, %iota3A : vector<1024x1xi32>
    %lt3A = arith.constant 10000 : i32
    %lt3A_40 = vector.broadcast %lt3A : i32 to vector<1024x1xi32>
    %lt3A_41 = arith.cmpi slt, %add3A_39, %lt3A_40 : vector<1024x1xi32>
    %jit3A = arith.constant 0xFF800000 : f32
    %broadcast_in_dim3A_42 = vector.shape_cast %lt3A_41 : vector<1024x1xi1> to vector<1024x1xi1>
    %broadcast_in_dim3A_43 = vector.broadcast %broadcast_in_dim3A_42 : vector<1024x1xi1> to vector<1024x256xi1>
    %broadcast_in_dim3A_44 = vector.broadcast %jit3A : f32 to vector<1024x256xf32>
    %select_n3A = arith.select %broadcast_in_dim3A_43, %concatenate3A, %broadcast_in_dim3A_44 : vector<1024x256xi1>, vector<1024x256xf32>
    %reduce_max3A = arith.constant dense<0xFF800000> : vector<256xf32>
    %reduce_max3A_45 = vector.multi_reduction <maximumf>, %select_n3A, %reduce_max3A [0] : vector<1024x256xf32> to vector<256xf32>
    %broadcast_in_dim3A_46 = vector.shape_cast %reduce_max3A_45 : vector<256xf32> to vector<1x256xf32>
    %jit3A_47 = arith.constant 0.000000e+00 : f32
    %broadcast_in_dim3A_48 = vector.shape_cast %lt3A_41 : vector<1024x1xi1> to vector<1024x1xi1>
    %broadcast_in_dim3A_49 = vector.broadcast %broadcast_in_dim3A_48 : vector<1024x1xi1> to vector<1024x256xi1>
    %broadcast_in_dim3A_50 = vector.broadcast %jit3A_47 : f32 to vector<1024x256xf32>
    %select_n3A_51 = arith.select %broadcast_in_dim3A_49, %concatenate3A, %broadcast_in_dim3A_50 : vector<1024x256xi1>, vector<1024x256xf32>
    %reduce_sum3A = arith.constant dense<0.000000e+00> : vector<256xf32>
    %reduce_sum3A_52 = vector.multi_reduction <add>, %select_n3A_51, %reduce_sum3A [0] : vector<1024x256xf32> to vector<256xf32>
    %broadcast_in_dim3A_53 = vector.shape_cast %reduce_sum3A_52 : vector<256xf32> to vector<1x256xf32>
    %eq3A = arith.constant 0 : i32
    %eq3A_54 = arith.cmpi eq, %arg0, %eq3A : i32
    %convert_element_type3A = arith.extui %eq3A_54 : i1 to i32
    %cond3A = arith.constant 0 : i32
    %cond3A_55 = arith.cmpi ne, %convert_element_type3A, %cond3A : i32
    scf.if %cond3A_55 {
      %swap3A_65 = arith.constant 0 : index
      %swap3A_66 = arith.constant 0 : index
      %swap3A_67 = vector.load %arg7[%swap3A_65, %swap3A_66] : memref<1x256xf32, #tpu.memory_space<vmem>>, vector<1x256xf32>
      tpu.vector_store %arg7[%swap3A_65, %swap3A_66], %broadcast_in_dim3A_46 {strides = array<i32>} : memref<1x256xf32, #tpu.memory_space<vmem>>, vector<1x256xf32>,
      %swap3A_68 = arith.constant 0 : index
      %swap3A_69 = arith.constant 0 : index
      %swap3A_70 = vector.load %arg8[%swap3A_68, %swap3A_69] : memref<1x256xf32, #tpu.memory_space<vmem>>, vector<1x256xf32>
      tpu.vector_store %arg8[%swap3A_68, %swap3A_69], %broadcast_in_dim3A_53 {strides = array<i32>} : memref<1x256xf32, #tpu.memory_space<vmem>>, vector<1x256xf32>,
    } else {
    }
    %gt3A = arith.constant 0 : i32
    %gt3A_56 = arith.cmpi sgt, %arg0, %gt3A : i32
    %convert_element_type3A_57 = arith.extui %gt3A_56 : i1 to i32
    %cond3A_58 = arith.constant 0 : i32
    %cond3A_59 = arith.cmpi ne, %convert_element_type3A_57, %cond3A_58 : i32
    scf.if %cond3A_59 {
      %get3A_65 = arith.constant 0 : index
      %get3A_66 = arith.constant 0 : index
      %get3A_67 = vector.load %arg7[%get3A_65, %get3A_66] : memref<1x256xf32, #tpu.memory_space<vmem>>, vector<1x256xf32>
      %max3A_68 = arith.maximumf %get3A_67, %broadcast_in_dim3A_46 : vector<1x256xf32>
      %swap3A_69 = arith.constant 0 : index
      %swap3A_70 = arith.constant 0 : index
      %swap3A_71 = vector.load %arg7[%swap3A_69, %swap3A_70] : memref<1x256xf32, #tpu.memory_space<vmem>>, vector<1x256xf32>
      tpu.vector_store %arg7[%swap3A_69, %swap3A_70], %max3A_68 {strides = array<i32>} : memref<1x256xf32, #tpu.memory_space<vmem>>, vector<1x256xf32>,
      %get3A_72 = arith.constant 0 : index
      %get3A_73 = arith.constant 0 : index
      %get3A_74 = vector.load %arg8[%get3A_72, %get3A_73] : memref<1x256xf32, #tpu.memory_space<vmem>>, vector<1x256xf32>
      %add3A_75 = arith.addf %get3A_74, %broadcast_in_dim3A_53 : vector<1x256xf32>
      %swap3A_76 = arith.constant 0 : index
      %swap3A_77 = arith.constant 0 : index
      %swap3A_78 = vector.load %arg8[%swap3A_76, %swap3A_77] : memref<1x256xf32, #tpu.memory_space<vmem>>, vector<1x256xf32>
      tpu.vector_store %arg8[%swap3A_76, %swap3A_77], %add3A_75 {strides = array<i32>} : memref<1x256xf32, #tpu.memory_space<vmem>>, vector<1x256xf32>,
    } else {
    }
    %eq3A_60 = arith.constant 9 : i32
    %eq3A_61 = arith.cmpi eq, %arg0, %eq3A_60 : i32
    %convert_element_type3A_62 = arith.extui %eq3A_61 : i1 to i32
    %cond3A_63 = arith.constant 0 : i32
    %cond3A_64 = arith.cmpi ne, %convert_element_type3A_62, %cond3A_63 : i32
    scf.if %cond3A_64 {
      %get3A_65 = arith.constant 0 : index
      %get3A_66 = arith.constant 0 : index
      %get3A_67 = vector.load %arg7[%get3A_65, %get3A_66] : memref<1x256xf32, #tpu.memory_space<vmem>>, vector<1x256xf32>
      %get3A_68 = arith.constant 0 : index
      %get3A_69 = arith.constant 0 : index
      %get3A_70 = vector.load %arg8[%get3A_68, %get3A_69] : memref<1x256xf32, #tpu.memory_space<vmem>>, vector<1x256xf32>
      %mul3A_71 = arith.constant 9.99999974E-5 : f32
      %mul3A_72 = vector.broadcast %mul3A_71 : f32 to vector<1x256xf32>
      %mul3A_73 = arith.mulf %get3A_70, %mul3A_72 : vector<1x256xf32>
      %add3A_74 = arith.addf %get3A_67, %mul3A_73 : vector<1x256xf32>
      %swap3A_75 = arith.constant 0 : index
      %swap3A_76 = arith.constant 0 : index
      %swap3A_77 = vector.load %arg6[%swap3A_75, %swap3A_76] : memref<1x256xf32, #tpu.memory_space<vmem>>, vector<1x256xf32>
      tpu.vector_store %arg6[%swap3A_75, %swap3A_76], %add3A_74 {strides = array<i32>} : memref<1x256xf32, #tpu.memory_space<vmem>>, vector<1x256xf32>,
    } else {
    }
    return
  }
  func.func @transform_0(%arg0: i32) -> (i32, i32, i32) {
    %c0_i32 = arith.constant 0 : i32
    %c0_i32_0 = arith.constant 0 : i32
    %c0_i32_1 = arith.constant 0 : i32
    return %c0_i32, %arg0, %c0_i32_0 : i32, i32, i32
  }
  func.func @transform_1(%arg0: i32) -> (i32, i32, i32) {
    %c1_i32 = arith.constant 1 : i32
    %c0_i32 = arith.constant 0 : i32
    %c0_i32_0 = arith.constant 0 : i32
    return %c1_i32, %arg0, %c0_i32 : i32, i32, i32
  }
  func.func @transform_2(%arg0: i32) -> (i32, i32, i32) {
    %c1_i32 = arith.constant 1 : i32
    %c0_i32 = arith.constant 0 : i32
    %c0_i32_0 = arith.constant 0 : i32
    return %c1_i32, %arg0, %c0_i32 : i32, i32, i32
  }
  func.func @transform_3(%arg0: i32) -> (i32, i32) {
    %c0_i32 = arith.constant 0 : i32
    %c0_i32_0 = arith.constant 0 : i32
    %c0_i32_1 = arith.constant 0 : i32
    return %c0_i32, %c0_i32_0 : i32, i32
  }
  func.func @transform_4(%arg0: i32) -> (i32, i32) {
    %c0_i32 = arith.constant 0 : i32
    %c0_i32_0 = arith.constant 0 : i32
    return %arg0, %c0_i32 : i32, i32
  }
  func.func @transform_5(%arg0: i32) -> (i32, i32) {
    %c0_i32 = arith.constant 0 : i32
    %c0_i32_0 = arith.constant 0 : i32
    %c0_i32_1 = arith.constant 0 : i32
    return %c0_i32, %c0_i32_0 : i32, i32
  }
}

</mosaic_0001>

<sc_bundles>
// kernel: kernel.11.cloned.1.call-start
scs
__scs_entry_jumppad:
0x0: {  	(pc) =	sbr.rel $0x88, $3  }
0x1: {  	(tag) =	ssettag $0x0;
	lr =	simm.s32 $0x1  }
0x2: {  	[smem:$0x3F9B] =	sst lr;
	_ =	strace $0xD0000000  }
0x3: {  	_ = 	snop  }
0x4: {  	_ = 	snop  }
0x5: {  	_ = 	snop  }
0x6: {  	_ = 	snop  }
0x7: {  	_ = 	snop  }
__scs_overlays_trampoline_lowered:
0x8: {  	[smem:$0x3FAA] =	sst s0  }
0x9: {  	[smem:$0x3FAB] =	sst s1  }
0xa: {  	[smem:$0x3FAC] =	sst s2  }
0xb: {  	[smem:$0x3FAD] =	sst s3  }
0xc: {  	[smem:$0x3FAE] =	sst s4  }
0xd: {  	[smem:$0x3FAF] =	sst s5  }
0xe: {  	[smem:$0x3FB0] =	sst s6  }
0xf: {  	[smem:$0x3FB1] =	sst s7  }
0x10: {  	[smem:$0x3FB2] =	sst s8  }
0x11: {  	[smem:$0x3FB3] =	sst s9;
	s0 =	simm.s32 @!p0 $0x0  }
0x12: {  	s1 =	sld [smem:$0x3F99];
	s0 =	simm.s32 @p0 $0x1  }
0x13: {  	[smem:$0x3FB4] =	sst s0;
	s0 =	simm.s32 @!p1 $0x0  }
0x14: {  	s2 =	sld [smem:$0x3F98];
	s0 =	simm.s32 @p1 $0x1  }
0x15: {  	[smem:$0x3FB5] =	sst s0;
	s0 =	simm.s32 @!p2 $0x0  }
0x16: {  	s3 =	sld [smem:$0x3FDB];
	s0 =	simm.s32 @p2 $0x1  }
0x17: {  	s4 =	simm.s32 $0x1BF5;
	[smem:$0x3FB7] =	sst s0  }
0x18: {  	s0 =	sld [smem:$0x3F9A];
	_ =	swait.ge [sflag:s4], $0x0  }
0x19: {  	s7 =	sld [smem:$0x3F9B]  }
0x1a: {  	s8 =	sadd.s32 $0xFFFFE003, lr  }
0x1b: {  	s9 =	sadd.s32 $0xFFFFFEF7, lr;
	s5 =	simm.s32 $0xFFFFFFFF;
	p2 =	slt.u32 s8, $0xFFFFF086  }
0x1c: {  	p1 =	slt.u32 s9, $0xF7A;
	s5 =	simm.s32 @!p2 $0x0  }
0x1d: {  	s5 =	simm.s32 @p1 $0x1;
	p0 =	seq.s32 s7, s2  }
0x1e: {  	s7 =	smul.u32 @!p0 $0xF7A, s2;
	p2 =	seq.s32 @!p0 s5, $0x0  }
0x1f: {  	s9 =	smul.u32 $0xF7A, s1;
	s8 =	simm.s32 @!p0 $0x1BF5;
	p2 =	por !p2, p0  }
0x20: {  	[sflag:s8] =	ssyncset.s32 @!p0 $0xFFFFF086;
	s6 =	sadd.s32 @!p0 s3, s7;
	s7 =	simm.s32 @!p0 $0x108  }
0x21: {  	s3 =	sadd.s32 s3, s9;
	s6 =	sadd.s32 @!p0 $0x88, s6;
	s7 =	simm.s32 @p2 $0x1082  }
0x22: {  	[simem:s7], [sflag:s8] =	dma.local @!p0 [hbm:s6], $0xF7A  }
0x23: {  	s9 =	sor.u32 $0xD0000000, s2;
	s6 =	simm.s32 $0x108;
	_ =	swait.ge @!p0 [sflag:s8], $0x0  }
0x24: {  	s3 =	sadd.s32 $0x88, s3;
	s6 =	simm.s32 @!p1 $0x1082;
	[sflag:s4] =	ssyncset.s32 $0xFFFFF086  }
0x25: {  	[simem:s6], [sflag:s4] =	dma.local [hbm:s3], $0xF7A  }
0x26: {  	[smem:$0x3F9B] =	sst s1;
	(tag) =	ssettag s2;
	_ =	strace s9  }
0x27: {  	s1 =	sld [smem:$0x3FAB]  }
0x28: {  	s2 =	sld [smem:$0x3FAC]  }
0x29: {  	s4 =	sld [smem:$0x3FAE]  }
0x2a: {  	p0 =	seq.s32 s5, $0x0;
	s5 =	sld [smem:$0x3FAF]  }
0x2b: {  	s6 =	sld [smem:$0x3FB0]  }
0x2c: {  	s7 =	sld [smem:$0x3FB1]  }
0x2d: {  	s3 =	simm.s32 $0x108;
	s8 =	sld [smem:$0x3FB2]  }
0x2e: {  	s3 =	simm.s32 @!p0 $0x1082;
	s9 =	sld [smem:$0x3FB3]  }
0x2f: {  	lr =	sadd.s32 s0, s3;
	s0 =	sld [smem:$0x3FAA]  }
0x30: {  	s3 =	sld [smem:$0x3FAD]  }
0x31: {  	[smem:$0x3FB6] =	sst s10  }
0x32: {  	s10 =	sld [smem:$0x3FB4];
	_ =	sdelay $0x3  }
0x33: {  	p0 =	seq.s32 s10, $0x1;
	s10 =	sld [smem:$0x3FB6];
	_ =	sdelay $0x3  }
0x34: {  	[smem:$0x3FB6] =	sst s10  }
0x35: {  	s10 =	sld [smem:$0x3FB5];
	_ =	sdelay $0x3  }
0x36: {  	p1 =	seq.s32 s10, $0x1;
	s10 =	sld [smem:$0x3FB6];
	_ =	sdelay $0x3  }
0x37: {  	[smem:$0x3FB6] =	sst s10  }
0x38: {  	s10 =	sld [smem:$0x3FB7]  }
0x39: {  	_ = 	snop;
	(pc) =	sbr.ind lr, $3  }
0x3a: {  	_ = 	snop  }
0x3b: {  	_ = 	snop  }
0x3c: {  	p2 =	seq.s32 s10, $0x1;
	s10 =	sld [smem:$0x3FB6]  }
0x3d: {  	_ =	shalt  }
0x3e: {  	_ =	shalt  }
0x3f: {  	_ =	shalt  }
0x40: {  	_ =	shalt  }
0x41: {  	_ =	shalt  }
0x42: {  	_ =	shalt  }
0x43: {  	_ =	shalt  }
0x44: {  	_ =	shalt  }
0x45: {  	_ =	shalt  }
0x46: {  	_ =	shalt  }
0x47: {  	_ =	shalt  }
0x48: {  	_ =	shalt  }
0x49: {  	_ =	shalt  }
0x4a: {  	_ =	shalt  }
0x4b: {  	_ =	shalt  }
0x4c: {  	_ =	shalt  }
0x4d: {  	_ =	shalt  }
0x4e: {  	_ =	shalt  }
0x4f: {  	_ =	shalt  }
0x50: {  	_ =	shalt  }
0x51: {  	_ =	shalt  }
0x52: {  	_ =	shalt  }
0x53: {  	_ =	shalt  }
0x54: {  	_ =	shalt  }
0x55: {  	_ =	shalt  }
0x56: {  	_ =	shalt  }
0x57: {  	_ =	shalt  }
0x58: {  	_ =	shalt  }
0x59: {  	_ =	shalt  }
0x5a: {  	_ =	shalt  }
0x5b: {  	_ =	shalt  }
0x5c: {  	_ =	shalt  }
0x5d: {  	_ =	shalt  }
0x5e: {  	_ =	shalt  }
0x5f: {  	_ =	shalt  }
0x60: {  	_ =	shalt  }
0x61: {  	_ =	shalt  }
0x62: {  	_ =	shalt  }
0x63: {  	_ =	shalt  }
0x64: {  	_ =	shalt  }
0x65: {  	_ =	shalt  }
0x66: {  	_ =	shalt  }
0x67: {  	_ =	shalt  }
0x68: {  	_ =	shalt  }
0x69: {  	_ =	shalt  }
0x6a: {  	_ =	shalt  }
0x6b: {  	_ =	shalt  }
0x6c: {  	_ =	shalt  }
0x6d: {  	_ =	shalt  }
0x6e: {  	_ =	shalt  }
0x6f: {  	_ =	shalt  }
0x70: {  	_ =	shalt  }
0x71: {  	_ =	shalt  }
0x72: {  	_ =	shalt  }
0x73: {  	_ =	shalt  }
0x74: {  	_ =	shalt  }
0x75: {  	_ =	shalt  }
0x76: {  	_ =	shalt  }
0x77: {  	_ =	shalt  }
0x78: {  	_ =	shalt  }
0x79: {  	_ =	shalt  }
0x7a: {  	_ =	shalt  }
0x7b: {  	_ =	shalt  }
0x7c: {  	_ =	shalt  }
0x7d: {  	_ =	shalt  }
0x7e: {  	_ =	shalt  }
0x7f: {  	_ =	shalt  }
0x80: {  	_ =	shalt  }
0x81: {  	_ =	shalt  }
0x82: {  	_ =	shalt  }
0x83: {  	_ =	shalt  }
0x84: {  	_ =	shalt  }
0x85: {  	_ =	shalt  }
0x86: {  	_ =	shalt  }
0x87: {  	_ =	shalt  }
.Lfunc_end0:
.L_simem_size_0:
called_computation.1_lowered:
.L_overlay_start_0:
0x88: {  	s2 =	sld [smem:$0x3FD9]  }
0x89: {  	s3 =	sld [smem:$0x3FFE];
	_ =	sdelay $0x1  }
0x8a: {  	s1 =	srdreg.scid  }
0x8b: {  	s0 =	sand.u32 $0x1, s1  }
0x8c: {  	s14 =	sshll.u32 s0, $0xA;
	s2 =	sadd.s32 s3, s2  }
0x8d: {  	s2 =	sadd.s32 s2, s14  }
0x8e: {  	[smem:$0x3FC2] =	sst s2  }
0x8f: {  	_ = 	snop  }
0x90: {  	s2 =	sld [smem:$0x3FD0];
	_ =	sdelay $0x2  }
0x91: {  	s15 =	simm.s32 $0xA;
	s4 =	simm.s32 $0x10  }
0x92: {  	[smem:s4], [sflag:s15] =	dma.local [hbm:s2], $0x1  }
0x93: {  	_ =	swait.eq [sflag:s15], $0x1  }
0x94: {  	[sflag:s15] =	ssyncset.done $0x0  }
0x95: {  	[sflag:s15] =	ssyncadd.s32 $0xFFFFFFFF  }
0x96: {  	s16 =	sld [smem:$0x11];
	(tm) =	ssettm $0x1  }
0x97: {  	s17 =	sld [smem:$0x3FFB];
	_ =	sdelay $0x3  }
0x98: {  	_ =	strace s17  }
0x99: {  	s3 =	sld [smem:$0x3FFC];
	_ =	sdelay $0x3  }
0x9a: {  	_ =	strace s3  }
0x9b: {  	s3 =	sld [smem:$0x3FFD];
	_ =	sdelay $0x3  }
0x9c: {  	_ =	strace s3  }
0x9d: {  	_ =	strace $0x8FFFFFFF  }
0x9e: {  	s18 =	sld [smem:$0x3FDB];
	_ =	sdelay $0x1  }
0x9f: {  	s19 =	simm.s32 $_scs_section_size  }
0xa0: {  	s5 =	simm.s32 $_size__tile_overlayer_lowered;
	s6 =	simm.s32 $_tile_overlayer_lowered  }
0xa1: {  	s22 =	simm.s32 $0x1BFF;
	s21 =	sshll.u32 s6, $0x1;
	s3 =	sadd.s32 s19, s18  }
0xa2: {  	s7 =	simm.s32 $0x0;
	s20 =	sshll.u32 s5, $0x1;
	s5 =	sadd.s32 s21, s3  }
0xa3: {  	[timem:s7], [sflag:s22] =	dma.local [hbm:s5], s20  }
0xa4: {  	_ =	swait.ge [sflag:s22], s20  }
0xa5: {  	s4 =	ssub.s32 $0x0, s20;
	[sflag:s22] =	ssyncset.done $0x0  }
0xa6: {  	[sflag:s22] =	ssyncadd.s32 s4;
	_ =	sdelay $0x1  }
0xa7: {  	s23 =	simm.s32 $0x1B8B  }
0xa8: {  	_ =	swait.ge [sflag:s23], $0x1  }
0xa9: {  	[sflag:s23] =	ssyncset.done $0x0  }
0xaa: {  	s25 =	simm.s32 $0x1B8E;
	s24 =	sld [smem:$0x3FFE];
	[sflag:s23] =	ssyncadd.s32 $0xFFFFFFFF  }
0xab: {  	s26 =	simm.s32 $execute0_lowered;
	[smem:$0x3FD2] =	sst s25  }
0xac: {  	s5 =	sshll.u32 s26, $0x1;
	_ =	strace $0x80000049;
	[dreg:$0x1] =	wrdreg $0xFFFFFFFF  }
0xad: {  	s28 =	simm.s32 $_size_execute0_lowered;
	s3 =	sadd.s32 s3, s5;
	[dreg:$0x0] =	wrdreg $0x0  }
0xae: {  	s5 =	sshll.u32 s28, $0x1;
	[dreg:$0x2] =	wrdreg s3  }
0xaf: {  	[dreg:$0x3] =	wrdreg s5  }
0xb0: {  	[dreg:$0x4] =	wrdreg $0xC0  }
0xb1: {  	_ =	task [dreg:s7], $0x5FFFF  }
0xb2: {  	[dreg:$0x1] =	wrdreg $0xFFFFFFFF  }
0xb3: {  	[dreg:$0x0] =	wrdreg $0x60  }
0xb4: {  	[dreg:$0x2] =	wrdreg s24  }
0xb5: {  	[dreg:$0x3] =	wrdreg s16  }
0xb6: {  	[dreg:$0x4] =	wrdreg $0x84000  }
0xb7: {  	[dreg:$0x5] =	wrdreg $0x9  }
0xb8: {  	_ =	task.clear_ibuf [dreg:s7], $0x6FFFF;
	_ =	strace $0x90000049  }
0xb9: {  	s29 =	simm.s32 $0x9;
	_ =	strace $0x8000004B  }
0xba: {  	_ =	swait.ge [sflag:s29], $0x1  }
0xbb: {  	[sflag:s29] =	ssyncadd.s32 $0xFFFFFFFF  }
0xbc: {  	_ =	strace $0x9000004B  }
0xbd: {  	_ =	sfence  }
0xbe: {  	s30 =	sld [smem:$0x0];
	_ =	sdelay $0x2  }
0xbf: {  	s31 =	sshll.u32 s1, $0xD;
	s1 =	sshrl.u32 s1, $0x2  }
0xc0: {  	s3 =	sand.u32 $0x4000, s31;
	s1 =	sadd.s32 s1, s30  }
0xc1: {  	s0 =	sor.u32 s3, s0;
	s1 =	sshll.u32 s1, $0x11  }
0xc2: {  	s0 =	sor.u32 s1, s0  }
0xc3: {  	s0 =	sadd.s32 $0x8F2B, s0  }
0xc4: {  	[sflag:s0] =	ssyncadd.remote.s32 $0x1  }
0xc5: {  	_ =	sfence.sel $0xFFFF  }
0xc6: {  	[dreg:$0x0] =	wrdreg $0xFFFFFFFF;
	(pc) =	sbr.abs _section_cstart, $3  }
0xc7: {  	[dreg:$0x1] =	wrdreg $0xFFFFFFFF  }
0xc8: {  	_ =	task.clear_ibuf [dreg:s7], $0x2FFFF;
	_ =	strace $0x9FFFFFFF  }
0xc9: {  	(tm) =	ssettm $0x7FFFFFFF  }
tec
execute0_lowered:
.L_overlay_start_1:
0x0: {  	(tag) =	ssettag $0x1  }
0x1: {  	s0 =	rddreg [dreg:$0x0]  }
0x2: {  	s1 =	rddreg [dreg:$0x1]  }
0x3: {  	s2 =	rddreg [dreg:$0x2]  }
0x4: {  	s3 =	simm.s32 $0x0;
	s4 =	srdreg.scid;
	s9 =	stileid.u32  }
0x5: {  	s16 =	simm.s32 $0x400;
	s17 =	simm.s32 $0x9;
	s19 =	simm.s32 $0x5  }
0x6: {  	s20 =	simm.s32 $0x40;
	s30 =	simm.s32 $0x0;
	s5 =	smul.u32 $0x50000, s9  }
0x7: {  	[smem:$0x7FF] =	sst s3;
	s6 =	sand.u32 $0x1, s4;
	s18 =	smul.u32 $0x13A0, s9  }
0x8: {  	s4 =	sadd.s32 $0x1A00, s0;
	s31 =	smul.u32 $0x2800, s9;
	_ =	strace $0x8000004A  }
0x9: {  	s7 =	smul.u32 $0x28000, s6;
	s8 =	ssub.s32 $0x2, s6;
	s5 =	sshrl.u32 s5, $0x2  }
0xa: {  	s6 =	smul.u32 $0x13A00, s6;
	s21 =	sshrl.u32 s8, $0x1;
	s5 =	sadd.s32 s5, s2  }
0xb: {  	s0 =	sadd.s32 s7, s0;
	s7 =	ssub.s32 s8, s21;
	s22 =	sadd.s32 $0x2000, s5  }
0xc: {  	s1 =	sadd.s32 s1, s6;
	s23 =	sadd.s32 $0x4000, s5;
	[dreg:$0x4] =	wrdreg s22  }
0xd: {  	s21 =	simm.s32 $0x100;
	s24 =	sadd.s32 $0x6000, s5;
	[dreg:$0x5] =	wrdreg s23  }
0xe: {  	s25 =	sadd.s32 $0x8000, s5;
	s26 =	sadd.s32 $0xA000, s5;
	[dreg:$0x6] =	wrdreg s24  }
0xf: {  	s28 =	sadd.s32 $0xC000, s5;
	s29 =	sadd.s32 $0xE000, s5;
	[dreg:$0x7] =	wrdreg s25  }
0x10: {  	s13 =	sadd.s32 $0x10000, s5;
	s14 =	sadd.s32 $0x12000, s5;
	[dreg:$0x8] =	wrdreg s26  }
0x11: {  	s0 =	sadd.s32 $0x51A00, s0;
	s15 =	smax.u32 s7, $0x1;
	[dreg:$0x9] =	wrdreg s28  }
0x12: {  	s18 =	sadd.s32 s18, s1;
	[dreg:$0xa] =	wrdreg s29;
	s22 =	simm.s32 $0x6  }
0x13: {  	v0 =	vimm.f32 $0.0e+00;
	s24 =	sadd.s32 s31, s0;
	s25 =	simm.s32 $0x200;
	s26 =	simm.s32 $0x7  }
.LBB2_1:
0x14: {  	s0 =	sand.u32 $0x7E00, s3  }
0x15: {  	s1 =	sand.u32 $0x70, s3;
	s6 =	sshrl.u32 s0, $0x2  }
0x16: {  	s0 =	simm.s32 $0x40;
	s23 =	sor.u32 s1, s6;
	s1 =	simm.s32 $0x0  }
.LBB2_2:
0x17: {  	p0 =	sne.s32 s0, $0x7FC0  }
0x18: {  	[tilespmem:s23+$0x400] =	vst v0;
	s1 =	sadd.s32 $0x10, s1;
	s6 =	smov.u32 s0;
	s0 =	sadd.s32 $0x40, s0  }
.Ltmp0:
0x19: {  	(pc) =	sbr.rel @p0 .LBB2_2-.Ltmp0, $4  }
0x1a: {  	_ = 	snop  }
0x1b: {  	s6 =	sand.u32 $0x7E00, s6  }
0x1c: {  	s7 =	sand.u32 $0x70, s1;
	s6 =	sshrl.u32 s6, $0x2  }
0x1d: {  	s23 =	sor.u32 s7, s6  }
0x1e: {  	[tilespmem:s23+$0x400] =	vst v0  }
0x1f: {  	[spmem:s5] =	stream.linear.scatter [tilespmem:s16], [sflag:$0x9], $0x2000, $0x38;
	[tilespmem:$0x1C400] =	vst v63  }
0x20: {  	_ =	swait.ge [sflag:s17], $0x2000  }
0x21: {  	[sflag:s17] =	ssyncset.done $0x0  }
0x22: {  	s0 =	rddreg [dreg:$0x4];
	[sflag:s17] =	ssyncadd.s32 $0xFFFFE000  }
0x23: {  	[spmem:s0] =	stream.linear.scatter [tilespmem:s16], [sflag:$0x9], $0x2000, $0x38;
	[tilespmem:$0x1C400] =	vst v63  }
0x24: {  	_ =	swait.ge [sflag:s17], $0x2000  }
0x25: {  	[sflag:s17] =	ssyncset.done $0x0  }
0x26: {  	s8 =	rddreg [dreg:$0x5];
	[sflag:s17] =	ssyncadd.s32 $0xFFFFE000  }
0x27: {  	[spmem:s8] =	stream.linear.scatter [tilespmem:s16], [sflag:$0x9], $0x2000, $0x38;
	[tilespmem:$0x1C400] =	vst v63  }
0x28: {  	_ =	swait.ge [sflag:s17], $0x2000  }
0x29: {  	[sflag:s17] =	ssyncset.done $0x0  }
0x2a: {  	s9 =	rddreg [dreg:$0x6];
	[sflag:s17] =	ssyncadd.s32 $0xFFFFE000  }
0x2b: {  	[spmem:s9] =	stream.linear.scatter [tilespmem:s16], [sflag:$0x9], $0x2000, $0x38;
	[tilespmem:$0x1C400] =	vst v63  }
0x2c: {  	_ =	swait.ge [sflag:s17], $0x2000  }
0x2d: {  	[sflag:s17] =	ssyncset.done $0x0  }
0x2e: {  	s10 =	rddreg [dreg:$0x7];
	[sflag:s17] =	ssyncadd.s32 $0xFFFFE000  }
0x2f: {  	[spmem:s10] =	stream.linear.scatter [tilespmem:s16], [sflag:$0x9], $0x2000, $0x38;
	[tilespmem:$0x1C400] =	vst v63  }
0x30: {  	_ =	swait.ge [sflag:s17], $0x2000  }
0x31: {  	[sflag:s17] =	ssyncset.done $0x0  }
0x32: {  	s11 =	rddreg [dreg:$0x8];
	[sflag:s17] =	ssyncadd.s32 $0xFFFFE000  }
0x33: {  	[spmem:s11] =	stream.linear.scatter [tilespmem:s16], [sflag:$0x9], $0x2000, $0x38;
	[tilespmem:$0x1C400] =	vst v63  }
0x34: {  	_ =	swait.ge [sflag:s17], $0x2000  }
0x35: {  	[sflag:s17] =	ssyncset.done $0x0  }
0x36: {  	s12 =	rddreg [dreg:$0x9];
	[sflag:s17] =	ssyncadd.s32 $0xFFFFE000  }
0x37: {  	[spmem:s12] =	stream.linear.scatter [tilespmem:s16], [sflag:$0x9], $0x2000, $0x38;
	[tilespmem:$0x1C400] =	vst v63  }
0x38: {  	_ =	swait.ge [sflag:s17], $0x2000  }
0x39: {  	[sflag:s17] =	ssyncset.done $0x0  }
0x3a: {  	s23 =	rddreg [dreg:$0xa];
	[sflag:s17] =	ssyncadd.s32 $0xFFFFE000  }
0x3b: {  	[spmem:s23] =	stream.linear.scatter [tilespmem:s16], [sflag:$0x9], $0x2000, $0x38;
	[tilespmem:$0x1C400] =	vst v63  }
0x3c: {  	_ =	swait.ge [sflag:s17], $0x2000  }
0x3d: {  	[sflag:s17] =	ssyncset.done $0x0  }
0x3e: {  	[sflag:s17] =	ssyncadd.s32 $0xFFFFE000  }
0x3f: {  	[spmem:s13] =	stream.linear.scatter [tilespmem:s16], [sflag:$0x9], $0x2000, $0x38;
	[tilespmem:$0x1C400] =	vst v63  }
0x40: {  	_ =	swait.ge [sflag:s17], $0x2000  }
0x41: {  	[sflag:s17] =	ssyncset.done $0x0  }
0x42: {  	[sflag:s17] =	ssyncadd.s32 $0xFFFFE000  }
0x43: {  	[spmem:s14] =	stream.linear.scatter [tilespmem:s16], [sflag:$0x9], $0x2000, $0x38;
	[tilespmem:$0x1C400] =	vst v63  }
0x44: {  	_ =	swait.ge [sflag:s17], $0x2000  }
0x45: {  	[sflag:s17] =	ssyncset.done $0x0  }
0x46: {  	[sflag:s17] =	ssyncadd.s32 $0xFFFFE000  }
0x47: {  	[tilespmem:s3], [sflag:$0x5] =	stream.linear.gather [hbm4b:s18+s3], $0x100, $0x38;
	[tilespmem:$0x1C400] =	vst v63  }
0x48: {  	_ =	swait.ge [sflag:s19], $0x100  }
0x49: {  	[sflag:s19] =	ssyncset.done $0x0  }
0x4a: {  	[sflag:s19] =	ssyncadd.s32 $0xFFFFFF00  }
0x4b: {  	[tilespmem:s16], [sflag:$0x1] =	stream.indirect.gather [hbm4b:s4+s20], $0x80, s3, s20, $0xb8;
	[tilespmem:$0x1C400] =	vst v63  }
0x4c: {  	s1 =	sadd.s32 $0x20, s18  }
0x4d: {  	[tilespmem:s21], [sflag:$0x6] =	stream.linear.gather [hbm4b:s1+s3], $0x100, $0x38;
	[tilespmem:$0x1C400] =	vst v63  }
0x4e: {  	_ =	swait.ge [sflag:s22], $0x100  }
0x4f: {  	[sflag:s22] =	ssyncset.done $0x0  }
0x50: {  	s6 =	simm.s32 $0x2400;
	[sflag:s22] =	ssyncadd.s32 $0xFFFFFF00  }
0x51: {  	[tilespmem:s6], [sflag:$0x2] =	stream.indirect.gather [hbm4b:s4+s20], $0x80, s21, s20, $0xb8;
	[tilespmem:$0x1C400] =	vst v63  }
0x52: {  	s7 =	sadd.s32 $0x40, s18  }
0x53: {  	[tilespmem:s25], [sflag:$0x7] =	stream.linear.gather [hbm4b:s7+s3], $0x100, $0x38;
	[tilespmem:$0x1C400] =	vst v63  }
0x54: {  	_ =	swait.ge [sflag:s26], $0x100  }
0x55: {  	[sflag:s26] =	ssyncset.done $0x0  }
0x56: {  	s8 =	simm.s32 $0x4400;
	s10 =	simm.s32 $0x0;
	[sflag:s26] =	ssyncadd.s32 $0xFFFFFF00  }
0x57: {  	[tilespmem:s8], [sflag:$0x3] =	stream.indirect.gather [hbm4b:s4+s20], $0x80, s25, s20, $0xb8;
	[tilespmem:$0x1C400] =	vst v63  }
0x58: {  	s9 =	sadd.s32 $0x60, s18;
	s1 =	simm.s32 $0x300;
	s6 =	sand.u32 $0x3, s10  }
0x59: {  	[tilespmem:s1], [sflag:$0x8] =	stream.linear.gather [hbm4b:s9+s3], $0x100, $0x38;
	[tilespmem:$0x1C400] =	vst v63  }
0x5a: {  	s0 =	sadd.s32 $0x1, s6;
	[bflag:$0x0] =	sbarrier.arrive $0xFFFF  }
0x5b: {  	p0 =	por $0x0, $0x0;
	s7 =	simm.s32 $0x3;
	_ =	swait.ge [sflag:s0], $0x2000  }
0x5c: {  	p1 =	por $0x0, $0x0;
	s7 =	sand.u32 @!p0 $0x3, s7;
	[sflag:s0] =	ssyncset.done $0x0  }
0x5d: {  	s28 =	sshll.u32 s6, $0xD;
	[sflag:s0] =	ssyncadd.s32 $0xFFFFE000;
	s0 =	sadd.s32 @!p0 $0x5, s7  }
0x5e: {  	s29 =	sshll.u32 s6, $0x8;
	s23 =	sshll.u32 @!p0 s7, $0xD;
	_ =	swait.ge @!p0 [sflag:s0], $0x100  }
0x5f: {  	s31 =	sshll.u32 @!p0 s7, $0x8;
	s23 =	sor.u32 @!p0 $0x400, s23;
	[sflag:s0] =	ssyncset.done @!p0 $0x0  }
0x60: {  	s7 =	sadd.s32 @!p0 $0x1, s7;
	[sflag:s0] =	ssyncadd.s32 @!p0 $0xFFFFFF00;
	s0 =	simm.s32 @!p0 $0x40  }
0x61: {  	[tilespmem:s23], [sflag:s7] =	stream.indirect.gather @!p0 [hbm4b:s4+s0], $0x80, s31, s0, $0xb8;
	[tilespmem:$0x1C400] =	vst v63  }
0x62: {  	s6 =	sadd.s32 @!p1 $0x5, s6;
	s11 =	sor.u32 $0x400, s28;
	s12 =	sor.u32 $0x80, s29  }
0x63: {  	[spmem:s2] =	stream.indirect.scatter.add.f32 [tilespmem:s11], [sflag:$0x9], $0x80, s12, s20, $0xb8;
	[tilespmem:$0x1C400] =	vst v63  }
0x64: {  	s28 =	simm.s32 $0x5;
	s1 =	sadd.s32 $0x80, s18;
	_ =	swait.ge [sflag:s17], $0x2000  }
0x65: {  	s23 =	simm.s32 $0x4;
	s0 =	simm.s32 $0x1;
	[sflag:s17] =	ssyncset.done $0x0  }
0x66: {  	s31 =	sadd.s32 $0x20, s1;
	s7 =	simm.s32 @!p1 $0x0;
	[sflag:s17] =	ssyncadd.s32 $0xFFFFE000  }
.LBB2_4:
0x67: {  	[tilespmem:s29], [sflag:s6] =	stream.linear.gather @!p1 [hbm4b:s1+s7], $0x100, $0x38;
	[tilespmem:$0x1C400] =	vst v63  }
0x68: {  	s6 =	smov.u32 s0;
	s7 =	smov.u32 s28;
	s1 =	smov.u32 s31  }
0x69: {  	s28 =	sadd.s32 $0x1, s28;
	s0 =	sadd.s32 $0xFFFFFFFD, s7;
	s8 =	sand.u32 $0x3, s6  }
0x6a: {  	p0 =	sne.s32 s28, $0xA0;
	s9 =	sshll.u32 s8, $0xD;
	s29 =	sadd.s32 $0x1, s8  }
0x6b: {  	p1 =	sgt.u32 s6, $0x99;
	_ =	swait.ge [sflag:s29], $0x2000  }
0x6c: {  	s10 =	sand.u32 @!p1 $0x3, s23;
	s23 =	smov.u32 s7;
	[sflag:s29] =	ssyncset.done $0x0  }
0x6d: {  	s7 =	sadd.s32 @!p1 $0x5, s10;
	[sflag:s29] =	ssyncadd.s32 $0xFFFFE000;
	s29 =	sshll.u32 @!p1 s10, $0xD  }
0x6e: {  	s11 =	sshll.u32 @!p1 s10, $0x8;
	_ =	swait.ge @!p1 [sflag:s7], $0x100;
	s12 =	sor.u32 @!p1 $0x400, s29  }
0x6f: {  	s10 =	sadd.s32 @!p1 $0x1, s10;
	[sflag:s7] =	ssyncset.done @!p1 $0x0  }
0x70: {  	s29 =	sshll.u32 s8, $0x8;
	[sflag:s7] =	ssyncadd.s32 @!p1 $0xFFFFFF00;
	s7 =	simm.s32 @!p1 $0x40  }
0x71: {  	[tilespmem:s12], [sflag:s10] =	stream.indirect.gather @!p1 [hbm4b:s4+s7], $0x80, s11, s7, $0xb8;
	[tilespmem:$0x1C400] =	vst v63  }
.Ltmp1:
0x72: {  	s7 =	sor.u32 $0x400, s9;
	s9 =	sor.u32 $0x80, s29;
	(pc) =	sbr.rel @p0 .LBB2_4-.Ltmp1, $4  }
0x73: {  	[spmem:s2] =	stream.indirect.scatter.add.f32 [tilespmem:s7], [sflag:$0x9], $0x80, s9, s20, $0xb8;
	[tilespmem:$0x1C400] =	vst v63  }
0x74: {  	_ =	swait.ge [sflag:s17], $0x2000  }
0x75: {  	s31 =	sadd.s32 $0x20, s31;
	p1 =	sgt.u32 s6, $0x98;
	[sflag:s17] =	ssyncset.done $0x0  }
0x76: {  	s6 =	sadd.s32 @!p1 $0x5, s8;
	s7 =	simm.s32 @!p1 $0x0;
	[sflag:s17] =	ssyncadd.s32 $0xFFFFE000  }
0x77: {  	[tilespmem:s29], [sflag:s6] =	stream.linear.gather @!p1 [hbm4b:s1+s7], $0x100, $0x38;
	[tilespmem:$0x1C400] =	vst v63  }
0x78: {  	s1 =	sand.u32 $0x3, s0  }
0x79: {  	s12 =	sadd.s32 $0x1, s1  }
0x7a: {  	p0 =	sgt.u32 s0, $0x99;
	_ =	swait.ge [sflag:s12], $0x2000  }
0x7b: {  	s7 =	sand.u32 @!p0 $0x3, s23;
	[sflag:s12] =	ssyncset.done $0x0  }
0x7c: {  	s8 =	sshll.u32 s1, $0xD;
	s6 =	sadd.s32 @!p0 $0x5, s7;
	[sflag:s12] =	ssyncadd.s32 $0xFFFFE000  }
0x7d: {  	s11 =	sshll.u32 s1, $0x8;
	s9 =	sshll.u32 @!p0 s7, $0xD;
	_ =	swait.ge @!p0 [sflag:s6], $0x100  }
0x7e: {  	s10 =	sshll.u32 @!p0 s7, $0x8;
	s7 =	sadd.s32 @!p0 $0x1, s7;
	[sflag:s6] =	ssyncset.done @!p0 $0x0  }
0x7f: {  	s9 =	sor.u32 @!p0 $0x400, s9;
	[sflag:s6] =	ssyncadd.s32 @!p0 $0xFFFFFF00;
	s6 =	simm.s32 @!p0 $0x40  }
0x80: {  	[tilespmem:s9], [sflag:s7] =	stream.indirect.gather @!p0 [hbm4b:s4+s6], $0x80, s10, s6, $0xb8;
	[tilespmem:$0x1C400] =	vst v63  }
0x81: {  	s23 =	sor.u32 $0x400, s8;
	s28 =	sor.u32 $0x80, s11  }
0x82: {  	[spmem:s2] =	stream.indirect.scatter.add.f32 [tilespmem:s23], [sflag:$0x9], $0x80, s28, s20, $0xb8;
	[tilespmem:$0x1C400] =	vst v63  }
0x83: {  	s29 =	stileid.u32;
	_ =	swait.ge [sflag:s17], $0x2000  }
0x84: {  	s30 =	sadd.s32 $0x1, s30;
	p0 =	sgt.u32 s0, $0x98;
	[sflag:s17] =	ssyncset.done $0x0  }
0x85: {  	s0 =	sadd.s32 @!p0 $0x5, s1;
	s1 =	simm.s32 @!p0 $0x0;
	[sflag:s17] =	ssyncadd.s32 $0xFFFFE000  }
0x86: {  	[tilespmem:s11], [sflag:s0] =	stream.linear.gather @!p0 [hbm4b:s31+s1], $0x100, $0x38;
	[tilespmem:$0x1C400] =	vst v63  }
0x87: {  	s0 =	sshll.u32 s29, $0x6;
	s31 =	sshrl.u32 s5, $0x3;
	p0 =	sne.s32 s30, s15  }
.Ltmp2:
0x88: {  	[bflag:$0x0] =	sbarrier.arrive $0xFFFF;
	s0 =	sor.u32 $0x1C09, s0;
	(pc) =	sbr.rel @p0 .LBB2_1-.Ltmp2, $4  }
0x89: {  	[hbm:s24], [sflag:s0] =	dma.local [spmem:s31], $0x2800  }
0x8a: {  	_ =	swait.ge [sflag:s17], $0x2800  }
0x8b: {  	[sflag:s17] =	ssyncset.done $0x0  }
0x8c: {  	[sflag:s17] =	ssyncadd.s32 $0xFFFFD800  }
0x8d: {  	_ =	sfence.sel $0x180000  }
0x8e: {  	[bflag:$0x0] =	sbarrier.arrive $0xFFFF  }
0x8f: {  	_ =	strace $0x9000004A  }
0x90: {  	s0 =	stileid.u32;
	[bflag:$0x2] =	sbarrier.arrive $0xFFFF  }
0x91: {  	p0 =	sne.s32 s0, $0x0;
	s0 =	rddreg [dreg:$0x3]  }
0x92: {  	s0 =	sadd.s32 @!p0 $0x100000, s0  }
0x93: {  	[sflag:s0] =	ssyncadd.tile.s32 @!p0 $0x1;
	_ =	shalt  }
.Lfunc_end2:
_tile_overlayer_lowered:
.L_overlay_start_2:
0x94: {  	(tag) =	ssettag $0x2  }
0x95: {  	s0 =	rddreg [dreg:$0x0];
	s2 =	stileid.u32  }
0x96: {  	s1 =	rddreg [dreg:$0x1];
	p0 =	sne.s32 s2, $0x0  }
0x97: {  	s3 =	rddreg [dreg:$0x2];
	[bflag:$0x3] =	sbarrier.arrive $0xFFFF;
	s2 =	simm.s32 @!p0 $0x1C09  }
0x98: {  	[timem:s3], [sflag:s2] =	dma.local @!p0 [hbm:s0], s1  }
0x99: {  	s0 =	simm.s32 @!p0 $0x9  }
0x9a: {  	_ =	swait.ge @!p0 [sflag:s0], s1  }
0x9b: {  	s1 =	ssub.s32 @!p0 $0x0, s1;
	[sflag:s0] =	ssyncset.done @!p0 $0x0  }
0x9c: {  	[sflag:s0] =	ssyncadd.s32 @!p0 s1  }
0x9d: {  	[bflag:$0x3] =	sbarrier.arrive $0xFFFF  }
0x9e: {  	_ =	shalt  }

// kernel: kernel.14.cloned.1.call-start
scs
__scs_entry_jumppad:
0x0: {  	(pc) =	sbr.rel $0x88, $3  }
0x1: {  	(tag) =	ssettag $0x0;
	lr =	simm.s32 $0x1  }
0x2: {  	[smem:$0x3F9B] =	sst lr;
	_ =	strace $0xD0000000  }
0x3: {  	_ = 	snop  }
0x4: {  	_ = 	snop  }
0x5: {  	_ = 	snop  }
0x6: {  	_ = 	snop  }
0x7: {  	_ = 	snop  }
__scs_overlays_trampoline_lowered:
0x8: {  	[smem:$0x3FAA] =	sst s0  }
0x9: {  	[smem:$0x3FAB] =	sst s1  }
0xa: {  	[smem:$0x3FAC] =	sst s2  }
0xb: {  	[smem:$0x3FAD] =	sst s3  }
0xc: {  	[smem:$0x3FAE] =	sst s4  }
0xd: {  	[smem:$0x3FAF] =	sst s5  }
0xe: {  	[smem:$0x3FB0] =	sst s6  }
0xf: {  	[smem:$0x3FB1] =	sst s7  }
0x10: {  	[smem:$0x3FB2] =	sst s8  }
0x11: {  	[smem:$0x3FB3] =	sst s9;
	s0 =	simm.s32 @!p0 $0x0  }
0x12: {  	s1 =	sld [smem:$0x3F99];
	s0 =	simm.s32 @p0 $0x1  }
0x13: {  	[smem:$0x3FB4] =	sst s0;
	s0 =	simm.s32 @!p1 $0x0  }
0x14: {  	s2 =	sld [smem:$0x3F98];
	s0 =	simm.s32 @p1 $0x1  }
0x15: {  	[smem:$0x3FB5] =	sst s0;
	s0 =	simm.s32 @!p2 $0x0  }
0x16: {  	s3 =	sld [smem:$0x3FDB];
	s0 =	simm.s32 @p2 $0x1  }
0x17: {  	s4 =	simm.s32 $0x1BF5;
	[smem:$0x3FB7] =	sst s0  }
0x18: {  	s0 =	sld [smem:$0x3F9A];
	_ =	swait.ge [sflag:s4], $0x0  }
0x19: {  	s7 =	sld [smem:$0x3F9B]  }
0x1a: {  	s8 =	sadd.s32 $0xFFFFE003, lr  }
0x1b: {  	s9 =	sadd.s32 $0xFFFFFEF7, lr;
	s5 =	simm.s32 $0xFFFFFFFF;
	p2 =	slt.u32 s8, $0xFFFFF086  }
0x1c: {  	p1 =	slt.u32 s9, $0xF7A;
	s5 =	simm.s32 @!p2 $0x0  }
0x1d: {  	s5 =	simm.s32 @p1 $0x1;
	p0 =	seq.s32 s7, s2  }
0x1e: {  	s7 =	smul.u32 @!p0 $0xF7A, s2;
	p2 =	seq.s32 @!p0 s5, $0x0  }
0x1f: {  	s9 =	smul.u32 $0xF7A, s1;
	s8 =	simm.s32 @!p0 $0x1BF5;
	p2 =	por !p2, p0  }
0x20: {  	[sflag:s8] =	ssyncset.s32 @!p0 $0xFFFFF086;
	s6 =	sadd.s32 @!p0 s3, s7;
	s7 =	simm.s32 @!p0 $0x108  }
0x21: {  	s3 =	sadd.s32 s3, s9;
	s6 =	sadd.s32 @!p0 $0x88, s6;
	s7 =	simm.s32 @p2 $0x1082  }
0x22: {  	[simem:s7], [sflag:s8] =	dma.local @!p0 [hbm:s6], $0xF7A  }
0x23: {  	s9 =	sor.u32 $0xD0000000, s2;
	s6 =	simm.s32 $0x108;
	_ =	swait.ge @!p0 [sflag:s8], $0x0  }
0x24: {  	s3 =	sadd.s32 $0x88, s3;
	s6 =	simm.s32 @!p1 $0x1082;
	[sflag:s4] =	ssyncset.s32 $0xFFFFF086  }
0x25: {  	[simem:s6], [sflag:s4] =	dma.local [hbm:s3], $0xF7A  }
0x26: {  	[smem:$0x3F9B] =	sst s1;
	(tag) =	ssettag s2;
	_ =	strace s9  }
0x27: {  	s1 =	sld [smem:$0x3FAB]  }
0x28: {  	s2 =	sld [smem:$0x3FAC]  }
0x29: {  	s4 =	sld [smem:$0x3FAE]  }
0x2a: {  	p0 =	seq.s32 s5, $0x0;
	s5 =	sld [smem:$0x3FAF]  }
0x2b: {  	s6 =	sld [smem:$0x3FB0]  }
0x2c: {  	s7 =	sld [smem:$0x3FB1]  }
0x2d: {  	s3 =	simm.s32 $0x108;
	s8 =	sld [smem:$0x3FB2]  }
0x2e: {  	s3 =	simm.s32 @!p0 $0x1082;
	s9 =	sld [smem:$0x3FB3]  }
0x2f: {  	lr =	sadd.s32 s0, s3;
	s0 =	sld [smem:$0x3FAA]  }
0x30: {  	s3 =	sld [smem:$0x3FAD]  }
0x31: {  	[smem:$0x3FB6] =	sst s10  }
0x32: {  	s10 =	sld [smem:$0x3FB4];
	_ =	sdelay $0x3  }
0x33: {  	p0 =	seq.s32 s10, $0x1;
	s10 =	sld [smem:$0x3FB6];
	_ =	sdelay $0x3  }
0x34: {  	[smem:$0x3FB6] =	sst s10  }
0x35: {  	s10 =	sld [smem:$0x3FB5];
	_ =	sdelay $0x3  }
0x36: {  	p1 =	seq.s32 s10, $0x1;
	s10 =	sld [smem:$0x3FB6];
	_ =	sdelay $0x3  }
0x37: {  	[smem:$0x3FB6] =	sst s10  }
0x38: {  	s10 =	sld [smem:$0x3FB7]  }
0x39: {  	_ = 	snop;
	(pc) =	sbr.ind lr, $3  }
0x3a: {  	_ = 	snop  }
0x3b: {  	_ = 	snop  }
0x3c: {  	p2 =	seq.s32 s10, $0x1;
	s10 =	sld [smem:$0x3FB6]  }
0x3d: {  	_ =	shalt  }
0x3e: {  	_ =	shalt  }
0x3f: {  	_ =	shalt  }
0x40: {  	_ =	shalt  }
0x41: {  	_ =	shalt  }
0x42: {  	_ =	shalt  }
0x43: {  	_ =	shalt  }
0x44: {  	_ =	shalt  }
0x45: {  	_ =	shalt  }
0x46: {  	_ =	shalt  }
0x47: {  	_ =	shalt  }
0x48: {  	_ =	shalt  }
0x49: {  	_ =	shalt  }
0x4a: {  	_ =	shalt  }
0x4b: {  	_ =	shalt  }
0x4c: {  	_ =	shalt  }
0x4d: {  	_ =	shalt  }
0x4e: {  	_ =	shalt  }
0x4f: {  	_ =	shalt  }
0x50: {  	_ =	shalt  }
0x51: {  	_ =	shalt  }
0x52: {  	_ =	shalt  }
0x53: {  	_ =	shalt  }
0x54: {  	_ =	shalt  }
0x55: {  	_ =	shalt  }
0x56: {  	_ =	shalt  }
0x57: {  	_ =	shalt  }
0x58: {  	_ =	shalt  }
0x59: {  	_ =	shalt  }
0x5a: {  	_ =	shalt  }
0x5b: {  	_ =	shalt  }
0x5c: {  	_ =	shalt  }
0x5d: {  	_ =	shalt  }
0x5e: {  	_ =	shalt  }
0x5f: {  	_ =	shalt  }
0x60: {  	_ =	shalt  }
0x61: {  	_ =	shalt  }
0x62: {  	_ =	shalt  }
0x63: {  	_ =	shalt  }
0x64: {  	_ =	shalt  }
0x65: {  	_ =	shalt  }
0x66: {  	_ =	shalt  }
0x67: {  	_ =	shalt  }
0x68: {  	_ =	shalt  }
0x69: {  	_ =	shalt  }
0x6a: {  	_ =	shalt  }
0x6b: {  	_ =	shalt  }
0x6c: {  	_ =	shalt  }
0x6d: {  	_ =	shalt  }
0x6e: {  	_ =	shalt  }
0x6f: {  	_ =	shalt  }
0x70: {  	_ =	shalt  }
0x71: {  	_ =	shalt  }
0x72: {  	_ =	shalt  }
0x73: {  	_ =	shalt  }
0x74: {  	_ =	shalt  }
0x75: {  	_ =	shalt  }
0x76: {  	_ =	shalt  }
0x77: {  	_ =	shalt  }
0x78: {  	_ =	shalt  }
0x79: {  	_ =	shalt  }
0x7a: {  	_ =	shalt  }
0x7b: {  	_ =	shalt  }
0x7c: {  	_ =	shalt  }
0x7d: {  	_ =	shalt  }
0x7e: {  	_ =	shalt  }
0x7f: {  	_ =	shalt  }
0x80: {  	_ =	shalt  }
0x81: {  	_ =	shalt  }
0x82: {  	_ =	shalt  }
0x83: {  	_ =	shalt  }
0x84: {  	_ =	shalt  }
0x85: {  	_ =	shalt  }
0x86: {  	_ =	shalt  }
0x87: {  	_ =	shalt  }
.Lfunc_end0:
.L_simem_size_0:
called_computation.2_lowered:
.L_overlay_start_0:
0x88: {  	s2 =	sld [smem:$0x3FD9]  }
0x89: {  	s3 =	sld [smem:$0x3FFE];
	_ =	sdelay $0x1  }
0x8a: {  	s1 =	srdreg.scid  }
0x8b: {  	s0 =	sand.u32 $0x1, s1  }
0x8c: {  	s14 =	sshll.u32 s0, $0xA;
	s2 =	sadd.s32 s3, s2  }
0x8d: {  	s2 =	sadd.s32 s2, s14  }
0x8e: {  	[smem:$0x3FC2] =	sst s2  }
0x8f: {  	_ = 	snop  }
0x90: {  	s2 =	sld [smem:$0x3FD0];
	_ =	sdelay $0x2  }
0x91: {  	s15 =	simm.s32 $0xA;
	s4 =	simm.s32 $0x10  }
0x92: {  	[smem:s4], [sflag:s15] =	dma.local [hbm:s2], $0x1  }
0x93: {  	_ =	swait.eq [sflag:s15], $0x1  }
0x94: {  	[sflag:s15] =	ssyncset.done $0x0  }
0x95: {  	[sflag:s15] =	ssyncadd.s32 $0xFFFFFFFF  }
0x96: {  	s16 =	sld [smem:$0x11];
	(tm) =	ssettm $0x1  }
0x97: {  	s17 =	sld [smem:$0x3FFB];
	_ =	sdelay $0x3  }
0x98: {  	_ =	strace s17  }
0x99: {  	s3 =	sld [smem:$0x3FFC];
	_ =	sdelay $0x3  }
0x9a: {  	_ =	strace s3  }
0x9b: {  	s3 =	sld [smem:$0x3FFD];
	_ =	sdelay $0x3  }
0x9c: {  	_ =	strace s3  }
0x9d: {  	_ =	strace $0x8FFFFFFF  }
0x9e: {  	s18 =	sld [smem:$0x3FDB];
	_ =	sdelay $0x1  }
0x9f: {  	s19 =	simm.s32 $_scs_section_size  }
0xa0: {  	s5 =	simm.s32 $_size__tile_overlayer_lowered;
	s6 =	simm.s32 $_tile_overlayer_lowered  }
0xa1: {  	s22 =	simm.s32 $0x1BFF;
	s21 =	sshll.u32 s6, $0x1;
	s3 =	sadd.s32 s19, s18  }
0xa2: {  	s7 =	simm.s32 $0x0;
	s20 =	sshll.u32 s5, $0x1;
	s5 =	sadd.s32 s21, s3  }
0xa3: {  	[timem:s7], [sflag:s22] =	dma.local [hbm:s5], s20  }
0xa4: {  	_ =	swait.ge [sflag:s22], s20  }
0xa5: {  	s4 =	ssub.s32 $0x0, s20;
	[sflag:s22] =	ssyncset.done $0x0  }
0xa6: {  	[sflag:s22] =	ssyncadd.s32 s4;
	_ =	sdelay $0x1  }
0xa7: {  	s23 =	simm.s32 $0x1B8B  }
0xa8: {  	_ =	swait.ge [sflag:s23], $0x1  }
0xa9: {  	[sflag:s23] =	ssyncset.done $0x0  }
0xaa: {  	s25 =	simm.s32 $0x1B8E;
	s24 =	sld [smem:$0x3FFE];
	[sflag:s23] =	ssyncadd.s32 $0xFFFFFFFF  }
0xab: {  	s26 =	simm.s32 $execute0_lowered;
	[smem:$0x3FD2] =	sst s25  }
0xac: {  	s5 =	sshll.u32 s26, $0x1;
	_ =	strace $0x8000004C;
	[dreg:$0x1] =	wrdreg $0xFFFFFFFF  }
0xad: {  	s28 =	simm.s32 $_size_execute0_lowered;
	s3 =	sadd.s32 s3, s5;
	[dreg:$0x0] =	wrdreg $0x0  }
0xae: {  	s5 =	sshll.u32 s28, $0x1;
	[dreg:$0x2] =	wrdreg s3  }
0xaf: {  	[dreg:$0x3] =	wrdreg s5  }
0xb0: {  	[dreg:$0x4] =	wrdreg $0xC0  }
0xb1: {  	_ =	task [dreg:s7], $0x5FFFF  }
0xb2: {  	[dreg:$0x1] =	wrdreg $0xFFFFFFFF  }
0xb3: {  	[dreg:$0x0] =	wrdreg $0x60  }
0xb4: {  	[dreg:$0x2] =	wrdreg s24  }
0xb5: {  	[dreg:$0x3] =	wrdreg s16  }
0xb6: {  	[dreg:$0x4] =	wrdreg $0x84000  }
0xb7: {  	[dreg:$0x5] =	wrdreg $0x9  }
0xb8: {  	_ =	task.clear_ibuf [dreg:s7], $0x6FFFF;
	_ =	strace $0x9000004C  }
0xb9: {  	s29 =	simm.s32 $0x9;
	_ =	strace $0x8000004E  }
0xba: {  	_ =	swait.ge [sflag:s29], $0x1  }
0xbb: {  	[sflag:s29] =	ssyncadd.s32 $0xFFFFFFFF  }
0xbc: {  	_ =	strace $0x9000004E  }
0xbd: {  	_ =	sfence  }
0xbe: {  	s30 =	sld [smem:$0x0];
	_ =	sdelay $0x2  }
0xbf: {  	s31 =	sshll.u32 s1, $0xD;
	s1 =	sshrl.u32 s1, $0x2  }
0xc0: {  	s3 =	sand.u32 $0x4000, s31;
	s1 =	sadd.s32 s1, s30  }
0xc1: {  	s0 =	sor.u32 s3, s0;
	s1 =	sshll.u32 s1, $0x11  }
0xc2: {  	s0 =	sor.u32 s1, s0  }
0xc3: {  	s0 =	sadd.s32 $0x8F2B, s0  }
0xc4: {  	[sflag:s0] =	ssyncadd.remote.s32 $0x1  }
0xc5: {  	_ =	sfence.sel $0xFFFF  }
0xc6: {  	[dreg:$0x0] =	wrdreg $0xFFFFFFFF;
	(pc) =	sbr.abs _section_cstart, $3  }
0xc7: {  	[dreg:$0x1] =	wrdreg $0xFFFFFFFF  }
0xc8: {  	_ =	task.clear_ibuf [dreg:s7], $0x2FFFF;
	_ =	strace $0x9FFFFFFF  }
0xc9: {  	(tm) =	ssettm $0x7FFFFFFF  }
tec
execute0_lowered:
.L_overlay_start_1:
0x0: {  	(tag) =	ssettag $0x1  }
0x1: {  	s0 =	rddreg [dreg:$0x0]  }
0x2: {  	s1 =	rddreg [dreg:$0x1]  }
0x3: {  	s2 =	rddreg [dreg:$0x2]  }
0x4: {  	s3 =	simm.s32 $0x0;
	s4 =	srdreg.scid;
	s9 =	stileid.u32  }
0x5: {  	s16 =	simm.s32 $0x400;
	s17 =	simm.s32 $0x9;
	s19 =	simm.s32 $0x5  }
0x6: {  	s20 =	simm.s32 $0x40;
	s30 =	simm.s32 $0x0;
	s5 =	smul.u32 $0x50000, s9  }
0x7: {  	[smem:$0x7FF] =	sst s3;
	s6 =	sand.u32 $0x1, s4;
	s18 =	smul.u32 $0x13A0, s9  }
0x8: {  	s4 =	sadd.s32 $0x1A00, s0;
	s31 =	smul.u32 $0x2800, s9;
	_ =	strace $0x8000004D  }
0x9: {  	s7 =	smul.u32 $0x28000, s6;
	s8 =	ssub.s32 $0x2, s6;
	s5 =	sshrl.u32 s5, $0x2  }
0xa: {  	s6 =	smul.u32 $0x13A00, s6;
	s21 =	sshrl.u32 s8, $0x1;
	s5 =	sadd.s32 s5, s2  }
0xb: {  	s0 =	sadd.s32 s7, s0;
	s7 =	ssub.s32 s8, s21;
	s22 =	sadd.s32 $0x2000, s5  }
0xc: {  	s1 =	sadd.s32 s1, s6;
	s23 =	sadd.s32 $0x4000, s5;
	[dreg:$0x4] =	wrdreg s22  }
0xd: {  	s21 =	simm.s32 $0x100;
	s24 =	sadd.s32 $0x6000, s5;
	[dreg:$0x5] =	wrdreg s23  }
0xe: {  	s25 =	sadd.s32 $0x8000, s5;
	s26 =	sadd.s32 $0xA000, s5;
	[dreg:$0x6] =	wrdreg s24  }
0xf: {  	s28 =	sadd.s32 $0xC000, s5;
	s29 =	sadd.s32 $0xE000, s5;
	[dreg:$0x7] =	wrdreg s25  }
0x10: {  	s13 =	sadd.s32 $0x10000, s5;
	s14 =	sadd.s32 $0x12000, s5;
	[dreg:$0x8] =	wrdreg s26  }
0x11: {  	s0 =	sadd.s32 $0x51A00, s0;
	s15 =	smax.u32 s7, $0x1;
	[dreg:$0x9] =	wrdreg s28  }
0x12: {  	s18 =	sadd.s32 s18, s1;
	[dreg:$0xa] =	wrdreg s29;
	s22 =	simm.s32 $0x6  }
0x13: {  	v0 =	vimm.f32 $0.0e+00;
	s24 =	sadd.s32 s31, s0;
	s25 =	simm.s32 $0x200;
	s26 =	simm.s32 $0x7  }
.LBB2_1:
0x14: {  	s0 =	sand.u32 $0x7E00, s3  }
0x15: {  	s1 =	sand.u32 $0x70, s3;
	s6 =	sshrl.u32 s0, $0x2  }
0x16: {  	s0 =	simm.s32 $0x40;
	s23 =	sor.u32 s1, s6;
	s1 =	simm.s32 $0x0  }
.LBB2_2:
0x17: {  	p0 =	sne.s32 s0, $0x7FC0  }
0x18: {  	[tilespmem:s23+$0x400] =	vst v0;
	s1 =	sadd.s32 $0x10, s1;
	s6 =	smov.u32 s0;
	s0 =	sadd.s32 $0x40, s0  }
.Ltmp0:
0x19: {  	(pc) =	sbr.rel @p0 .LBB2_2-.Ltmp0, $4  }
0x1a: {  	_ = 	snop  }
0x1b: {  	s6 =	sand.u32 $0x7E00, s6  }
0x1c: {  	s7 =	sand.u32 $0x70, s1;
	s6 =	sshrl.u32 s6, $0x2  }
0x1d: {  	s23 =	sor.u32 s7, s6  }
0x1e: {  	[tilespmem:s23+$0x400] =	vst v0  }
0x1f: {  	[spmem:s5] =	stream.linear.scatter [tilespmem:s16], [sflag:$0x9], $0x2000, $0x38;
	[tilespmem:$0x1C400] =	vst v63  }
0x20: {  	_ =	swait.ge [sflag:s17], $0x2000  }
0x21: {  	[sflag:s17] =	ssyncset.done $0x0  }
0x22: {  	s0 =	rddreg [dreg:$0x4];
	[sflag:s17] =	ssyncadd.s32 $0xFFFFE000  }
0x23: {  	[spmem:s0] =	stream.linear.scatter [tilespmem:s16], [sflag:$0x9], $0x2000, $0x38;
	[tilespmem:$0x1C400] =	vst v63  }
0x24: {  	_ =	swait.ge [sflag:s17], $0x2000  }
0x25: {  	[sflag:s17] =	ssyncset.done $0x0  }
0x26: {  	s8 =	rddreg [dreg:$0x5];
	[sflag:s17] =	ssyncadd.s32 $0xFFFFE000  }
0x27: {  	[spmem:s8] =	stream.linear.scatter [tilespmem:s16], [sflag:$0x9], $0x2000, $0x38;
	[tilespmem:$0x1C400] =	vst v63  }
0x28: {  	_ =	swait.ge [sflag:s17], $0x2000  }
0x29: {  	[sflag:s17] =	ssyncset.done $0x0  }
0x2a: {  	s9 =	rddreg [dreg:$0x6];
	[sflag:s17] =	ssyncadd.s32 $0xFFFFE000  }
0x2b: {  	[spmem:s9] =	stream.linear.scatter [tilespmem:s16], [sflag:$0x9], $0x2000, $0x38;
	[tilespmem:$0x1C400] =	vst v63  }
0x2c: {  	_ =	swait.ge [sflag:s17], $0x2000  }
0x2d: {  	[sflag:s17] =	ssyncset.done $0x0  }
0x2e: {  	s10 =	rddreg [dreg:$0x7];
	[sflag:s17] =	ssyncadd.s32 $0xFFFFE000  }
0x2f: {  	[spmem:s10] =	stream.linear.scatter [tilespmem:s16], [sflag:$0x9], $0x2000, $0x38;
	[tilespmem:$0x1C400] =	vst v63  }
0x30: {  	_ =	swait.ge [sflag:s17], $0x2000  }
0x31: {  	[sflag:s17] =	ssyncset.done $0x0  }
0x32: {  	s11 =	rddreg [dreg:$0x8];
	[sflag:s17] =	ssyncadd.s32 $0xFFFFE000  }
0x33: {  	[spmem:s11] =	stream.linear.scatter [tilespmem:s16], [sflag:$0x9], $0x2000, $0x38;
	[tilespmem:$0x1C400] =	vst v63  }
0x34: {  	_ =	swait.ge [sflag:s17], $0x2000  }
0x35: {  	[sflag:s17] =	ssyncset.done $0x0  }
0x36: {  	s12 =	rddreg [dreg:$0x9];
	[sflag:s17] =	ssyncadd.s32 $0xFFFFE000  }
0x37: {  	[spmem:s12] =	stream.linear.scatter [tilespmem:s16], [sflag:$0x9], $0x2000, $0x38;
	[tilespmem:$0x1C400] =	vst v63  }
0x38: {  	_ =	swait.ge [sflag:s17], $0x2000  }
0x39: {  	[sflag:s17] =	ssyncset.done $0x0  }
0x3a: {  	s23 =	rddreg [dreg:$0xa];
	[sflag:s17] =	ssyncadd.s32 $0xFFFFE000  }
0x3b: {  	[spmem:s23] =	stream.linear.scatter [tilespmem:s16], [sflag:$0x9], $0x2000, $0x38;
	[tilespmem:$0x1C400] =	vst v63  }
0x3c: {  	_ =	swait.ge [sflag:s17], $0x2000  }
0x3d: {  	[sflag:s17] =	ssyncset.done $0x0  }
0x3e: {  	[sflag:s17] =	ssyncadd.s32 $0xFFFFE000  }
0x3f: {  	[spmem:s13] =	stream.linear.scatter [tilespmem:s16], [sflag:$0x9], $0x2000, $0x38;
	[tilespmem:$0x1C400] =	vst v63  }
0x40: {  	_ =	swait.ge [sflag:s17], $0x2000  }
0x41: {  	[sflag:s17] =	ssyncset.done $0x0  }
0x42: {  	[sflag:s17] =	ssyncadd.s32 $0xFFFFE000  }
0x43: {  	[spmem:s14] =	stream.linear.scatter [tilespmem:s16], [sflag:$0x9], $0x2000, $0x38;
	[tilespmem:$0x1C400] =	vst v63  }
0x44: {  	_ =	swait.ge [sflag:s17], $0x2000  }
0x45: {  	[sflag:s17] =	ssyncset.done $0x0  }
0x46: {  	[sflag:s17] =	ssyncadd.s32 $0xFFFFE000  }
0x47: {  	[tilespmem:s3], [sflag:$0x5] =	stream.linear.gather [hbm4b:s18+s3], $0x100, $0x38;
	[tilespmem:$0x1C400] =	vst v63  }
0x48: {  	_ =	swait.ge [sflag:s19], $0x100  }
0x49: {  	[sflag:s19] =	ssyncset.done $0x0  }
0x4a: {  	[sflag:s19] =	ssyncadd.s32 $0xFFFFFF00  }
0x4b: {  	[tilespmem:s16], [sflag:$0x1] =	stream.indirect.gather [hbm4b:s4+s20], $0x80, s3, s20, $0xb8;
	[tilespmem:$0x1C400] =	vst v63  }
0x4c: {  	s1 =	sadd.s32 $0x20, s18  }
0x4d: {  	[tilespmem:s21], [sflag:$0x6] =	stream.linear.gather [hbm4b:s1+s3], $0x100, $0x38;
	[tilespmem:$0x1C400] =	vst v63  }
0x4e: {  	_ =	swait.ge [sflag:s22], $0x100  }
0x4f: {  	[sflag:s22] =	ssyncset.done $0x0  }
0x50: {  	s6 =	simm.s32 $0x2400;
	[sflag:s22] =	ssyncadd.s32 $0xFFFFFF00  }
0x51: {  	[tilespmem:s6], [sflag:$0x2] =	stream.indirect.gather [hbm4b:s4+s20], $0x80, s21, s20, $0xb8;
	[tilespmem:$0x1C400] =	vst v63  }
0x52: {  	s7 =	sadd.s32 $0x40, s18  }
0x53: {  	[tilespmem:s25], [sflag:$0x7] =	stream.linear.gather [hbm4b:s7+s3], $0x100, $0x38;
	[tilespmem:$0x1C400] =	vst v63  }
0x54: {  	_ =	swait.ge [sflag:s26], $0x100  }
0x55: {  	[sflag:s26] =	ssyncset.done $0x0  }
0x56: {  	s8 =	simm.s32 $0x4400;
	s10 =	simm.s32 $0x0;
	[sflag:s26] =	ssyncadd.s32 $0xFFFFFF00  }
0x57: {  	[tilespmem:s8], [sflag:$0x3] =	stream.indirect.gather [hbm4b:s4+s20], $0x80, s25, s20, $0xb8;
	[tilespmem:$0x1C400] =	vst v63  }
0x58: {  	s9 =	sadd.s32 $0x60, s18;
	s1 =	simm.s32 $0x300;
	s6 =	sand.u32 $0x3, s10  }
0x59: {  	[tilespmem:s1], [sflag:$0x8] =	stream.linear.gather [hbm4b:s9+s3], $0x100, $0x38;
	[tilespmem:$0x1C400] =	vst v63  }
0x5a: {  	s0 =	sadd.s32 $0x1, s6;
	[bflag:$0x0] =	sbarrier.arrive $0xFFFF  }
0x5b: {  	p0 =	por $0x0, $0x0;
	s7 =	simm.s32 $0x3;
	_ =	swait.ge [sflag:s0], $0x2000  }
0x5c: {  	p1 =	por $0x0, $0x0;
	s7 =	sand.u32 @!p0 $0x3, s7;
	[sflag:s0] =	ssyncset.done $0x0  }
0x5d: {  	s28 =	sshll.u32 s6, $0xD;
	[sflag:s0] =	ssyncadd.s32 $0xFFFFE000;
	s0 =	sadd.s32 @!p0 $0x5, s7  }
0x5e: {  	s29 =	sshll.u32 s6, $0x8;
	s23 =	sshll.u32 @!p0 s7, $0xD;
	_ =	swait.ge @!p0 [sflag:s0], $0x100  }
0x5f: {  	s31 =	sshll.u32 @!p0 s7, $0x8;
	s23 =	sor.u32 @!p0 $0x400, s23;
	[sflag:s0] =	ssyncset.done @!p0 $0x0  }
0x60: {  	s7 =	sadd.s32 @!p0 $0x1, s7;
	[sflag:s0] =	ssyncadd.s32 @!p0 $0xFFFFFF00;
	s0 =	simm.s32 @!p0 $0x40  }
0x61: {  	[tilespmem:s23], [sflag:s7] =	stream.indirect.gather @!p0 [hbm4b:s4+s0], $0x80, s31, s0, $0xb8;
	[tilespmem:$0x1C400] =	vst v63  }
0x62: {  	s6 =	sadd.s32 @!p1 $0x5, s6;
	s11 =	sor.u32 $0x400, s28;
	s12 =	sor.u32 $0x80, s29  }
0x63: {  	[spmem:s2] =	stream.indirect.scatter.add.f32 [tilespmem:s11], [sflag:$0x9], $0x80, s12, s20, $0xb8;
	[tilespmem:$0x1C400] =	vst v63  }
0x64: {  	s28 =	simm.s32 $0x5;
	s1 =	sadd.s32 $0x80, s18;
	_ =	swait.ge [sflag:s17], $0x2000  }
0x65: {  	s23 =	simm.s32 $0x4;
	s0 =	simm.s32 $0x1;
	[sflag:s17] =	ssyncset.done $0x0  }
0x66: {  	s31 =	sadd.s32 $0x20, s1;
	s7 =	simm.s32 @!p1 $0x0;
	[sflag:s17] =	ssyncadd.s32 $0xFFFFE000  }
.LBB2_4:
0x67: {  	[tilespmem:s29], [sflag:s6] =	stream.linear.gather @!p1 [hbm4b:s1+s7], $0x100, $0x38;
	[tilespmem:$0x1C400] =	vst v63  }
0x68: {  	s6 =	smov.u32 s0;
	s7 =	smov.u32 s28;
	s1 =	smov.u32 s31  }
0x69: {  	s28 =	sadd.s32 $0x1, s28;
	s0 =	sadd.s32 $0xFFFFFFFD, s7;
	s8 =	sand.u32 $0x3, s6  }
0x6a: {  	p0 =	sne.s32 s28, $0xA0;
	s9 =	sshll.u32 s8, $0xD;
	s29 =	sadd.s32 $0x1, s8  }
0x6b: {  	p1 =	sgt.u32 s6, $0x99;
	_ =	swait.ge [sflag:s29], $0x2000  }
0x6c: {  	s10 =	sand.u32 @!p1 $0x3, s23;
	s23 =	smov.u32 s7;
	[sflag:s29] =	ssyncset.done $0x0  }
0x6d: {  	s7 =	sadd.s32 @!p1 $0x5, s10;
	[sflag:s29] =	ssyncadd.s32 $0xFFFFE000;
	s29 =	sshll.u32 @!p1 s10, $0xD  }
0x6e: {  	s11 =	sshll.u32 @!p1 s10, $0x8;
	_ =	swait.ge @!p1 [sflag:s7], $0x100;
	s12 =	sor.u32 @!p1 $0x400, s29  }
0x6f: {  	s10 =	sadd.s32 @!p1 $0x1, s10;
	[sflag:s7] =	ssyncset.done @!p1 $0x0  }
0x70: {  	s29 =	sshll.u32 s8, $0x8;
	[sflag:s7] =	ssyncadd.s32 @!p1 $0xFFFFFF00;
	s7 =	simm.s32 @!p1 $0x40  }
0x71: {  	[tilespmem:s12], [sflag:s10] =	stream.indirect.gather @!p1 [hbm4b:s4+s7], $0x80, s11, s7, $0xb8;
	[tilespmem:$0x1C400] =	vst v63  }
.Ltmp1:
0x72: {  	s7 =	sor.u32 $0x400, s9;
	s9 =	sor.u32 $0x80, s29;
	(pc) =	sbr.rel @p0 .LBB2_4-.Ltmp1, $4  }
0x73: {  	[spmem:s2] =	stream.indirect.scatter.add.f32 [tilespmem:s7], [sflag:$0x9], $0x80, s9, s20, $0xb8;
	[tilespmem:$0x1C400] =	vst v63  }
0x74: {  	_ =	swait.ge [sflag:s17], $0x2000  }
0x75: {  	s31 =	sadd.s32 $0x20, s31;
	p1 =	sgt.u32 s6, $0x98;
	[sflag:s17] =	ssyncset.done $0x0  }
0x76: {  	s6 =	sadd.s32 @!p1 $0x5, s8;
	s7 =	simm.s32 @!p1 $0x0;
	[sflag:s17] =	ssyncadd.s32 $0xFFFFE000  }
0x77: {  	[tilespmem:s29], [sflag:s6] =	stream.linear.gather @!p1 [hbm4b:s1+s7], $0x100, $0x38;
	[tilespmem:$0x1C400] =	vst v63  }
0x78: {  	s1 =	sand.u32 $0x3, s0  }
0x79: {  	s12 =	sadd.s32 $0x1, s1  }
0x7a: {  	p0 =	sgt.u32 s0, $0x99;
	_ =	swait.ge [sflag:s12], $0x2000  }
0x7b: {  	s7 =	sand.u32 @!p0 $0x3, s23;
	[sflag:s12] =	ssyncset.done $0x0  }
0x7c: {  	s8 =	sshll.u32 s1, $0xD;
	s6 =	sadd.s32 @!p0 $0x5, s7;
	[sflag:s12] =	ssyncadd.s32 $0xFFFFE000  }
0x7d: {  	s11 =	sshll.u32 s1, $0x8;
	s9 =	sshll.u32 @!p0 s7, $0xD;
	_ =	swait.ge @!p0 [sflag:s6], $0x100  }
0x7e: {  	s10 =	sshll.u32 @!p0 s7, $0x8;
	s7 =	sadd.s32 @!p0 $0x1, s7;
	[sflag:s6] =	ssyncset.done @!p0 $0x0  }
0x7f: {  	s9 =	sor.u32 @!p0 $0x400, s9;
	[sflag:s6] =	ssyncadd.s32 @!p0 $0xFFFFFF00;
	s6 =	simm.s32 @!p0 $0x40  }
0x80: {  	[tilespmem:s9], [sflag:s7] =	stream.indirect.gather @!p0 [hbm4b:s4+s6], $0x80, s10, s6, $0xb8;
	[tilespmem:$0x1C400] =	vst v63  }
0x81: {  	s23 =	sor.u32 $0x400, s8;
	s28 =	sor.u32 $0x80, s11  }
0x82: {  	[spmem:s2] =	stream.indirect.scatter.add.f32 [tilespmem:s23], [sflag:$0x9], $0x80, s28, s20, $0xb8;
	[tilespmem:$0x1C400] =	vst v63  }
0x83: {  	s29 =	stileid.u32;
	_ =	swait.ge [sflag:s17], $0x2000  }
0x84: {  	s30 =	sadd.s32 $0x1, s30;
	p0 =	sgt.u32 s0, $0x98;
	[sflag:s17] =	ssyncset.done $0x0  }
0x85: {  	s0 =	sadd.s32 @!p0 $0x5, s1;
	s1 =	simm.s32 @!p0 $0x0;
	[sflag:s17] =	ssyncadd.s32 $0xFFFFE000  }
0x86: {  	[tilespmem:s11], [sflag:s0] =	stream.linear.gather @!p0 [hbm4b:s31+s1], $0x100, $0x38;
	[tilespmem:$0x1C400] =	vst v63  }
0x87: {  	s0 =	sshll.u32 s29, $0x6;
	s31 =	sshrl.u32 s5, $0x3;
	p0 =	sne.s32 s30, s15  }
.Ltmp2:
0x88: {  	[bflag:$0x0] =	sbarrier.arrive $0xFFFF;
	s0 =	sor.u32 $0x1C09, s0;
	(pc) =	sbr.rel @p0 .LBB2_1-.Ltmp2, $4  }
0x89: {  	[hbm:s24], [sflag:s0] =	dma.local [spmem:s31], $0x2800  }
0x8a: {  	_ =	swait.ge [sflag:s17], $0x2800  }
0x8b: {  	[sflag:s17] =	ssyncset.done $0x0  }
0x8c: {  	[sflag:s17] =	ssyncadd.s32 $0xFFFFD800  }
0x8d: {  	_ =	sfence.sel $0x180000  }
0x8e: {  	[bflag:$0x0] =	sbarrier.arrive $0xFFFF  }
0x8f: {  	_ =	strace $0x9000004D  }
0x90: {  	s0 =	stileid.u32;
	[bflag:$0x2] =	sbarrier.arrive $0xFFFF  }
0x91: {  	p0 =	sne.s32 s0, $0x0;
	s0 =	rddreg [dreg:$0x3]  }
0x92: {  	s0 =	sadd.s32 @!p0 $0x100000, s0  }
0x93: {  	[sflag:s0] =	ssyncadd.tile.s32 @!p0 $0x1;
	_ =	shalt  }
.Lfunc_end2:
_tile_overlayer_lowered:
.L_overlay_start_2:
0x94: {  	(tag) =	ssettag $0x2  }
0x95: {  	s0 =	rddreg [dreg:$0x0];
	s2 =	stileid.u32  }
0x96: {  	s1 =	rddreg [dreg:$0x1];
	p0 =	sne.s32 s2, $0x0  }
0x97: {  	s3 =	rddreg [dreg:$0x2];
	[bflag:$0x3] =	sbarrier.arrive $0xFFFF;
	s2 =	simm.s32 @!p0 $0x1C09  }
0x98: {  	[timem:s3], [sflag:s2] =	dma.local @!p0 [hbm:s0], s1  }
0x99: {  	s0 =	simm.s32 @!p0 $0x9  }
0x9a: {  	_ =	swait.ge @!p0 [sflag:s0], s1  }
0x9b: {  	s1 =	ssub.s32 @!p0 $0x0, s1;
	[sflag:s0] =	ssyncset.done @!p0 $0x0  }
0x9c: {  	[sflag:s0] =	ssyncadd.s32 @!p0 s1  }
0x9d: {  	[bflag:$0x3] =	sbarrier.arrive $0xFFFF  }
0x9e: {  	_ =	shalt  }

// kernel: kernel.8.cloned.1.call-start
scs
__scs_entry_jumppad:
0x0: {  	(pc) =	sbr.rel $0x88, $3  }
0x1: {  	(tag) =	ssettag $0x0;
	lr =	simm.s32 $0x1  }
0x2: {  	[smem:$0x3F9B] =	sst lr;
	_ =	strace $0xD0000000  }
0x3: {  	_ = 	snop  }
0x4: {  	_ = 	snop  }
0x5: {  	_ = 	snop  }
0x6: {  	_ = 	snop  }
0x7: {  	_ = 	snop  }
__scs_overlays_trampoline_lowered:
0x8: {  	[smem:$0x3FAA] =	sst s0  }
0x9: {  	[smem:$0x3FAB] =	sst s1  }
0xa: {  	[smem:$0x3FAC] =	sst s2  }
0xb: {  	[smem:$0x3FAD] =	sst s3  }
0xc: {  	[smem:$0x3FAE] =	sst s4  }
0xd: {  	[smem:$0x3FAF] =	sst s5  }
0xe: {  	[smem:$0x3FB0] =	sst s6  }
0xf: {  	[smem:$0x3FB1] =	sst s7  }
0x10: {  	[smem:$0x3FB2] =	sst s8  }
0x11: {  	[smem:$0x3FB3] =	sst s9;
	s0 =	simm.s32 @!p0 $0x0  }
0x12: {  	s1 =	sld [smem:$0x3F99];
	s0 =	simm.s32 @p0 $0x1  }
0x13: {  	[smem:$0x3FB4] =	sst s0;
	s0 =	simm.s32 @!p1 $0x0  }
0x14: {  	s2 =	sld [smem:$0x3F98];
	s0 =	simm.s32 @p1 $0x1  }
0x15: {  	[smem:$0x3FB5] =	sst s0;
	s0 =	simm.s32 @!p2 $0x0  }
0x16: {  	s3 =	sld [smem:$0x3FDB];
	s0 =	simm.s32 @p2 $0x1  }
0x17: {  	s4 =	simm.s32 $0x1BF5;
	[smem:$0x3FB7] =	sst s0  }
0x18: {  	s0 =	sld [smem:$0x3F9A];
	_ =	swait.ge [sflag:s4], $0x0  }
0x19: {  	s7 =	sld [smem:$0x3F9B]  }
0x1a: {  	s8 =	sadd.s32 $0xFFFFE003, lr  }
0x1b: {  	s9 =	sadd.s32 $0xFFFFFEF7, lr;
	s5 =	simm.s32 $0xFFFFFFFF;
	p2 =	slt.u32 s8, $0xFFFFF086  }
0x1c: {  	p1 =	slt.u32 s9, $0xF7A;
	s5 =	simm.s32 @!p2 $0x0  }
0x1d: {  	s5 =	simm.s32 @p1 $0x1;
	p0 =	seq.s32 s7, s2  }
0x1e: {  	s7 =	smul.u32 @!p0 $0xF7A, s2;
	p2 =	seq.s32 @!p0 s5, $0x0  }
0x1f: {  	s9 =	smul.u32 $0xF7A, s1;
	s8 =	simm.s32 @!p0 $0x1BF5;
	p2 =	por !p2, p0  }
0x20: {  	[sflag:s8] =	ssyncset.s32 @!p0 $0xFFFFF086;
	s6 =	sadd.s32 @!p0 s3, s7;
	s7 =	simm.s32 @!p0 $0x108  }
0x21: {  	s3 =	sadd.s32 s3, s9;
	s6 =	sadd.s32 @!p0 $0x88, s6;
	s7 =	simm.s32 @p2 $0x1082  }
0x22: {  	[simem:s7], [sflag:s8] =	dma.local @!p0 [hbm:s6], $0xF7A  }
0x23: {  	s9 =	sor.u32 $0xD0000000, s2;
	s6 =	simm.s32 $0x108;
	_ =	swait.ge @!p0 [sflag:s8], $0x0  }
0x24: {  	s3 =	sadd.s32 $0x88, s3;
	s6 =	simm.s32 @!p1 $0x1082;
	[sflag:s4] =	ssyncset.s32 $0xFFFFF086  }
0x25: {  	[simem:s6], [sflag:s4] =	dma.local [hbm:s3], $0xF7A  }
0x26: {  	[smem:$0x3F9B] =	sst s1;
	(tag) =	ssettag s2;
	_ =	strace s9  }
0x27: {  	s1 =	sld [smem:$0x3FAB]  }
0x28: {  	s2 =	sld [smem:$0x3FAC]  }
0x29: {  	s4 =	sld [smem:$0x3FAE]  }
0x2a: {  	p0 =	seq.s32 s5, $0x0;
	s5 =	sld [smem:$0x3FAF]  }
0x2b: {  	s6 =	sld [smem:$0x3FB0]  }
0x2c: {  	s7 =	sld [smem:$0x3FB1]  }
0x2d: {  	s3 =	simm.s32 $0x108;
	s8 =	sld [smem:$0x3FB2]  }
0x2e: {  	s3 =	simm.s32 @!p0 $0x1082;
	s9 =	sld [smem:$0x3FB3]  }
0x2f: {  	lr =	sadd.s32 s0, s3;
	s0 =	sld [smem:$0x3FAA]  }
0x30: {  	s3 =	sld [smem:$0x3FAD]  }
0x31: {  	[smem:$0x3FB6] =	sst s10  }
0x32: {  	s10 =	sld [smem:$0x3FB4];
	_ =	sdelay $0x3  }
0x33: {  	p0 =	seq.s32 s10, $0x1;
	s10 =	sld [smem:$0x3FB6];
	_ =	sdelay $0x3  }
0x34: {  	[smem:$0x3FB6] =	sst s10  }
0x35: {  	s10 =	sld [smem:$0x3FB5];
	_ =	sdelay $0x3  }
0x36: {  	p1 =	seq.s32 s10, $0x1;
	s10 =	sld [smem:$0x3FB6];
	_ =	sdelay $0x3  }
0x37: {  	[smem:$0x3FB6] =	sst s10  }
0x38: {  	s10 =	sld [smem:$0x3FB7]  }
0x39: {  	_ = 	snop;
	(pc) =	sbr.ind lr, $3  }
0x3a: {  	_ = 	snop  }
0x3b: {  	_ = 	snop  }
0x3c: {  	p2 =	seq.s32 s10, $0x1;
	s10 =	sld [smem:$0x3FB6]  }
0x3d: {  	_ =	shalt  }
0x3e: {  	_ =	shalt  }
0x3f: {  	_ =	shalt  }
0x40: {  	_ =	shalt  }
0x41: {  	_ =	shalt  }
0x42: {  	_ =	shalt  }
0x43: {  	_ =	shalt  }
0x44: {  	_ =	shalt  }
0x45: {  	_ =	shalt  }
0x46: {  	_ =	shalt  }
0x47: {  	_ =	shalt  }
0x48: {  	_ =	shalt  }
0x49: {  	_ =	shalt  }
0x4a: {  	_ =	shalt  }
0x4b: {  	_ =	shalt  }
0x4c: {  	_ =	shalt  }
0x4d: {  	_ =	shalt  }
0x4e: {  	_ =	shalt  }
0x4f: {  	_ =	shalt  }
0x50: {  	_ =	shalt  }
0x51: {  	_ =	shalt  }
0x52: {  	_ =	shalt  }
0x53: {  	_ =	shalt  }
0x54: {  	_ =	shalt  }
0x55: {  	_ =	shalt  }
0x56: {  	_ =	shalt  }
0x57: {  	_ =	shalt  }
0x58: {  	_ =	shalt  }
0x59: {  	_ =	shalt  }
0x5a: {  	_ =	shalt  }
0x5b: {  	_ =	shalt  }
0x5c: {  	_ =	shalt  }
0x5d: {  	_ =	shalt  }
0x5e: {  	_ =	shalt  }
0x5f: {  	_ =	shalt  }
0x60: {  	_ =	shalt  }
0x61: {  	_ =	shalt  }
0x62: {  	_ =	shalt  }
0x63: {  	_ =	shalt  }
0x64: {  	_ =	shalt  }
0x65: {  	_ =	shalt  }
0x66: {  	_ =	shalt  }
0x67: {  	_ =	shalt  }
0x68: {  	_ =	shalt  }
0x69: {  	_ =	shalt  }
0x6a: {  	_ =	shalt  }
0x6b: {  	_ =	shalt  }
0x6c: {  	_ =	shalt  }
0x6d: {  	_ =	shalt  }
0x6e: {  	_ =	shalt  }
0x6f: {  	_ =	shalt  }
0x70: {  	_ =	shalt  }
0x71: {  	_ =	shalt  }
0x72: {  	_ =	shalt  }
0x73: {  	_ =	shalt  }
0x74: {  	_ =	shalt  }
0x75: {  	_ =	shalt  }
0x76: {  	_ =	shalt  }
0x77: {  	_ =	shalt  }
0x78: {  	_ =	shalt  }
0x79: {  	_ =	shalt  }
0x7a: {  	_ =	shalt  }
0x7b: {  	_ =	shalt  }
0x7c: {  	_ =	shalt  }
0x7d: {  	_ =	shalt  }
0x7e: {  	_ =	shalt  }
0x7f: {  	_ =	shalt  }
0x80: {  	_ =	shalt  }
0x81: {  	_ =	shalt  }
0x82: {  	_ =	shalt  }
0x83: {  	_ =	shalt  }
0x84: {  	_ =	shalt  }
0x85: {  	_ =	shalt  }
0x86: {  	_ =	shalt  }
0x87: {  	_ =	shalt  }
.Lfunc_end0:
.L_simem_size_0:
called_computation_lowered:
.L_overlay_start_0:
0x88: {  	s2 =	sld [smem:$0x3FD9]  }
0x89: {  	s3 =	sld [smem:$0x3FFE];
	_ =	sdelay $0x1  }
0x8a: {  	s1 =	srdreg.scid  }
0x8b: {  	s0 =	sand.u32 $0x1, s1  }
0x8c: {  	s16 =	sshll.u32 s0, $0xA;
	s2 =	sadd.s32 s3, s2  }
0x8d: {  	s2 =	sadd.s32 s2, s16  }
0x8e: {  	[smem:$0x3FC2] =	sst s2  }
0x8f: {  	_ = 	snop  }
0x90: {  	(tm) =	ssettm $0x1  }
0x91: {  	s17 =	sld [smem:$0x3FFB];
	_ =	sdelay $0x3  }
0x92: {  	_ =	strace s17  }
0x93: {  	s2 =	sld [smem:$0x3FFC];
	_ =	sdelay $0x3  }
0x94: {  	_ =	strace s2  }
0x95: {  	s2 =	sld [smem:$0x3FFD];
	_ =	sdelay $0x3  }
0x96: {  	_ =	strace s2  }
0x97: {  	_ =	strace $0x8FFFFFFF  }
0x98: {  	s18 =	sld [smem:$0x3FDB];
	_ =	sdelay $0x1  }
0x99: {  	s19 =	simm.s32 $_scs_section_size  }
0x9a: {  	s4 =	simm.s32 $_size__tile_overlayer_lowered;
	s5 =	simm.s32 $_tile_overlayer_lowered  }
0x9b: {  	s22 =	simm.s32 $0x1BFF;
	s21 =	sshll.u32 s5, $0x1;
	s2 =	sadd.s32 s19, s18  }
0x9c: {  	s6 =	simm.s32 $0x0;
	s20 =	sshll.u32 s4, $0x1;
	s4 =	sadd.s32 s21, s2  }
0x9d: {  	[timem:s6], [sflag:s22] =	dma.local [hbm:s4], s20  }
0x9e: {  	_ =	swait.ge [sflag:s22], s20  }
0x9f: {  	s3 =	ssub.s32 $0x0, s20;
	[sflag:s22] =	ssyncset.done $0x0  }
0xa0: {  	[sflag:s22] =	ssyncadd.s32 s3;
	_ =	sdelay $0x1  }
0xa1: {  	s23 =	simm.s32 $0x1B8B  }
0xa2: {  	_ =	swait.ge [sflag:s23], $0x1  }
0xa3: {  	[sflag:s23] =	ssyncset.done $0x0  }
0xa4: {  	s25 =	simm.s32 $0x1B8E;
	s24 =	sld [smem:$0x3FFE];
	[sflag:s23] =	ssyncadd.s32 $0xFFFFFFFF  }
0xa5: {  	s26 =	simm.s32 $execute0_lowered;
	[smem:$0x3FD2] =	sst s25  }
0xa6: {  	s4 =	sshll.u32 s26, $0x1;
	_ =	strace $0x80000046;
	[dreg:$0x1] =	wrdreg $0xFFFFFFFF  }
0xa7: {  	s28 =	simm.s32 $_size_execute0_lowered;
	s2 =	sadd.s32 s2, s4;
	[dreg:$0x0] =	wrdreg $0x0  }
0xa8: {  	s4 =	sshll.u32 s28, $0x1;
	[dreg:$0x2] =	wrdreg s2  }
0xa9: {  	[dreg:$0x3] =	wrdreg s4  }
0xaa: {  	[dreg:$0x4] =	wrdreg $0xC0  }
0xab: {  	_ =	task [dreg:s6], $0x5FFFF  }
0xac: {  	[dreg:$0x1] =	wrdreg $0xFFFFFFFF  }
0xad: {  	[dreg:$0x0] =	wrdreg $0x60  }
0xae: {  	[dreg:$0x2] =	wrdreg s24  }
0xaf: {  	[dreg:$0x3] =	wrdreg $0x54800  }
0xb0: {  	[dreg:$0x4] =	wrdreg $0x9  }
0xb1: {  	_ =	task.clear_ibuf [dreg:s6], $0x5FFFF;
	_ =	strace $0x90000046  }
0xb2: {  	s29 =	simm.s32 $0x9;
	_ =	strace $0x80000048  }
0xb3: {  	_ =	swait.ge [sflag:s29], $0x1  }
0xb4: {  	[sflag:s29] =	ssyncadd.s32 $0xFFFFFFFF  }
0xb5: {  	_ =	strace $0x90000048  }
0xb6: {  	_ =	sfence  }
0xb7: {  	s30 =	sld [smem:$0x0];
	_ =	sdelay $0x2  }
0xb8: {  	s31 =	sshll.u32 s1, $0xD;
	s1 =	sshrl.u32 s1, $0x2  }
0xb9: {  	s3 =	sand.u32 $0x4000, s31;
	s1 =	sadd.s32 s1, s30  }
0xba: {  	s0 =	sor.u32 s3, s0;
	s1 =	sshll.u32 s1, $0x11  }
0xbb: {  	s0 =	sor.u32 s1, s0  }
0xbc: {  	s0 =	sadd.s32 $0x8F2B, s0  }
0xbd: {  	[sflag:s0] =	ssyncadd.remote.s32 $0x1  }
0xbe: {  	_ =	sfence.sel $0xFFFF  }
0xbf: {  	[dreg:$0x0] =	wrdreg $0xFFFFFFFF;
	(pc) =	sbr.abs _section_cstart, $3  }
0xc0: {  	[dreg:$0x1] =	wrdreg $0xFFFFFFFF  }
0xc1: {  	_ =	task.clear_ibuf [dreg:s6], $0x2FFFF;
	_ =	strace $0x9FFFFFFF  }
0xc2: {  	(tm) =	ssettm $0x7FFFFFFF  }
0xc3: {  	_ =	shalt  }
tec
execute0_lowered:
.L_overlay_start_1:
0x0: {  	(tag) =	ssettag $0x1  }
0x1: {  	s4 =	rddreg [dreg:$0x0]  }
0x2: {  	s2 =	rddreg [dreg:$0x1];
	s1 =	srdreg.scid  }
0x3: {  	s0 =	rddreg [dreg:$0x2];
	s3 =	simm.s32 $0x0;
	s12 =	simm.s32 $0x5200  }
0x4: {  	s15 =	simm.s32 $0x4F80;
	s5 =	sand.u32 $0x1, s1;
	s1 =	stileid.u32  }
0x5: {  	s16 =	simm.s32 $0x0;
	[smem:$0x7FF] =	sst s3;
	s6 =	smul.u32 $0x4F00, s5  }
0x6: {  	s7 =	sshrl.u32 s1, $0x3;
	s8 =	sshll.u32 s1, $0x7;
	s11 =	smul.u32 $0x5000, s1  }
0x7: {  	_ =	strace $0x80000047;
	s10 =	sshll.u32 s5, $0x4;
	s14 =	smul.u32 $0xA0, s1  }
0x8: {  	s25 =	ssub.s32 $0x2, s5;
	s9 =	smul.u32 $0x13C00, s7;
	s8 =	sand.u32 $0x380, s8  }
0x9: {  	s7 =	smul.u32 $0x50000, s7;
	s10 =	sadd.s32 s10, s4;
	s28 =	sshrl.u32 s25, $0x1  }
0xa: {  	s6 =	sadd.s32 s6, s4;
	s30 =	ssub.s32 s25, s28;
	s13 =	sadd.s32 $0xB800, s10  }
0xb: {  	s10 =	simm.s32 $0x2780;
	s11 =	sshrl.u32 s11, $0x2;
	s9 =	sor.u32 s8, s9  }
0xc: {  	s29 =	sshrl.u32 s7, $0x2;
	s7 =	simm.s32 $0x80;
	s13 =	sadd.s32 s14, s13  }
0xd: {  	s14 =	simm.s32 $0x100;
	s26 =	sshrl.u32 s9, $0x3;
	s31 =	sadd.s32 s29, s2  }
0xe: {  	s9 =	simm.s32 $0x1;
	s5 =	sadd.s32 s26, s6;
	s6 =	smax.u32 s30, $0x1  }
0xf: {  	v0 =	vimm.f32 $0.0e+00;
	v1 =	vimm.f32 $1.000000000e+00;
	s4 =	sadd.s32 $0x1A00, s5;
	s5 =	sadd.s32 s8, s31;
	s8 =	simm.s32 $0x400  }
.LBB2_1:
0x10: {  	[tilespmem:s3], [sflag:$0x1] =	stream.strided.gather [hbm4b:s4+s7], $0x2780, s8, s7, $0x38;
	[tilespmem:$0x7C80] =	vst v63  }
0x11: {  	_ =	swait.ge [sflag:s9], $0x2780  }
0x12: {  	[sflag:s9] =	ssyncset.done $0x0  }
0x13: {  	s17 =	simm.s32 $0x0;
	[sflag:s9] =	ssyncadd.s32 $0xFFFFD880  }
.LBB2_2:
0x14: {  	p0 =	sne.s32 s17, $0x9FC0  }
.Ltmp0:
0x15: {  	_ = 	snop;
	(pc) =	sbr.rel @p0 .LBB2_2-.Ltmp0, $3  }
0x16: {  	_ =	sdelay $0x1  }
0x17: {  	s18 =	sshra.s32 s17, $0x2  }
0x18: {  	s17 =	sadd.s32 $0x40, s17;
	[tilespmem:s18+$0x2780] =	vst v0  }
0x19: {  	s18 =	simm.s32 $0x0;
	s17 =	simm.s32 $0x40  }
.LBB2_4:
0x1a: {  	p0 =	sne.s32 s17, $0x9CC0;
	v2 =	vld [tilespmem:s18+$0x0];
	_ =	sdelay $0x3  }
.Ltmp1:
0x1b: {  	(pc) =	sbr.rel @p0 .LBB2_4-.Ltmp1, $2  }
0x1c: {  	_ =	sdelay $0x2  }
0x1d: {  	s18 =	sshra.s32 s17, $0x2;
	s17 =	sadd.s32 $0x40, s17;
	[tilespmem:v2+s10+$0x0] =	vst.idx.add.f32.msk $0xffff, v1  }
0x1e: {  	v2 =	vld [tilespmem:s18+$0x0];
	_ =	sdelay $0x7  }
0x1f: {  	[tilespmem:v2+s10+$0x0] =	vst.idx.add.f32.msk $0xffff, v1  }
0x20: {  	[spmem:s5] =	stream.strided.scatter [tilespmem:s10], [sflag:$0x1], $0x2800, s8, s7, $0x38;
	[tilespmem:$0x7C80] =	vst v63  }
0x21: {  	_ =	swait.ge [sflag:s9], $0x2800  }
0x22: {  	[sflag:s9] =	ssyncset.done $0x0  }
0x23: {  	[sflag:s9] =	ssyncadd.s32 $0xFFFFD800  }
0x24: {  	[bflag:$0x0] =	sbarrier.arrive $0xFFFF  }
0x25: {  	[tilespmem:$0x4F80] =	vst v0  }
0x26: {  	[tilespmem:$0x4F90] =	vst v0  }
0x27: {  	[tilespmem:$0x4FA0] =	vst v0  }
0x28: {  	[tilespmem:$0x4FB0] =	vst v0  }
0x29: {  	[tilespmem:$0x4FC0] =	vst v0  }
0x2a: {  	[tilespmem:$0x4FD0] =	vst v0  }
0x2b: {  	[tilespmem:$0x4FE0] =	vst v0  }
0x2c: {  	[tilespmem:$0x4FF0] =	vst v0  }
0x2d: {  	[tilespmem:$0x5000] =	vst v0  }
0x2e: {  	[tilespmem:$0x5010] =	vst v0  }
0x2f: {  	[tilespmem:$0x5020] =	vst v0  }
0x30: {  	[tilespmem:$0x5030] =	vst v0  }
0x31: {  	[tilespmem:$0x5040] =	vst v0  }
0x32: {  	[tilespmem:$0x5050] =	vst v0  }
0x33: {  	[tilespmem:$0x5060] =	vst v0  }
0x34: {  	[tilespmem:$0x5070] =	vst v0  }
0x35: {  	[tilespmem:$0x5080] =	vst v0  }
0x36: {  	[tilespmem:$0x5090] =	vst v0  }
0x37: {  	[tilespmem:$0x50A0] =	vst v0  }
0x38: {  	[tilespmem:$0x50B0] =	vst v0  }
0x39: {  	[tilespmem:$0x50C0] =	vst v0  }
0x3a: {  	[tilespmem:$0x50D0] =	vst v0  }
0x3b: {  	[tilespmem:$0x50E0] =	vst v0  }
0x3c: {  	[tilespmem:$0x50F0] =	vst v0  }
0x3d: {  	[tilespmem:$0x5100] =	vst v0  }
0x3e: {  	[tilespmem:$0x5110] =	vst v0  }
0x3f: {  	[tilespmem:$0x5120] =	vst v0  }
0x40: {  	[tilespmem:$0x5130] =	vst v0  }
0x41: {  	[tilespmem:$0x5140] =	vst v0  }
0x42: {  	[tilespmem:$0x5150] =	vst v0  }
0x43: {  	[tilespmem:$0x5160] =	vst v0  }
0x44: {  	[tilespmem:$0x5170] =	vst v0  }
0x45: {  	[tilespmem:$0x5180] =	vst v0  }
0x46: {  	[tilespmem:$0x5190] =	vst v0  }
0x47: {  	[tilespmem:$0x51A0] =	vst v0  }
0x48: {  	[tilespmem:$0x51B0] =	vst v0  }
0x49: {  	[tilespmem:$0x51C0] =	vst v0  }
0x4a: {  	[tilespmem:$0x51D0] =	vst v0  }
0x4b: {  	[tilespmem:$0x51E0] =	vst v0  }
0x4c: {  	s17 =	simm.s32 $0x0;
	[tilespmem:$0x51F0] =	vst v0  }
.LBB2_6:
0x4d: {  	s18 =	sshrl.u32 s17, $0x3  }
0x4e: {  	s18 =	smul.u32 $0x50000, s18;
	_ =	sdelay $0x1  }
0x4f: {  	s19 =	sshll.u32 s17, $0x7;
	s18 =	sshra.s32 s18, $0x2  }
0x50: {  	s19 =	sand.u32 $0x380, s19;
	s18 =	sadd.s32 s18, s2  }
0x51: {  	s18 =	sadd.s32 s19, s18  }
0x52: {  	s18 =	sadd.s32 s11, s18  }
0x53: {  	[tilespmem:s12], [sflag:$0x1] =	stream.strided.gather [spmem:s18], $0x280, s8, s7, $0x38;
	[tilespmem:$0x7C80] =	vst v63  }
0x54: {  	_ =	swait.ge [sflag:s9], $0x280  }
0x55: {  	[sflag:s9] =	ssyncset.done $0x0  }
0x56: {  	s18 =	simm.s32 $0x0;
	[sflag:s9] =	ssyncadd.s32 $0xFFFFFD80  }
0x57: {  	s19 =	simm.s32 $0x40;
	v2 =	vld [tilespmem:s18+$0x5200]  }
.LBB2_7:
0x58: {  	p0 =	sne.s32 s19, $0x9C0;
	v3 =	vld [tilespmem:s18+$0x4F80];
	_ =	sdelay $0x2  }
.Ltmp2:
0x59: {  	(pc) =	sbr.rel @p0 .LBB2_7-.Ltmp2, $4  }
0x5a: {  	_ = 	snop  }
0x5b: {  	v3 =	vadd.f32 v2, v3  }
0x5c: {  	s20 =	sshra.s32 s19, $0x2  }
0x5d: {  	s19 =	sadd.s32 $0x40, s19;
	v2 =	vld [tilespmem:s20+$0x5200];
	[tilespmem:s18+$0x4F80] =	vst v3;
	s18 =	smov.u32 s20  }
0x5e: {  	v3 =	vld [tilespmem:s18+$0x4F80]  }
0x5f: {  	s17 =	sadd.s32 $0x1, s17  }
0x60: {  	p0 =	sne.s32 s17, $0x10  }
.Ltmp3:
0x61: {  	_ = 	snop;
	(pc) =	sbr.rel @p0 .LBB2_6-.Ltmp3, $3  }
0x62: {  	_ = 	snop  }
0x63: {  	v2 =	vadd.f32 v2, v3;
	_ =	sdelay $0x1  }
0x64: {  	[tilespmem:s18+$0x4F80] =	vst v2  }
0x65: {  	s16 =	sadd.s32 $0x1, s16  }
0x66: {  	p0 =	sne.s32 s16, s6  }
.Ltmp4:
0x67: {  	_ = 	snop;
	(pc) =	sbr.rel @p0 .LBB2_1-.Ltmp4, $4  }
0x68: {  	[hbm4b:s13+s7] =	stream.strided.scatter [tilespmem:s15], [sflag:$0x1], $0x280, s14, s7, $0x38;
	[tilespmem:$0x7C80] =	vst v63  }
0x69: {  	_ =	swait.ge [sflag:s9], $0x280  }
0x6a: {  	[sflag:s9] =	ssyncset.done $0x0  }
0x6b: {  	[sflag:s9] =	ssyncadd.s32 $0xFFFFFD80  }
0x6c: {  	_ =	sfence.sel $0x180000  }
0x6d: {  	[bflag:$0x0] =	sbarrier.arrive $0xFFFF  }
0x6e: {  	p0 =	sne.s32 s1, $0x0;
	_ =	strace $0x90000047  }
0x6f: {  	s0 =	sadd.s32 @!p0 $0x100000, s0;
	[bflag:$0x2] =	sbarrier.arrive $0xFFFF  }
0x70: {  	[sflag:s0] =	ssyncadd.tile.s32 @!p0 $0x1;
	_ =	shalt  }
.Lfunc_end2:
_tile_overlayer_lowered:
.L_overlay_start_2:
0x71: {  	(tag) =	ssettag $0x2  }
0x72: {  	s0 =	rddreg [dreg:$0x0];
	s2 =	stileid.u32  }
0x73: {  	s1 =	rddreg [dreg:$0x1];
	p0 =	sne.s32 s2, $0x0  }
0x74: {  	s3 =	rddreg [dreg:$0x2];
	[bflag:$0x3] =	sbarrier.arrive $0xFFFF;
	s2 =	simm.s32 @!p0 $0x1C01  }
0x75: {  	[timem:s3], [sflag:s2] =	dma.local @!p0 [hbm:s0], s1  }
0x76: {  	s0 =	simm.s32 @!p0 $0x1  }
0x77: {  	_ =	swait.ge @!p0 [sflag:s0], s1  }
0x78: {  	s1 =	ssub.s32 @!p0 $0x0, s1;
	[sflag:s0] =	ssyncset.done @!p0 $0x0  }
0x79: {  	[sflag:s0] =	ssyncadd.s32 @!p0 s1  }
0x7a: {  	[bflag:$0x3] =	sbarrier.arrive $0xFFFF  }
0x7b: {  	_ =	shalt  }

</sc_bundles>
